<compile_context>
chip_gen: v7x
topology: tpu7x:2x2x1
jax: 0.10.2.dev20260603
libtpu: 0.0.44.dev20260713+nightly
codegen_flags: <defaults>
</compile_context>

<pallas_src>
import functools

import jax
import jax.numpy as jnp
from jax import lax
from jax.experimental import pallas as pl
from jax.experimental.pallas import tpu as pltpu
from jax.experimental.pallas import tpu_sc as plsc

B = 1024
IN = 1024
OUT = 1024
H = 16
P = 8
DK = OUT // H
FH = 32
FW = 32
C = DK
HW = FH * FW
L = H * P
N = B * H

_NW = 32
_BPW = B // _NW


def _transpose_body(fm_ref, out_ref):
    out_ref[:, :, 0:C] = jnp.swapaxes(fm_ref[...], 1, 2)


def _build_table(fm3):
    blk = 8
    return pl.pallas_call(
        _transpose_body,
        grid=(B // blk,),
        in_specs=[pl.BlockSpec((blk, C, HW), lambda i: (i, 0, 0))],
        out_specs=pl.BlockSpec((blk, HW, 2 * C), lambda i: (i, 0, 0)),
        out_shape=jax.ShapeDtypeStruct((B, HW, 2 * C), jnp.float32),
    )(fm3)


def _proj_body(x_ref, wq_ref, bq_ref, woff_ref, boff_ref, wpv_ref, bpv_ref,
               q_ref, idx_ref0, idx_ref1, idx_ref2, idx_ref3,
               w_ref0, w_ref1, w_ref2, w_ref3, pv_ref):
    i = pl.program_id(0)
    x = x_ref[...]
    q_ref[...] = jnp.dot(x, wq_ref[...],
                         preferred_element_type=jnp.float32) + bq_ref[...]
    off = jnp.dot(x, woff_ref[...],
                  preferred_element_type=jnp.float32) + boff_ref[...]
    pv = jnp.dot(x, wpv_ref[...],
                 preferred_element_type=jnp.float32) + bpv_ref[...]
    pv_ref[...] = pv
    bm = x.shape[0]
    gx = off[:, :L] + pv[:, 0:1]
    gy = off[:, L:] + pv[:, 1:2]
    ix = ((gx + 1.0) * FW - 1.0) * 0.5
    iy = ((gy + 1.0) * FH - 1.0) * 0.5
    ix0 = jnp.floor(ix)
    iy0 = jnp.floor(iy)
    wx1 = ix - ix0
    wx0 = 1.0 - wx1
    wy1 = iy - iy0
    wy0 = 1.0 - wy1
    rowg = i * bm + lax.broadcasted_iota(jnp.int32, (bm, L), 0)
    lane = lax.broadcasted_iota(jnp.int32, (bm, L), 1)
    img = (rowg * H + lane // P) % B
    idx_refs = (idx_ref0, idx_ref1, idx_ref2, idx_ref3)
    w_refs = (w_ref0, w_ref1, w_ref2, w_ref3)
    for k, (dy, dx, wx, wy) in enumerate(
            ((0, 0, wx0, wy0), (0, 1, wx1, wy0),
             (1, 0, wx0, wy1), (1, 1, wx1, wy1))):
        xf = ix0 + dx
        yf = iy0 + dy
        valid = ((xf >= 0) & (xf <= FW - 1) & (yf >= 0) & (yf <= FH - 1))
        xi = jnp.clip(xf, 0, FW - 1).astype(jnp.int32)
        yi = jnp.clip(yf, 0, FH - 1).astype(jnp.int32)
        idx_refs[k][...] = img * HW + yi * FW + xi
        w_refs[k][...] = wx * wy * valid.astype(jnp.float32)


def _projections(x, Wq, bq2, Woffp, boffp2, Wpv, bpv2):
    bm = 256
    grid = (B // bm,)
    return pl.pallas_call(
        _proj_body,
        grid=grid,
        in_specs=[
            pl.BlockSpec((bm, IN), lambda i: (i, 0)),
            pl.BlockSpec((IN, OUT), lambda i: (0, 0)),
            pl.BlockSpec((1, OUT), lambda i: (0, 0)),
            pl.BlockSpec((IN, 2 * L), lambda i: (0, 0)),
            pl.BlockSpec((1, 2 * L), lambda i: (0, 0)),
            pl.BlockSpec((IN, 4), lambda i: (0, 0)),
            pl.BlockSpec((1, 4), lambda i: (0, 0)),
        ],
        out_specs=[pl.BlockSpec((bm, OUT), lambda i: (i, 0))]
        + [pl.BlockSpec((bm, L), lambda i: (i, 0))] * 8
        + [pl.BlockSpec((bm, 4), lambda i: (i, 0))],
        out_shape=[jax.ShapeDtypeStruct((B, OUT), jnp.float32)]
        + [jax.ShapeDtypeStruct((B, L), jnp.int32)] * 4
        + [jax.ShapeDtypeStruct((B, L), jnp.float32)] * 4
        + [jax.ShapeDtypeStruct((B, 4), jnp.float32)],
    )(x, Wq, bq2, Woffp, boffp2, Wpv, bpv2)


def _sc_gather_combine(table, idxs, ws):
    mesh = plsc.VectorSubcoreMesh(core_axis_name="c", subcore_axis_name="s")

    @functools.partial(
        pl.kernel,
        mesh=mesh,
        out_type=jax.ShapeDtypeStruct((N, P * DK), jnp.float32),
        scratch_types=[
            pltpu.VMEM((4, _BPW, L), jnp.int32),
            pltpu.VMEM((4, _BPW, L), jnp.float32),
            pltpu.VMEM((4 * L, 2 * C), jnp.float32),
            pltpu.VMEM((H, P * DK), jnp.float32),
            pltpu.SemaphoreType.DMA,
            pltpu.SemaphoreType.DMA,
        ],
    )
    def k(table_hbm, i0, i1, i2, i3, w0, w1, w2, w3, out_hbm,
          idx_v, w_v, rows_v, out_v, semA, semB):
        wid = lax.axis_index("s") * 2 + lax.axis_index("c")
        base = wid * _BPW
        for kk, r in enumerate((i0, i1, i2, i3)):
            pltpu.sync_copy(r.at[pl.ds(base, _BPW)], idx_v.at[kk])
        for kk, r in enumerate((w0, w1, w2, w3)):
            pltpu.sync_copy(r.at[pl.ds(base, _BPW)], w_v.at[kk])

        def body(t, _):
            cpsA = [
                pltpu.async_copy(table_hbm.at[idx_v.at[kk, t]],
                                 rows_v.at[pl.ds(kk * L, L)], semA)
                for kk in range(2)
            ]
            cpsB = [
                pltpu.async_copy(table_hbm.at[idx_v.at[kk, t]],
                                 rows_v.at[pl.ds(kk * L, L)], semB)
                for kk in range(2, 4)
            ]
            for cp in cpsA:
                cp.wait()

            def innerA(g, _):
                wv = [w_v[kk, t, pl.ds(g * 16, 16)] for kk in range(2)]
                for j in range(16):
                    l = g * 16 + j
                    ro = g * 2 + j // P
                    co = (j % P) * DK
                    for c4 in range(C // 16):
                        s = pl.ds(c4 * 16, 16)
                        acc = wv[0][j] * rows_v[l, s]
                        acc = acc + wv[1][j] * rows_v[L + l, s]
                        out_v[ro, pl.ds(co + c4 * 16, 16)] = acc
                return 0

            lax.fori_loop(0, L // 16, innerA, 0)
            for cp in cpsB:
                cp.wait()

            def innerB(g, _):
                wv = [w_v[kk, t, pl.ds(g * 16, 16)] for kk in range(2, 4)]
                for j in range(16):
                    l = g * 16 + j
                    ro = g * 2 + j // P
                    co = (j % P) * DK
                    for c4 in range(C // 16):
                        s = pl.ds(c4 * 16, 16)
                        acc = out_v[ro, pl.ds(co + c4 * 16, 16)]
                        acc = acc + wv[0][j] * rows_v[2 * L + l, s]
                        acc = acc + wv[1][j] * rows_v[3 * L + l, s]
                        out_v[ro, pl.ds(co + c4 * 16, 16)] = acc
                return 0

            lax.fori_loop(0, L // 16, innerB, 0)
            pltpu.sync_copy(out_v, out_hbm.at[pl.ds((base + t) * H, H)])
            return 0

        lax.fori_loop(0, _BPW, body, 0)

    return k(table, *idxs, *ws)


def _attn_body(q_ref, s_ref, o_ref):
    q = q_ref[...]
    s = s_ref[...]
    dots = [jnp.sum(q * s[:, p * DK:(p + 1) * DK], axis=1, keepdims=True)
            for p in range(P)]
    scores = jnp.concatenate(dots, axis=1) * (DK ** -0.5)
    m = jnp.max(scores, axis=1, keepdims=True)
    e = jnp.exp(scores - m)
    a = e / jnp.sum(e, axis=1, keepdims=True)
    o = a[:, 0:1] * s[:, :DK]
    for p in range(1, P):
        o = o + a[:, p:p + 1] * s[:, p * DK:(p + 1) * DK]
    o_ref[...] = o


def _attention(q2, s2):
    br = 2048
    return pl.pallas_call(
        _attn_body,
        grid=(N // br,),
        in_specs=[
            pl.BlockSpec((br, DK), lambda i: (i, 0)),
            pl.BlockSpec((br, P * DK), lambda i: (i, 0)),
        ],
        out_specs=pl.BlockSpec((br, DK), lambda i: (i, 0)),
        out_shape=jax.ShapeDtypeStruct((N, DK), jnp.float32),
    )(q2, s2)


def _mm_body(a_ref, w_ref, b_ref, o_ref):
    o_ref[...] = jnp.dot(a_ref[...], w_ref[...],
                         preferred_element_type=jnp.float32) + b_ref[...]


def _out_matmul(a, Wout, bout2):
    bm = 128
    return pl.pallas_call(
        _mm_body,
        grid=(B // bm,),
        in_specs=[
            pl.BlockSpec((bm, OUT), lambda i: (i, 0)),
            pl.BlockSpec((OUT, OUT), lambda i: (0, 0)),
            pl.BlockSpec((1, OUT), lambda i: (0, 0)),
        ],
        out_specs=pl.BlockSpec((bm, OUT), lambda i: (i, 0)),
        out_shape=jax.ShapeDtypeStruct((B, OUT), jnp.float32),
    )(a, Wout, bout2)


@jax.jit
def kernel(x, feature_map, Wq, bq, Woff, boff, Wpos, bpos, Wvel, bvel,
           Wout, bout):
    Woffp = Woff.reshape(IN, L, 2).transpose(0, 2, 1).reshape(IN, 2 * L)
    boffp = boff.reshape(L, 2).transpose(1, 0).reshape(2 * L)
    Wpv = jnp.concatenate([Wpos, Wvel], axis=1)
    bpv = jnp.concatenate([bpos, bvel])

    table = _build_table(feature_map.reshape(B, C, HW)).reshape(B * HW, 2 * C)
    (q, idx0, idx1, idx2, idx3, w0, w1, w2, w3, pv) = _projections(
        x, Wq, bq.reshape(1, OUT), Woffp, boffp.reshape(1, 2 * L),
        Wpv, bpv.reshape(1, 4))
    samp = _sc_gather_combine(table, (idx0, idx1, idx2, idx3),
                              (w0, w1, w2, w3))
    aout = _attention(q.reshape(N, DK), samp)
    out = _out_matmul(aout.reshape(B, OUT), Wout, bout.reshape(1, OUT))
    return out, pv[:, 0:2], pv[:, 2:4]

# --- scband reference (transcript-rebuilt; emitter-appended) ---
"""Pipeline reference for scband-deformable-attention-layer-6176162972004 (READ-ONLY COPY).

The authoritative reference and input builder live on the scoring server;
editing this copy changes nothing except your own understanding.
"""

import jax, jax.numpy as jnp
import numpy as np

B = 1024
IN = 1024
OUT = 1024
H = 16
P = 8
DK = OUT // H  # 64; grid_sample reshape requires feature_map channels == DK
FH = 32
FW = 32
C = DK


def setup_inputs(seed: int = 0) -> dict:
    key = jax.random.key(seed)
    ks = jax.random.split(key, 12)
    x = jax.random.normal(ks[0], (B, IN), dtype=jnp.float32)
    feature_map = jax.random.normal(ks[1], (B, C, FH, FW), dtype=jnp.float32)
    Wq = jax.random.normal(ks[2], (IN, OUT), dtype=jnp.float32) * 0.02
    bq = jnp.zeros((OUT,), dtype=jnp.float32)
    Woff = jax.random.normal(ks[3], (IN, H * P * 2), dtype=jnp.float32) * 0.02
    boff = jnp.zeros((H * P * 2,), dtype=jnp.float32)
    Wpos = jax.random.normal(ks[4], (IN, 2), dtype=jnp.float32) * 0.02
    bpos = jnp.zeros((2,), dtype=jnp.float32)
    Wvel = jax.random.normal(ks[5], (IN, 2), dtype=jnp.float32) * 0.02
    bvel = jnp.zeros((2,), dtype=jnp.float32)
    Wout = jax.random.normal(ks[6], (OUT, OUT), dtype=jnp.float32) * 0.02
    bout = jnp.zeros((OUT,), dtype=jnp.float32)
    return {"x": x, "feature_map": feature_map, "Wq": Wq, "bq": bq,
            "Woff": Woff, "boff": boff, "Wpos": Wpos, "bpos": bpos,
            "Wvel": Wvel, "bvel": bvel, "Wout": Wout, "bout": bout}


def _grid_sample_bilinear(fm, bidx, grid):
    # fm: (B, C, Hf, Wf); bidx: (N,) int batch indices; grid: (N, P, 2) in [-1,1] (x,y)
    # Matches torch F.grid_sample(mode='bilinear', padding_mode='zeros', align_corners=False)
    Bf, Cc, Hf, Wf = fm.shape
    gx = grid[..., 0]
    gy = grid[..., 1]
    ix = ((gx + 1.0) * Wf - 1.0) / 2.0
    iy = ((gy + 1.0) * Hf - 1.0) / 2.0
    ix0 = jnp.floor(ix)
    iy0 = jnp.floor(iy)
    ix1 = ix0 + 1.0
    iy1 = iy0 + 1.0
    wx1 = ix - ix0
    wx0 = 1.0 - wx1
    wy1 = iy - iy0
    wy0 = 1.0 - wy1
    b2 = bidx[:, None]

    def samp(xi, yi):
        valid = (xi >= 0) & (xi <= Wf - 1) & (yi >= 0) & (yi <= Hf - 1)
        xc = jnp.clip(xi, 0, Wf - 1).astype(jnp.int32)
        yc = jnp.clip(yi, 0, Hf - 1).astype(jnp.int32)
        v = fm[b2, :, yc, xc]  # (N, P, C) gather
        return v * valid.astype(fm.dtype)[..., None]

    out = (samp(ix0, iy0) * (wx0 * wy0)[..., None]
           + samp(ix1, iy0) * (wx1 * wy0)[..., None]
           + samp(ix0, iy1) * (wx0 * wy1)[..., None]
           + samp(ix1, iy1) * (wx1 * wy1)[..., None])
    return out  # (N, P, C)


def reference(x, feature_map, Wq, bq, Woff, boff, Wpos, bpos, Wvel, bvel, Wout, bout):
    Bn = x.shape[0]
    query = (x @ Wq + bq).reshape(Bn, H, DK)
    offsets = (x @ Woff + boff).reshape(Bn, H, P, 2)
    reference_point = x @ Wpos + bpos  # (B, 2), None-branch of torch code
    sampling_locations = reference_point[:, None, None, :] + offsets  # (B, H, P, 2)
    grid = sampling_locations.reshape(Bn * H, P, 2)
    # torch: feature_map.repeat(num_heads,1,1,1) tiles batch; repeated[n] = fm[n % B]
    bidx = jnp.arange(Bn * H) % Bn
    sampled = _grid_sample_bilinear(feature_map, bidx, grid)  # (B*H, P, C)
    # torch grid_sample output is (B*H, C, P); view(B,H,DK,P); permute -> (B,H,P,DK)
    sampled = jnp.transpose(sampled, (0, 2, 1)).reshape(Bn, H, DK, P)
    sampled = jnp.transpose(sampled, (0, 1, 3, 2))  # (B, H, P, DK)
    q = query[:, :, None, :]  # (B, H, 1, DK)
    scores = jnp.einsum('bhqd,bhpd->bhqp', q, sampled) / (DK ** 0.5)
    attn = jax.nn.softmax(scores, axis=-1)
    attn_out = jnp.einsum('bhqp,bhpd->bhqd', attn, sampled)[:, :, 0, :]  # (B, H, DK)
    attn_out = attn_out.reshape(Bn, H * DK)
    output = attn_out @ Wout + bout
    estimated_velocity = x @ Wvel + bvel
    return (output, reference_point, estimated_velocity)

if __name__ == "__main__":
    import jax
    _d = setup_inputs()
    print(jax.jit(kernel)(*tuple(_d.values())))

</pallas_src>

<mosaic_0001>
#map = affine_map<(d0, d1) -> (0, 0)>
module attributes {stable_mosaic.version = 14 : i64} {
  func.func @k(%arg0: i32, %arg1: i32, %arg2: memref<1048576x128xf32, #tpu.memory_space<hbm>>, %arg3: memref<1024x128xi32, #tpu.memory_space<hbm>>, %arg4: memref<1024x128xi32, #tpu.memory_space<hbm>>, %arg5: memref<1024x128xi32, #tpu.memory_space<hbm>>, %arg6: memref<1024x128xi32, #tpu.memory_space<hbm>>, %arg7: memref<1024x128xf32, #tpu.memory_space<hbm>>, %arg8: memref<1024x128xf32, #tpu.memory_space<hbm>>, %arg9: memref<1024x128xf32, #tpu.memory_space<hbm>>, %arg10: memref<1024x128xf32, #tpu.memory_space<hbm>>, %arg11: memref<16384x512xf32, #tpu.memory_space<hbm>>, %arg12: memref<4x32x128xi32, #tpu.memory_space<vmem>>, %arg13: memref<4x32x128xf32, #tpu.memory_space<vmem>>, %arg14: memref<512x128xf32, #tpu.memory_space<vmem>>, %arg15: memref<16x512xf32, #tpu.memory_space<vmem>>, %arg16: memref<!tpu.dma_semaphore, #tpu.memory_space<semaphore_mem>>, %arg17: memref<!tpu.dma_semaphore, #tpu.memory_space<semaphore_mem>>) attributes {dimension_semantics = [#tpu.dimension_semantics<core_parallel>, #tpu.dimension_semantics<subcore_parallel>], iteration_bounds = array<i64: 2, 16>, scalar_prefetch = 0 : i64, scratch_operands = 6 : i64, tpu.core_type = #tpu.core_type<sc_vector_subcore>, window_params = [{transform_indices = #map}, {transform_indices = #map}, {transform_indices = #map}, {transform_indices = #map}, {transform_indices = #map}, {transform_indices = #map}, {transform_indices = #map}, {transform_indices = #map}, {transform_indices = #map}, {transform_indices = #map}]} {
    %mul3A = arith.constant 2 : i32
    %mul3A_0 = arith.muli %arg1, %mul3A : i32
    %add3A = arith.addi %mul3A_0, %arg0 : i32
    %mul3A_1 = arith.constant 32 : i32
    %mul3A_2 = arith.muli %add3A, %mul3A_1 : i32
    %run_scoped3A = arith.constant 0 : i32
    "tpu.region"() ({
      %run_scoped3A_16 = tpu.sem_alloc : memref<!tpu.dma_semaphore, #tpu.memory_space<semaphore_mem>>
      %dma_start3A = arith.constant 0 : i32
      %dma_start3A_17 = arith.constant 0 : i32
      %dma_start3A_18 = tpu.memref_slice %arg12[%run_scoped3A, %dma_start3A, %dma_start3A_17] : memref<4x32x128xi32, #tpu.memory_space<vmem>> -> memref<1x32x128xi32, #tpu.memory_space<vmem>>
      %dma_start3A_19 = tpu.memref_squeeze %dma_start3A_18 : memref<1x32x128xi32, #tpu.memory_space<vmem>> -> memref<32x128xi32, #tpu.memory_space<vmem>>
      %dma_start3A_20 = arith.constant 0 : i32
      %dma_start3A_21 = tpu.memref_slice %arg3[%mul3A_2, %dma_start3A_20] : memref<1024x128xi32, #tpu.memory_space<hbm>> -> memref<32x128xi32, #tpu.memory_space<hbm>>
      %dma_start3A_22 = arith.constant 0 : i32
      %dma_start3A_23 = arith.constant 0 : i32
      %dma_start3A_24 = tpu.memref_slice %arg12[%run_scoped3A, %dma_start3A_22, %dma_start3A_23] : memref<4x32x128xi32, #tpu.memory_space<vmem>> -> memref<1x32x128xi32, #tpu.memory_space<vmem>>
      %dma_start3A_25 = tpu.memref_squeeze %dma_start3A_24 : memref<1x32x128xi32, #tpu.memory_space<vmem>> -> memref<32x128xi32, #tpu.memory_space<vmem>>
      %dma_start3A_26 = arith.constant 0 : i32
      %dma_start3A_27 = tpu.memref_slice %arg3[%mul3A_2, %dma_start3A_26] : memref<1024x128xi32, #tpu.memory_space<hbm>> -> memref<32x128xi32, #tpu.memory_space<hbm>>
      tpu.enqueue_dma source(%dma_start3A_27 : memref<32x128xi32, #tpu.memory_space<hbm>>) target(%dma_start3A_25 : memref<32x128xi32, #tpu.memory_space<vmem>>) target_semaphore(%run_scoped3A_16 : memref<!tpu.dma_semaphore, #tpu.memory_space<semaphore_mem>>)
      %dma_wait3A = arith.constant 0 : i32
      %dma_wait3A_28 = arith.constant 0 : i32
      %dma_wait3A_29 = tpu.memref_slice %arg12[%run_scoped3A, %dma_wait3A, %dma_wait3A_28] : memref<4x32x128xi32, #tpu.memory_space<vmem>> -> memref<1x32x128xi32, #tpu.memory_space<vmem>>
      %dma_wait3A_30 = tpu.memref_squeeze %dma_wait3A_29 : memref<1x32x128xi32, #tpu.memory_space<vmem>> -> memref<32x128xi32, #tpu.memory_space<vmem>>
      %dma_wait3A_31 = arith.constant 0 : i32
      %dma_wait3A_32 = tpu.memref_slice %arg3[%mul3A_2, %dma_wait3A_31] : memref<1024x128xi32, #tpu.memory_space<hbm>> -> memref<32x128xi32, #tpu.memory_space<hbm>>
      %dma_wait3A_33 = arith.constant 0 : i32
      %dma_wait3A_34 = arith.constant 0 : i32
      %dma_wait3A_35 = tpu.memref_slice %arg12[%run_scoped3A, %dma_wait3A_33, %dma_wait3A_34] : memref<4x32x128xi32, #tpu.memory_space<vmem>> -> memref<1x32x128xi32, #tpu.memory_space<vmem>>
      %dma_wait3A_36 = tpu.memref_squeeze %dma_wait3A_35 : memref<1x32x128xi32, #tpu.memory_space<vmem>> -> memref<32x128xi32, #tpu.memory_space<vmem>>
      %dma_wait3A_37 = arith.constant 0 : i32
      %dma_wait3A_38 = tpu.memref_slice %arg3[%mul3A_2, %dma_wait3A_37] : memref<1024x128xi32, #tpu.memory_space<hbm>> -> memref<32x128xi32, #tpu.memory_space<hbm>>
      tpu.wait_dma2 semaphore(%run_scoped3A_16 : memref<!tpu.dma_semaphore, #tpu.memory_space<semaphore_mem>>) src(%dma_wait3A_38 : memref<32x128xi32, #tpu.memory_space<hbm>>) dst(%dma_wait3A_36 : memref<32x128xi32, #tpu.memory_space<vmem>>)
      tpu.yield
    }) : () -> ()
    %run_scoped3A_3 = arith.constant 1 : i32
    "tpu.region"() ({
      %run_scoped3A_16 = tpu.sem_alloc : memref<!tpu.dma_semaphore, #tpu.memory_space<semaphore_mem>>
      %dma_start3A = arith.constant 0 : i32
      %dma_start3A_17 = arith.constant 0 : i32
      %dma_start3A_18 = tpu.memref_slice %arg12[%run_scoped3A_3, %dma_start3A, %dma_start3A_17] : memref<4x32x128xi32, #tpu.memory_space<vmem>> -> memref<1x32x128xi32, #tpu.memory_space<vmem>>
      %dma_start3A_19 = tpu.memref_squeeze %dma_start3A_18 : memref<1x32x128xi32, #tpu.memory_space<vmem>> -> memref<32x128xi32, #tpu.memory_space<vmem>>
      %dma_start3A_20 = arith.constant 0 : i32
      %dma_start3A_21 = tpu.memref_slice %arg4[%mul3A_2, %dma_start3A_20] : memref<1024x128xi32, #tpu.memory_space<hbm>> -> memref<32x128xi32, #tpu.memory_space<hbm>>
      %dma_start3A_22 = arith.constant 0 : i32
      %dma_start3A_23 = arith.constant 0 : i32
      %dma_start3A_24 = tpu.memref_slice %arg12[%run_scoped3A_3, %dma_start3A_22, %dma_start3A_23] : memref<4x32x128xi32, #tpu.memory_space<vmem>> -> memref<1x32x128xi32, #tpu.memory_space<vmem>>
      %dma_start3A_25 = tpu.memref_squeeze %dma_start3A_24 : memref<1x32x128xi32, #tpu.memory_space<vmem>> -> memref<32x128xi32, #tpu.memory_space<vmem>>
      %dma_start3A_26 = arith.constant 0 : i32
      %dma_start3A_27 = tpu.memref_slice %arg4[%mul3A_2, %dma_start3A_26] : memref<1024x128xi32, #tpu.memory_space<hbm>> -> memref<32x128xi32, #tpu.memory_space<hbm>>
      tpu.enqueue_dma source(%dma_start3A_27 : memref<32x128xi32, #tpu.memory_space<hbm>>) target(%dma_start3A_25 : memref<32x128xi32, #tpu.memory_space<vmem>>) target_semaphore(%run_scoped3A_16 : memref<!tpu.dma_semaphore, #tpu.memory_space<semaphore_mem>>)
      %dma_wait3A = arith.constant 0 : i32
      %dma_wait3A_28 = arith.constant 0 : i32
      %dma_wait3A_29 = tpu.memref_slice %arg12[%run_scoped3A_3, %dma_wait3A, %dma_wait3A_28] : memref<4x32x128xi32, #tpu.memory_space<vmem>> -> memref<1x32x128xi32, #tpu.memory_space<vmem>>
      %dma_wait3A_30 = tpu.memref_squeeze %dma_wait3A_29 : memref<1x32x128xi32, #tpu.memory_space<vmem>> -> memref<32x128xi32, #tpu.memory_space<vmem>>
      %dma_wait3A_31 = arith.constant 0 : i32
      %dma_wait3A_32 = tpu.memref_slice %arg4[%mul3A_2, %dma_wait3A_31] : memref<1024x128xi32, #tpu.memory_space<hbm>> -> memref<32x128xi32, #tpu.memory_space<hbm>>
      %dma_wait3A_33 = arith.constant 0 : i32
      %dma_wait3A_34 = arith.constant 0 : i32
      %dma_wait3A_35 = tpu.memref_slice %arg12[%run_scoped3A_3, %dma_wait3A_33, %dma_wait3A_34] : memref<4x32x128xi32, #tpu.memory_space<vmem>> -> memref<1x32x128xi32, #tpu.memory_space<vmem>>
      %dma_wait3A_36 = tpu.memref_squeeze %dma_wait3A_35 : memref<1x32x128xi32, #tpu.memory_space<vmem>> -> memref<32x128xi32, #tpu.memory_space<vmem>>
      %dma_wait3A_37 = arith.constant 0 : i32
      %dma_wait3A_38 = tpu.memref_slice %arg4[%mul3A_2, %dma_wait3A_37] : memref<1024x128xi32, #tpu.memory_space<hbm>> -> memref<32x128xi32, #tpu.memory_space<hbm>>
      tpu.wait_dma2 semaphore(%run_scoped3A_16 : memref<!tpu.dma_semaphore, #tpu.memory_space<semaphore_mem>>) src(%dma_wait3A_38 : memref<32x128xi32, #tpu.memory_space<hbm>>) dst(%dma_wait3A_36 : memref<32x128xi32, #tpu.memory_space<vmem>>)
      tpu.yield
    }) : () -> ()
    %run_scoped3A_4 = arith.constant 2 : i32
    "tpu.region"() ({
      %run_scoped3A_16 = tpu.sem_alloc : memref<!tpu.dma_semaphore, #tpu.memory_space<semaphore_mem>>
      %dma_start3A = arith.constant 0 : i32
      %dma_start3A_17 = arith.constant 0 : i32
      %dma_start3A_18 = tpu.memref_slice %arg12[%run_scoped3A_4, %dma_start3A, %dma_start3A_17] : memref<4x32x128xi32, #tpu.memory_space<vmem>> -> memref<1x32x128xi32, #tpu.memory_space<vmem>>
      %dma_start3A_19 = tpu.memref_squeeze %dma_start3A_18 : memref<1x32x128xi32, #tpu.memory_space<vmem>> -> memref<32x128xi32, #tpu.memory_space<vmem>>
      %dma_start3A_20 = arith.constant 0 : i32
      %dma_start3A_21 = tpu.memref_slice %arg5[%mul3A_2, %dma_start3A_20] : memref<1024x128xi32, #tpu.memory_space<hbm>> -> memref<32x128xi32, #tpu.memory_space<hbm>>
      %dma_start3A_22 = arith.constant 0 : i32
      %dma_start3A_23 = arith.constant 0 : i32
      %dma_start3A_24 = tpu.memref_slice %arg12[%run_scoped3A_4, %dma_start3A_22, %dma_start3A_23] : memref<4x32x128xi32, #tpu.memory_space<vmem>> -> memref<1x32x128xi32, #tpu.memory_space<vmem>>
      %dma_start3A_25 = tpu.memref_squeeze %dma_start3A_24 : memref<1x32x128xi32, #tpu.memory_space<vmem>> -> memref<32x128xi32, #tpu.memory_space<vmem>>
      %dma_start3A_26 = arith.constant 0 : i32
      %dma_start3A_27 = tpu.memref_slice %arg5[%mul3A_2, %dma_start3A_26] : memref<1024x128xi32, #tpu.memory_space<hbm>> -> memref<32x128xi32, #tpu.memory_space<hbm>>
      tpu.enqueue_dma source(%dma_start3A_27 : memref<32x128xi32, #tpu.memory_space<hbm>>) target(%dma_start3A_25 : memref<32x128xi32, #tpu.memory_space<vmem>>) target_semaphore(%run_scoped3A_16 : memref<!tpu.dma_semaphore, #tpu.memory_space<semaphore_mem>>)
      %dma_wait3A = arith.constant 0 : i32
      %dma_wait3A_28 = arith.constant 0 : i32
      %dma_wait3A_29 = tpu.memref_slice %arg12[%run_scoped3A_4, %dma_wait3A, %dma_wait3A_28] : memref<4x32x128xi32, #tpu.memory_space<vmem>> -> memref<1x32x128xi32, #tpu.memory_space<vmem>>
      %dma_wait3A_30 = tpu.memref_squeeze %dma_wait3A_29 : memref<1x32x128xi32, #tpu.memory_space<vmem>> -> memref<32x128xi32, #tpu.memory_space<vmem>>
      %dma_wait3A_31 = arith.constant 0 : i32
      %dma_wait3A_32 = tpu.memref_slice %arg5[%mul3A_2, %dma_wait3A_31] : memref<1024x128xi32, #tpu.memory_space<hbm>> -> memref<32x128xi32, #tpu.memory_space<hbm>>
      %dma_wait3A_33 = arith.constant 0 : i32
      %dma_wait3A_34 = arith.constant 0 : i32
      %dma_wait3A_35 = tpu.memref_slice %arg12[%run_scoped3A_4, %dma_wait3A_33, %dma_wait3A_34] : memref<4x32x128xi32, #tpu.memory_space<vmem>> -> memref<1x32x128xi32, #tpu.memory_space<vmem>>
      %dma_wait3A_36 = tpu.memref_squeeze %dma_wait3A_35 : memref<1x32x128xi32, #tpu.memory_space<vmem>> -> memref<32x128xi32, #tpu.memory_space<vmem>>
      %dma_wait3A_37 = arith.constant 0 : i32
      %dma_wait3A_38 = tpu.memref_slice %arg5[%mul3A_2, %dma_wait3A_37] : memref<1024x128xi32, #tpu.memory_space<hbm>> -> memref<32x128xi32, #tpu.memory_space<hbm>>
      tpu.wait_dma2 semaphore(%run_scoped3A_16 : memref<!tpu.dma_semaphore, #tpu.memory_space<semaphore_mem>>) src(%dma_wait3A_38 : memref<32x128xi32, #tpu.memory_space<hbm>>) dst(%dma_wait3A_36 : memref<32x128xi32, #tpu.memory_space<vmem>>)
      tpu.yield
    }) : () -> ()
    %run_scoped3A_5 = arith.constant 3 : i32
    "tpu.region"() ({
      %run_scoped3A_16 = tpu.sem_alloc : memref<!tpu.dma_semaphore, #tpu.memory_space<semaphore_mem>>
      %dma_start3A = arith.constant 0 : i32
      %dma_start3A_17 = arith.constant 0 : i32
      %dma_start3A_18 = tpu.memref_slice %arg12[%run_scoped3A_5, %dma_start3A, %dma_start3A_17] : memref<4x32x128xi32, #tpu.memory_space<vmem>> -> memref<1x32x128xi32, #tpu.memory_space<vmem>>
      %dma_start3A_19 = tpu.memref_squeeze %dma_start3A_18 : memref<1x32x128xi32, #tpu.memory_space<vmem>> -> memref<32x128xi32, #tpu.memory_space<vmem>>
      %dma_start3A_20 = arith.constant 0 : i32
      %dma_start3A_21 = tpu.memref_slice %arg6[%mul3A_2, %dma_start3A_20] : memref<1024x128xi32, #tpu.memory_space<hbm>> -> memref<32x128xi32, #tpu.memory_space<hbm>>
      %dma_start3A_22 = arith.constant 0 : i32
      %dma_start3A_23 = arith.constant 0 : i32
      %dma_start3A_24 = tpu.memref_slice %arg12[%run_scoped3A_5, %dma_start3A_22, %dma_start3A_23] : memref<4x32x128xi32, #tpu.memory_space<vmem>> -> memref<1x32x128xi32, #tpu.memory_space<vmem>>
      %dma_start3A_25 = tpu.memref_squeeze %dma_start3A_24 : memref<1x32x128xi32, #tpu.memory_space<vmem>> -> memref<32x128xi32, #tpu.memory_space<vmem>>
      %dma_start3A_26 = arith.constant 0 : i32
      %dma_start3A_27 = tpu.memref_slice %arg6[%mul3A_2, %dma_start3A_26] : memref<1024x128xi32, #tpu.memory_space<hbm>> -> memref<32x128xi32, #tpu.memory_space<hbm>>
      tpu.enqueue_dma source(%dma_start3A_27 : memref<32x128xi32, #tpu.memory_space<hbm>>) target(%dma_start3A_25 : memref<32x128xi32, #tpu.memory_space<vmem>>) target_semaphore(%run_scoped3A_16 : memref<!tpu.dma_semaphore, #tpu.memory_space<semaphore_mem>>)
      %dma_wait3A = arith.constant 0 : i32
      %dma_wait3A_28 = arith.constant 0 : i32
      %dma_wait3A_29 = tpu.memref_slice %arg12[%run_scoped3A_5, %dma_wait3A, %dma_wait3A_28] : memref<4x32x128xi32, #tpu.memory_space<vmem>> -> memref<1x32x128xi32, #tpu.memory_space<vmem>>
      %dma_wait3A_30 = tpu.memref_squeeze %dma_wait3A_29 : memref<1x32x128xi32, #tpu.memory_space<vmem>> -> memref<32x128xi32, #tpu.memory_space<vmem>>
      %dma_wait3A_31 = arith.constant 0 : i32
      %dma_wait3A_32 = tpu.memref_slice %arg6[%mul3A_2, %dma_wait3A_31] : memref<1024x128xi32, #tpu.memory_space<hbm>> -> memref<32x128xi32, #tpu.memory_space<hbm>>
      %dma_wait3A_33 = arith.constant 0 : i32
      %dma_wait3A_34 = arith.constant 0 : i32
      %dma_wait3A_35 = tpu.memref_slice %arg12[%run_scoped3A_5, %dma_wait3A_33, %dma_wait3A_34] : memref<4x32x128xi32, #tpu.memory_space<vmem>> -> memref<1x32x128xi32, #tpu.memory_space<vmem>>
      %dma_wait3A_36 = tpu.memref_squeeze %dma_wait3A_35 : memref<1x32x128xi32, #tpu.memory_space<vmem>> -> memref<32x128xi32, #tpu.memory_space<vmem>>
      %dma_wait3A_37 = arith.constant 0 : i32
      %dma_wait3A_38 = tpu.memref_slice %arg6[%mul3A_2, %dma_wait3A_37] : memref<1024x128xi32, #tpu.memory_space<hbm>> -> memref<32x128xi32, #tpu.memory_space<hbm>>
      tpu.wait_dma2 semaphore(%run_scoped3A_16 : memref<!tpu.dma_semaphore, #tpu.memory_space<semaphore_mem>>) src(%dma_wait3A_38 : memref<32x128xi32, #tpu.memory_space<hbm>>) dst(%dma_wait3A_36 : memref<32x128xi32, #tpu.memory_space<vmem>>)
      tpu.yield
    }) : () -> ()
    %run_scoped3A_6 = arith.constant 0 : i32
    "tpu.region"() ({
      %run_scoped3A_16 = tpu.sem_alloc : memref<!tpu.dma_semaphore, #tpu.memory_space<semaphore_mem>>
      %dma_start3A = arith.constant 0 : i32
      %dma_start3A_17 = arith.constant 0 : i32
      %dma_start3A_18 = tpu.memref_slice %arg13[%run_scoped3A_6, %dma_start3A, %dma_start3A_17] : memref<4x32x128xf32, #tpu.memory_space<vmem>> -> memref<1x32x128xf32, #tpu.memory_space<vmem>>
      %dma_start3A_19 = tpu.memref_squeeze %dma_start3A_18 : memref<1x32x128xf32, #tpu.memory_space<vmem>> -> memref<32x128xf32, #tpu.memory_space<vmem>>
      %dma_start3A_20 = arith.constant 0 : i32
      %dma_start3A_21 = tpu.memref_slice %arg7[%mul3A_2, %dma_start3A_20] : memref<1024x128xf32, #tpu.memory_space<hbm>> -> memref<32x128xf32, #tpu.memory_space<hbm>>
      %dma_start3A_22 = arith.constant 0 : i32
      %dma_start3A_23 = arith.constant 0 : i32
      %dma_start3A_24 = tpu.memref_slice %arg13[%run_scoped3A_6, %dma_start3A_22, %dma_start3A_23] : memref<4x32x128xf32, #tpu.memory_space<vmem>> -> memref<1x32x128xf32, #tpu.memory_space<vmem>>
      %dma_start3A_25 = tpu.memref_squeeze %dma_start3A_24 : memref<1x32x128xf32, #tpu.memory_space<vmem>> -> memref<32x128xf32, #tpu.memory_space<vmem>>
      %dma_start3A_26 = arith.constant 0 : i32
      %dma_start3A_27 = tpu.memref_slice %arg7[%mul3A_2, %dma_start3A_26] : memref<1024x128xf32, #tpu.memory_space<hbm>> -> memref<32x128xf32, #tpu.memory_space<hbm>>
      tpu.enqueue_dma source(%dma_start3A_27 : memref<32x128xf32, #tpu.memory_space<hbm>>) target(%dma_start3A_25 : memref<32x128xf32, #tpu.memory_space<vmem>>) target_semaphore(%run_scoped3A_16 : memref<!tpu.dma_semaphore, #tpu.memory_space<semaphore_mem>>)
      %dma_wait3A = arith.constant 0 : i32
      %dma_wait3A_28 = arith.constant 0 : i32
      %dma_wait3A_29 = tpu.memref_slice %arg13[%run_scoped3A_6, %dma_wait3A, %dma_wait3A_28] : memref<4x32x128xf32, #tpu.memory_space<vmem>> -> memref<1x32x128xf32, #tpu.memory_space<vmem>>
      %dma_wait3A_30 = tpu.memref_squeeze %dma_wait3A_29 : memref<1x32x128xf32, #tpu.memory_space<vmem>> -> memref<32x128xf32, #tpu.memory_space<vmem>>
      %dma_wait3A_31 = arith.constant 0 : i32
      %dma_wait3A_32 = tpu.memref_slice %arg7[%mul3A_2, %dma_wait3A_31] : memref<1024x128xf32, #tpu.memory_space<hbm>> -> memref<32x128xf32, #tpu.memory_space<hbm>>
      %dma_wait3A_33 = arith.constant 0 : i32
      %dma_wait3A_34 = arith.constant 0 : i32
      %dma_wait3A_35 = tpu.memref_slice %arg13[%run_scoped3A_6, %dma_wait3A_33, %dma_wait3A_34] : memref<4x32x128xf32, #tpu.memory_space<vmem>> -> memref<1x32x128xf32, #tpu.memory_space<vmem>>
      %dma_wait3A_36 = tpu.memref_squeeze %dma_wait3A_35 : memref<1x32x128xf32, #tpu.memory_space<vmem>> -> memref<32x128xf32, #tpu.memory_space<vmem>>
      %dma_wait3A_37 = arith.constant 0 : i32
      %dma_wait3A_38 = tpu.memref_slice %arg7[%mul3A_2, %dma_wait3A_37] : memref<1024x128xf32, #tpu.memory_space<hbm>> -> memref<32x128xf32, #tpu.memory_space<hbm>>
      tpu.wait_dma2 semaphore(%run_scoped3A_16 : memref<!tpu.dma_semaphore, #tpu.memory_space<semaphore_mem>>) src(%dma_wait3A_38 : memref<32x128xf32, #tpu.memory_space<hbm>>) dst(%dma_wait3A_36 : memref<32x128xf32, #tpu.memory_space<vmem>>)
      tpu.yield
    }) : () -> ()
    %run_scoped3A_7 = arith.constant 1 : i32
    "tpu.region"() ({
      %run_scoped3A_16 = tpu.sem_alloc : memref<!tpu.dma_semaphore, #tpu.memory_space<semaphore_mem>>
      %dma_start3A = arith.constant 0 : i32
      %dma_start3A_17 = arith.constant 0 : i32
      %dma_start3A_18 = tpu.memref_slice %arg13[%run_scoped3A_7, %dma_start3A, %dma_start3A_17] : memref<4x32x128xf32, #tpu.memory_space<vmem>> -> memref<1x32x128xf32, #tpu.memory_space<vmem>>
      %dma_start3A_19 = tpu.memref_squeeze %dma_start3A_18 : memref<1x32x128xf32, #tpu.memory_space<vmem>> -> memref<32x128xf32, #tpu.memory_space<vmem>>
      %dma_start3A_20 = arith.constant 0 : i32
      %dma_start3A_21 = tpu.memref_slice %arg8[%mul3A_2, %dma_start3A_20] : memref<1024x128xf32, #tpu.memory_space<hbm>> -> memref<32x128xf32, #tpu.memory_space<hbm>>
      %dma_start3A_22 = arith.constant 0 : i32
      %dma_start3A_23 = arith.constant 0 : i32
      %dma_start3A_24 = tpu.memref_slice %arg13[%run_scoped3A_7, %dma_start3A_22, %dma_start3A_23] : memref<4x32x128xf32, #tpu.memory_space<vmem>> -> memref<1x32x128xf32, #tpu.memory_space<vmem>>
      %dma_start3A_25 = tpu.memref_squeeze %dma_start3A_24 : memref<1x32x128xf32, #tpu.memory_space<vmem>> -> memref<32x128xf32, #tpu.memory_space<vmem>>
      %dma_start3A_26 = arith.constant 0 : i32
      %dma_start3A_27 = tpu.memref_slice %arg8[%mul3A_2, %dma_start3A_26] : memref<1024x128xf32, #tpu.memory_space<hbm>> -> memref<32x128xf32, #tpu.memory_space<hbm>>
      tpu.enqueue_dma source(%dma_start3A_27 : memref<32x128xf32, #tpu.memory_space<hbm>>) target(%dma_start3A_25 : memref<32x128xf32, #tpu.memory_space<vmem>>) target_semaphore(%run_scoped3A_16 : memref<!tpu.dma_semaphore, #tpu.memory_space<semaphore_mem>>)
      %dma_wait3A = arith.constant 0 : i32
      %dma_wait3A_28 = arith.constant 0 : i32
      %dma_wait3A_29 = tpu.memref_slice %arg13[%run_scoped3A_7, %dma_wait3A, %dma_wait3A_28] : memref<4x32x128xf32, #tpu.memory_space<vmem>> -> memref<1x32x128xf32, #tpu.memory_space<vmem>>
      %dma_wait3A_30 = tpu.memref_squeeze %dma_wait3A_29 : memref<1x32x128xf32, #tpu.memory_space<vmem>> -> memref<32x128xf32, #tpu.memory_space<vmem>>
      %dma_wait3A_31 = arith.constant 0 : i32
      %dma_wait3A_32 = tpu.memref_slice %arg8[%mul3A_2, %dma_wait3A_31] : memref<1024x128xf32, #tpu.memory_space<hbm>> -> memref<32x128xf32, #tpu.memory_space<hbm>>
      %dma_wait3A_33 = arith.constant 0 : i32
      %dma_wait3A_34 = arith.constant 0 : i32
      %dma_wait3A_35 = tpu.memref_slice %arg13[%run_scoped3A_7, %dma_wait3A_33, %dma_wait3A_34] : memref<4x32x128xf32, #tpu.memory_space<vmem>> -> memref<1x32x128xf32, #tpu.memory_space<vmem>>
      %dma_wait3A_36 = tpu.memref_squeeze %dma_wait3A_35 : memref<1x32x128xf32, #tpu.memory_space<vmem>> -> memref<32x128xf32, #tpu.memory_space<vmem>>
      %dma_wait3A_37 = arith.constant 0 : i32
      %dma_wait3A_38 = tpu.memref_slice %arg8[%mul3A_2, %dma_wait3A_37] : memref<1024x128xf32, #tpu.memory_space<hbm>> -> memref<32x128xf32, #tpu.memory_space<hbm>>
      tpu.wait_dma2 semaphore(%run_scoped3A_16 : memref<!tpu.dma_semaphore, #tpu.memory_space<semaphore_mem>>) src(%dma_wait3A_38 : memref<32x128xf32, #tpu.memory_space<hbm>>) dst(%dma_wait3A_36 : memref<32x128xf32, #tpu.memory_space<vmem>>)
      tpu.yield
    }) : () -> ()
    %run_scoped3A_8 = arith.constant 2 : i32
    "tpu.region"() ({
      %run_scoped3A_16 = tpu.sem_alloc : memref<!tpu.dma_semaphore, #tpu.memory_space<semaphore_mem>>
      %dma_start3A = arith.constant 0 : i32
      %dma_start3A_17 = arith.constant 0 : i32
      %dma_start3A_18 = tpu.memref_slice %arg13[%run_scoped3A_8, %dma_start3A, %dma_start3A_17] : memref<4x32x128xf32, #tpu.memory_space<vmem>> -> memref<1x32x128xf32, #tpu.memory_space<vmem>>
      %dma_start3A_19 = tpu.memref_squeeze %dma_start3A_18 : memref<1x32x128xf32, #tpu.memory_space<vmem>> -> memref<32x128xf32, #tpu.memory_space<vmem>>
      %dma_start3A_20 = arith.constant 0 : i32
      %dma_start3A_21 = tpu.memref_slice %arg9[%mul3A_2, %dma_start3A_20] : memref<1024x128xf32, #tpu.memory_space<hbm>> -> memref<32x128xf32, #tpu.memory_space<hbm>>
      %dma_start3A_22 = arith.constant 0 : i32
      %dma_start3A_23 = arith.constant 0 : i32
      %dma_start3A_24 = tpu.memref_slice %arg13[%run_scoped3A_8, %dma_start3A_22, %dma_start3A_23] : memref<4x32x128xf32, #tpu.memory_space<vmem>> -> memref<1x32x128xf32, #tpu.memory_space<vmem>>
      %dma_start3A_25 = tpu.memref_squeeze %dma_start3A_24 : memref<1x32x128xf32, #tpu.memory_space<vmem>> -> memref<32x128xf32, #tpu.memory_space<vmem>>
      %dma_start3A_26 = arith.constant 0 : i32
      %dma_start3A_27 = tpu.memref_slice %arg9[%mul3A_2, %dma_start3A_26] : memref<1024x128xf32, #tpu.memory_space<hbm>> -> memref<32x128xf32, #tpu.memory_space<hbm>>
      tpu.enqueue_dma source(%dma_start3A_27 : memref<32x128xf32, #tpu.memory_space<hbm>>) target(%dma_start3A_25 : memref<32x128xf32, #tpu.memory_space<vmem>>) target_semaphore(%run_scoped3A_16 : memref<!tpu.dma_semaphore, #tpu.memory_space<semaphore_mem>>)
      %dma_wait3A = arith.constant 0 : i32
      %dma_wait3A_28 = arith.constant 0 : i32
      %dma_wait3A_29 = tpu.memref_slice %arg13[%run_scoped3A_8, %dma_wait3A, %dma_wait3A_28] : memref<4x32x128xf32, #tpu.memory_space<vmem>> -> memref<1x32x128xf32, #tpu.memory_space<vmem>>
      %dma_wait3A_30 = tpu.memref_squeeze %dma_wait3A_29 : memref<1x32x128xf32, #tpu.memory_space<vmem>> -> memref<32x128xf32, #tpu.memory_space<vmem>>
      %dma_wait3A_31 = arith.constant 0 : i32
      %dma_wait3A_32 = tpu.memref_slice %arg9[%mul3A_2, %dma_wait3A_31] : memref<1024x128xf32, #tpu.memory_space<hbm>> -> memref<32x128xf32, #tpu.memory_space<hbm>>
      %dma_wait3A_33 = arith.constant 0 : i32
      %dma_wait3A_34 = arith.constant 0 : i32
      %dma_wait3A_35 = tpu.memref_slice %arg13[%run_scoped3A_8, %dma_wait3A_33, %dma_wait3A_34] : memref<4x32x128xf32, #tpu.memory_space<vmem>> -> memref<1x32x128xf32, #tpu.memory_space<vmem>>
      %dma_wait3A_36 = tpu.memref_squeeze %dma_wait3A_35 : memref<1x32x128xf32, #tpu.memory_space<vmem>> -> memref<32x128xf32, #tpu.memory_space<vmem>>
      %dma_wait3A_37 = arith.constant 0 : i32
      %dma_wait3A_38 = tpu.memref_slice %arg9[%mul3A_2, %dma_wait3A_37] : memref<1024x128xf32, #tpu.memory_space<hbm>> -> memref<32x128xf32, #tpu.memory_space<hbm>>
      tpu.wait_dma2 semaphore(%run_scoped3A_16 : memref<!tpu.dma_semaphore, #tpu.memory_space<semaphore_mem>>) src(%dma_wait3A_38 : memref<32x128xf32, #tpu.memory_space<hbm>>) dst(%dma_wait3A_36 : memref<32x128xf32, #tpu.memory_space<vmem>>)
      tpu.yield
    }) : () -> ()
    %run_scoped3A_9 = arith.constant 3 : i32
    "tpu.region"() ({
      %run_scoped3A_16 = tpu.sem_alloc : memref<!tpu.dma_semaphore, #tpu.memory_space<semaphore_mem>>
      %dma_start3A = arith.constant 0 : i32
      %dma_start3A_17 = arith.constant 0 : i32
      %dma_start3A_18 = tpu.memref_slice %arg13[%run_scoped3A_9, %dma_start3A, %dma_start3A_17] : memref<4x32x128xf32, #tpu.memory_space<vmem>> -> memref<1x32x128xf32, #tpu.memory_space<vmem>>
      %dma_start3A_19 = tpu.memref_squeeze %dma_start3A_18 : memref<1x32x128xf32, #tpu.memory_space<vmem>> -> memref<32x128xf32, #tpu.memory_space<vmem>>
      %dma_start3A_20 = arith.constant 0 : i32
      %dma_start3A_21 = tpu.memref_slice %arg10[%mul3A_2, %dma_start3A_20] : memref<1024x128xf32, #tpu.memory_space<hbm>> -> memref<32x128xf32, #tpu.memory_space<hbm>>
      %dma_start3A_22 = arith.constant 0 : i32
      %dma_start3A_23 = arith.constant 0 : i32
      %dma_start3A_24 = tpu.memref_slice %arg13[%run_scoped3A_9, %dma_start3A_22, %dma_start3A_23] : memref<4x32x128xf32, #tpu.memory_space<vmem>> -> memref<1x32x128xf32, #tpu.memory_space<vmem>>
      %dma_start3A_25 = tpu.memref_squeeze %dma_start3A_24 : memref<1x32x128xf32, #tpu.memory_space<vmem>> -> memref<32x128xf32, #tpu.memory_space<vmem>>
      %dma_start3A_26 = arith.constant 0 : i32
      %dma_start3A_27 = tpu.memref_slice %arg10[%mul3A_2, %dma_start3A_26] : memref<1024x128xf32, #tpu.memory_space<hbm>> -> memref<32x128xf32, #tpu.memory_space<hbm>>
      tpu.enqueue_dma source(%dma_start3A_27 : memref<32x128xf32, #tpu.memory_space<hbm>>) target(%dma_start3A_25 : memref<32x128xf32, #tpu.memory_space<vmem>>) target_semaphore(%run_scoped3A_16 : memref<!tpu.dma_semaphore, #tpu.memory_space<semaphore_mem>>)
      %dma_wait3A = arith.constant 0 : i32
      %dma_wait3A_28 = arith.constant 0 : i32
      %dma_wait3A_29 = tpu.memref_slice %arg13[%run_scoped3A_9, %dma_wait3A, %dma_wait3A_28] : memref<4x32x128xf32, #tpu.memory_space<vmem>> -> memref<1x32x128xf32, #tpu.memory_space<vmem>>
      %dma_wait3A_30 = tpu.memref_squeeze %dma_wait3A_29 : memref<1x32x128xf32, #tpu.memory_space<vmem>> -> memref<32x128xf32, #tpu.memory_space<vmem>>
      %dma_wait3A_31 = arith.constant 0 : i32
      %dma_wait3A_32 = tpu.memref_slice %arg10[%mul3A_2, %dma_wait3A_31] : memref<1024x128xf32, #tpu.memory_space<hbm>> -> memref<32x128xf32, #tpu.memory_space<hbm>>
      %dma_wait3A_33 = arith.constant 0 : i32
      %dma_wait3A_34 = arith.constant 0 : i32
      %dma_wait3A_35 = tpu.memref_slice %arg13[%run_scoped3A_9, %dma_wait3A_33, %dma_wait3A_34] : memref<4x32x128xf32, #tpu.memory_space<vmem>> -> memref<1x32x128xf32, #tpu.memory_space<vmem>>
      %dma_wait3A_36 = tpu.memref_squeeze %dma_wait3A_35 : memref<1x32x128xf32, #tpu.memory_space<vmem>> -> memref<32x128xf32, #tpu.memory_space<vmem>>
      %dma_wait3A_37 = arith.constant 0 : i32
      %dma_wait3A_38 = tpu.memref_slice %arg10[%mul3A_2, %dma_wait3A_37] : memref<1024x128xf32, #tpu.memory_space<hbm>> -> memref<32x128xf32, #tpu.memory_space<hbm>>
      tpu.wait_dma2 semaphore(%run_scoped3A_16 : memref<!tpu.dma_semaphore, #tpu.memory_space<semaphore_mem>>) src(%dma_wait3A_38 : memref<32x128xf32, #tpu.memory_space<hbm>>) dst(%dma_wait3A_36 : memref<32x128xf32, #tpu.memory_space<vmem>>)
      tpu.yield
    }) : () -> ()
    %scan3A = arith.constant 0 : i32
    %scan3A_10 = arith.constant 0 : i32
    %scan3A_11 = arith.constant 32 : i32
    %scan3A_12 = arith.addi %scan3A_10, %scan3A_11 : i32
    %scan3A_13 = arith.constant 1 : i32
    %scan3A_14 = scf.for %scan3A_16 = %scan3A_10 to %scan3A_12 step %scan3A_13 iter_args(%scan3A_17 = %scan3A) -> (i32)  : i32 {
      %dma_start3A = arith.constant 0 : i32
      %dma_start3A_18 = arith.constant 0 : i32
      %dma_start3A_19 = arith.constant 0 : i32
      %dma_start3A_20 = tpu.memref_slice %arg14[%dma_start3A_18, %dma_start3A_19] : memref<512x128xf32, #tpu.memory_space<vmem>> -> memref<128x128xf32, #tpu.memory_space<vmem>>
      %dma_start3A_21 = arith.constant 0 : i32
      %dma_start3A_22 = tpu.memref_slice %arg12[%dma_start3A, %scan3A_16, %dma_start3A_21] : memref<4x32x128xi32, #tpu.memory_space<vmem>> -> memref<1x1x128xi32, #tpu.memory_space<vmem>>
      %dma_start3A_23 = tpu.memref_squeeze %dma_start3A_22 : memref<1x1x128xi32, #tpu.memory_space<vmem>> -> memref<128xi32, #tpu.memory_space<vmem>>
      %dma_start3A_24 = arith.constant 0 : i32
      %dma_start3A_25 = arith.constant 0 : i32
      %dma_start3A_26 = tpu.memref_slice %arg2[%dma_start3A_24, %dma_start3A_25] : memref<1048576x128xf32, #tpu.memory_space<hbm>> -> memref<1048576x128xf32, #tpu.memory_space<hbm>>
      tpu.enqueue_indirect_dma source(%dma_start3A_26 : memref<1048576x128xf32, #tpu.memory_space<hbm>>) target(%dma_start3A_20 : memref<128x128xf32, #tpu.memory_space<vmem>>) offsets(%dma_start3A_23 : memref<128xi32, #tpu.memory_space<vmem>>) semaphore(%arg16 : memref<!tpu.dma_semaphore, #tpu.memory_space<semaphore_mem>>)
      %dma_start3A_27 = arith.constant 1 : i32
      %dma_start3A_28 = arith.constant 128 : i32
      %dma_start3A_29 = arith.constant 0 : i32
      %dma_start3A_30 = tpu.memref_slice %arg14[%dma_start3A_28, %dma_start3A_29] : memref<512x128xf32, #tpu.memory_space<vmem>> -> memref<128x128xf32, #tpu.memory_space<vmem>>
      %dma_start3A_31 = arith.constant 0 : i32
      %dma_start3A_32 = tpu.memref_slice %arg12[%dma_start3A_27, %scan3A_16, %dma_start3A_31] : memref<4x32x128xi32, #tpu.memory_space<vmem>> -> memref<1x1x128xi32, #tpu.memory_space<vmem>>
      %dma_start3A_33 = tpu.memref_squeeze %dma_start3A_32 : memref<1x1x128xi32, #tpu.memory_space<vmem>> -> memref<128xi32, #tpu.memory_space<vmem>>
      %dma_start3A_34 = arith.constant 0 : i32
      %dma_start3A_35 = arith.constant 0 : i32
      %dma_start3A_36 = tpu.memref_slice %arg2[%dma_start3A_34, %dma_start3A_35] : memref<1048576x128xf32, #tpu.memory_space<hbm>> -> memref<1048576x128xf32, #tpu.memory_space<hbm>>
      tpu.enqueue_indirect_dma source(%dma_start3A_36 : memref<1048576x128xf32, #tpu.memory_space<hbm>>) target(%dma_start3A_30 : memref<128x128xf32, #tpu.memory_space<vmem>>) offsets(%dma_start3A_33 : memref<128xi32, #tpu.memory_space<vmem>>) semaphore(%arg16 : memref<!tpu.dma_semaphore, #tpu.memory_space<semaphore_mem>>)
      %dma_start3A_37 = arith.constant 2 : i32
      %dma_start3A_38 = arith.constant 256 : i32
      %dma_start3A_39 = arith.constant 0 : i32
      %dma_start3A_40 = tpu.memref_slice %arg14[%dma_start3A_38, %dma_start3A_39] : memref<512x128xf32, #tpu.memory_space<vmem>> -> memref<128x128xf32, #tpu.memory_space<vmem>>
      %dma_start3A_41 = arith.constant 0 : i32
      %dma_start3A_42 = tpu.memref_slice %arg12[%dma_start3A_37, %scan3A_16, %dma_start3A_41] : memref<4x32x128xi32, #tpu.memory_space<vmem>> -> memref<1x1x128xi32, #tpu.memory_space<vmem>>
      %dma_start3A_43 = tpu.memref_squeeze %dma_start3A_42 : memref<1x1x128xi32, #tpu.memory_space<vmem>> -> memref<128xi32, #tpu.memory_space<vmem>>
      %dma_start3A_44 = arith.constant 0 : i32
      %dma_start3A_45 = arith.constant 0 : i32
      %dma_start3A_46 = tpu.memref_slice %arg2[%dma_start3A_44, %dma_start3A_45] : memref<1048576x128xf32, #tpu.memory_space<hbm>> -> memref<1048576x128xf32, #tpu.memory_space<hbm>>
      tpu.enqueue_indirect_dma source(%dma_start3A_46 : memref<1048576x128xf32, #tpu.memory_space<hbm>>) target(%dma_start3A_40 : memref<128x128xf32, #tpu.memory_space<vmem>>) offsets(%dma_start3A_43 : memref<128xi32, #tpu.memory_space<vmem>>) semaphore(%arg17 : memref<!tpu.dma_semaphore, #tpu.memory_space<semaphore_mem>>)
      %dma_start3A_47 = arith.constant 3 : i32
      %dma_start3A_48 = arith.constant 384 : i32
      %dma_start3A_49 = arith.constant 0 : i32
      %dma_start3A_50 = tpu.memref_slice %arg14[%dma_start3A_48, %dma_start3A_49] : memref<512x128xf32, #tpu.memory_space<vmem>> -> memref<128x128xf32, #tpu.memory_space<vmem>>
      %dma_start3A_51 = arith.constant 0 : i32
      %dma_start3A_52 = tpu.memref_slice %arg12[%dma_start3A_47, %scan3A_16, %dma_start3A_51] : memref<4x32x128xi32, #tpu.memory_space<vmem>> -> memref<1x1x128xi32, #tpu.memory_space<vmem>>
      %dma_start3A_53 = tpu.memref_squeeze %dma_start3A_52 : memref<1x1x128xi32, #tpu.memory_space<vmem>> -> memref<128xi32, #tpu.memory_space<vmem>>
      %dma_start3A_54 = arith.constant 0 : i32
      %dma_start3A_55 = arith.constant 0 : i32
      %dma_start3A_56 = tpu.memref_slice %arg2[%dma_start3A_54, %dma_start3A_55] : memref<1048576x128xf32, #tpu.memory_space<hbm>> -> memref<1048576x128xf32, #tpu.memory_space<hbm>>
      tpu.enqueue_indirect_dma source(%dma_start3A_56 : memref<1048576x128xf32, #tpu.memory_space<hbm>>) target(%dma_start3A_50 : memref<128x128xf32, #tpu.memory_space<vmem>>) offsets(%dma_start3A_53 : memref<128xi32, #tpu.memory_space<vmem>>) semaphore(%arg17 : memref<!tpu.dma_semaphore, #tpu.memory_space<semaphore_mem>>)
      %dma_wait3A = arith.constant 0 : i32
      %dma_wait3A_57 = arith.constant 0 : i32
      %dma_wait3A_58 = arith.constant 0 : i32
      %dma_wait3A_59 = tpu.memref_slice %arg14[%dma_wait3A_57, %dma_wait3A_58] : memref<512x128xf32, #tpu.memory_space<vmem>> -> memref<128x128xf32, #tpu.memory_space<vmem>>
      %dma_wait3A_60 = arith.constant 0 : i32
      %dma_wait3A_61 = tpu.memref_slice %arg12[%dma_wait3A, %scan3A_16, %dma_wait3A_60] : memref<4x32x128xi32, #tpu.memory_space<vmem>> -> memref<1x1x128xi32, #tpu.memory_space<vmem>>
      %dma_wait3A_62 = tpu.memref_squeeze %dma_wait3A_61 : memref<1x1x128xi32, #tpu.memory_space<vmem>> -> memref<128xi32, #tpu.memory_space<vmem>>
      %dma_wait3A_63 = arith.constant 0 : i32
      %dma_wait3A_64 = arith.constant 0 : i32
      %dma_wait3A_65 = tpu.memref_slice %arg2[%dma_wait3A_63, %dma_wait3A_64] : memref<1048576x128xf32, #tpu.memory_space<hbm>> -> memref<1048576x128xf32, #tpu.memory_space<hbm>>
      tpu.wait_indirect_dma semaphore(%arg16 : memref<!tpu.dma_semaphore, #tpu.memory_space<semaphore_mem>>) src(%dma_wait3A_65 : memref<1048576x128xf32, #tpu.memory_space<hbm>>) dst(%dma_wait3A_59 : memref<128x128xf32, #tpu.memory_space<vmem>>)
      %dma_wait3A_66 = arith.constant 1 : i32
      %dma_wait3A_67 = arith.constant 128 : i32
      %dma_wait3A_68 = arith.constant 0 : i32
      %dma_wait3A_69 = tpu.memref_slice %arg14[%dma_wait3A_67, %dma_wait3A_68] : memref<512x128xf32, #tpu.memory_space<vmem>> -> memref<128x128xf32, #tpu.memory_space<vmem>>
      %dma_wait3A_70 = arith.constant 0 : i32
      %dma_wait3A_71 = tpu.memref_slice %arg12[%dma_wait3A_66, %scan3A_16, %dma_wait3A_70] : memref<4x32x128xi32, #tpu.memory_space<vmem>> -> memref<1x1x128xi32, #tpu.memory_space<vmem>>
      %dma_wait3A_72 = tpu.memref_squeeze %dma_wait3A_71 : memref<1x1x128xi32, #tpu.memory_space<vmem>> -> memref<128xi32, #tpu.memory_space<vmem>>
      %dma_wait3A_73 = arith.constant 0 : i32
      %dma_wait3A_74 = arith.constant 0 : i32
      %dma_wait3A_75 = tpu.memref_slice %arg2[%dma_wait3A_73, %dma_wait3A_74] : memref<1048576x128xf32, #tpu.memory_space<hbm>> -> memref<1048576x128xf32, #tpu.memory_space<hbm>>
      tpu.wait_indirect_dma semaphore(%arg16 : memref<!tpu.dma_semaphore, #tpu.memory_space<semaphore_mem>>) src(%dma_wait3A_75 : memref<1048576x128xf32, #tpu.memory_space<hbm>>) dst(%dma_wait3A_69 : memref<128x128xf32, #tpu.memory_space<vmem>>)
      %scan3A_76 = arith.constant 0 : i32
      %scan3A_77 = arith.constant 0 : i32
      %scan3A_78 = arith.constant 8 : i32
      %scan3A_79 = arith.addi %scan3A_77, %scan3A_78 : i32
      %scan3A_80 = arith.constant 1 : i32
      %scan3A_81 = scf.for %scan3A_114 = %scan3A_77 to %scan3A_79 step %scan3A_80 iter_args(%scan3A_115 = %scan3A_76) -> (i32)  : i32 {
        %mul3A_116 = arith.constant 16 : i32
        %mul3A_117 = arith.muli %scan3A_114, %mul3A_116 : i32
        %get3A = arith.constant 0 : i32
        %get3A_118 = arith.index_cast %get3A : i32 to index
        %get3A_119 = arith.index_cast %scan3A_16 : i32 to index
        %get3A_120 = arith.index_cast %mul3A_117 : i32 to index
        %get3A_121 = tpu.vector_load %arg13[%get3A_118, %get3A_119, %get3A_120] {strides = array<i32>} : memref<4x32x128xf32, #tpu.memory_space<vmem>>, vector<1x1x16xf32>,
        %get3A_122 = vector.shape_cast %get3A_121 : vector<1x1x16xf32> to vector<16xf32>
        %mul3A_123 = arith.constant 16 : i32
        %mul3A_124 = arith.muli %scan3A_114, %mul3A_123 : i32
        %get3A_125 = arith.constant 1 : i32
        %get3A_126 = arith.index_cast %get3A_125 : i32 to index
        %get3A_127 = arith.index_cast %scan3A_16 : i32 to index
        %get3A_128 = arith.index_cast %mul3A_124 : i32 to index
        %get3A_129 = tpu.vector_load %arg13[%get3A_126, %get3A_127, %get3A_128] {strides = array<i32>} : memref<4x32x128xf32, #tpu.memory_space<vmem>>, vector<1x1x16xf32>,
        %get3A_130 = vector.shape_cast %get3A_129 : vector<1x1x16xf32> to vector<16xf32>
        %mul3A_131 = arith.constant 16 : i32
        %mul3A_132 = arith.muli %scan3A_114, %mul3A_131 : i32
        %add3A_133 = arith.constant 0 : i32
        %add3A_134 = arith.addi %mul3A_132, %add3A_133 : i32
        %mul3A_135 = arith.constant 2 : i32
        %mul3A_136 = arith.muli %scan3A_114, %mul3A_135 : i32
        %add3A_137 = arith.constant 0 : i32
        %add3A_138 = arith.addi %mul3A_136, %add3A_137 : i32
        %slice3A = vector.extract_strided_slice %get3A_122 {offsets = [0], sizes = [1], strides = [1]} : vector<16xf32> to vector<1xf32>
        %squeeze3A = vector.extract %slice3A[0] : f32 from vector<1xf32>
        %get3A_139 = arith.index_cast %add3A_134 : i32 to index
        %get3A_140 = arith.constant 0 : index
        %get3A_141 = tpu.vector_load %arg14[%get3A_139, %get3A_140] {strides = array<i32>} : memref<512x128xf32, #tpu.memory_space<vmem>>, vector<1x16xf32>,
        %get3A_142 = vector.shape_cast %get3A_141 : vector<1x16xf32> to vector<16xf32>
        %mul3A_143 = vector.broadcast %squeeze3A : f32 to vector<16xf32>
        %mul3A_144 = arith.mulf %mul3A_143, %get3A_142 : vector<16xf32>
        %slice3A_145 = vector.extract_strided_slice %get3A_130 {offsets = [0], sizes = [1], strides = [1]} : vector<16xf32> to vector<1xf32>
        %squeeze3A_146 = vector.extract %slice3A_145[0] : f32 from vector<1xf32>
        %add3A_147 = arith.constant 128 : i32
        %add3A_148 = arith.addi %add3A_147, %add3A_134 : i32
        %get3A_149 = arith.index_cast %add3A_148 : i32 to index
        %get3A_150 = arith.constant 0 : index
        %get3A_151 = tpu.vector_load %arg14[%get3A_149, %get3A_150] {strides = array<i32>} : memref<512x128xf32, #tpu.memory_space<vmem>>, vector<1x16xf32>,
        %get3A_152 = vector.shape_cast %get3A_151 : vector<1x16xf32> to vector<16xf32>
        %mul3A_153 = vector.broadcast %squeeze3A_146 : f32 to vector<16xf32>
        %mul3A_154 = arith.mulf %mul3A_153, %get3A_152 : vector<16xf32>
        %add3A_155 = arith.addf %mul3A_144, %mul3A_154 : vector<16xf32>
        %swap3A = arith.index_cast %add3A_138 : i32 to index
        %swap3A_156 = arith.constant 0 : index
        %swap3A_157 = tpu.vector_load %arg15[%swap3A, %swap3A_156] {strides = array<i32>} : memref<16x512xf32, #tpu.memory_space<vmem>>, vector<1x16xf32>,
        %swap3A_158 = vector.shape_cast %swap3A_157 : vector<1x16xf32> to vector<16xf32>
        %swap3A_159 = vector.shape_cast %add3A_155 : vector<16xf32> to vector<1x16xf32>
        tpu.vector_store %arg15[%swap3A, %swap3A_156], %swap3A_159 {strides = array<i32>} : memref<16x512xf32, #tpu.memory_space<vmem>>, vector<1x16xf32>,
        %slice3A_160 = vector.extract_strided_slice %get3A_122 {offsets = [0], sizes = [1], strides = [1]} : vector<16xf32> to vector<1xf32>
        %squeeze3A_161 = vector.extract %slice3A_160[0] : f32 from vector<1xf32>
        %get3A_162 = arith.index_cast %add3A_134 : i32 to index
        %get3A_163 = arith.constant 16 : index
        %get3A_164 = tpu.vector_load %arg14[%get3A_162, %get3A_163] {strides = array<i32>} : memref<512x128xf32, #tpu.memory_space<vmem>>, vector<1x16xf32>,
        %get3A_165 = vector.shape_cast %get3A_164 : vector<1x16xf32> to vector<16xf32>
        %mul3A_166 = vector.broadcast %squeeze3A_161 : f32 to vector<16xf32>
        %mul3A_167 = arith.mulf %mul3A_166, %get3A_165 : vector<16xf32>
        %slice3A_168 = vector.extract_strided_slice %get3A_130 {offsets = [0], sizes = [1], strides = [1]} : vector<16xf32> to vector<1xf32>
        %squeeze3A_169 = vector.extract %slice3A_168[0] : f32 from vector<1xf32>
        %add3A_170 = arith.constant 128 : i32
        %add3A_171 = arith.addi %add3A_170, %add3A_134 : i32
        %get3A_172 = arith.index_cast %add3A_171 : i32 to index
        %get3A_173 = arith.constant 16 : index
        %get3A_174 = tpu.vector_load %arg14[%get3A_172, %get3A_173] {strides = array<i32>} : memref<512x128xf32, #tpu.memory_space<vmem>>, vector<1x16xf32>,
        %get3A_175 = vector.shape_cast %get3A_174 : vector<1x16xf32> to vector<16xf32>
        %mul3A_176 = vector.broadcast %squeeze3A_169 : f32 to vector<16xf32>
        %mul3A_177 = arith.mulf %mul3A_176, %get3A_175 : vector<16xf32>
        %add3A_178 = arith.addf %mul3A_167, %mul3A_177 : vector<16xf32>
        %swap3A_179 = arith.index_cast %add3A_138 : i32 to index
        %swap3A_180 = arith.constant 16 : index
        %swap3A_181 = tpu.vector_load %arg15[%swap3A_179, %swap3A_180] {strides = array<i32>} : memref<16x512xf32, #tpu.memory_space<vmem>>, vector<1x16xf32>,
        %swap3A_182 = vector.shape_cast %swap3A_181 : vector<1x16xf32> to vector<16xf32>
        %swap3A_183 = vector.shape_cast %add3A_178 : vector<16xf32> to vector<1x16xf32>
        tpu.vector_store %arg15[%swap3A_179, %swap3A_180], %swap3A_183 {strides = array<i32>} : memref<16x512xf32, #tpu.memory_space<vmem>>, vector<1x16xf32>,
        %slice3A_184 = vector.extract_strided_slice %get3A_122 {offsets = [0], sizes = [1], strides = [1]} : vector<16xf32> to vector<1xf32>
        %squeeze3A_185 = vector.extract %slice3A_184[0] : f32 from vector<1xf32>
        %get3A_186 = arith.index_cast %add3A_134 : i32 to index
        %get3A_187 = arith.constant 32 : index
        %get3A_188 = tpu.vector_load %arg14[%get3A_186, %get3A_187] {strides = array<i32>} : memref<512x128xf32, #tpu.memory_space<vmem>>, vector<1x16xf32>,
        %get3A_189 = vector.shape_cast %get3A_188 : vector<1x16xf32> to vector<16xf32>
        %mul3A_190 = vector.broadcast %squeeze3A_185 : f32 to vector<16xf32>
        %mul3A_191 = arith.mulf %mul3A_190, %get3A_189 : vector<16xf32>
        %slice3A_192 = vector.extract_strided_slice %get3A_130 {offsets = [0], sizes = [1], strides = [1]} : vector<16xf32> to vector<1xf32>
        %squeeze3A_193 = vector.extract %slice3A_192[0] : f32 from vector<1xf32>
        %add3A_194 = arith.constant 128 : i32
        %add3A_195 = arith.addi %add3A_194, %add3A_134 : i32
        %get3A_196 = arith.index_cast %add3A_195 : i32 to index
        %get3A_197 = arith.constant 32 : index
        %get3A_198 = tpu.vector_load %arg14[%get3A_196, %get3A_197] {strides = array<i32>} : memref<512x128xf32, #tpu.memory_space<vmem>>, vector<1x16xf32>,
        %get3A_199 = vector.shape_cast %get3A_198 : vector<1x16xf32> to vector<16xf32>
        %mul3A_200 = vector.broadcast %squeeze3A_193 : f32 to vector<16xf32>
        %mul3A_201 = arith.mulf %mul3A_200, %get3A_199 : vector<16xf32>
        %add3A_202 = arith.addf %mul3A_191, %mul3A_201 : vector<16xf32>
        %swap3A_203 = arith.index_cast %add3A_138 : i32 to index
        %swap3A_204 = arith.constant 32 : index
        %swap3A_205 = tpu.vector_load %arg15[%swap3A_203, %swap3A_204] {strides = array<i32>} : memref<16x512xf32, #tpu.memory_space<vmem>>, vector<1x16xf32>,
        %swap3A_206 = vector.shape_cast %swap3A_205 : vector<1x16xf32> to vector<16xf32>
        %swap3A_207 = vector.shape_cast %add3A_202 : vector<16xf32> to vector<1x16xf32>
        tpu.vector_store %arg15[%swap3A_203, %swap3A_204], %swap3A_207 {strides = array<i32>} : memref<16x512xf32, #tpu.memory_space<vmem>>, vector<1x16xf32>,
        %slice3A_208 = vector.extract_strided_slice %get3A_122 {offsets = [0], sizes = [1], strides = [1]} : vector<16xf32> to vector<1xf32>
        %squeeze3A_209 = vector.extract %slice3A_208[0] : f32 from vector<1xf32>
        %get3A_210 = arith.index_cast %add3A_134 : i32 to index
        %get3A_211 = arith.constant 48 : index
        %get3A_212 = tpu.vector_load %arg14[%get3A_210, %get3A_211] {strides = array<i32>} : memref<512x128xf32, #tpu.memory_space<vmem>>, vector<1x16xf32>,
        %get3A_213 = vector.shape_cast %get3A_212 : vector<1x16xf32> to vector<16xf32>
        %mul3A_214 = vector.broadcast %squeeze3A_209 : f32 to vector<16xf32>
        %mul3A_215 = arith.mulf %mul3A_214, %get3A_213 : vector<16xf32>
        %slice3A_216 = vector.extract_strided_slice %get3A_130 {offsets = [0], sizes = [1], strides = [1]} : vector<16xf32> to vector<1xf32>
        %squeeze3A_217 = vector.extract %slice3A_216[0] : f32 from vector<1xf32>
        %add3A_218 = arith.constant 128 : i32
        %add3A_219 = arith.addi %add3A_218, %add3A_134 : i32
        %get3A_220 = arith.index_cast %add3A_219 : i32 to index
        %get3A_221 = arith.constant 48 : index
        %get3A_222 = tpu.vector_load %arg14[%get3A_220, %get3A_221] {strides = array<i32>} : memref<512x128xf32, #tpu.memory_space<vmem>>, vector<1x16xf32>,
        %get3A_223 = vector.shape_cast %get3A_222 : vector<1x16xf32> to vector<16xf32>
        %mul3A_224 = vector.broadcast %squeeze3A_217 : f32 to vector<16xf32>
        %mul3A_225 = arith.mulf %mul3A_224, %get3A_223 : vector<16xf32>
        %add3A_226 = arith.addf %mul3A_215, %mul3A_225 : vector<16xf32>
        %swap3A_227 = arith.index_cast %add3A_138 : i32 to index
        %swap3A_228 = arith.constant 48 : index
        %swap3A_229 = tpu.vector_load %arg15[%swap3A_227, %swap3A_228] {strides = array<i32>} : memref<16x512xf32, #tpu.memory_space<vmem>>, vector<1x16xf32>,
        %swap3A_230 = vector.shape_cast %swap3A_229 : vector<1x16xf32> to vector<16xf32>
        %swap3A_231 = vector.shape_cast %add3A_226 : vector<16xf32> to vector<1x16xf32>
        tpu.vector_store %arg15[%swap3A_227, %swap3A_228], %swap3A_231 {strides = array<i32>} : memref<16x512xf32, #tpu.memory_space<vmem>>, vector<1x16xf32>,
        %mul3A_232 = arith.constant 16 : i32
        %mul3A_233 = arith.muli %scan3A_114, %mul3A_232 : i32
        %add3A_234 = arith.constant 1 : i32
        %add3A_235 = arith.addi %mul3A_233, %add3A_234 : i32
        %mul3A_236 = arith.constant 2 : i32
        %mul3A_237 = arith.muli %scan3A_114, %mul3A_236 : i32
        %add3A_238 = arith.constant 0 : i32
        %add3A_239 = arith.addi %mul3A_237, %add3A_238 : i32
        %slice3A_240 = vector.extract_strided_slice %get3A_122 {offsets = [1], sizes = [1], strides = [1]} : vector<16xf32> to vector<1xf32>
        %squeeze3A_241 = vector.extract %slice3A_240[0] : f32 from vector<1xf32>
        %get3A_242 = arith.index_cast %add3A_235 : i32 to index
        %get3A_243 = arith.constant 0 : index
        %get3A_244 = tpu.vector_load %arg14[%get3A_242, %get3A_243] {strides = array<i32>} : memref<512x128xf32, #tpu.memory_space<vmem>>, vector<1x16xf32>,
        %get3A_245 = vector.shape_cast %get3A_244 : vector<1x16xf32> to vector<16xf32>
        %mul3A_246 = vector.broadcast %squeeze3A_241 : f32 to vector<16xf32>
        %mul3A_247 = arith.mulf %mul3A_246, %get3A_245 : vector<16xf32>
        %slice3A_248 = vector.extract_strided_slice %get3A_130 {offsets = [1], sizes = [1], strides = [1]} : vector<16xf32> to vector<1xf32>
        %squeeze3A_249 = vector.extract %slice3A_248[0] : f32 from vector<1xf32>
        %add3A_250 = arith.constant 128 : i32
        %add3A_251 = arith.addi %add3A_250, %add3A_235 : i32
        %get3A_252 = arith.index_cast %add3A_251 : i32 to index
        %get3A_253 = arith.constant 0 : index
        %get3A_254 = tpu.vector_load %arg14[%get3A_252, %get3A_253] {strides = array<i32>} : memref<512x128xf32, #tpu.memory_space<vmem>>, vector<1x16xf32>,
        %get3A_255 = vector.shape_cast %get3A_254 : vector<1x16xf32> to vector<16xf32>
        %mul3A_256 = vector.broadcast %squeeze3A_249 : f32 to vector<16xf32>
        %mul3A_257 = arith.mulf %mul3A_256, %get3A_255 : vector<16xf32>
        %add3A_258 = arith.addf %mul3A_247, %mul3A_257 : vector<16xf32>
        %swap3A_259 = arith.index_cast %add3A_239 : i32 to index
        %swap3A_260 = arith.constant 64 : index
        %swap3A_261 = tpu.vector_load %arg15[%swap3A_259, %swap3A_260] {strides = array<i32>} : memref<16x512xf32, #tpu.memory_space<vmem>>, vector<1x16xf32>,
        %swap3A_262 = vector.shape_cast %swap3A_261 : vector<1x16xf32> to vector<16xf32>
        %swap3A_263 = vector.shape_cast %add3A_258 : vector<16xf32> to vector<1x16xf32>
        tpu.vector_store %arg15[%swap3A_259, %swap3A_260], %swap3A_263 {strides = array<i32>} : memref<16x512xf32, #tpu.memory_space<vmem>>, vector<1x16xf32>,
        %slice3A_264 = vector.extract_strided_slice %get3A_122 {offsets = [1], sizes = [1], strides = [1]} : vector<16xf32> to vector<1xf32>
        %squeeze3A_265 = vector.extract %slice3A_264[0] : f32 from vector<1xf32>
        %get3A_266 = arith.index_cast %add3A_235 : i32 to index
        %get3A_267 = arith.constant 16 : index
        %get3A_268 = tpu.vector_load %arg14[%get3A_266, %get3A_267] {strides = array<i32>} : memref<512x128xf32, #tpu.memory_space<vmem>>, vector<1x16xf32>,
        %get3A_269 = vector.shape_cast %get3A_268 : vector<1x16xf32> to vector<16xf32>
        %mul3A_270 = vector.broadcast %squeeze3A_265 : f32 to vector<16xf32>
        %mul3A_271 = arith.mulf %mul3A_270, %get3A_269 : vector<16xf32>
        %slice3A_272 = vector.extract_strided_slice %get3A_130 {offsets = [1], sizes = [1], strides = [1]} : vector<16xf32> to vector<1xf32>
        %squeeze3A_273 = vector.extract %slice3A_272[0] : f32 from vector<1xf32>
        %add3A_274 = arith.constant 128 : i32
        %add3A_275 = arith.addi %add3A_274, %add3A_235 : i32
        %get3A_276 = arith.index_cast %add3A_275 : i32 to index
        %get3A_277 = arith.constant 16 : index
        %get3A_278 = tpu.vector_load %arg14[%get3A_276, %get3A_277] {strides = array<i32>} : memref<512x128xf32, #tpu.memory_space<vmem>>, vector<1x16xf32>,
        %get3A_279 = vector.shape_cast %get3A_278 : vector<1x16xf32> to vector<16xf32>
        %mul3A_280 = vector.broadcast %squeeze3A_273 : f32 to vector<16xf32>
        %mul3A_281 = arith.mulf %mul3A_280, %get3A_279 : vector<16xf32>
        %add3A_282 = arith.addf %mul3A_271, %mul3A_281 : vector<16xf32>
        %swap3A_283 = arith.index_cast %add3A_239 : i32 to index
        %swap3A_284 = arith.constant 80 : index
        %swap3A_285 = tpu.vector_load %arg15[%swap3A_283, %swap3A_284] {strides = array<i32>} : memref<16x512xf32, #tpu.memory_space<vmem>>, vector<1x16xf32>,
        %swap3A_286 = vector.shape_cast %swap3A_285 : vector<1x16xf32> to vector<16xf32>
        %swap3A_287 = vector.shape_cast %add3A_282 : vector<16xf32> to vector<1x16xf32>
        tpu.vector_store %arg15[%swap3A_283, %swap3A_284], %swap3A_287 {strides = array<i32>} : memref<16x512xf32, #tpu.memory_space<vmem>>, vector<1x16xf32>,
        %slice3A_288 = vector.extract_strided_slice %get3A_122 {offsets = [1], sizes = [1], strides = [1]} : vector<16xf32> to vector<1xf32>
        %squeeze3A_289 = vector.extract %slice3A_288[0] : f32 from vector<1xf32>
        %get3A_290 = arith.index_cast %add3A_235 : i32 to index
        %get3A_291 = arith.constant 32 : index
        %get3A_292 = tpu.vector_load %arg14[%get3A_290, %get3A_291] {strides = array<i32>} : memref<512x128xf32, #tpu.memory_space<vmem>>, vector<1x16xf32>,
        %get3A_293 = vector.shape_cast %get3A_292 : vector<1x16xf32> to vector<16xf32>
        %mul3A_294 = vector.broadcast %squeeze3A_289 : f32 to vector<16xf32>
        %mul3A_295 = arith.mulf %mul3A_294, %get3A_293 : vector<16xf32>
        %slice3A_296 = vector.extract_strided_slice %get3A_130 {offsets = [1], sizes = [1], strides = [1]} : vector<16xf32> to vector<1xf32>
        %squeeze3A_297 = vector.extract %slice3A_296[0] : f32 from vector<1xf32>
        %add3A_298 = arith.constant 128 : i32
        %add3A_299 = arith.addi %add3A_298, %add3A_235 : i32
        %get3A_300 = arith.index_cast %add3A_299 : i32 to index
        %get3A_301 = arith.constant 32 : index
        %get3A_302 = tpu.vector_load %arg14[%get3A_300, %get3A_301] {strides = array<i32>} : memref<512x128xf32, #tpu.memory_space<vmem>>, vector<1x16xf32>,
        %get3A_303 = vector.shape_cast %get3A_302 : vector<1x16xf32> to vector<16xf32>
        %mul3A_304 = vector.broadcast %squeeze3A_297 : f32 to vector<16xf32>
        %mul3A_305 = arith.mulf %mul3A_304, %get3A_303 : vector<16xf32>
        %add3A_306 = arith.addf %mul3A_295, %mul3A_305 : vector<16xf32>
        %swap3A_307 = arith.index_cast %add3A_239 : i32 to index
        %swap3A_308 = arith.constant 96 : index
        %swap3A_309 = tpu.vector_load %arg15[%swap3A_307, %swap3A_308] {strides = array<i32>} : memref<16x512xf32, #tpu.memory_space<vmem>>, vector<1x16xf32>,
        %swap3A_310 = vector.shape_cast %swap3A_309 : vector<1x16xf32> to vector<16xf32>
        %swap3A_311 = vector.shape_cast %add3A_306 : vector<16xf32> to vector<1x16xf32>
        tpu.vector_store %arg15[%swap3A_307, %swap3A_308], %swap3A_311 {strides = array<i32>} : memref<16x512xf32, #tpu.memory_space<vmem>>, vector<1x16xf32>,
        %slice3A_312 = vector.extract_strided_slice %get3A_122 {offsets = [1], sizes = [1], strides = [1]} : vector<16xf32> to vector<1xf32>
        %squeeze3A_313 = vector.extract %slice3A_312[0] : f32 from vector<1xf32>
        %get3A_314 = arith.index_cast %add3A_235 : i32 to index
        %get3A_315 = arith.constant 48 : index
        %get3A_316 = tpu.vector_load %arg14[%get3A_314, %get3A_315] {strides = array<i32>} : memref<512x128xf32, #tpu.memory_space<vmem>>, vector<1x16xf32>,
        %get3A_317 = vector.shape_cast %get3A_316 : vector<1x16xf32> to vector<16xf32>
        %mul3A_318 = vector.broadcast %squeeze3A_313 : f32 to vector<16xf32>
        %mul3A_319 = arith.mulf %mul3A_318, %get3A_317 : vector<16xf32>
        %slice3A_320 = vector.extract_strided_slice %get3A_130 {offsets = [1], sizes = [1], strides = [1]} : vector<16xf32> to vector<1xf32>
        %squeeze3A_321 = vector.extract %slice3A_320[0] : f32 from vector<1xf32>
        %add3A_322 = arith.constant 128 : i32
        %add3A_323 = arith.addi %add3A_322, %add3A_235 : i32
        %get3A_324 = arith.index_cast %add3A_323 : i32 to index
        %get3A_325 = arith.constant 48 : index
        %get3A_326 = tpu.vector_load %arg14[%get3A_324, %get3A_325] {strides = array<i32>} : memref<512x128xf32, #tpu.memory_space<vmem>>, vector<1x16xf32>,
        %get3A_327 = vector.shape_cast %get3A_326 : vector<1x16xf32> to vector<16xf32>
        %mul3A_328 = vector.broadcast %squeeze3A_321 : f32 to vector<16xf32>
        %mul3A_329 = arith.mulf %mul3A_328, %get3A_327 : vector<16xf32>
        %add3A_330 = arith.addf %mul3A_319, %mul3A_329 : vector<16xf32>
        %swap3A_331 = arith.index_cast %add3A_239 : i32 to index
        %swap3A_332 = arith.constant 112 : index
        %swap3A_333 = tpu.vector_load %arg15[%swap3A_331, %swap3A_332] {strides = array<i32>} : memref<16x512xf32, #tpu.memory_space<vmem>>, vector<1x16xf32>,
        %swap3A_334 = vector.shape_cast %swap3A_333 : vector<1x16xf32> to vector<16xf32>
        %swap3A_335 = vector.shape_cast %add3A_330 : vector<16xf32> to vector<1x16xf32>
        tpu.vector_store %arg15[%swap3A_331, %swap3A_332], %swap3A_335 {strides = array<i32>} : memref<16x512xf32, #tpu.memory_space<vmem>>, vector<1x16xf32>,
        %mul3A_336 = arith.constant 16 : i32
        %mul3A_337 = arith.muli %scan3A_114, %mul3A_336 : i32
        %add3A_338 = arith.constant 2 : i32
        %add3A_339 = arith.addi %mul3A_337, %add3A_338 : i32
        %mul3A_340 = arith.constant 2 : i32
        %mul3A_341 = arith.muli %scan3A_114, %mul3A_340 : i32
        %add3A_342 = arith.constant 0 : i32
        %add3A_343 = arith.addi %mul3A_341, %add3A_342 : i32
        %slice3A_344 = vector.extract_strided_slice %get3A_122 {offsets = [2], sizes = [1], strides = [1]} : vector<16xf32> to vector<1xf32>
        %squeeze3A_345 = vector.extract %slice3A_344[0] : f32 from vector<1xf32>
        %get3A_346 = arith.index_cast %add3A_339 : i32 to index
        %get3A_347 = arith.constant 0 : index
        %get3A_348 = tpu.vector_load %arg14[%get3A_346, %get3A_347] {strides = array<i32>} : memref<512x128xf32, #tpu.memory_space<vmem>>, vector<1x16xf32>,
        %get3A_349 = vector.shape_cast %get3A_348 : vector<1x16xf32> to vector<16xf32>
        %mul3A_350 = vector.broadcast %squeeze3A_345 : f32 to vector<16xf32>
        %mul3A_351 = arith.mulf %mul3A_350, %get3A_349 : vector<16xf32>
        %slice3A_352 = vector.extract_strided_slice %get3A_130 {offsets = [2], sizes = [1], strides = [1]} : vector<16xf32> to vector<1xf32>
        %squeeze3A_353 = vector.extract %slice3A_352[0] : f32 from vector<1xf32>
        %add3A_354 = arith.constant 128 : i32
        %add3A_355 = arith.addi %add3A_354, %add3A_339 : i32
        %get3A_356 = arith.index_cast %add3A_355 : i32 to index
        %get3A_357 = arith.constant 0 : index
        %get3A_358 = tpu.vector_load %arg14[%get3A_356, %get3A_357] {strides = array<i32>} : memref<512x128xf32, #tpu.memory_space<vmem>>, vector<1x16xf32>,
        %get3A_359 = vector.shape_cast %get3A_358 : vector<1x16xf32> to vector<16xf32>
        %mul3A_360 = vector.broadcast %squeeze3A_353 : f32 to vector<16xf32>
        %mul3A_361 = arith.mulf %mul3A_360, %get3A_359 : vector<16xf32>
        %add3A_362 = arith.addf %mul3A_351, %mul3A_361 : vector<16xf32>
        %swap3A_363 = arith.index_cast %add3A_343 : i32 to index
        %swap3A_364 = arith.constant 128 : index
        %swap3A_365 = tpu.vector_load %arg15[%swap3A_363, %swap3A_364] {strides = array<i32>} : memref<16x512xf32, #tpu.memory_space<vmem>>, vector<1x16xf32>,
        %swap3A_366 = vector.shape_cast %swap3A_365 : vector<1x16xf32> to vector<16xf32>
        %swap3A_367 = vector.shape_cast %add3A_362 : vector<16xf32> to vector<1x16xf32>
        tpu.vector_store %arg15[%swap3A_363, %swap3A_364], %swap3A_367 {strides = array<i32>} : memref<16x512xf32, #tpu.memory_space<vmem>>, vector<1x16xf32>,
        %slice3A_368 = vector.extract_strided_slice %get3A_122 {offsets = [2], sizes = [1], strides = [1]} : vector<16xf32> to vector<1xf32>
        %squeeze3A_369 = vector.extract %slice3A_368[0] : f32 from vector<1xf32>
        %get3A_370 = arith.index_cast %add3A_339 : i32 to index
        %get3A_371 = arith.constant 16 : index
        %get3A_372 = tpu.vector_load %arg14[%get3A_370, %get3A_371] {strides = array<i32>} : memref<512x128xf32, #tpu.memory_space<vmem>>, vector<1x16xf32>,
        %get3A_373 = vector.shape_cast %get3A_372 : vector<1x16xf32> to vector<16xf32>
        %mul3A_374 = vector.broadcast %squeeze3A_369 : f32 to vector<16xf32>
        %mul3A_375 = arith.mulf %mul3A_374, %get3A_373 : vector<16xf32>
        %slice3A_376 = vector.extract_strided_slice %get3A_130 {offsets = [2], sizes = [1], strides = [1]} : vector<16xf32> to vector<1xf32>
        %squeeze3A_377 = vector.extract %slice3A_376[0] : f32 from vector<1xf32>
        %add3A_378 = arith.constant 128 : i32
        %add3A_379 = arith.addi %add3A_378, %add3A_339 : i32
        %get3A_380 = arith.index_cast %add3A_379 : i32 to index
        %get3A_381 = arith.constant 16 : index
        %get3A_382 = tpu.vector_load %arg14[%get3A_380, %get3A_381] {strides = array<i32>} : memref<512x128xf32, #tpu.memory_space<vmem>>, vector<1x16xf32>,
        %get3A_383 = vector.shape_cast %get3A_382 : vector<1x16xf32> to vector<16xf32>
        %mul3A_384 = vector.broadcast %squeeze3A_377 : f32 to vector<16xf32>
        %mul3A_385 = arith.mulf %mul3A_384, %get3A_383 : vector<16xf32>
        %add3A_386 = arith.addf %mul3A_375, %mul3A_385 : vector<16xf32>
        %swap3A_387 = arith.index_cast %add3A_343 : i32 to index
        %swap3A_388 = arith.constant 144 : index
        %swap3A_389 = tpu.vector_load %arg15[%swap3A_387, %swap3A_388] {strides = array<i32>} : memref<16x512xf32, #tpu.memory_space<vmem>>, vector<1x16xf32>,
        %swap3A_390 = vector.shape_cast %swap3A_389 : vector<1x16xf32> to vector<16xf32>
        %swap3A_391 = vector.shape_cast %add3A_386 : vector<16xf32> to vector<1x16xf32>
        tpu.vector_store %arg15[%swap3A_387, %swap3A_388], %swap3A_391 {strides = array<i32>} : memref<16x512xf32, #tpu.memory_space<vmem>>, vector<1x16xf32>,
        %slice3A_392 = vector.extract_strided_slice %get3A_122 {offsets = [2], sizes = [1], strides = [1]} : vector<16xf32> to vector<1xf32>
        %squeeze3A_393 = vector.extract %slice3A_392[0] : f32 from vector<1xf32>
        %get3A_394 = arith.index_cast %add3A_339 : i32 to index
        %get3A_395 = arith.constant 32 : index
        %get3A_396 = tpu.vector_load %arg14[%get3A_394, %get3A_395] {strides = array<i32>} : memref<512x128xf32, #tpu.memory_space<vmem>>, vector<1x16xf32>,
        %get3A_397 = vector.shape_cast %get3A_396 : vector<1x16xf32> to vector<16xf32>
        %mul3A_398 = vector.broadcast %squeeze3A_393 : f32 to vector<16xf32>
        %mul3A_399 = arith.mulf %mul3A_398, %get3A_397 : vector<16xf32>
        %slice3A_400 = vector.extract_strided_slice %get3A_130 {offsets = [2], sizes = [1], strides = [1]} : vector<16xf32> to vector<1xf32>
        %squeeze3A_401 = vector.extract %slice3A_400[0] : f32 from vector<1xf32>
        %add3A_402 = arith.constant 128 : i32
        %add3A_403 = arith.addi %add3A_402, %add3A_339 : i32
        %get3A_404 = arith.index_cast %add3A_403 : i32 to index
        %get3A_405 = arith.constant 32 : index
        %get3A_406 = tpu.vector_load %arg14[%get3A_404, %get3A_405] {strides = array<i32>} : memref<512x128xf32, #tpu.memory_space<vmem>>, vector<1x16xf32>,
        %get3A_407 = vector.shape_cast %get3A_406 : vector<1x16xf32> to vector<16xf32>
        %mul3A_408 = vector.broadcast %squeeze3A_401 : f32 to vector<16xf32>
        %mul3A_409 = arith.mulf %mul3A_408, %get3A_407 : vector<16xf32>
        %add3A_410 = arith.addf %mul3A_399, %mul3A_409 : vector<16xf32>
        %swap3A_411 = arith.index_cast %add3A_343 : i32 to index
        %swap3A_412 = arith.constant 160 : index
        %swap3A_413 = tpu.vector_load %arg15[%swap3A_411, %swap3A_412] {strides = array<i32>} : memref<16x512xf32, #tpu.memory_space<vmem>>, vector<1x16xf32>,
        %swap3A_414 = vector.shape_cast %swap3A_413 : vector<1x16xf32> to vector<16xf32>
        %swap3A_415 = vector.shape_cast %add3A_410 : vector<16xf32> to vector<1x16xf32>
        tpu.vector_store %arg15[%swap3A_411, %swap3A_412], %swap3A_415 {strides = array<i32>} : memref<16x512xf32, #tpu.memory_space<vmem>>, vector<1x16xf32>,
        %slice3A_416 = vector.extract_strided_slice %get3A_122 {offsets = [2], sizes = [1], strides = [1]} : vector<16xf32> to vector<1xf32>
        %squeeze3A_417 = vector.extract %slice3A_416[0] : f32 from vector<1xf32>
        %get3A_418 = arith.index_cast %add3A_339 : i32 to index
        %get3A_419 = arith.constant 48 : index
        %get3A_420 = tpu.vector_load %arg14[%get3A_418, %get3A_419] {strides = array<i32>} : memref<512x128xf32, #tpu.memory_space<vmem>>, vector<1x16xf32>,
        %get3A_421 = vector.shape_cast %get3A_420 : vector<1x16xf32> to vector<16xf32>
        %mul3A_422 = vector.broadcast %squeeze3A_417 : f32 to vector<16xf32>
        %mul3A_423 = arith.mulf %mul3A_422, %get3A_421 : vector<16xf32>
        %slice3A_424 = vector.extract_strided_slice %get3A_130 {offsets = [2], sizes = [1], strides = [1]} : vector<16xf32> to vector<1xf32>
        %squeeze3A_425 = vector.extract %slice3A_424[0] : f32 from vector<1xf32>
        %add3A_426 = arith.constant 128 : i32
        %add3A_427 = arith.addi %add3A_426, %add3A_339 : i32
        %get3A_428 = arith.index_cast %add3A_427 : i32 to index
        %get3A_429 = arith.constant 48 : index
        %get3A_430 = tpu.vector_load %arg14[%get3A_428, %get3A_429] {strides = array<i32>} : memref<512x128xf32, #tpu.memory_space<vmem>>, vector<1x16xf32>,
        %get3A_431 = vector.shape_cast %get3A_430 : vector<1x16xf32> to vector<16xf32>
        %mul3A_432 = vector.broadcast %squeeze3A_425 : f32 to vector<16xf32>
        %mul3A_433 = arith.mulf %mul3A_432, %get3A_431 : vector<16xf32>
        %add3A_434 = arith.addf %mul3A_423, %mul3A_433 : vector<16xf32>
        %swap3A_435 = arith.index_cast %add3A_343 : i32 to index
        %swap3A_436 = arith.constant 176 : index
        %swap3A_437 = tpu.vector_load %arg15[%swap3A_435, %swap3A_436] {strides = array<i32>} : memref<16x512xf32, #tpu.memory_space<vmem>>, vector<1x16xf32>,
        %swap3A_438 = vector.shape_cast %swap3A_437 : vector<1x16xf32> to vector<16xf32>
        %swap3A_439 = vector.shape_cast %add3A_434 : vector<16xf32> to vector<1x16xf32>
        tpu.vector_store %arg15[%swap3A_435, %swap3A_436], %swap3A_439 {strides = array<i32>} : memref<16x512xf32, #tpu.memory_space<vmem>>, vector<1x16xf32>,
        %mul3A_440 = arith.constant 16 : i32
        %mul3A_441 = arith.muli %scan3A_114, %mul3A_440 : i32
        %add3A_442 = arith.constant 3 : i32
        %add3A_443 = arith.addi %mul3A_441, %add3A_442 : i32
        %mul3A_444 = arith.constant 2 : i32
        %mul3A_445 = arith.muli %scan3A_114, %mul3A_444 : i32
        %add3A_446 = arith.constant 0 : i32
        %add3A_447 = arith.addi %mul3A_445, %add3A_446 : i32
        %slice3A_448 = vector.extract_strided_slice %get3A_122 {offsets = [3], sizes = [1], strides = [1]} : vector<16xf32> to vector<1xf32>
        %squeeze3A_449 = vector.extract %slice3A_448[0] : f32 from vector<1xf32>
        %get3A_450 = arith.index_cast %add3A_443 : i32 to index
        %get3A_451 = arith.constant 0 : index
        %get3A_452 = tpu.vector_load %arg14[%get3A_450, %get3A_451] {strides = array<i32>} : memref<512x128xf32, #tpu.memory_space<vmem>>, vector<1x16xf32>,
        %get3A_453 = vector.shape_cast %get3A_452 : vector<1x16xf32> to vector<16xf32>
        %mul3A_454 = vector.broadcast %squeeze3A_449 : f32 to vector<16xf32>
        %mul3A_455 = arith.mulf %mul3A_454, %get3A_453 : vector<16xf32>
        %slice3A_456 = vector.extract_strided_slice %get3A_130 {offsets = [3], sizes = [1], strides = [1]} : vector<16xf32> to vector<1xf32>
        %squeeze3A_457 = vector.extract %slice3A_456[0] : f32 from vector<1xf32>
        %add3A_458 = arith.constant 128 : i32
        %add3A_459 = arith.addi %add3A_458, %add3A_443 : i32
        %get3A_460 = arith.index_cast %add3A_459 : i32 to index
        %get3A_461 = arith.constant 0 : index
        %get3A_462 = tpu.vector_load %arg14[%get3A_460, %get3A_461] {strides = array<i32>} : memref<512x128xf32, #tpu.memory_space<vmem>>, vector<1x16xf32>,
        %get3A_463 = vector.shape_cast %get3A_462 : vector<1x16xf32> to vector<16xf32>
        %mul3A_464 = vector.broadcast %squeeze3A_457 : f32 to vector<16xf32>
        %mul3A_465 = arith.mulf %mul3A_464, %get3A_463 : vector<16xf32>
        %add3A_466 = arith.addf %mul3A_455, %mul3A_465 : vector<16xf32>
        %swap3A_467 = arith.index_cast %add3A_447 : i32 to index
        %swap3A_468 = arith.constant 192 : index
        %swap3A_469 = tpu.vector_load %arg15[%swap3A_467, %swap3A_468] {strides = array<i32>} : memref<16x512xf32, #tpu.memory_space<vmem>>, vector<1x16xf32>,
        %swap3A_470 = vector.shape_cast %swap3A_469 : vector<1x16xf32> to vector<16xf32>
        %swap3A_471 = vector.shape_cast %add3A_466 : vector<16xf32> to vector<1x16xf32>
        tpu.vector_store %arg15[%swap3A_467, %swap3A_468], %swap3A_471 {strides = array<i32>} : memref<16x512xf32, #tpu.memory_space<vmem>>, vector<1x16xf32>,
        %slice3A_472 = vector.extract_strided_slice %get3A_122 {offsets = [3], sizes = [1], strides = [1]} : vector<16xf32> to vector<1xf32>
        %squeeze3A_473 = vector.extract %slice3A_472[0] : f32 from vector<1xf32>
        %get3A_474 = arith.index_cast %add3A_443 : i32 to index
        %get3A_475 = arith.constant 16 : index
        %get3A_476 = tpu.vector_load %arg14[%get3A_474, %get3A_475] {strides = array<i32>} : memref<512x128xf32, #tpu.memory_space<vmem>>, vector<1x16xf32>,
        %get3A_477 = vector.shape_cast %get3A_476 : vector<1x16xf32> to vector<16xf32>
        %mul3A_478 = vector.broadcast %squeeze3A_473 : f32 to vector<16xf32>
        %mul3A_479 = arith.mulf %mul3A_478, %get3A_477 : vector<16xf32>
        %slice3A_480 = vector.extract_strided_slice %get3A_130 {offsets = [3], sizes = [1], strides = [1]} : vector<16xf32> to vector<1xf32>
        %squeeze3A_481 = vector.extract %slice3A_480[0] : f32 from vector<1xf32>
        %add3A_482 = arith.constant 128 : i32
        %add3A_483 = arith.addi %add3A_482, %add3A_443 : i32
        %get3A_484 = arith.index_cast %add3A_483 : i32 to index
        %get3A_485 = arith.constant 16 : index
        %get3A_486 = tpu.vector_load %arg14[%get3A_484, %get3A_485] {strides = array<i32>} : memref<512x128xf32, #tpu.memory_space<vmem>>, vector<1x16xf32>,
        %get3A_487 = vector.shape_cast %get3A_486 : vector<1x16xf32> to vector<16xf32>
        %mul3A_488 = vector.broadcast %squeeze3A_481 : f32 to vector<16xf32>
        %mul3A_489 = arith.mulf %mul3A_488, %get3A_487 : vector<16xf32>
        %add3A_490 = arith.addf %mul3A_479, %mul3A_489 : vector<16xf32>
        %swap3A_491 = arith.index_cast %add3A_447 : i32 to index
        %swap3A_492 = arith.constant 208 : index
        %swap3A_493 = tpu.vector_load %arg15[%swap3A_491, %swap3A_492] {strides = array<i32>} : memref<16x512xf32, #tpu.memory_space<vmem>>, vector<1x16xf32>,
        %swap3A_494 = vector.shape_cast %swap3A_493 : vector<1x16xf32> to vector<16xf32>
        %swap3A_495 = vector.shape_cast %add3A_490 : vector<16xf32> to vector<1x16xf32>
        tpu.vector_store %arg15[%swap3A_491, %swap3A_492], %swap3A_495 {strides = array<i32>} : memref<16x512xf32, #tpu.memory_space<vmem>>, vector<1x16xf32>,
        %slice3A_496 = vector.extract_strided_slice %get3A_122 {offsets = [3], sizes = [1], strides = [1]} : vector<16xf32> to vector<1xf32>
        %squeeze3A_497 = vector.extract %slice3A_496[0] : f32 from vector<1xf32>
        %get3A_498 = arith.index_cast %add3A_443 : i32 to index
        %get3A_499 = arith.constant 32 : index
        %get3A_500 = tpu.vector_load %arg14[%get3A_498, %get3A_499] {strides = array<i32>} : memref<512x128xf32, #tpu.memory_space<vmem>>, vector<1x16xf32>,
        %get3A_501 = vector.shape_cast %get3A_500 : vector<1x16xf32> to vector<16xf32>
        %mul3A_502 = vector.broadcast %squeeze3A_497 : f32 to vector<16xf32>
        %mul3A_503 = arith.mulf %mul3A_502, %get3A_501 : vector<16xf32>
        %slice3A_504 = vector.extract_strided_slice %get3A_130 {offsets = [3], sizes = [1], strides = [1]} : vector<16xf32> to vector<1xf32>
        %squeeze3A_505 = vector.extract %slice3A_504[0] : f32 from vector<1xf32>
        %add3A_506 = arith.constant 128 : i32
        %add3A_507 = arith.addi %add3A_506, %add3A_443 : i32
        %get3A_508 = arith.index_cast %add3A_507 : i32 to index
        %get3A_509 = arith.constant 32 : index
        %get3A_510 = tpu.vector_load %arg14[%get3A_508, %get3A_509] {strides = array<i32>} : memref<512x128xf32, #tpu.memory_space<vmem>>, vector<1x16xf32>,
        %get3A_511 = vector.shape_cast %get3A_510 : vector<1x16xf32> to vector<16xf32>
        %mul3A_512 = vector.broadcast %squeeze3A_505 : f32 to vector<16xf32>
        %mul3A_513 = arith.mulf %mul3A_512, %get3A_511 : vector<16xf32>
        %add3A_514 = arith.addf %mul3A_503, %mul3A_513 : vector<16xf32>
        %swap3A_515 = arith.index_cast %add3A_447 : i32 to index
        %swap3A_516 = arith.constant 224 : index
        %swap3A_517 = tpu.vector_load %arg15[%swap3A_515, %swap3A_516] {strides = array<i32>} : memref<16x512xf32, #tpu.memory_space<vmem>>, vector<1x16xf32>,
        %swap3A_518 = vector.shape_cast %swap3A_517 : vector<1x16xf32> to vector<16xf32>
        %swap3A_519 = vector.shape_cast %add3A_514 : vector<16xf32> to vector<1x16xf32>
        tpu.vector_store %arg15[%swap3A_515, %swap3A_516], %swap3A_519 {strides = array<i32>} : memref<16x512xf32, #tpu.memory_space<vmem>>, vector<1x16xf32>,
        %slice3A_520 = vector.extract_strided_slice %get3A_122 {offsets = [3], sizes = [1], strides = [1]} : vector<16xf32> to vector<1xf32>
        %squeeze3A_521 = vector.extract %slice3A_520[0] : f32 from vector<1xf32>
        %get3A_522 = arith.index_cast %add3A_443 : i32 to index
        %get3A_523 = arith.constant 48 : index
        %get3A_524 = tpu.vector_load %arg14[%get3A_522, %get3A_523] {strides = array<i32>} : memref<512x128xf32, #tpu.memory_space<vmem>>, vector<1x16xf32>,
        %get3A_525 = vector.shape_cast %get3A_524 : vector<1x16xf32> to vector<16xf32>
        %mul3A_526 = vector.broadcast %squeeze3A_521 : f32 to vector<16xf32>
        %mul3A_527 = arith.mulf %mul3A_526, %get3A_525 : vector<16xf32>
        %slice3A_528 = vector.extract_strided_slice %get3A_130 {offsets = [3], sizes = [1], strides = [1]} : vector<16xf32> to vector<1xf32>
        %squeeze3A_529 = vector.extract %slice3A_528[0] : f32 from vector<1xf32>
        %add3A_530 = arith.constant 128 : i32
        %add3A_531 = arith.addi %add3A_530, %add3A_443 : i32
        %get3A_532 = arith.index_cast %add3A_531 : i32 to index
        %get3A_533 = arith.constant 48 : index
        %get3A_534 = tpu.vector_load %arg14[%get3A_532, %get3A_533] {strides = array<i32>} : memref<512x128xf32, #tpu.memory_space<vmem>>, vector<1x16xf32>,
        %get3A_535 = vector.shape_cast %get3A_534 : vector<1x16xf32> to vector<16xf32>
        %mul3A_536 = vector.broadcast %squeeze3A_529 : f32 to vector<16xf32>
        %mul3A_537 = arith.mulf %mul3A_536, %get3A_535 : vector<16xf32>
        %add3A_538 = arith.addf %mul3A_527, %mul3A_537 : vector<16xf32>
        %swap3A_539 = arith.index_cast %add3A_447 : i32 to index
        %swap3A_540 = arith.constant 240 : index
        %swap3A_541 = tpu.vector_load %arg15[%swap3A_539, %swap3A_540] {strides = array<i32>} : memref<16x512xf32, #tpu.memory_space<vmem>>, vector<1x16xf32>,
        %swap3A_542 = vector.shape_cast %swap3A_541 : vector<1x16xf32> to vector<16xf32>
        %swap3A_543 = vector.shape_cast %add3A_538 : vector<16xf32> to vector<1x16xf32>
        tpu.vector_store %arg15[%swap3A_539, %swap3A_540], %swap3A_543 {strides = array<i32>} : memref<16x512xf32, #tpu.memory_space<vmem>>, vector<1x16xf32>,
        %mul3A_544 = arith.constant 16 : i32
        %mul3A_545 = arith.muli %scan3A_114, %mul3A_544 : i32
        %add3A_546 = arith.constant 4 : i32
        %add3A_547 = arith.addi %mul3A_545, %add3A_546 : i32
        %mul3A_548 = arith.constant 2 : i32
        %mul3A_549 = arith.muli %scan3A_114, %mul3A_548 : i32
        %add3A_550 = arith.constant 0 : i32
        %add3A_551 = arith.addi %mul3A_549, %add3A_550 : i32
        %slice3A_552 = vector.extract_strided_slice %get3A_122 {offsets = [4], sizes = [1], strides = [1]} : vector<16xf32> to vector<1xf32>
        %squeeze3A_553 = vector.extract %slice3A_552[0] : f32 from vector<1xf32>
        %get3A_554 = arith.index_cast %add3A_547 : i32 to index
        %get3A_555 = arith.constant 0 : index
        %get3A_556 = tpu.vector_load %arg14[%get3A_554, %get3A_555] {strides = array<i32>} : memref<512x128xf32, #tpu.memory_space<vmem>>, vector<1x16xf32>,
        %get3A_557 = vector.shape_cast %get3A_556 : vector<1x16xf32> to vector<16xf32>
        %mul3A_558 = vector.broadcast %squeeze3A_553 : f32 to vector<16xf32>
        %mul3A_559 = arith.mulf %mul3A_558, %get3A_557 : vector<16xf32>
        %slice3A_560 = vector.extract_strided_slice %get3A_130 {offsets = [4], sizes = [1], strides = [1]} : vector<16xf32> to vector<1xf32>
        %squeeze3A_561 = vector.extract %slice3A_560[0] : f32 from vector<1xf32>
        %add3A_562 = arith.constant 128 : i32
        %add3A_563 = arith.addi %add3A_562, %add3A_547 : i32
        %get3A_564 = arith.index_cast %add3A_563 : i32 to index
        %get3A_565 = arith.constant 0 : index
        %get3A_566 = tpu.vector_load %arg14[%get3A_564, %get3A_565] {strides = array<i32>} : memref<512x128xf32, #tpu.memory_space<vmem>>, vector<1x16xf32>,
        %get3A_567 = vector.shape_cast %get3A_566 : vector<1x16xf32> to vector<16xf32>
        %mul3A_568 = vector.broadcast %squeeze3A_561 : f32 to vector<16xf32>
        %mul3A_569 = arith.mulf %mul3A_568, %get3A_567 : vector<16xf32>
        %add3A_570 = arith.addf %mul3A_559, %mul3A_569 : vector<16xf32>
        %swap3A_571 = arith.index_cast %add3A_551 : i32 to index
        %swap3A_572 = arith.constant 256 : index
        %swap3A_573 = tpu.vector_load %arg15[%swap3A_571, %swap3A_572] {strides = array<i32>} : memref<16x512xf32, #tpu.memory_space<vmem>>, vector<1x16xf32>,
        %swap3A_574 = vector.shape_cast %swap3A_573 : vector<1x16xf32> to vector<16xf32>
        %swap3A_575 = vector.shape_cast %add3A_570 : vector<16xf32> to vector<1x16xf32>
        tpu.vector_store %arg15[%swap3A_571, %swap3A_572], %swap3A_575 {strides = array<i32>} : memref<16x512xf32, #tpu.memory_space<vmem>>, vector<1x16xf32>,
        %slice3A_576 = vector.extract_strided_slice %get3A_122 {offsets = [4], sizes = [1], strides = [1]} : vector<16xf32> to vector<1xf32>
        %squeeze3A_577 = vector.extract %slice3A_576[0] : f32 from vector<1xf32>
        %get3A_578 = arith.index_cast %add3A_547 : i32 to index
        %get3A_579 = arith.constant 16 : index
        %get3A_580 = tpu.vector_load %arg14[%get3A_578, %get3A_579] {strides = array<i32>} : memref<512x128xf32, #tpu.memory_space<vmem>>, vector<1x16xf32>,
        %get3A_581 = vector.shape_cast %get3A_580 : vector<1x16xf32> to vector<16xf32>
        %mul3A_582 = vector.broadcast %squeeze3A_577 : f32 to vector<16xf32>
        %mul3A_583 = arith.mulf %mul3A_582, %get3A_581 : vector<16xf32>
        %slice3A_584 = vector.extract_strided_slice %get3A_130 {offsets = [4], sizes = [1], strides = [1]} : vector<16xf32> to vector<1xf32>
        %squeeze3A_585 = vector.extract %slice3A_584[0] : f32 from vector<1xf32>
        %add3A_586 = arith.constant 128 : i32
        %add3A_587 = arith.addi %add3A_586, %add3A_547 : i32
        %get3A_588 = arith.index_cast %add3A_587 : i32 to index
        %get3A_589 = arith.constant 16 : index
        %get3A_590 = tpu.vector_load %arg14[%get3A_588, %get3A_589] {strides = array<i32>} : memref<512x128xf32, #tpu.memory_space<vmem>>, vector<1x16xf32>,
        %get3A_591 = vector.shape_cast %get3A_590 : vector<1x16xf32> to vector<16xf32>
        %mul3A_592 = vector.broadcast %squeeze3A_585 : f32 to vector<16xf32>
        %mul3A_593 = arith.mulf %mul3A_592, %get3A_591 : vector<16xf32>
        %add3A_594 = arith.addf %mul3A_583, %mul3A_593 : vector<16xf32>
        %swap3A_595 = arith.index_cast %add3A_551 : i32 to index
        %swap3A_596 = arith.constant 272 : index
        %swap3A_597 = tpu.vector_load %arg15[%swap3A_595, %swap3A_596] {strides = array<i32>} : memref<16x512xf32, #tpu.memory_space<vmem>>, vector<1x16xf32>,
        %swap3A_598 = vector.shape_cast %swap3A_597 : vector<1x16xf32> to vector<16xf32>
        %swap3A_599 = vector.shape_cast %add3A_594 : vector<16xf32> to vector<1x16xf32>
        tpu.vector_store %arg15[%swap3A_595, %swap3A_596], %swap3A_599 {strides = array<i32>} : memref<16x512xf32, #tpu.memory_space<vmem>>, vector<1x16xf32>,
        %slice3A_600 = vector.extract_strided_slice %get3A_122 {offsets = [4], sizes = [1], strides = [1]} : vector<16xf32> to vector<1xf32>
        %squeeze3A_601 = vector.extract %slice3A_600[0] : f32 from vector<1xf32>
        %get3A_602 = arith.index_cast %add3A_547 : i32 to index
        %get3A_603 = arith.constant 32 : index
        %get3A_604 = tpu.vector_load %arg14[%get3A_602, %get3A_603] {strides = array<i32>} : memref<512x128xf32, #tpu.memory_space<vmem>>, vector<1x16xf32>,
        %get3A_605 = vector.shape_cast %get3A_604 : vector<1x16xf32> to vector<16xf32>
        %mul3A_606 = vector.broadcast %squeeze3A_601 : f32 to vector<16xf32>
        %mul3A_607 = arith.mulf %mul3A_606, %get3A_605 : vector<16xf32>
        %slice3A_608 = vector.extract_strided_slice %get3A_130 {offsets = [4], sizes = [1], strides = [1]} : vector<16xf32> to vector<1xf32>
        %squeeze3A_609 = vector.extract %slice3A_608[0] : f32 from vector<1xf32>
        %add3A_610 = arith.constant 128 : i32
        %add3A_611 = arith.addi %add3A_610, %add3A_547 : i32
        %get3A_612 = arith.index_cast %add3A_611 : i32 to index
        %get3A_613 = arith.constant 32 : index
        %get3A_614 = tpu.vector_load %arg14[%get3A_612, %get3A_613] {strides = array<i32>} : memref<512x128xf32, #tpu.memory_space<vmem>>, vector<1x16xf32>,
        %get3A_615 = vector.shape_cast %get3A_614 : vector<1x16xf32> to vector<16xf32>
        %mul3A_616 = vector.broadcast %squeeze3A_609 : f32 to vector<16xf32>
        %mul3A_617 = arith.mulf %mul3A_616, %get3A_615 : vector<16xf32>
        %add3A_618 = arith.addf %mul3A_607, %mul3A_617 : vector<16xf32>
        %swap3A_619 = arith.index_cast %add3A_551 : i32 to index
        %swap3A_620 = arith.constant 288 : index
        %swap3A_621 = tpu.vector_load %arg15[%swap3A_619, %swap3A_620] {strides = array<i32>} : memref<16x512xf32, #tpu.memory_space<vmem>>, vector<1x16xf32>,
        %swap3A_622 = vector.shape_cast %swap3A_621 : vector<1x16xf32> to vector<16xf32>
        %swap3A_623 = vector.shape_cast %add3A_618 : vector<16xf32> to vector<1x16xf32>
        tpu.vector_store %arg15[%swap3A_619, %swap3A_620], %swap3A_623 {strides = array<i32>} : memref<16x512xf32, #tpu.memory_space<vmem>>, vector<1x16xf32>,
        %slice3A_624 = vector.extract_strided_slice %get3A_122 {offsets = [4], sizes = [1], strides = [1]} : vector<16xf32> to vector<1xf32>
        %squeeze3A_625 = vector.extract %slice3A_624[0] : f32 from vector<1xf32>
        %get3A_626 = arith.index_cast %add3A_547 : i32 to index
        %get3A_627 = arith.constant 48 : index
        %get3A_628 = tpu.vector_load %arg14[%get3A_626, %get3A_627] {strides = array<i32>} : memref<512x128xf32, #tpu.memory_space<vmem>>, vector<1x16xf32>,
        %get3A_629 = vector.shape_cast %get3A_628 : vector<1x16xf32> to vector<16xf32>
        %mul3A_630 = vector.broadcast %squeeze3A_625 : f32 to vector<16xf32>
        %mul3A_631 = arith.mulf %mul3A_630, %get3A_629 : vector<16xf32>
        %slice3A_632 = vector.extract_strided_slice %get3A_130 {offsets = [4], sizes = [1], strides = [1]} : vector<16xf32> to vector<1xf32>
        %squeeze3A_633 = vector.extract %slice3A_632[0] : f32 from vector<1xf32>
        %add3A_634 = arith.constant 128 : i32
        %add3A_635 = arith.addi %add3A_634, %add3A_547 : i32
        %get3A_636 = arith.index_cast %add3A_635 : i32 to index
        %get3A_637 = arith.constant 48 : index
        %get3A_638 = tpu.vector_load %arg14[%get3A_636, %get3A_637] {strides = array<i32>} : memref<512x128xf32, #tpu.memory_space<vmem>>, vector<1x16xf32>,
        %get3A_639 = vector.shape_cast %get3A_638 : vector<1x16xf32> to vector<16xf32>
        %mul3A_640 = vector.broadcast %squeeze3A_633 : f32 to vector<16xf32>
        %mul3A_641 = arith.mulf %mul3A_640, %get3A_639 : vector<16xf32>
        %add3A_642 = arith.addf %mul3A_631, %mul3A_641 : vector<16xf32>
        %swap3A_643 = arith.index_cast %add3A_551 : i32 to index
        %swap3A_644 = arith.constant 304 : index
        %swap3A_645 = tpu.vector_load %arg15[%swap3A_643, %swap3A_644] {strides = array<i32>} : memref<16x512xf32, #tpu.memory_space<vmem>>, vector<1x16xf32>,
        %swap3A_646 = vector.shape_cast %swap3A_645 : vector<1x16xf32> to vector<16xf32>
        %swap3A_647 = vector.shape_cast %add3A_642 : vector<16xf32> to vector<1x16xf32>
        tpu.vector_store %arg15[%swap3A_643, %swap3A_644], %swap3A_647 {strides = array<i32>} : memref<16x512xf32, #tpu.memory_space<vmem>>, vector<1x16xf32>,
        %mul3A_648 = arith.constant 16 : i32
        %mul3A_649 = arith.muli %scan3A_114, %mul3A_648 : i32
        %add3A_650 = arith.constant 5 : i32
        %add3A_651 = arith.addi %mul3A_649, %add3A_650 : i32
        %mul3A_652 = arith.constant 2 : i32
        %mul3A_653 = arith.muli %scan3A_114, %mul3A_652 : i32
        %add3A_654 = arith.constant 0 : i32
        %add3A_655 = arith.addi %mul3A_653, %add3A_654 : i32
        %slice3A_656 = vector.extract_strided_slice %get3A_122 {offsets = [5], sizes = [1], strides = [1]} : vector<16xf32> to vector<1xf32>
        %squeeze3A_657 = vector.extract %slice3A_656[0] : f32 from vector<1xf32>
        %get3A_658 = arith.index_cast %add3A_651 : i32 to index
        %get3A_659 = arith.constant 0 : index
        %get3A_660 = tpu.vector_load %arg14[%get3A_658, %get3A_659] {strides = array<i32>} : memref<512x128xf32, #tpu.memory_space<vmem>>, vector<1x16xf32>,
        %get3A_661 = vector.shape_cast %get3A_660 : vector<1x16xf32> to vector<16xf32>
        %mul3A_662 = vector.broadcast %squeeze3A_657 : f32 to vector<16xf32>
        %mul3A_663 = arith.mulf %mul3A_662, %get3A_661 : vector<16xf32>
        %slice3A_664 = vector.extract_strided_slice %get3A_130 {offsets = [5], sizes = [1], strides = [1]} : vector<16xf32> to vector<1xf32>
        %squeeze3A_665 = vector.extract %slice3A_664[0] : f32 from vector<1xf32>
        %add3A_666 = arith.constant 128 : i32
        %add3A_667 = arith.addi %add3A_666, %add3A_651 : i32
        %get3A_668 = arith.index_cast %add3A_667 : i32 to index
        %get3A_669 = arith.constant 0 : index
        %get3A_670 = tpu.vector_load %arg14[%get3A_668, %get3A_669] {strides = array<i32>} : memref<512x128xf32, #tpu.memory_space<vmem>>, vector<1x16xf32>,
        %get3A_671 = vector.shape_cast %get3A_670 : vector<1x16xf32> to vector<16xf32>
        %mul3A_672 = vector.broadcast %squeeze3A_665 : f32 to vector<16xf32>
        %mul3A_673 = arith.mulf %mul3A_672, %get3A_671 : vector<16xf32>
        %add3A_674 = arith.addf %mul3A_663, %mul3A_673 : vector<16xf32>
        %swap3A_675 = arith.index_cast %add3A_655 : i32 to index
        %swap3A_676 = arith.constant 320 : index
        %swap3A_677 = tpu.vector_load %arg15[%swap3A_675, %swap3A_676] {strides = array<i32>} : memref<16x512xf32, #tpu.memory_space<vmem>>, vector<1x16xf32>,
        %swap3A_678 = vector.shape_cast %swap3A_677 : vector<1x16xf32> to vector<16xf32>
        %swap3A_679 = vector.shape_cast %add3A_674 : vector<16xf32> to vector<1x16xf32>
        tpu.vector_store %arg15[%swap3A_675, %swap3A_676], %swap3A_679 {strides = array<i32>} : memref<16x512xf32, #tpu.memory_space<vmem>>, vector<1x16xf32>,
        %slice3A_680 = vector.extract_strided_slice %get3A_122 {offsets = [5], sizes = [1], strides = [1]} : vector<16xf32> to vector<1xf32>
        %squeeze3A_681 = vector.extract %slice3A_680[0] : f32 from vector<1xf32>
        %get3A_682 = arith.index_cast %add3A_651 : i32 to index
        %get3A_683 = arith.constant 16 : index
        %get3A_684 = tpu.vector_load %arg14[%get3A_682, %get3A_683] {strides = array<i32>} : memref<512x128xf32, #tpu.memory_space<vmem>>, vector<1x16xf32>,
        %get3A_685 = vector.shape_cast %get3A_684 : vector<1x16xf32> to vector<16xf32>
        %mul3A_686 = vector.broadcast %squeeze3A_681 : f32 to vector<16xf32>
        %mul3A_687 = arith.mulf %mul3A_686, %get3A_685 : vector<16xf32>
        %slice3A_688 = vector.extract_strided_slice %get3A_130 {offsets = [5], sizes = [1], strides = [1]} : vector<16xf32> to vector<1xf32>
        %squeeze3A_689 = vector.extract %slice3A_688[0] : f32 from vector<1xf32>
        %add3A_690 = arith.constant 128 : i32
        %add3A_691 = arith.addi %add3A_690, %add3A_651 : i32
        %get3A_692 = arith.index_cast %add3A_691 : i32 to index
        %get3A_693 = arith.constant 16 : index
        %get3A_694 = tpu.vector_load %arg14[%get3A_692, %get3A_693] {strides = array<i32>} : memref<512x128xf32, #tpu.memory_space<vmem>>, vector<1x16xf32>,
        %get3A_695 = vector.shape_cast %get3A_694 : vector<1x16xf32> to vector<16xf32>
        %mul3A_696 = vector.broadcast %squeeze3A_689 : f32 to vector<16xf32>
        %mul3A_697 = arith.mulf %mul3A_696, %get3A_695 : vector<16xf32>
        %add3A_698 = arith.addf %mul3A_687, %mul3A_697 : vector<16xf32>
        %swap3A_699 = arith.index_cast %add3A_655 : i32 to index
        %swap3A_700 = arith.constant 336 : index
        %swap3A_701 = tpu.vector_load %arg15[%swap3A_699, %swap3A_700] {strides = array<i32>} : memref<16x512xf32, #tpu.memory_space<vmem>>, vector<1x16xf32>,
        %swap3A_702 = vector.shape_cast %swap3A_701 : vector<1x16xf32> to vector<16xf32>
        %swap3A_703 = vector.shape_cast %add3A_698 : vector<16xf32> to vector<1x16xf32>
        tpu.vector_store %arg15[%swap3A_699, %swap3A_700], %swap3A_703 {strides = array<i32>} : memref<16x512xf32, #tpu.memory_space<vmem>>, vector<1x16xf32>,
        %slice3A_704 = vector.extract_strided_slice %get3A_122 {offsets = [5], sizes = [1], strides = [1]} : vector<16xf32> to vector<1xf32>
        %squeeze3A_705 = vector.extract %slice3A_704[0] : f32 from vector<1xf32>
        %get3A_706 = arith.index_cast %add3A_651 : i32 to index
        %get3A_707 = arith.constant 32 : index
        %get3A_708 = tpu.vector_load %arg14[%get3A_706, %get3A_707] {strides = array<i32>} : memref<512x128xf32, #tpu.memory_space<vmem>>, vector<1x16xf32>,
        %get3A_709 = vector.shape_cast %get3A_708 : vector<1x16xf32> to vector<16xf32>
        %mul3A_710 = vector.broadcast %squeeze3A_705 : f32 to vector<16xf32>
        %mul3A_711 = arith.mulf %mul3A_710, %get3A_709 : vector<16xf32>
        %slice3A_712 = vector.extract_strided_slice %get3A_130 {offsets = [5], sizes = [1], strides = [1]} : vector<16xf32> to vector<1xf32>
        %squeeze3A_713 = vector.extract %slice3A_712[0] : f32 from vector<1xf32>
        %add3A_714 = arith.constant 128 : i32
        %add3A_715 = arith.addi %add3A_714, %add3A_651 : i32
        %get3A_716 = arith.index_cast %add3A_715 : i32 to index
        %get3A_717 = arith.constant 32 : index
        %get3A_718 = tpu.vector_load %arg14[%get3A_716, %get3A_717] {strides = array<i32>} : memref<512x128xf32, #tpu.memory_space<vmem>>, vector<1x16xf32>,
        %get3A_719 = vector.shape_cast %get3A_718 : vector<1x16xf32> to vector<16xf32>
        %mul3A_720 = vector.broadcast %squeeze3A_713 : f32 to vector<16xf32>
        %mul3A_721 = arith.mulf %mul3A_720, %get3A_719 : vector<16xf32>
        %add3A_722 = arith.addf %mul3A_711, %mul3A_721 : vector<16xf32>
        %swap3A_723 = arith.index_cast %add3A_655 : i32 to index
        %swap3A_724 = arith.constant 352 : index
        %swap3A_725 = tpu.vector_load %arg15[%swap3A_723, %swap3A_724] {strides = array<i32>} : memref<16x512xf32, #tpu.memory_space<vmem>>, vector<1x16xf32>,
        %swap3A_726 = vector.shape_cast %swap3A_725 : vector<1x16xf32> to vector<16xf32>
        %swap3A_727 = vector.shape_cast %add3A_722 : vector<16xf32> to vector<1x16xf32>
        tpu.vector_store %arg15[%swap3A_723, %swap3A_724], %swap3A_727 {strides = array<i32>} : memref<16x512xf32, #tpu.memory_space<vmem>>, vector<1x16xf32>,
        %slice3A_728 = vector.extract_strided_slice %get3A_122 {offsets = [5], sizes = [1], strides = [1]} : vector<16xf32> to vector<1xf32>
        %squeeze3A_729 = vector.extract %slice3A_728[0] : f32 from vector<1xf32>
        %get3A_730 = arith.index_cast %add3A_651 : i32 to index
        %get3A_731 = arith.constant 48 : index
        %get3A_732 = tpu.vector_load %arg14[%get3A_730, %get3A_731] {strides = array<i32>} : memref<512x128xf32, #tpu.memory_space<vmem>>, vector<1x16xf32>,
        %get3A_733 = vector.shape_cast %get3A_732 : vector<1x16xf32> to vector<16xf32>
        %mul3A_734 = vector.broadcast %squeeze3A_729 : f32 to vector<16xf32>
        %mul3A_735 = arith.mulf %mul3A_734, %get3A_733 : vector<16xf32>
        %slice3A_736 = vector.extract_strided_slice %get3A_130 {offsets = [5], sizes = [1], strides = [1]} : vector<16xf32> to vector<1xf32>
        %squeeze3A_737 = vector.extract %slice3A_736[0] : f32 from vector<1xf32>
        %add3A_738 = arith.constant 128 : i32
        %add3A_739 = arith.addi %add3A_738, %add3A_651 : i32
        %get3A_740 = arith.index_cast %add3A_739 : i32 to index
        %get3A_741 = arith.constant 48 : index
        %get3A_742 = tpu.vector_load %arg14[%get3A_740, %get3A_741] {strides = array<i32>} : memref<512x128xf32, #tpu.memory_space<vmem>>, vector<1x16xf32>,
        %get3A_743 = vector.shape_cast %get3A_742 : vector<1x16xf32> to vector<16xf32>
        %mul3A_744 = vector.broadcast %squeeze3A_737 : f32 to vector<16xf32>
        %mul3A_745 = arith.mulf %mul3A_744, %get3A_743 : vector<16xf32>
        %add3A_746 = arith.addf %mul3A_735, %mul3A_745 : vector<16xf32>
        %swap3A_747 = arith.index_cast %add3A_655 : i32 to index
        %swap3A_748 = arith.constant 368 : index
        %swap3A_749 = tpu.vector_load %arg15[%swap3A_747, %swap3A_748] {strides = array<i32>} : memref<16x512xf32, #tpu.memory_space<vmem>>, vector<1x16xf32>,
        %swap3A_750 = vector.shape_cast %swap3A_749 : vector<1x16xf32> to vector<16xf32>
        %swap3A_751 = vector.shape_cast %add3A_746 : vector<16xf32> to vector<1x16xf32>
        tpu.vector_store %arg15[%swap3A_747, %swap3A_748], %swap3A_751 {strides = array<i32>} : memref<16x512xf32, #tpu.memory_space<vmem>>, vector<1x16xf32>,
        %mul3A_752 = arith.constant 16 : i32
        %mul3A_753 = arith.muli %scan3A_114, %mul3A_752 : i32
        %add3A_754 = arith.constant 6 : i32
        %add3A_755 = arith.addi %mul3A_753, %add3A_754 : i32
        %mul3A_756 = arith.constant 2 : i32
        %mul3A_757 = arith.muli %scan3A_114, %mul3A_756 : i32
        %add3A_758 = arith.constant 0 : i32
        %add3A_759 = arith.addi %mul3A_757, %add3A_758 : i32
        %slice3A_760 = vector.extract_strided_slice %get3A_122 {offsets = [6], sizes = [1], strides = [1]} : vector<16xf32> to vector<1xf32>
        %squeeze3A_761 = vector.extract %slice3A_760[0] : f32 from vector<1xf32>
        %get3A_762 = arith.index_cast %add3A_755 : i32 to index
        %get3A_763 = arith.constant 0 : index
        %get3A_764 = tpu.vector_load %arg14[%get3A_762, %get3A_763] {strides = array<i32>} : memref<512x128xf32, #tpu.memory_space<vmem>>, vector<1x16xf32>,
        %get3A_765 = vector.shape_cast %get3A_764 : vector<1x16xf32> to vector<16xf32>
        %mul3A_766 = vector.broadcast %squeeze3A_761 : f32 to vector<16xf32>
        %mul3A_767 = arith.mulf %mul3A_766, %get3A_765 : vector<16xf32>
        %slice3A_768 = vector.extract_strided_slice %get3A_130 {offsets = [6], sizes = [1], strides = [1]} : vector<16xf32> to vector<1xf32>
        %squeeze3A_769 = vector.extract %slice3A_768[0] : f32 from vector<1xf32>
        %add3A_770 = arith.constant 128 : i32
        %add3A_771 = arith.addi %add3A_770, %add3A_755 : i32
        %get3A_772 = arith.index_cast %add3A_771 : i32 to index
        %get3A_773 = arith.constant 0 : index
        %get3A_774 = tpu.vector_load %arg14[%get3A_772, %get3A_773] {strides = array<i32>} : memref<512x128xf32, #tpu.memory_space<vmem>>, vector<1x16xf32>,
        %get3A_775 = vector.shape_cast %get3A_774 : vector<1x16xf32> to vector<16xf32>
        %mul3A_776 = vector.broadcast %squeeze3A_769 : f32 to vector<16xf32>
        %mul3A_777 = arith.mulf %mul3A_776, %get3A_775 : vector<16xf32>
        %add3A_778 = arith.addf %mul3A_767, %mul3A_777 : vector<16xf32>
        %swap3A_779 = arith.index_cast %add3A_759 : i32 to index
        %swap3A_780 = arith.constant 384 : index
        %swap3A_781 = tpu.vector_load %arg15[%swap3A_779, %swap3A_780] {strides = array<i32>} : memref<16x512xf32, #tpu.memory_space<vmem>>, vector<1x16xf32>,
        %swap3A_782 = vector.shape_cast %swap3A_781 : vector<1x16xf32> to vector<16xf32>
        %swap3A_783 = vector.shape_cast %add3A_778 : vector<16xf32> to vector<1x16xf32>
        tpu.vector_store %arg15[%swap3A_779, %swap3A_780], %swap3A_783 {strides = array<i32>} : memref<16x512xf32, #tpu.memory_space<vmem>>, vector<1x16xf32>,
        %slice3A_784 = vector.extract_strided_slice %get3A_122 {offsets = [6], sizes = [1], strides = [1]} : vector<16xf32> to vector<1xf32>
        %squeeze3A_785 = vector.extract %slice3A_784[0] : f32 from vector<1xf32>
        %get3A_786 = arith.index_cast %add3A_755 : i32 to index
        %get3A_787 = arith.constant 16 : index
        %get3A_788 = tpu.vector_load %arg14[%get3A_786, %get3A_787] {strides = array<i32>} : memref<512x128xf32, #tpu.memory_space<vmem>>, vector<1x16xf32>,
        %get3A_789 = vector.shape_cast %get3A_788 : vector<1x16xf32> to vector<16xf32>
        %mul3A_790 = vector.broadcast %squeeze3A_785 : f32 to vector<16xf32>
        %mul3A_791 = arith.mulf %mul3A_790, %get3A_789 : vector<16xf32>
        %slice3A_792 = vector.extract_strided_slice %get3A_130 {offsets = [6], sizes = [1], strides = [1]} : vector<16xf32> to vector<1xf32>
        %squeeze3A_793 = vector.extract %slice3A_792[0] : f32 from vector<1xf32>
        %add3A_794 = arith.constant 128 : i32
        %add3A_795 = arith.addi %add3A_794, %add3A_755 : i32
        %get3A_796 = arith.index_cast %add3A_795 : i32 to index
        %get3A_797 = arith.constant 16 : index
        %get3A_798 = tpu.vector_load %arg14[%get3A_796, %get3A_797] {strides = array<i32>} : memref<512x128xf32, #tpu.memory_space<vmem>>, vector<1x16xf32>,
        %get3A_799 = vector.shape_cast %get3A_798 : vector<1x16xf32> to vector<16xf32>
        %mul3A_800 = vector.broadcast %squeeze3A_793 : f32 to vector<16xf32>
        %mul3A_801 = arith.mulf %mul3A_800, %get3A_799 : vector<16xf32>
        %add3A_802 = arith.addf %mul3A_791, %mul3A_801 : vector<16xf32>
        %swap3A_803 = arith.index_cast %add3A_759 : i32 to index
        %swap3A_804 = arith.constant 400 : index
        %swap3A_805 = tpu.vector_load %arg15[%swap3A_803, %swap3A_804] {strides = array<i32>} : memref<16x512xf32, #tpu.memory_space<vmem>>, vector<1x16xf32>,
        %swap3A_806 = vector.shape_cast %swap3A_805 : vector<1x16xf32> to vector<16xf32>
        %swap3A_807 = vector.shape_cast %add3A_802 : vector<16xf32> to vector<1x16xf32>
        tpu.vector_store %arg15[%swap3A_803, %swap3A_804], %swap3A_807 {strides = array<i32>} : memref<16x512xf32, #tpu.memory_space<vmem>>, vector<1x16xf32>,
        %slice3A_808 = vector.extract_strided_slice %get3A_122 {offsets = [6], sizes = [1], strides = [1]} : vector<16xf32> to vector<1xf32>
        %squeeze3A_809 = vector.extract %slice3A_808[0] : f32 from vector<1xf32>
        %get3A_810 = arith.index_cast %add3A_755 : i32 to index
        %get3A_811 = arith.constant 32 : index
        %get3A_812 = tpu.vector_load %arg14[%get3A_810, %get3A_811] {strides = array<i32>} : memref<512x128xf32, #tpu.memory_space<vmem>>, vector<1x16xf32>,
        %get3A_813 = vector.shape_cast %get3A_812 : vector<1x16xf32> to vector<16xf32>
        %mul3A_814 = vector.broadcast %squeeze3A_809 : f32 to vector<16xf32>
        %mul3A_815 = arith.mulf %mul3A_814, %get3A_813 : vector<16xf32>
        %slice3A_816 = vector.extract_strided_slice %get3A_130 {offsets = [6], sizes = [1], strides = [1]} : vector<16xf32> to vector<1xf32>
        %squeeze3A_817 = vector.extract %slice3A_816[0] : f32 from vector<1xf32>
        %add3A_818 = arith.constant 128 : i32
        %add3A_819 = arith.addi %add3A_818, %add3A_755 : i32
        %get3A_820 = arith.index_cast %add3A_819 : i32 to index
        %get3A_821 = arith.constant 32 : index
        %get3A_822 = tpu.vector_load %arg14[%get3A_820, %get3A_821] {strides = array<i32>} : memref<512x128xf32, #tpu.memory_space<vmem>>, vector<1x16xf32>,
        %get3A_823 = vector.shape_cast %get3A_822 : vector<1x16xf32> to vector<16xf32>
        %mul3A_824 = vector.broadcast %squeeze3A_817 : f32 to vector<16xf32>
        %mul3A_825 = arith.mulf %mul3A_824, %get3A_823 : vector<16xf32>
        %add3A_826 = arith.addf %mul3A_815, %mul3A_825 : vector<16xf32>
        %swap3A_827 = arith.index_cast %add3A_759 : i32 to index
        %swap3A_828 = arith.constant 416 : index
        %swap3A_829 = tpu.vector_load %arg15[%swap3A_827, %swap3A_828] {strides = array<i32>} : memref<16x512xf32, #tpu.memory_space<vmem>>, vector<1x16xf32>,
        %swap3A_830 = vector.shape_cast %swap3A_829 : vector<1x16xf32> to vector<16xf32>
        %swap3A_831 = vector.shape_cast %add3A_826 : vector<16xf32> to vector<1x16xf32>
        tpu.vector_store %arg15[%swap3A_827, %swap3A_828], %swap3A_831 {strides = array<i32>} : memref<16x512xf32, #tpu.memory_space<vmem>>, vector<1x16xf32>,
        %slice3A_832 = vector.extract_strided_slice %get3A_122 {offsets = [6], sizes = [1], strides = [1]} : vector<16xf32> to vector<1xf32>
        %squeeze3A_833 = vector.extract %slice3A_832[0] : f32 from vector<1xf32>
        %get3A_834 = arith.index_cast %add3A_755 : i32 to index
        %get3A_835 = arith.constant 48 : index
        %get3A_836 = tpu.vector_load %arg14[%get3A_834, %get3A_835] {strides = array<i32>} : memref<512x128xf32, #tpu.memory_space<vmem>>, vector<1x16xf32>,
        %get3A_837 = vector.shape_cast %get3A_836 : vector<1x16xf32> to vector<16xf32>
        %mul3A_838 = vector.broadcast %squeeze3A_833 : f32 to vector<16xf32>
        %mul3A_839 = arith.mulf %mul3A_838, %get3A_837 : vector<16xf32>
        %slice3A_840 = vector.extract_strided_slice %get3A_130 {offsets = [6], sizes = [1], strides = [1]} : vector<16xf32> to vector<1xf32>
        %squeeze3A_841 = vector.extract %slice3A_840[0] : f32 from vector<1xf32>
        %add3A_842 = arith.constant 128 : i32
        %add3A_843 = arith.addi %add3A_842, %add3A_755 : i32
        %get3A_844 = arith.index_cast %add3A_843 : i32 to index
        %get3A_845 = arith.constant 48 : index
        %get3A_846 = tpu.vector_load %arg14[%get3A_844, %get3A_845] {strides = array<i32>} : memref<512x128xf32, #tpu.memory_space<vmem>>, vector<1x16xf32>,
        %get3A_847 = vector.shape_cast %get3A_846 : vector<1x16xf32> to vector<16xf32>
        %mul3A_848 = vector.broadcast %squeeze3A_841 : f32 to vector<16xf32>
        %mul3A_849 = arith.mulf %mul3A_848, %get3A_847 : vector<16xf32>
        %add3A_850 = arith.addf %mul3A_839, %mul3A_849 : vector<16xf32>
        %swap3A_851 = arith.index_cast %add3A_759 : i32 to index
        %swap3A_852 = arith.constant 432 : index
        %swap3A_853 = tpu.vector_load %arg15[%swap3A_851, %swap3A_852] {strides = array<i32>} : memref<16x512xf32, #tpu.memory_space<vmem>>, vector<1x16xf32>,
        %swap3A_854 = vector.shape_cast %swap3A_853 : vector<1x16xf32> to vector<16xf32>
        %swap3A_855 = vector.shape_cast %add3A_850 : vector<16xf32> to vector<1x16xf32>
        tpu.vector_store %arg15[%swap3A_851, %swap3A_852], %swap3A_855 {strides = array<i32>} : memref<16x512xf32, #tpu.memory_space<vmem>>, vector<1x16xf32>,
        %mul3A_856 = arith.constant 16 : i32
        %mul3A_857 = arith.muli %scan3A_114, %mul3A_856 : i32
        %add3A_858 = arith.constant 7 : i32
        %add3A_859 = arith.addi %mul3A_857, %add3A_858 : i32
        %mul3A_860 = arith.constant 2 : i32
        %mul3A_861 = arith.muli %scan3A_114, %mul3A_860 : i32
        %add3A_862 = arith.constant 0 : i32
        %add3A_863 = arith.addi %mul3A_861, %add3A_862 : i32
        %slice3A_864 = vector.extract_strided_slice %get3A_122 {offsets = [7], sizes = [1], strides = [1]} : vector<16xf32> to vector<1xf32>
        %squeeze3A_865 = vector.extract %slice3A_864[0] : f32 from vector<1xf32>
        %get3A_866 = arith.index_cast %add3A_859 : i32 to index
        %get3A_867 = arith.constant 0 : index
        %get3A_868 = tpu.vector_load %arg14[%get3A_866, %get3A_867] {strides = array<i32>} : memref<512x128xf32, #tpu.memory_space<vmem>>, vector<1x16xf32>,
        %get3A_869 = vector.shape_cast %get3A_868 : vector<1x16xf32> to vector<16xf32>
        %mul3A_870 = vector.broadcast %squeeze3A_865 : f32 to vector<16xf32>
        %mul3A_871 = arith.mulf %mul3A_870, %get3A_869 : vector<16xf32>
        %slice3A_872 = vector.extract_strided_slice %get3A_130 {offsets = [7], sizes = [1], strides = [1]} : vector<16xf32> to vector<1xf32>
        %squeeze3A_873 = vector.extract %slice3A_872[0] : f32 from vector<1xf32>
        %add3A_874 = arith.constant 128 : i32
        %add3A_875 = arith.addi %add3A_874, %add3A_859 : i32
        %get3A_876 = arith.index_cast %add3A_875 : i32 to index
        %get3A_877 = arith.constant 0 : index
        %get3A_878 = tpu.vector_load %arg14[%get3A_876, %get3A_877] {strides = array<i32>} : memref<512x128xf32, #tpu.memory_space<vmem>>, vector<1x16xf32>,
        %get3A_879 = vector.shape_cast %get3A_878 : vector<1x16xf32> to vector<16xf32>
        %mul3A_880 = vector.broadcast %squeeze3A_873 : f32 to vector<16xf32>
        %mul3A_881 = arith.mulf %mul3A_880, %get3A_879 : vector<16xf32>
        %add3A_882 = arith.addf %mul3A_871, %mul3A_881 : vector<16xf32>
        %swap3A_883 = arith.index_cast %add3A_863 : i32 to index
        %swap3A_884 = arith.constant 448 : index
        %swap3A_885 = tpu.vector_load %arg15[%swap3A_883, %swap3A_884] {strides = array<i32>} : memref<16x512xf32, #tpu.memory_space<vmem>>, vector<1x16xf32>,
        %swap3A_886 = vector.shape_cast %swap3A_885 : vector<1x16xf32> to vector<16xf32>
        %swap3A_887 = vector.shape_cast %add3A_882 : vector<16xf32> to vector<1x16xf32>
        tpu.vector_store %arg15[%swap3A_883, %swap3A_884], %swap3A_887 {strides = array<i32>} : memref<16x512xf32, #tpu.memory_space<vmem>>, vector<1x16xf32>,
        %slice3A_888 = vector.extract_strided_slice %get3A_122 {offsets = [7], sizes = [1], strides = [1]} : vector<16xf32> to vector<1xf32>
        %squeeze3A_889 = vector.extract %slice3A_888[0] : f32 from vector<1xf32>
        %get3A_890 = arith.index_cast %add3A_859 : i32 to index
        %get3A_891 = arith.constant 16 : index
        %get3A_892 = tpu.vector_load %arg14[%get3A_890, %get3A_891] {strides = array<i32>} : memref<512x128xf32, #tpu.memory_space<vmem>>, vector<1x16xf32>,
        %get3A_893 = vector.shape_cast %get3A_892 : vector<1x16xf32> to vector<16xf32>
        %mul3A_894 = vector.broadcast %squeeze3A_889 : f32 to vector<16xf32>
        %mul3A_895 = arith.mulf %mul3A_894, %get3A_893 : vector<16xf32>
        %slice3A_896 = vector.extract_strided_slice %get3A_130 {offsets = [7], sizes = [1], strides = [1]} : vector<16xf32> to vector<1xf32>
        %squeeze3A_897 = vector.extract %slice3A_896[0] : f32 from vector<1xf32>
        %add3A_898 = arith.constant 128 : i32
        %add3A_899 = arith.addi %add3A_898, %add3A_859 : i32
        %get3A_900 = arith.index_cast %add3A_899 : i32 to index
        %get3A_901 = arith.constant 16 : index
        %get3A_902 = tpu.vector_load %arg14[%get3A_900, %get3A_901] {strides = array<i32>} : memref<512x128xf32, #tpu.memory_space<vmem>>, vector<1x16xf32>,
        %get3A_903 = vector.shape_cast %get3A_902 : vector<1x16xf32> to vector<16xf32>
        %mul3A_904 = vector.broadcast %squeeze3A_897 : f32 to vector<16xf32>
        %mul3A_905 = arith.mulf %mul3A_904, %get3A_903 : vector<16xf32>
        %add3A_906 = arith.addf %mul3A_895, %mul3A_905 : vector<16xf32>
        %swap3A_907 = arith.index_cast %add3A_863 : i32 to index
        %swap3A_908 = arith.constant 464 : index
        %swap3A_909 = tpu.vector_load %arg15[%swap3A_907, %swap3A_908] {strides = array<i32>} : memref<16x512xf32, #tpu.memory_space<vmem>>, vector<1x16xf32>,
        %swap3A_910 = vector.shape_cast %swap3A_909 : vector<1x16xf32> to vector<16xf32>
        %swap3A_911 = vector.shape_cast %add3A_906 : vector<16xf32> to vector<1x16xf32>
        tpu.vector_store %arg15[%swap3A_907, %swap3A_908], %swap3A_911 {strides = array<i32>} : memref<16x512xf32, #tpu.memory_space<vmem>>, vector<1x16xf32>,
        %slice3A_912 = vector.extract_strided_slice %get3A_122 {offsets = [7], sizes = [1], strides = [1]} : vector<16xf32> to vector<1xf32>
        %squeeze3A_913 = vector.extract %slice3A_912[0] : f32 from vector<1xf32>
        %get3A_914 = arith.index_cast %add3A_859 : i32 to index
        %get3A_915 = arith.constant 32 : index
        %get3A_916 = tpu.vector_load %arg14[%get3A_914, %get3A_915] {strides = array<i32>} : memref<512x128xf32, #tpu.memory_space<vmem>>, vector<1x16xf32>,
        %get3A_917 = vector.shape_cast %get3A_916 : vector<1x16xf32> to vector<16xf32>
        %mul3A_918 = vector.broadcast %squeeze3A_913 : f32 to vector<16xf32>
        %mul3A_919 = arith.mulf %mul3A_918, %get3A_917 : vector<16xf32>
        %slice3A_920 = vector.extract_strided_slice %get3A_130 {offsets = [7], sizes = [1], strides = [1]} : vector<16xf32> to vector<1xf32>
        %squeeze3A_921 = vector.extract %slice3A_920[0] : f32 from vector<1xf32>
        %add3A_922 = arith.constant 128 : i32
        %add3A_923 = arith.addi %add3A_922, %add3A_859 : i32
        %get3A_924 = arith.index_cast %add3A_923 : i32 to index
        %get3A_925 = arith.constant 32 : index
        %get3A_926 = tpu.vector_load %arg14[%get3A_924, %get3A_925] {strides = array<i32>} : memref<512x128xf32, #tpu.memory_space<vmem>>, vector<1x16xf32>,
        %get3A_927 = vector.shape_cast %get3A_926 : vector<1x16xf32> to vector<16xf32>
        %mul3A_928 = vector.broadcast %squeeze3A_921 : f32 to vector<16xf32>
        %mul3A_929 = arith.mulf %mul3A_928, %get3A_927 : vector<16xf32>
        %add3A_930 = arith.addf %mul3A_919, %mul3A_929 : vector<16xf32>
        %swap3A_931 = arith.index_cast %add3A_863 : i32 to index
        %swap3A_932 = arith.constant 480 : index
        %swap3A_933 = tpu.vector_load %arg15[%swap3A_931, %swap3A_932] {strides = array<i32>} : memref<16x512xf32, #tpu.memory_space<vmem>>, vector<1x16xf32>,
        %swap3A_934 = vector.shape_cast %swap3A_933 : vector<1x16xf32> to vector<16xf32>
        %swap3A_935 = vector.shape_cast %add3A_930 : vector<16xf32> to vector<1x16xf32>
        tpu.vector_store %arg15[%swap3A_931, %swap3A_932], %swap3A_935 {strides = array<i32>} : memref<16x512xf32, #tpu.memory_space<vmem>>, vector<1x16xf32>,
        %slice3A_936 = vector.extract_strided_slice %get3A_122 {offsets = [7], sizes = [1], strides = [1]} : vector<16xf32> to vector<1xf32>
        %squeeze3A_937 = vector.extract %slice3A_936[0] : f32 from vector<1xf32>
        %get3A_938 = arith.index_cast %add3A_859 : i32 to index
        %get3A_939 = arith.constant 48 : index
        %get3A_940 = tpu.vector_load %arg14[%get3A_938, %get3A_939] {strides = array<i32>} : memref<512x128xf32, #tpu.memory_space<vmem>>, vector<1x16xf32>,
        %get3A_941 = vector.shape_cast %get3A_940 : vector<1x16xf32> to vector<16xf32>
        %mul3A_942 = vector.broadcast %squeeze3A_937 : f32 to vector<16xf32>
        %mul3A_943 = arith.mulf %mul3A_942, %get3A_941 : vector<16xf32>
        %slice3A_944 = vector.extract_strided_slice %get3A_130 {offsets = [7], sizes = [1], strides = [1]} : vector<16xf32> to vector<1xf32>
        %squeeze3A_945 = vector.extract %slice3A_944[0] : f32 from vector<1xf32>
        %add3A_946 = arith.constant 128 : i32
        %add3A_947 = arith.addi %add3A_946, %add3A_859 : i32
        %get3A_948 = arith.index_cast %add3A_947 : i32 to index
        %get3A_949 = arith.constant 48 : index
        %get3A_950 = tpu.vector_load %arg14[%get3A_948, %get3A_949] {strides = array<i32>} : memref<512x128xf32, #tpu.memory_space<vmem>>, vector<1x16xf32>,
        %get3A_951 = vector.shape_cast %get3A_950 : vector<1x16xf32> to vector<16xf32>
        %mul3A_952 = vector.broadcast %squeeze3A_945 : f32 to vector<16xf32>
        %mul3A_953 = arith.mulf %mul3A_952, %get3A_951 : vector<16xf32>
        %add3A_954 = arith.addf %mul3A_943, %mul3A_953 : vector<16xf32>
        %swap3A_955 = arith.index_cast %add3A_863 : i32 to index
        %swap3A_956 = arith.constant 496 : index
        %swap3A_957 = tpu.vector_load %arg15[%swap3A_955, %swap3A_956] {strides = array<i32>} : memref<16x512xf32, #tpu.memory_space<vmem>>, vector<1x16xf32>,
        %swap3A_958 = vector.shape_cast %swap3A_957 : vector<1x16xf32> to vector<16xf32>
        %swap3A_959 = vector.shape_cast %add3A_954 : vector<16xf32> to vector<1x16xf32>
        tpu.vector_store %arg15[%swap3A_955, %swap3A_956], %swap3A_959 {strides = array<i32>} : memref<16x512xf32, #tpu.memory_space<vmem>>, vector<1x16xf32>,
        %mul3A_960 = arith.constant 16 : i32
        %mul3A_961 = arith.muli %scan3A_114, %mul3A_960 : i32
        %add3A_962 = arith.constant 8 : i32
        %add3A_963 = arith.addi %mul3A_961, %add3A_962 : i32
        %mul3A_964 = arith.constant 2 : i32
        %mul3A_965 = arith.muli %scan3A_114, %mul3A_964 : i32
        %add3A_966 = arith.constant 1 : i32
        %add3A_967 = arith.addi %mul3A_965, %add3A_966 : i32
        %slice3A_968 = vector.extract_strided_slice %get3A_122 {offsets = [8], sizes = [1], strides = [1]} : vector<16xf32> to vector<1xf32>
        %squeeze3A_969 = vector.extract %slice3A_968[0] : f32 from vector<1xf32>
        %get3A_970 = arith.index_cast %add3A_963 : i32 to index
        %get3A_971 = arith.constant 0 : index
        %get3A_972 = tpu.vector_load %arg14[%get3A_970, %get3A_971] {strides = array<i32>} : memref<512x128xf32, #tpu.memory_space<vmem>>, vector<1x16xf32>,
        %get3A_973 = vector.shape_cast %get3A_972 : vector<1x16xf32> to vector<16xf32>
        %mul3A_974 = vector.broadcast %squeeze3A_969 : f32 to vector<16xf32>
        %mul3A_975 = arith.mulf %mul3A_974, %get3A_973 : vector<16xf32>
        %slice3A_976 = vector.extract_strided_slice %get3A_130 {offsets = [8], sizes = [1], strides = [1]} : vector<16xf32> to vector<1xf32>
        %squeeze3A_977 = vector.extract %slice3A_976[0] : f32 from vector<1xf32>
        %add3A_978 = arith.constant 128 : i32
        %add3A_979 = arith.addi %add3A_978, %add3A_963 : i32
        %get3A_980 = arith.index_cast %add3A_979 : i32 to index
        %get3A_981 = arith.constant 0 : index
        %get3A_982 = tpu.vector_load %arg14[%get3A_980, %get3A_981] {strides = array<i32>} : memref<512x128xf32, #tpu.memory_space<vmem>>, vector<1x16xf32>,
        %get3A_983 = vector.shape_cast %get3A_982 : vector<1x16xf32> to vector<16xf32>
        %mul3A_984 = vector.broadcast %squeeze3A_977 : f32 to vector<16xf32>
        %mul3A_985 = arith.mulf %mul3A_984, %get3A_983 : vector<16xf32>
        %add3A_986 = arith.addf %mul3A_975, %mul3A_985 : vector<16xf32>
        %swap3A_987 = arith.index_cast %add3A_967 : i32 to index
        %swap3A_988 = arith.constant 0 : index
        %swap3A_989 = tpu.vector_load %arg15[%swap3A_987, %swap3A_988] {strides = array<i32>} : memref<16x512xf32, #tpu.memory_space<vmem>>, vector<1x16xf32>,
        %swap3A_990 = vector.shape_cast %swap3A_989 : vector<1x16xf32> to vector<16xf32>
        %swap3A_991 = vector.shape_cast %add3A_986 : vector<16xf32> to vector<1x16xf32>
        tpu.vector_store %arg15[%swap3A_987, %swap3A_988], %swap3A_991 {strides = array<i32>} : memref<16x512xf32, #tpu.memory_space<vmem>>, vector<1x16xf32>,
        %slice3A_992 = vector.extract_strided_slice %get3A_122 {offsets = [8], sizes = [1], strides = [1]} : vector<16xf32> to vector<1xf32>
        %squeeze3A_993 = vector.extract %slice3A_992[0] : f32 from vector<1xf32>
        %get3A_994 = arith.index_cast %add3A_963 : i32 to index
        %get3A_995 = arith.constant 16 : index
        %get3A_996 = tpu.vector_load %arg14[%get3A_994, %get3A_995] {strides = array<i32>} : memref<512x128xf32, #tpu.memory_space<vmem>>, vector<1x16xf32>,
        %get3A_997 = vector.shape_cast %get3A_996 : vector<1x16xf32> to vector<16xf32>
        %mul3A_998 = vector.broadcast %squeeze3A_993 : f32 to vector<16xf32>
        %mul3A_999 = arith.mulf %mul3A_998, %get3A_997 : vector<16xf32>
        %slice3A_1000 = vector.extract_strided_slice %get3A_130 {offsets = [8], sizes = [1], strides = [1]} : vector<16xf32> to vector<1xf32>
        %squeeze3A_1001 = vector.extract %slice3A_1000[0] : f32 from vector<1xf32>
        %add3A_1002 = arith.constant 128 : i32
        %add3A_1003 = arith.addi %add3A_1002, %add3A_963 : i32
        %get3A_1004 = arith.index_cast %add3A_1003 : i32 to index
        %get3A_1005 = arith.constant 16 : index
        %get3A_1006 = tpu.vector_load %arg14[%get3A_1004, %get3A_1005] {strides = array<i32>} : memref<512x128xf32, #tpu.memory_space<vmem>>, vector<1x16xf32>,
        %get3A_1007 = vector.shape_cast %get3A_1006 : vector<1x16xf32> to vector<16xf32>
        %mul3A_1008 = vector.broadcast %squeeze3A_1001 : f32 to vector<16xf32>
        %mul3A_1009 = arith.mulf %mul3A_1008, %get3A_1007 : vector<16xf32>
        %add3A_1010 = arith.addf %mul3A_999, %mul3A_1009 : vector<16xf32>
        %swap3A_1011 = arith.index_cast %add3A_967 : i32 to index
        %swap3A_1012 = arith.constant 16 : index
        %swap3A_1013 = tpu.vector_load %arg15[%swap3A_1011, %swap3A_1012] {strides = array<i32>} : memref<16x512xf32, #tpu.memory_space<vmem>>, vector<1x16xf32>,
        %swap3A_1014 = vector.shape_cast %swap3A_1013 : vector<1x16xf32> to vector<16xf32>
        %swap3A_1015 = vector.shape_cast %add3A_1010 : vector<16xf32> to vector<1x16xf32>
        tpu.vector_store %arg15[%swap3A_1011, %swap3A_1012], %swap3A_1015 {strides = array<i32>} : memref<16x512xf32, #tpu.memory_space<vmem>>, vector<1x16xf32>,
        %slice3A_1016 = vector.extract_strided_slice %get3A_122 {offsets = [8], sizes = [1], strides = [1]} : vector<16xf32> to vector<1xf32>
        %squeeze3A_1017 = vector.extract %slice3A_1016[0] : f32 from vector<1xf32>
        %get3A_1018 = arith.index_cast %add3A_963 : i32 to index
        %get3A_1019 = arith.constant 32 : index
        %get3A_1020 = tpu.vector_load %arg14[%get3A_1018, %get3A_1019] {strides = array<i32>} : memref<512x128xf32, #tpu.memory_space<vmem>>, vector<1x16xf32>,
        %get3A_1021 = vector.shape_cast %get3A_1020 : vector<1x16xf32> to vector<16xf32>
        %mul3A_1022 = vector.broadcast %squeeze3A_1017 : f32 to vector<16xf32>
        %mul3A_1023 = arith.mulf %mul3A_1022, %get3A_1021 : vector<16xf32>
        %slice3A_1024 = vector.extract_strided_slice %get3A_130 {offsets = [8], sizes = [1], strides = [1]} : vector<16xf32> to vector<1xf32>
        %squeeze3A_1025 = vector.extract %slice3A_1024[0] : f32 from vector<1xf32>
        %add3A_1026 = arith.constant 128 : i32
        %add3A_1027 = arith.addi %add3A_1026, %add3A_963 : i32
        %get3A_1028 = arith.index_cast %add3A_1027 : i32 to index
        %get3A_1029 = arith.constant 32 : index
        %get3A_1030 = tpu.vector_load %arg14[%get3A_1028, %get3A_1029] {strides = array<i32>} : memref<512x128xf32, #tpu.memory_space<vmem>>, vector<1x16xf32>,
        %get3A_1031 = vector.shape_cast %get3A_1030 : vector<1x16xf32> to vector<16xf32>
        %mul3A_1032 = vector.broadcast %squeeze3A_1025 : f32 to vector<16xf32>
        %mul3A_1033 = arith.mulf %mul3A_1032, %get3A_1031 : vector<16xf32>
        %add3A_1034 = arith.addf %mul3A_1023, %mul3A_1033 : vector<16xf32>
        %swap3A_1035 = arith.index_cast %add3A_967 : i32 to index
        %swap3A_1036 = arith.constant 32 : index
        %swap3A_1037 = tpu.vector_load %arg15[%swap3A_1035, %swap3A_1036] {strides = array<i32>} : memref<16x512xf32, #tpu.memory_space<vmem>>, vector<1x16xf32>,
        %swap3A_1038 = vector.shape_cast %swap3A_1037 : vector<1x16xf32> to vector<16xf32>
        %swap3A_1039 = vector.shape_cast %add3A_1034 : vector<16xf32> to vector<1x16xf32>
        tpu.vector_store %arg15[%swap3A_1035, %swap3A_1036], %swap3A_1039 {strides = array<i32>} : memref<16x512xf32, #tpu.memory_space<vmem>>, vector<1x16xf32>,
        %slice3A_1040 = vector.extract_strided_slice %get3A_122 {offsets = [8], sizes = [1], strides = [1]} : vector<16xf32> to vector<1xf32>
        %squeeze3A_1041 = vector.extract %slice3A_1040[0] : f32 from vector<1xf32>
        %get3A_1042 = arith.index_cast %add3A_963 : i32 to index
        %get3A_1043 = arith.constant 48 : index
        %get3A_1044 = tpu.vector_load %arg14[%get3A_1042, %get3A_1043] {strides = array<i32>} : memref<512x128xf32, #tpu.memory_space<vmem>>, vector<1x16xf32>,
        %get3A_1045 = vector.shape_cast %get3A_1044 : vector<1x16xf32> to vector<16xf32>
        %mul3A_1046 = vector.broadcast %squeeze3A_1041 : f32 to vector<16xf32>
        %mul3A_1047 = arith.mulf %mul3A_1046, %get3A_1045 : vector<16xf32>
        %slice3A_1048 = vector.extract_strided_slice %get3A_130 {offsets = [8], sizes = [1], strides = [1]} : vector<16xf32> to vector<1xf32>
        %squeeze3A_1049 = vector.extract %slice3A_1048[0] : f32 from vector<1xf32>
        %add3A_1050 = arith.constant 128 : i32
        %add3A_1051 = arith.addi %add3A_1050, %add3A_963 : i32
        %get3A_1052 = arith.index_cast %add3A_1051 : i32 to index
        %get3A_1053 = arith.constant 48 : index
        %get3A_1054 = tpu.vector_load %arg14[%get3A_1052, %get3A_1053] {strides = array<i32>} : memref<512x128xf32, #tpu.memory_space<vmem>>, vector<1x16xf32>,
        %get3A_1055 = vector.shape_cast %get3A_1054 : vector<1x16xf32> to vector<16xf32>
        %mul3A_1056 = vector.broadcast %squeeze3A_1049 : f32 to vector<16xf32>
        %mul3A_1057 = arith.mulf %mul3A_1056, %get3A_1055 : vector<16xf32>
        %add3A_1058 = arith.addf %mul3A_1047, %mul3A_1057 : vector<16xf32>
        %swap3A_1059 = arith.index_cast %add3A_967 : i32 to index
        %swap3A_1060 = arith.constant 48 : index
        %swap3A_1061 = tpu.vector_load %arg15[%swap3A_1059, %swap3A_1060] {strides = array<i32>} : memref<16x512xf32, #tpu.memory_space<vmem>>, vector<1x16xf32>,
        %swap3A_1062 = vector.shape_cast %swap3A_1061 : vector<1x16xf32> to vector<16xf32>
        %swap3A_1063 = vector.shape_cast %add3A_1058 : vector<16xf32> to vector<1x16xf32>
        tpu.vector_store %arg15[%swap3A_1059, %swap3A_1060], %swap3A_1063 {strides = array<i32>} : memref<16x512xf32, #tpu.memory_space<vmem>>, vector<1x16xf32>,
        %mul3A_1064 = arith.constant 16 : i32
        %mul3A_1065 = arith.muli %scan3A_114, %mul3A_1064 : i32
        %add3A_1066 = arith.constant 9 : i32
        %add3A_1067 = arith.addi %mul3A_1065, %add3A_1066 : i32
        %mul3A_1068 = arith.constant 2 : i32
        %mul3A_1069 = arith.muli %scan3A_114, %mul3A_1068 : i32
        %add3A_1070 = arith.constant 1 : i32
        %add3A_1071 = arith.addi %mul3A_1069, %add3A_1070 : i32
        %slice3A_1072 = vector.extract_strided_slice %get3A_122 {offsets = [9], sizes = [1], strides = [1]} : vector<16xf32> to vector<1xf32>
        %squeeze3A_1073 = vector.extract %slice3A_1072[0] : f32 from vector<1xf32>
        %get3A_1074 = arith.index_cast %add3A_1067 : i32 to index
        %get3A_1075 = arith.constant 0 : index
        %get3A_1076 = tpu.vector_load %arg14[%get3A_1074, %get3A_1075] {strides = array<i32>} : memref<512x128xf32, #tpu.memory_space<vmem>>, vector<1x16xf32>,
        %get3A_1077 = vector.shape_cast %get3A_1076 : vector<1x16xf32> to vector<16xf32>
        %mul3A_1078 = vector.broadcast %squeeze3A_1073 : f32 to vector<16xf32>
        %mul3A_1079 = arith.mulf %mul3A_1078, %get3A_1077 : vector<16xf32>
        %slice3A_1080 = vector.extract_strided_slice %get3A_130 {offsets = [9], sizes = [1], strides = [1]} : vector<16xf32> to vector<1xf32>
        %squeeze3A_1081 = vector.extract %slice3A_1080[0] : f32 from vector<1xf32>
        %add3A_1082 = arith.constant 128 : i32
        %add3A_1083 = arith.addi %add3A_1082, %add3A_1067 : i32
        %get3A_1084 = arith.index_cast %add3A_1083 : i32 to index
        %get3A_1085 = arith.constant 0 : index
        %get3A_1086 = tpu.vector_load %arg14[%get3A_1084, %get3A_1085] {strides = array<i32>} : memref<512x128xf32, #tpu.memory_space<vmem>>, vector<1x16xf32>,
        %get3A_1087 = vector.shape_cast %get3A_1086 : vector<1x16xf32> to vector<16xf32>
        %mul3A_1088 = vector.broadcast %squeeze3A_1081 : f32 to vector<16xf32>
        %mul3A_1089 = arith.mulf %mul3A_1088, %get3A_1087 : vector<16xf32>
        %add3A_1090 = arith.addf %mul3A_1079, %mul3A_1089 : vector<16xf32>
        %swap3A_1091 = arith.index_cast %add3A_1071 : i32 to index
        %swap3A_1092 = arith.constant 64 : index
        %swap3A_1093 = tpu.vector_load %arg15[%swap3A_1091, %swap3A_1092] {strides = array<i32>} : memref<16x512xf32, #tpu.memory_space<vmem>>, vector<1x16xf32>,
        %swap3A_1094 = vector.shape_cast %swap3A_1093 : vector<1x16xf32> to vector<16xf32>
        %swap3A_1095 = vector.shape_cast %add3A_1090 : vector<16xf32> to vector<1x16xf32>
        tpu.vector_store %arg15[%swap3A_1091, %swap3A_1092], %swap3A_1095 {strides = array<i32>} : memref<16x512xf32, #tpu.memory_space<vmem>>, vector<1x16xf32>,
        %slice3A_1096 = vector.extract_strided_slice %get3A_122 {offsets = [9], sizes = [1], strides = [1]} : vector<16xf32> to vector<1xf32>
        %squeeze3A_1097 = vector.extract %slice3A_1096[0] : f32 from vector<1xf32>
        %get3A_1098 = arith.index_cast %add3A_1067 : i32 to index
        %get3A_1099 = arith.constant 16 : index
        %get3A_1100 = tpu.vector_load %arg14[%get3A_1098, %get3A_1099] {strides = array<i32>} : memref<512x128xf32, #tpu.memory_space<vmem>>, vector<1x16xf32>,
        %get3A_1101 = vector.shape_cast %get3A_1100 : vector<1x16xf32> to vector<16xf32>
        %mul3A_1102 = vector.broadcast %squeeze3A_1097 : f32 to vector<16xf32>
        %mul3A_1103 = arith.mulf %mul3A_1102, %get3A_1101 : vector<16xf32>
        %slice3A_1104 = vector.extract_strided_slice %get3A_130 {offsets = [9], sizes = [1], strides = [1]} : vector<16xf32> to vector<1xf32>
        %squeeze3A_1105 = vector.extract %slice3A_1104[0] : f32 from vector<1xf32>
        %add3A_1106 = arith.constant 128 : i32
        %add3A_1107 = arith.addi %add3A_1106, %add3A_1067 : i32
        %get3A_1108 = arith.index_cast %add3A_1107 : i32 to index
        %get3A_1109 = arith.constant 16 : index
        %get3A_1110 = tpu.vector_load %arg14[%get3A_1108, %get3A_1109] {strides = array<i32>} : memref<512x128xf32, #tpu.memory_space<vmem>>, vector<1x16xf32>,
        %get3A_1111 = vector.shape_cast %get3A_1110 : vector<1x16xf32> to vector<16xf32>
        %mul3A_1112 = vector.broadcast %squeeze3A_1105 : f32 to vector<16xf32>
        %mul3A_1113 = arith.mulf %mul3A_1112, %get3A_1111 : vector<16xf32>
        %add3A_1114 = arith.addf %mul3A_1103, %mul3A_1113 : vector<16xf32>
        %swap3A_1115 = arith.index_cast %add3A_1071 : i32 to index
        %swap3A_1116 = arith.constant 80 : index
        %swap3A_1117 = tpu.vector_load %arg15[%swap3A_1115, %swap3A_1116] {strides = array<i32>} : memref<16x512xf32, #tpu.memory_space<vmem>>, vector<1x16xf32>,
        %swap3A_1118 = vector.shape_cast %swap3A_1117 : vector<1x16xf32> to vector<16xf32>
        %swap3A_1119 = vector.shape_cast %add3A_1114 : vector<16xf32> to vector<1x16xf32>
        tpu.vector_store %arg15[%swap3A_1115, %swap3A_1116], %swap3A_1119 {strides = array<i32>} : memref<16x512xf32, #tpu.memory_space<vmem>>, vector<1x16xf32>,
        %slice3A_1120 = vector.extract_strided_slice %get3A_122 {offsets = [9], sizes = [1], strides = [1]} : vector<16xf32> to vector<1xf32>
        %squeeze3A_1121 = vector.extract %slice3A_1120[0] : f32 from vector<1xf32>
        %get3A_1122 = arith.index_cast %add3A_1067 : i32 to index
        %get3A_1123 = arith.constant 32 : index
        %get3A_1124 = tpu.vector_load %arg14[%get3A_1122, %get3A_1123] {strides = array<i32>} : memref<512x128xf32, #tpu.memory_space<vmem>>, vector<1x16xf32>,
        %get3A_1125 = vector.shape_cast %get3A_1124 : vector<1x16xf32> to vector<16xf32>
        %mul3A_1126 = vector.broadcast %squeeze3A_1121 : f32 to vector<16xf32>
        %mul3A_1127 = arith.mulf %mul3A_1126, %get3A_1125 : vector<16xf32>
        %slice3A_1128 = vector.extract_strided_slice %get3A_130 {offsets = [9], sizes = [1], strides = [1]} : vector<16xf32> to vector<1xf32>
        %squeeze3A_1129 = vector.extract %slice3A_1128[0] : f32 from vector<1xf32>
        %add3A_1130 = arith.constant 128 : i32
        %add3A_1131 = arith.addi %add3A_1130, %add3A_1067 : i32
        %get3A_1132 = arith.index_cast %add3A_1131 : i32 to index
        %get3A_1133 = arith.constant 32 : index
        %get3A_1134 = tpu.vector_load %arg14[%get3A_1132, %get3A_1133] {strides = array<i32>} : memref<512x128xf32, #tpu.memory_space<vmem>>, vector<1x16xf32>,
        %get3A_1135 = vector.shape_cast %get3A_1134 : vector<1x16xf32> to vector<16xf32>
        %mul3A_1136 = vector.broadcast %squeeze3A_1129 : f32 to vector<16xf32>
        %mul3A_1137 = arith.mulf %mul3A_1136, %get3A_1135 : vector<16xf32>
        %add3A_1138 = arith.addf %mul3A_1127, %mul3A_1137 : vector<16xf32>
        %swap3A_1139 = arith.index_cast %add3A_1071 : i32 to index
        %swap3A_1140 = arith.constant 96 : index
        %swap3A_1141 = tpu.vector_load %arg15[%swap3A_1139, %swap3A_1140] {strides = array<i32>} : memref<16x512xf32, #tpu.memory_space<vmem>>, vector<1x16xf32>,
        %swap3A_1142 = vector.shape_cast %swap3A_1141 : vector<1x16xf32> to vector<16xf32>
        %swap3A_1143 = vector.shape_cast %add3A_1138 : vector<16xf32> to vector<1x16xf32>
        tpu.vector_store %arg15[%swap3A_1139, %swap3A_1140], %swap3A_1143 {strides = array<i32>} : memref<16x512xf32, #tpu.memory_space<vmem>>, vector<1x16xf32>,
        %slice3A_1144 = vector.extract_strided_slice %get3A_122 {offsets = [9], sizes = [1], strides = [1]} : vector<16xf32> to vector<1xf32>
        %squeeze3A_1145 = vector.extract %slice3A_1144[0] : f32 from vector<1xf32>
        %get3A_1146 = arith.index_cast %add3A_1067 : i32 to index
        %get3A_1147 = arith.constant 48 : index
        %get3A_1148 = tpu.vector_load %arg14[%get3A_1146, %get3A_1147] {strides = array<i32>} : memref<512x128xf32, #tpu.memory_space<vmem>>, vector<1x16xf32>,
        %get3A_1149 = vector.shape_cast %get3A_1148 : vector<1x16xf32> to vector<16xf32>
        %mul3A_1150 = vector.broadcast %squeeze3A_1145 : f32 to vector<16xf32>
        %mul3A_1151 = arith.mulf %mul3A_1150, %get3A_1149 : vector<16xf32>
        %slice3A_1152 = vector.extract_strided_slice %get3A_130 {offsets = [9], sizes = [1], strides = [1]} : vector<16xf32> to vector<1xf32>
        %squeeze3A_1153 = vector.extract %slice3A_1152[0] : f32 from vector<1xf32>
        %add3A_1154 = arith.constant 128 : i32
        %add3A_1155 = arith.addi %add3A_1154, %add3A_1067 : i32
        %get3A_1156 = arith.index_cast %add3A_1155 : i32 to index
        %get3A_1157 = arith.constant 48 : index
        %get3A_1158 = tpu.vector_load %arg14[%get3A_1156, %get3A_1157] {strides = array<i32>} : memref<512x128xf32, #tpu.memory_space<vmem>>, vector<1x16xf32>,
        %get3A_1159 = vector.shape_cast %get3A_1158 : vector<1x16xf32> to vector<16xf32>
        %mul3A_1160 = vector.broadcast %squeeze3A_1153 : f32 to vector<16xf32>
        %mul3A_1161 = arith.mulf %mul3A_1160, %get3A_1159 : vector<16xf32>
        %add3A_1162 = arith.addf %mul3A_1151, %mul3A_1161 : vector<16xf32>
        %swap3A_1163 = arith.index_cast %add3A_1071 : i32 to index
        %swap3A_1164 = arith.constant 112 : index
        %swap3A_1165 = tpu.vector_load %arg15[%swap3A_1163, %swap3A_1164] {strides = array<i32>} : memref<16x512xf32, #tpu.memory_space<vmem>>, vector<1x16xf32>,
        %swap3A_1166 = vector.shape_cast %swap3A_1165 : vector<1x16xf32> to vector<16xf32>
        %swap3A_1167 = vector.shape_cast %add3A_1162 : vector<16xf32> to vector<1x16xf32>
        tpu.vector_store %arg15[%swap3A_1163, %swap3A_1164], %swap3A_1167 {strides = array<i32>} : memref<16x512xf32, #tpu.memory_space<vmem>>, vector<1x16xf32>,
        %mul3A_1168 = arith.constant 16 : i32
        %mul3A_1169 = arith.muli %scan3A_114, %mul3A_1168 : i32
        %add3A_1170 = arith.constant 10 : i32
        %add3A_1171 = arith.addi %mul3A_1169, %add3A_1170 : i32
        %mul3A_1172 = arith.constant 2 : i32
        %mul3A_1173 = arith.muli %scan3A_114, %mul3A_1172 : i32
        %add3A_1174 = arith.constant 1 : i32
        %add3A_1175 = arith.addi %mul3A_1173, %add3A_1174 : i32
        %slice3A_1176 = vector.extract_strided_slice %get3A_122 {offsets = [10], sizes = [1], strides = [1]} : vector<16xf32> to vector<1xf32>
        %squeeze3A_1177 = vector.extract %slice3A_1176[0] : f32 from vector<1xf32>
        %get3A_1178 = arith.index_cast %add3A_1171 : i32 to index
        %get3A_1179 = arith.constant 0 : index
        %get3A_1180 = tpu.vector_load %arg14[%get3A_1178, %get3A_1179] {strides = array<i32>} : memref<512x128xf32, #tpu.memory_space<vmem>>, vector<1x16xf32>,
        %get3A_1181 = vector.shape_cast %get3A_1180 : vector<1x16xf32> to vector<16xf32>
        %mul3A_1182 = vector.broadcast %squeeze3A_1177 : f32 to vector<16xf32>
        %mul3A_1183 = arith.mulf %mul3A_1182, %get3A_1181 : vector<16xf32>
        %slice3A_1184 = vector.extract_strided_slice %get3A_130 {offsets = [10], sizes = [1], strides = [1]} : vector<16xf32> to vector<1xf32>
        %squeeze3A_1185 = vector.extract %slice3A_1184[0] : f32 from vector<1xf32>
        %add3A_1186 = arith.constant 128 : i32
        %add3A_1187 = arith.addi %add3A_1186, %add3A_1171 : i32
        %get3A_1188 = arith.index_cast %add3A_1187 : i32 to index
        %get3A_1189 = arith.constant 0 : index
        %get3A_1190 = tpu.vector_load %arg14[%get3A_1188, %get3A_1189] {strides = array<i32>} : memref<512x128xf32, #tpu.memory_space<vmem>>, vector<1x16xf32>,
        %get3A_1191 = vector.shape_cast %get3A_1190 : vector<1x16xf32> to vector<16xf32>
        %mul3A_1192 = vector.broadcast %squeeze3A_1185 : f32 to vector<16xf32>
        %mul3A_1193 = arith.mulf %mul3A_1192, %get3A_1191 : vector<16xf32>
        %add3A_1194 = arith.addf %mul3A_1183, %mul3A_1193 : vector<16xf32>
        %swap3A_1195 = arith.index_cast %add3A_1175 : i32 to index
        %swap3A_1196 = arith.constant 128 : index
        %swap3A_1197 = tpu.vector_load %arg15[%swap3A_1195, %swap3A_1196] {strides = array<i32>} : memref<16x512xf32, #tpu.memory_space<vmem>>, vector<1x16xf32>,
        %swap3A_1198 = vector.shape_cast %swap3A_1197 : vector<1x16xf32> to vector<16xf32>
        %swap3A_1199 = vector.shape_cast %add3A_1194 : vector<16xf32> to vector<1x16xf32>
        tpu.vector_store %arg15[%swap3A_1195, %swap3A_1196], %swap3A_1199 {strides = array<i32>} : memref<16x512xf32, #tpu.memory_space<vmem>>, vector<1x16xf32>,
        %slice3A_1200 = vector.extract_strided_slice %get3A_122 {offsets = [10], sizes = [1], strides = [1]} : vector<16xf32> to vector<1xf32>
        %squeeze3A_1201 = vector.extract %slice3A_1200[0] : f32 from vector<1xf32>
        %get3A_1202 = arith.index_cast %add3A_1171 : i32 to index
        %get3A_1203 = arith.constant 16 : index
        %get3A_1204 = tpu.vector_load %arg14[%get3A_1202, %get3A_1203] {strides = array<i32>} : memref<512x128xf32, #tpu.memory_space<vmem>>, vector<1x16xf32>,
        %get3A_1205 = vector.shape_cast %get3A_1204 : vector<1x16xf32> to vector<16xf32>
        %mul3A_1206 = vector.broadcast %squeeze3A_1201 : f32 to vector<16xf32>
        %mul3A_1207 = arith.mulf %mul3A_1206, %get3A_1205 : vector<16xf32>
        %slice3A_1208 = vector.extract_strided_slice %get3A_130 {offsets = [10], sizes = [1], strides = [1]} : vector<16xf32> to vector<1xf32>
        %squeeze3A_1209 = vector.extract %slice3A_1208[0] : f32 from vector<1xf32>
        %add3A_1210 = arith.constant 128 : i32
        %add3A_1211 = arith.addi %add3A_1210, %add3A_1171 : i32
        %get3A_1212 = arith.index_cast %add3A_1211 : i32 to index
        %get3A_1213 = arith.constant 16 : index
        %get3A_1214 = tpu.vector_load %arg14[%get3A_1212, %get3A_1213] {strides = array<i32>} : memref<512x128xf32, #tpu.memory_space<vmem>>, vector<1x16xf32>,
        %get3A_1215 = vector.shape_cast %get3A_1214 : vector<1x16xf32> to vector<16xf32>
        %mul3A_1216 = vector.broadcast %squeeze3A_1209 : f32 to vector<16xf32>
        %mul3A_1217 = arith.mulf %mul3A_1216, %get3A_1215 : vector<16xf32>
        %add3A_1218 = arith.addf %mul3A_1207, %mul3A_1217 : vector<16xf32>
        %swap3A_1219 = arith.index_cast %add3A_1175 : i32 to index
        %swap3A_1220 = arith.constant 144 : index
        %swap3A_1221 = tpu.vector_load %arg15[%swap3A_1219, %swap3A_1220] {strides = array<i32>} : memref<16x512xf32, #tpu.memory_space<vmem>>, vector<1x16xf32>,
        %swap3A_1222 = vector.shape_cast %swap3A_1221 : vector<1x16xf32> to vector<16xf32>
        %swap3A_1223 = vector.shape_cast %add3A_1218 : vector<16xf32> to vector<1x16xf32>
        tpu.vector_store %arg15[%swap3A_1219, %swap3A_1220], %swap3A_1223 {strides = array<i32>} : memref<16x512xf32, #tpu.memory_space<vmem>>, vector<1x16xf32>,
        %slice3A_1224 = vector.extract_strided_slice %get3A_122 {offsets = [10], sizes = [1], strides = [1]} : vector<16xf32> to vector<1xf32>
        %squeeze3A_1225 = vector.extract %slice3A_1224[0] : f32 from vector<1xf32>
        %get3A_1226 = arith.index_cast %add3A_1171 : i32 to index
        %get3A_1227 = arith.constant 32 : index
        %get3A_1228 = tpu.vector_load %arg14[%get3A_1226, %get3A_1227] {strides = array<i32>} : memref<512x128xf32, #tpu.memory_space<vmem>>, vector<1x16xf32>,
        %get3A_1229 = vector.shape_cast %get3A_1228 : vector<1x16xf32> to vector<16xf32>
        %mul3A_1230 = vector.broadcast %squeeze3A_1225 : f32 to vector<16xf32>
        %mul3A_1231 = arith.mulf %mul3A_1230, %get3A_1229 : vector<16xf32>
        %slice3A_1232 = vector.extract_strided_slice %get3A_130 {offsets = [10], sizes = [1], strides = [1]} : vector<16xf32> to vector<1xf32>
        %squeeze3A_1233 = vector.extract %slice3A_1232[0] : f32 from vector<1xf32>
        %add3A_1234 = arith.constant 128 : i32
        %add3A_1235 = arith.addi %add3A_1234, %add3A_1171 : i32
        %get3A_1236 = arith.index_cast %add3A_1235 : i32 to index
        %get3A_1237 = arith.constant 32 : index
        %get3A_1238 = tpu.vector_load %arg14[%get3A_1236, %get3A_1237] {strides = array<i32>} : memref<512x128xf32, #tpu.memory_space<vmem>>, vector<1x16xf32>,
        %get3A_1239 = vector.shape_cast %get3A_1238 : vector<1x16xf32> to vector<16xf32>
        %mul3A_1240 = vector.broadcast %squeeze3A_1233 : f32 to vector<16xf32>
        %mul3A_1241 = arith.mulf %mul3A_1240, %get3A_1239 : vector<16xf32>
        %add3A_1242 = arith.addf %mul3A_1231, %mul3A_1241 : vector<16xf32>
        %swap3A_1243 = arith.index_cast %add3A_1175 : i32 to index
        %swap3A_1244 = arith.constant 160 : index
        %swap3A_1245 = tpu.vector_load %arg15[%swap3A_1243, %swap3A_1244] {strides = array<i32>} : memref<16x512xf32, #tpu.memory_space<vmem>>, vector<1x16xf32>,
        %swap3A_1246 = vector.shape_cast %swap3A_1245 : vector<1x16xf32> to vector<16xf32>
        %swap3A_1247 = vector.shape_cast %add3A_1242 : vector<16xf32> to vector<1x16xf32>
        tpu.vector_store %arg15[%swap3A_1243, %swap3A_1244], %swap3A_1247 {strides = array<i32>} : memref<16x512xf32, #tpu.memory_space<vmem>>, vector<1x16xf32>,
        %slice3A_1248 = vector.extract_strided_slice %get3A_122 {offsets = [10], sizes = [1], strides = [1]} : vector<16xf32> to vector<1xf32>
        %squeeze3A_1249 = vector.extract %slice3A_1248[0] : f32 from vector<1xf32>
        %get3A_1250 = arith.index_cast %add3A_1171 : i32 to index
        %get3A_1251 = arith.constant 48 : index
        %get3A_1252 = tpu.vector_load %arg14[%get3A_1250, %get3A_1251] {strides = array<i32>} : memref<512x128xf32, #tpu.memory_space<vmem>>, vector<1x16xf32>,
        %get3A_1253 = vector.shape_cast %get3A_1252 : vector<1x16xf32> to vector<16xf32>
        %mul3A_1254 = vector.broadcast %squeeze3A_1249 : f32 to vector<16xf32>
        %mul3A_1255 = arith.mulf %mul3A_1254, %get3A_1253 : vector<16xf32>
        %slice3A_1256 = vector.extract_strided_slice %get3A_130 {offsets = [10], sizes = [1], strides = [1]} : vector<16xf32> to vector<1xf32>
        %squeeze3A_1257 = vector.extract %slice3A_1256[0] : f32 from vector<1xf32>
        %add3A_1258 = arith.constant 128 : i32
        %add3A_1259 = arith.addi %add3A_1258, %add3A_1171 : i32
        %get3A_1260 = arith.index_cast %add3A_1259 : i32 to index
        %get3A_1261 = arith.constant 48 : index
        %get3A_1262 = tpu.vector_load %arg14[%get3A_1260, %get3A_1261] {strides = array<i32>} : memref<512x128xf32, #tpu.memory_space<vmem>>, vector<1x16xf32>,
        %get3A_1263 = vector.shape_cast %get3A_1262 : vector<1x16xf32> to vector<16xf32>
        %mul3A_1264 = vector.broadcast %squeeze3A_1257 : f32 to vector<16xf32>
        %mul3A_1265 = arith.mulf %mul3A_1264, %get3A_1263 : vector<16xf32>
        %add3A_1266 = arith.addf %mul3A_1255, %mul3A_1265 : vector<16xf32>
        %swap3A_1267 = arith.index_cast %add3A_1175 : i32 to index
        %swap3A_1268 = arith.constant 176 : index
        %swap3A_1269 = tpu.vector_load %arg15[%swap3A_1267, %swap3A_1268] {strides = array<i32>} : memref<16x512xf32, #tpu.memory_space<vmem>>, vector<1x16xf32>,
        %swap3A_1270 = vector.shape_cast %swap3A_1269 : vector<1x16xf32> to vector<16xf32>
        %swap3A_1271 = vector.shape_cast %add3A_1266 : vector<16xf32> to vector<1x16xf32>
        tpu.vector_store %arg15[%swap3A_1267, %swap3A_1268], %swap3A_1271 {strides = array<i32>} : memref<16x512xf32, #tpu.memory_space<vmem>>, vector<1x16xf32>,
        %mul3A_1272 = arith.constant 16 : i32
        %mul3A_1273 = arith.muli %scan3A_114, %mul3A_1272 : i32
        %add3A_1274 = arith.constant 11 : i32
        %add3A_1275 = arith.addi %mul3A_1273, %add3A_1274 : i32
        %mul3A_1276 = arith.constant 2 : i32
        %mul3A_1277 = arith.muli %scan3A_114, %mul3A_1276 : i32
        %add3A_1278 = arith.constant 1 : i32
        %add3A_1279 = arith.addi %mul3A_1277, %add3A_1278 : i32
        %slice3A_1280 = vector.extract_strided_slice %get3A_122 {offsets = [11], sizes = [1], strides = [1]} : vector<16xf32> to vector<1xf32>
        %squeeze3A_1281 = vector.extract %slice3A_1280[0] : f32 from vector<1xf32>
        %get3A_1282 = arith.index_cast %add3A_1275 : i32 to index
        %get3A_1283 = arith.constant 0 : index
        %get3A_1284 = tpu.vector_load %arg14[%get3A_1282, %get3A_1283] {strides = array<i32>} : memref<512x128xf32, #tpu.memory_space<vmem>>, vector<1x16xf32>,
        %get3A_1285 = vector.shape_cast %get3A_1284 : vector<1x16xf32> to vector<16xf32>
        %mul3A_1286 = vector.broadcast %squeeze3A_1281 : f32 to vector<16xf32>
        %mul3A_1287 = arith.mulf %mul3A_1286, %get3A_1285 : vector<16xf32>
        %slice3A_1288 = vector.extract_strided_slice %get3A_130 {offsets = [11], sizes = [1], strides = [1]} : vector<16xf32> to vector<1xf32>
        %squeeze3A_1289 = vector.extract %slice3A_1288[0] : f32 from vector<1xf32>
        %add3A_1290 = arith.constant 128 : i32
        %add3A_1291 = arith.addi %add3A_1290, %add3A_1275 : i32
        %get3A_1292 = arith.index_cast %add3A_1291 : i32 to index
        %get3A_1293 = arith.constant 0 : index
        %get3A_1294 = tpu.vector_load %arg14[%get3A_1292, %get3A_1293] {strides = array<i32>} : memref<512x128xf32, #tpu.memory_space<vmem>>, vector<1x16xf32>,
        %get3A_1295 = vector.shape_cast %get3A_1294 : vector<1x16xf32> to vector<16xf32>
        %mul3A_1296 = vector.broadcast %squeeze3A_1289 : f32 to vector<16xf32>
        %mul3A_1297 = arith.mulf %mul3A_1296, %get3A_1295 : vector<16xf32>
        %add3A_1298 = arith.addf %mul3A_1287, %mul3A_1297 : vector<16xf32>
        %swap3A_1299 = arith.index_cast %add3A_1279 : i32 to index
        %swap3A_1300 = arith.constant 192 : index
        %swap3A_1301 = tpu.vector_load %arg15[%swap3A_1299, %swap3A_1300] {strides = array<i32>} : memref<16x512xf32, #tpu.memory_space<vmem>>, vector<1x16xf32>,
        %swap3A_1302 = vector.shape_cast %swap3A_1301 : vector<1x16xf32> to vector<16xf32>
        %swap3A_1303 = vector.shape_cast %add3A_1298 : vector<16xf32> to vector<1x16xf32>
        tpu.vector_store %arg15[%swap3A_1299, %swap3A_1300], %swap3A_1303 {strides = array<i32>} : memref<16x512xf32, #tpu.memory_space<vmem>>, vector<1x16xf32>,
        %slice3A_1304 = vector.extract_strided_slice %get3A_122 {offsets = [11], sizes = [1], strides = [1]} : vector<16xf32> to vector<1xf32>
        %squeeze3A_1305 = vector.extract %slice3A_1304[0] : f32 from vector<1xf32>
        %get3A_1306 = arith.index_cast %add3A_1275 : i32 to index
        %get3A_1307 = arith.constant 16 : index
        %get3A_1308 = tpu.vector_load %arg14[%get3A_1306, %get3A_1307] {strides = array<i32>} : memref<512x128xf32, #tpu.memory_space<vmem>>, vector<1x16xf32>,
        %get3A_1309 = vector.shape_cast %get3A_1308 : vector<1x16xf32> to vector<16xf32>
        %mul3A_1310 = vector.broadcast %squeeze3A_1305 : f32 to vector<16xf32>
        %mul3A_1311 = arith.mulf %mul3A_1310, %get3A_1309 : vector<16xf32>
        %slice3A_1312 = vector.extract_strided_slice %get3A_130 {offsets = [11], sizes = [1], strides = [1]} : vector<16xf32> to vector<1xf32>
        %squeeze3A_1313 = vector.extract %slice3A_1312[0] : f32 from vector<1xf32>
        %add3A_1314 = arith.constant 128 : i32
        %add3A_1315 = arith.addi %add3A_1314, %add3A_1275 : i32
        %get3A_1316 = arith.index_cast %add3A_1315 : i32 to index
        %get3A_1317 = arith.constant 16 : index
        %get3A_1318 = tpu.vector_load %arg14[%get3A_1316, %get3A_1317] {strides = array<i32>} : memref<512x128xf32, #tpu.memory_space<vmem>>, vector<1x16xf32>,
        %get3A_1319 = vector.shape_cast %get3A_1318 : vector<1x16xf32> to vector<16xf32>
        %mul3A_1320 = vector.broadcast %squeeze3A_1313 : f32 to vector<16xf32>
        %mul3A_1321 = arith.mulf %mul3A_1320, %get3A_1319 : vector<16xf32>
        %add3A_1322 = arith.addf %mul3A_1311, %mul3A_1321 : vector<16xf32>
        %swap3A_1323 = arith.index_cast %add3A_1279 : i32 to index
        %swap3A_1324 = arith.constant 208 : index
        %swap3A_1325 = tpu.vector_load %arg15[%swap3A_1323, %swap3A_1324] {strides = array<i32>} : memref<16x512xf32, #tpu.memory_space<vmem>>, vector<1x16xf32>,
        %swap3A_1326 = vector.shape_cast %swap3A_1325 : vector<1x16xf32> to vector<16xf32>
        %swap3A_1327 = vector.shape_cast %add3A_1322 : vector<16xf32> to vector<1x16xf32>
        tpu.vector_store %arg15[%swap3A_1323, %swap3A_1324], %swap3A_1327 {strides = array<i32>} : memref<16x512xf32, #tpu.memory_space<vmem>>, vector<1x16xf32>,
        %slice3A_1328 = vector.extract_strided_slice %get3A_122 {offsets = [11], sizes = [1], strides = [1]} : vector<16xf32> to vector<1xf32>
        %squeeze3A_1329 = vector.extract %slice3A_1328[0] : f32 from vector<1xf32>
        %get3A_1330 = arith.index_cast %add3A_1275 : i32 to index
        %get3A_1331 = arith.constant 32 : index
        %get3A_1332 = tpu.vector_load %arg14[%get3A_1330, %get3A_1331] {strides = array<i32>} : memref<512x128xf32, #tpu.memory_space<vmem>>, vector<1x16xf32>,
        %get3A_1333 = vector.shape_cast %get3A_1332 : vector<1x16xf32> to vector<16xf32>
        %mul3A_1334 = vector.broadcast %squeeze3A_1329 : f32 to vector<16xf32>
        %mul3A_1335 = arith.mulf %mul3A_1334, %get3A_1333 : vector<16xf32>
        %slice3A_1336 = vector.extract_strided_slice %get3A_130 {offsets = [11], sizes = [1], strides = [1]} : vector<16xf32> to vector<1xf32>
        %squeeze3A_1337 = vector.extract %slice3A_1336[0] : f32 from vector<1xf32>
        %add3A_1338 = arith.constant 128 : i32
        %add3A_1339 = arith.addi %add3A_1338, %add3A_1275 : i32
        %get3A_1340 = arith.index_cast %add3A_1339 : i32 to index
        %get3A_1341 = arith.constant 32 : index
        %get3A_1342 = tpu.vector_load %arg14[%get3A_1340, %get3A_1341] {strides = array<i32>} : memref<512x128xf32, #tpu.memory_space<vmem>>, vector<1x16xf32>,
        %get3A_1343 = vector.shape_cast %get3A_1342 : vector<1x16xf32> to vector<16xf32>
        %mul3A_1344 = vector.broadcast %squeeze3A_1337 : f32 to vector<16xf32>
        %mul3A_1345 = arith.mulf %mul3A_1344, %get3A_1343 : vector<16xf32>
        %add3A_1346 = arith.addf %mul3A_1335, %mul3A_1345 : vector<16xf32>
        %swap3A_1347 = arith.index_cast %add3A_1279 : i32 to index
        %swap3A_1348 = arith.constant 224 : index
        %swap3A_1349 = tpu.vector_load %arg15[%swap3A_1347, %swap3A_1348] {strides = array<i32>} : memref<16x512xf32, #tpu.memory_space<vmem>>, vector<1x16xf32>,
        %swap3A_1350 = vector.shape_cast %swap3A_1349 : vector<1x16xf32> to vector<16xf32>
        %swap3A_1351 = vector.shape_cast %add3A_1346 : vector<16xf32> to vector<1x16xf32>
        tpu.vector_store %arg15[%swap3A_1347, %swap3A_1348], %swap3A_1351 {strides = array<i32>} : memref<16x512xf32, #tpu.memory_space<vmem>>, vector<1x16xf32>,
        %slice3A_1352 = vector.extract_strided_slice %get3A_122 {offsets = [11], sizes = [1], strides = [1]} : vector<16xf32> to vector<1xf32>
        %squeeze3A_1353 = vector.extract %slice3A_1352[0] : f32 from vector<1xf32>
        %get3A_1354 = arith.index_cast %add3A_1275 : i32 to index
        %get3A_1355 = arith.constant 48 : index
        %get3A_1356 = tpu.vector_load %arg14[%get3A_1354, %get3A_1355] {strides = array<i32>} : memref<512x128xf32, #tpu.memory_space<vmem>>, vector<1x16xf32>,
        %get3A_1357 = vector.shape_cast %get3A_1356 : vector<1x16xf32> to vector<16xf32>
        %mul3A_1358 = vector.broadcast %squeeze3A_1353 : f32 to vector<16xf32>
        %mul3A_1359 = arith.mulf %mul3A_1358, %get3A_1357 : vector<16xf32>
        %slice3A_1360 = vector.extract_strided_slice %get3A_130 {offsets = [11], sizes = [1], strides = [1]} : vector<16xf32> to vector<1xf32>
        %squeeze3A_1361 = vector.extract %slice3A_1360[0] : f32 from vector<1xf32>
        %add3A_1362 = arith.constant 128 : i32
        %add3A_1363 = arith.addi %add3A_1362, %add3A_1275 : i32
        %get3A_1364 = arith.index_cast %add3A_1363 : i32 to index
        %get3A_1365 = arith.constant 48 : index
        %get3A_1366 = tpu.vector_load %arg14[%get3A_1364, %get3A_1365] {strides = array<i32>} : memref<512x128xf32, #tpu.memory_space<vmem>>, vector<1x16xf32>,
        %get3A_1367 = vector.shape_cast %get3A_1366 : vector<1x16xf32> to vector<16xf32>
        %mul3A_1368 = vector.broadcast %squeeze3A_1361 : f32 to vector<16xf32>
        %mul3A_1369 = arith.mulf %mul3A_1368, %get3A_1367 : vector<16xf32>
        %add3A_1370 = arith.addf %mul3A_1359, %mul3A_1369 : vector<16xf32>
        %swap3A_1371 = arith.index_cast %add3A_1279 : i32 to index
        %swap3A_1372 = arith.constant 240 : index
        %swap3A_1373 = tpu.vector_load %arg15[%swap3A_1371, %swap3A_1372] {strides = array<i32>} : memref<16x512xf32, #tpu.memory_space<vmem>>, vector<1x16xf32>,
        %swap3A_1374 = vector.shape_cast %swap3A_1373 : vector<1x16xf32> to vector<16xf32>
        %swap3A_1375 = vector.shape_cast %add3A_1370 : vector<16xf32> to vector<1x16xf32>
        tpu.vector_store %arg15[%swap3A_1371, %swap3A_1372], %swap3A_1375 {strides = array<i32>} : memref<16x512xf32, #tpu.memory_space<vmem>>, vector<1x16xf32>,
        %mul3A_1376 = arith.constant 16 : i32
        %mul3A_1377 = arith.muli %scan3A_114, %mul3A_1376 : i32
        %add3A_1378 = arith.constant 12 : i32
        %add3A_1379 = arith.addi %mul3A_1377, %add3A_1378 : i32
        %mul3A_1380 = arith.constant 2 : i32
        %mul3A_1381 = arith.muli %scan3A_114, %mul3A_1380 : i32
        %add3A_1382 = arith.constant 1 : i32
        %add3A_1383 = arith.addi %mul3A_1381, %add3A_1382 : i32
        %slice3A_1384 = vector.extract_strided_slice %get3A_122 {offsets = [12], sizes = [1], strides = [1]} : vector<16xf32> to vector<1xf32>
        %squeeze3A_1385 = vector.extract %slice3A_1384[0] : f32 from vector<1xf32>
        %get3A_1386 = arith.index_cast %add3A_1379 : i32 to index
        %get3A_1387 = arith.constant 0 : index
        %get3A_1388 = tpu.vector_load %arg14[%get3A_1386, %get3A_1387] {strides = array<i32>} : memref<512x128xf32, #tpu.memory_space<vmem>>, vector<1x16xf32>,
        %get3A_1389 = vector.shape_cast %get3A_1388 : vector<1x16xf32> to vector<16xf32>
        %mul3A_1390 = vector.broadcast %squeeze3A_1385 : f32 to vector<16xf32>
        %mul3A_1391 = arith.mulf %mul3A_1390, %get3A_1389 : vector<16xf32>
        %slice3A_1392 = vector.extract_strided_slice %get3A_130 {offsets = [12], sizes = [1], strides = [1]} : vector<16xf32> to vector<1xf32>
        %squeeze3A_1393 = vector.extract %slice3A_1392[0] : f32 from vector<1xf32>
        %add3A_1394 = arith.constant 128 : i32
        %add3A_1395 = arith.addi %add3A_1394, %add3A_1379 : i32
        %get3A_1396 = arith.index_cast %add3A_1395 : i32 to index
        %get3A_1397 = arith.constant 0 : index
        %get3A_1398 = tpu.vector_load %arg14[%get3A_1396, %get3A_1397] {strides = array<i32>} : memref<512x128xf32, #tpu.memory_space<vmem>>, vector<1x16xf32>,
        %get3A_1399 = vector.shape_cast %get3A_1398 : vector<1x16xf32> to vector<16xf32>
        %mul3A_1400 = vector.broadcast %squeeze3A_1393 : f32 to vector<16xf32>
        %mul3A_1401 = arith.mulf %mul3A_1400, %get3A_1399 : vector<16xf32>
        %add3A_1402 = arith.addf %mul3A_1391, %mul3A_1401 : vector<16xf32>
        %swap3A_1403 = arith.index_cast %add3A_1383 : i32 to index
        %swap3A_1404 = arith.constant 256 : index
        %swap3A_1405 = tpu.vector_load %arg15[%swap3A_1403, %swap3A_1404] {strides = array<i32>} : memref<16x512xf32, #tpu.memory_space<vmem>>, vector<1x16xf32>,
        %swap3A_1406 = vector.shape_cast %swap3A_1405 : vector<1x16xf32> to vector<16xf32>
        %swap3A_1407 = vector.shape_cast %add3A_1402 : vector<16xf32> to vector<1x16xf32>
        tpu.vector_store %arg15[%swap3A_1403, %swap3A_1404], %swap3A_1407 {strides = array<i32>} : memref<16x512xf32, #tpu.memory_space<vmem>>, vector<1x16xf32>,
        %slice3A_1408 = vector.extract_strided_slice %get3A_122 {offsets = [12], sizes = [1], strides = [1]} : vector<16xf32> to vector<1xf32>
        %squeeze3A_1409 = vector.extract %slice3A_1408[0] : f32 from vector<1xf32>
        %get3A_1410 = arith.index_cast %add3A_1379 : i32 to index
        %get3A_1411 = arith.constant 16 : index
        %get3A_1412 = tpu.vector_load %arg14[%get3A_1410, %get3A_1411] {strides = array<i32>} : memref<512x128xf32, #tpu.memory_space<vmem>>, vector<1x16xf32>,
        %get3A_1413 = vector.shape_cast %get3A_1412 : vector<1x16xf32> to vector<16xf32>
        %mul3A_1414 = vector.broadcast %squeeze3A_1409 : f32 to vector<16xf32>
        %mul3A_1415 = arith.mulf %mul3A_1414, %get3A_1413 : vector<16xf32>
        %slice3A_1416 = vector.extract_strided_slice %get3A_130 {offsets = [12], sizes = [1], strides = [1]} : vector<16xf32> to vector<1xf32>
        %squeeze3A_1417 = vector.extract %slice3A_1416[0] : f32 from vector<1xf32>
        %add3A_1418 = arith.constant 128 : i32
        %add3A_1419 = arith.addi %add3A_1418, %add3A_1379 : i32
        %get3A_1420 = arith.index_cast %add3A_1419 : i32 to index
        %get3A_1421 = arith.constant 16 : index
        %get3A_1422 = tpu.vector_load %arg14[%get3A_1420, %get3A_1421] {strides = array<i32>} : memref<512x128xf32, #tpu.memory_space<vmem>>, vector<1x16xf32>,
        %get3A_1423 = vector.shape_cast %get3A_1422 : vector<1x16xf32> to vector<16xf32>
        %mul3A_1424 = vector.broadcast %squeeze3A_1417 : f32 to vector<16xf32>
        %mul3A_1425 = arith.mulf %mul3A_1424, %get3A_1423 : vector<16xf32>
        %add3A_1426 = arith.addf %mul3A_1415, %mul3A_1425 : vector<16xf32>
        %swap3A_1427 = arith.index_cast %add3A_1383 : i32 to index
        %swap3A_1428 = arith.constant 272 : index
        %swap3A_1429 = tpu.vector_load %arg15[%swap3A_1427, %swap3A_1428] {strides = array<i32>} : memref<16x512xf32, #tpu.memory_space<vmem>>, vector<1x16xf32>,
        %swap3A_1430 = vector.shape_cast %swap3A_1429 : vector<1x16xf32> to vector<16xf32>
        %swap3A_1431 = vector.shape_cast %add3A_1426 : vector<16xf32> to vector<1x16xf32>
        tpu.vector_store %arg15[%swap3A_1427, %swap3A_1428], %swap3A_1431 {strides = array<i32>} : memref<16x512xf32, #tpu.memory_space<vmem>>, vector<1x16xf32>,
        %slice3A_1432 = vector.extract_strided_slice %get3A_122 {offsets = [12], sizes = [1], strides = [1]} : vector<16xf32> to vector<1xf32>
        %squeeze3A_1433 = vector.extract %slice3A_1432[0] : f32 from vector<1xf32>
        %get3A_1434 = arith.index_cast %add3A_1379 : i32 to index
        %get3A_1435 = arith.constant 32 : index
        %get3A_1436 = tpu.vector_load %arg14[%get3A_1434, %get3A_1435] {strides = array<i32>} : memref<512x128xf32, #tpu.memory_space<vmem>>, vector<1x16xf32>,
        %get3A_1437 = vector.shape_cast %get3A_1436 : vector<1x16xf32> to vector<16xf32>
        %mul3A_1438 = vector.broadcast %squeeze3A_1433 : f32 to vector<16xf32>
        %mul3A_1439 = arith.mulf %mul3A_1438, %get3A_1437 : vector<16xf32>
        %slice3A_1440 = vector.extract_strided_slice %get3A_130 {offsets = [12], sizes = [1], strides = [1]} : vector<16xf32> to vector<1xf32>
        %squeeze3A_1441 = vector.extract %slice3A_1440[0] : f32 from vector<1xf32>
        %add3A_1442 = arith.constant 128 : i32
        %add3A_1443 = arith.addi %add3A_1442, %add3A_1379 : i32
        %get3A_1444 = arith.index_cast %add3A_1443 : i32 to index
        %get3A_1445 = arith.constant 32 : index
        %get3A_1446 = tpu.vector_load %arg14[%get3A_1444, %get3A_1445] {strides = array<i32>} : memref<512x128xf32, #tpu.memory_space<vmem>>, vector<1x16xf32>,
        %get3A_1447 = vector.shape_cast %get3A_1446 : vector<1x16xf32> to vector<16xf32>
        %mul3A_1448 = vector.broadcast %squeeze3A_1441 : f32 to vector<16xf32>
        %mul3A_1449 = arith.mulf %mul3A_1448, %get3A_1447 : vector<16xf32>
        %add3A_1450 = arith.addf %mul3A_1439, %mul3A_1449 : vector<16xf32>
        %swap3A_1451 = arith.index_cast %add3A_1383 : i32 to index
        %swap3A_1452 = arith.constant 288 : index
        %swap3A_1453 = tpu.vector_load %arg15[%swap3A_1451, %swap3A_1452] {strides = array<i32>} : memref<16x512xf32, #tpu.memory_space<vmem>>, vector<1x16xf32>,
        %swap3A_1454 = vector.shape_cast %swap3A_1453 : vector<1x16xf32> to vector<16xf32>
        %swap3A_1455 = vector.shape_cast %add3A_1450 : vector<16xf32> to vector<1x16xf32>
        tpu.vector_store %arg15[%swap3A_1451, %swap3A_1452], %swap3A_1455 {strides = array<i32>} : memref<16x512xf32, #tpu.memory_space<vmem>>, vector<1x16xf32>,
        %slice3A_1456 = vector.extract_strided_slice %get3A_122 {offsets = [12], sizes = [1], strides = [1]} : vector<16xf32> to vector<1xf32>
        %squeeze3A_1457 = vector.extract %slice3A_1456[0] : f32 from vector<1xf32>
        %get3A_1458 = arith.index_cast %add3A_1379 : i32 to index
        %get3A_1459 = arith.constant 48 : index
        %get3A_1460 = tpu.vector_load %arg14[%get3A_1458, %get3A_1459] {strides = array<i32>} : memref<512x128xf32, #tpu.memory_space<vmem>>, vector<1x16xf32>,
        %get3A_1461 = vector.shape_cast %get3A_1460 : vector<1x16xf32> to vector<16xf32>
        %mul3A_1462 = vector.broadcast %squeeze3A_1457 : f32 to vector<16xf32>
        %mul3A_1463 = arith.mulf %mul3A_1462, %get3A_1461 : vector<16xf32>
        %slice3A_1464 = vector.extract_strided_slice %get3A_130 {offsets = [12], sizes = [1], strides = [1]} : vector<16xf32> to vector<1xf32>
        %squeeze3A_1465 = vector.extract %slice3A_1464[0] : f32 from vector<1xf32>
        %add3A_1466 = arith.constant 128 : i32
        %add3A_1467 = arith.addi %add3A_1466, %add3A_1379 : i32
        %get3A_1468 = arith.index_cast %add3A_1467 : i32 to index
        %get3A_1469 = arith.constant 48 : index
        %get3A_1470 = tpu.vector_load %arg14[%get3A_1468, %get3A_1469] {strides = array<i32>} : memref<512x128xf32, #tpu.memory_space<vmem>>, vector<1x16xf32>,
        %get3A_1471 = vector.shape_cast %get3A_1470 : vector<1x16xf32> to vector<16xf32>
        %mul3A_1472 = vector.broadcast %squeeze3A_1465 : f32 to vector<16xf32>
        %mul3A_1473 = arith.mulf %mul3A_1472, %get3A_1471 : vector<16xf32>
        %add3A_1474 = arith.addf %mul3A_1463, %mul3A_1473 : vector<16xf32>
        %swap3A_1475 = arith.index_cast %add3A_1383 : i32 to index
        %swap3A_1476 = arith.constant 304 : index
        %swap3A_1477 = tpu.vector_load %arg15[%swap3A_1475, %swap3A_1476] {strides = array<i32>} : memref<16x512xf32, #tpu.memory_space<vmem>>, vector<1x16xf32>,
        %swap3A_1478 = vector.shape_cast %swap3A_1477 : vector<1x16xf32> to vector<16xf32>
        %swap3A_1479 = vector.shape_cast %add3A_1474 : vector<16xf32> to vector<1x16xf32>
        tpu.vector_store %arg15[%swap3A_1475, %swap3A_1476], %swap3A_1479 {strides = array<i32>} : memref<16x512xf32, #tpu.memory_space<vmem>>, vector<1x16xf32>,
        %mul3A_1480 = arith.constant 16 : i32
        %mul3A_1481 = arith.muli %scan3A_114, %mul3A_1480 : i32
        %add3A_1482 = arith.constant 13 : i32
        %add3A_1483 = arith.addi %mul3A_1481, %add3A_1482 : i32
        %mul3A_1484 = arith.constant 2 : i32
        %mul3A_1485 = arith.muli %scan3A_114, %mul3A_1484 : i32
        %add3A_1486 = arith.constant 1 : i32
        %add3A_1487 = arith.addi %mul3A_1485, %add3A_1486 : i32
        %slice3A_1488 = vector.extract_strided_slice %get3A_122 {offsets = [13], sizes = [1], strides = [1]} : vector<16xf32> to vector<1xf32>
        %squeeze3A_1489 = vector.extract %slice3A_1488[0] : f32 from vector<1xf32>
        %get3A_1490 = arith.index_cast %add3A_1483 : i32 to index
        %get3A_1491 = arith.constant 0 : index
        %get3A_1492 = tpu.vector_load %arg14[%get3A_1490, %get3A_1491] {strides = array<i32>} : memref<512x128xf32, #tpu.memory_space<vmem>>, vector<1x16xf32>,
        %get3A_1493 = vector.shape_cast %get3A_1492 : vector<1x16xf32> to vector<16xf32>
        %mul3A_1494 = vector.broadcast %squeeze3A_1489 : f32 to vector<16xf32>
        %mul3A_1495 = arith.mulf %mul3A_1494, %get3A_1493 : vector<16xf32>
        %slice3A_1496 = vector.extract_strided_slice %get3A_130 {offsets = [13], sizes = [1], strides = [1]} : vector<16xf32> to vector<1xf32>
        %squeeze3A_1497 = vector.extract %slice3A_1496[0] : f32 from vector<1xf32>
        %add3A_1498 = arith.constant 128 : i32
        %add3A_1499 = arith.addi %add3A_1498, %add3A_1483 : i32
        %get3A_1500 = arith.index_cast %add3A_1499 : i32 to index
        %get3A_1501 = arith.constant 0 : index
        %get3A_1502 = tpu.vector_load %arg14[%get3A_1500, %get3A_1501] {strides = array<i32>} : memref<512x128xf32, #tpu.memory_space<vmem>>, vector<1x16xf32>,
        %get3A_1503 = vector.shape_cast %get3A_1502 : vector<1x16xf32> to vector<16xf32>
        %mul3A_1504 = vector.broadcast %squeeze3A_1497 : f32 to vector<16xf32>
        %mul3A_1505 = arith.mulf %mul3A_1504, %get3A_1503 : vector<16xf32>
        %add3A_1506 = arith.addf %mul3A_1495, %mul3A_1505 : vector<16xf32>
        %swap3A_1507 = arith.index_cast %add3A_1487 : i32 to index
        %swap3A_1508 = arith.constant 320 : index
        %swap3A_1509 = tpu.vector_load %arg15[%swap3A_1507, %swap3A_1508] {strides = array<i32>} : memref<16x512xf32, #tpu.memory_space<vmem>>, vector<1x16xf32>,
        %swap3A_1510 = vector.shape_cast %swap3A_1509 : vector<1x16xf32> to vector<16xf32>
        %swap3A_1511 = vector.shape_cast %add3A_1506 : vector<16xf32> to vector<1x16xf32>
        tpu.vector_store %arg15[%swap3A_1507, %swap3A_1508], %swap3A_1511 {strides = array<i32>} : memref<16x512xf32, #tpu.memory_space<vmem>>, vector<1x16xf32>,
        %slice3A_1512 = vector.extract_strided_slice %get3A_122 {offsets = [13], sizes = [1], strides = [1]} : vector<16xf32> to vector<1xf32>
        %squeeze3A_1513 = vector.extract %slice3A_1512[0] : f32 from vector<1xf32>
        %get3A_1514 = arith.index_cast %add3A_1483 : i32 to index
        %get3A_1515 = arith.constant 16 : index
        %get3A_1516 = tpu.vector_load %arg14[%get3A_1514, %get3A_1515] {strides = array<i32>} : memref<512x128xf32, #tpu.memory_space<vmem>>, vector<1x16xf32>,
        %get3A_1517 = vector.shape_cast %get3A_1516 : vector<1x16xf32> to vector<16xf32>
        %mul3A_1518 = vector.broadcast %squeeze3A_1513 : f32 to vector<16xf32>
        %mul3A_1519 = arith.mulf %mul3A_1518, %get3A_1517 : vector<16xf32>
        %slice3A_1520 = vector.extract_strided_slice %get3A_130 {offsets = [13], sizes = [1], strides = [1]} : vector<16xf32> to vector<1xf32>
        %squeeze3A_1521 = vector.extract %slice3A_1520[0] : f32 from vector<1xf32>
        %add3A_1522 = arith.constant 128 : i32
        %add3A_1523 = arith.addi %add3A_1522, %add3A_1483 : i32
        %get3A_1524 = arith.index_cast %add3A_1523 : i32 to index
        %get3A_1525 = arith.constant 16 : index
        %get3A_1526 = tpu.vector_load %arg14[%get3A_1524, %get3A_1525] {strides = array<i32>} : memref<512x128xf32, #tpu.memory_space<vmem>>, vector<1x16xf32>,
        %get3A_1527 = vector.shape_cast %get3A_1526 : vector<1x16xf32> to vector<16xf32>
        %mul3A_1528 = vector.broadcast %squeeze3A_1521 : f32 to vector<16xf32>
        %mul3A_1529 = arith.mulf %mul3A_1528, %get3A_1527 : vector<16xf32>
        %add3A_1530 = arith.addf %mul3A_1519, %mul3A_1529 : vector<16xf32>
        %swap3A_1531 = arith.index_cast %add3A_1487 : i32 to index
        %swap3A_1532 = arith.constant 336 : index
        %swap3A_1533 = tpu.vector_load %arg15[%swap3A_1531, %swap3A_1532] {strides = array<i32>} : memref<16x512xf32, #tpu.memory_space<vmem>>, vector<1x16xf32>,
        %swap3A_1534 = vector.shape_cast %swap3A_1533 : vector<1x16xf32> to vector<16xf32>
        %swap3A_1535 = vector.shape_cast %add3A_1530 : vector<16xf32> to vector<1x16xf32>
        tpu.vector_store %arg15[%swap3A_1531, %swap3A_1532], %swap3A_1535 {strides = array<i32>} : memref<16x512xf32, #tpu.memory_space<vmem>>, vector<1x16xf32>,
        %slice3A_1536 = vector.extract_strided_slice %get3A_122 {offsets = [13], sizes = [1], strides = [1]} : vector<16xf32> to vector<1xf32>
        %squeeze3A_1537 = vector.extract %slice3A_1536[0] : f32 from vector<1xf32>
        %get3A_1538 = arith.index_cast %add3A_1483 : i32 to index
        %get3A_1539 = arith.constant 32 : index
        %get3A_1540 = tpu.vector_load %arg14[%get3A_1538, %get3A_1539] {strides = array<i32>} : memref<512x128xf32, #tpu.memory_space<vmem>>, vector<1x16xf32>,
        %get3A_1541 = vector.shape_cast %get3A_1540 : vector<1x16xf32> to vector<16xf32>
        %mul3A_1542 = vector.broadcast %squeeze3A_1537 : f32 to vector<16xf32>
        %mul3A_1543 = arith.mulf %mul3A_1542, %get3A_1541 : vector<16xf32>
        %slice3A_1544 = vector.extract_strided_slice %get3A_130 {offsets = [13], sizes = [1], strides = [1]} : vector<16xf32> to vector<1xf32>
        %squeeze3A_1545 = vector.extract %slice3A_1544[0] : f32 from vector<1xf32>
        %add3A_1546 = arith.constant 128 : i32
        %add3A_1547 = arith.addi %add3A_1546, %add3A_1483 : i32
        %get3A_1548 = arith.index_cast %add3A_1547 : i32 to index
        %get3A_1549 = arith.constant 32 : index
        %get3A_1550 = tpu.vector_load %arg14[%get3A_1548, %get3A_1549] {strides = array<i32>} : memref<512x128xf32, #tpu.memory_space<vmem>>, vector<1x16xf32>,
        %get3A_1551 = vector.shape_cast %get3A_1550 : vector<1x16xf32> to vector<16xf32>
        %mul3A_1552 = vector.broadcast %squeeze3A_1545 : f32 to vector<16xf32>
        %mul3A_1553 = arith.mulf %mul3A_1552, %get3A_1551 : vector<16xf32>
        %add3A_1554 = arith.addf %mul3A_1543, %mul3A_1553 : vector<16xf32>
        %swap3A_1555 = arith.index_cast %add3A_1487 : i32 to index
        %swap3A_1556 = arith.constant 352 : index
        %swap3A_1557 = tpu.vector_load %arg15[%swap3A_1555, %swap3A_1556] {strides = array<i32>} : memref<16x512xf32, #tpu.memory_space<vmem>>, vector<1x16xf32>,
        %swap3A_1558 = vector.shape_cast %swap3A_1557 : vector<1x16xf32> to vector<16xf32>
        %swap3A_1559 = vector.shape_cast %add3A_1554 : vector<16xf32> to vector<1x16xf32>
        tpu.vector_store %arg15[%swap3A_1555, %swap3A_1556], %swap3A_1559 {strides = array<i32>} : memref<16x512xf32, #tpu.memory_space<vmem>>, vector<1x16xf32>,
        %slice3A_1560 = vector.extract_strided_slice %get3A_122 {offsets = [13], sizes = [1], strides = [1]} : vector<16xf32> to vector<1xf32>
        %squeeze3A_1561 = vector.extract %slice3A_1560[0] : f32 from vector<1xf32>
        %get3A_1562 = arith.index_cast %add3A_1483 : i32 to index
        %get3A_1563 = arith.constant 48 : index
        %get3A_1564 = tpu.vector_load %arg14[%get3A_1562, %get3A_1563] {strides = array<i32>} : memref<512x128xf32, #tpu.memory_space<vmem>>, vector<1x16xf32>,
        %get3A_1565 = vector.shape_cast %get3A_1564 : vector<1x16xf32> to vector<16xf32>
        %mul3A_1566 = vector.broadcast %squeeze3A_1561 : f32 to vector<16xf32>
        %mul3A_1567 = arith.mulf %mul3A_1566, %get3A_1565 : vector<16xf32>
        %slice3A_1568 = vector.extract_strided_slice %get3A_130 {offsets = [13], sizes = [1], strides = [1]} : vector<16xf32> to vector<1xf32>
        %squeeze3A_1569 = vector.extract %slice3A_1568[0] : f32 from vector<1xf32>
        %add3A_1570 = arith.constant 128 : i32
        %add3A_1571 = arith.addi %add3A_1570, %add3A_1483 : i32
        %get3A_1572 = arith.index_cast %add3A_1571 : i32 to index
        %get3A_1573 = arith.constant 48 : index
        %get3A_1574 = tpu.vector_load %arg14[%get3A_1572, %get3A_1573] {strides = array<i32>} : memref<512x128xf32, #tpu.memory_space<vmem>>, vector<1x16xf32>,
        %get3A_1575 = vector.shape_cast %get3A_1574 : vector<1x16xf32> to vector<16xf32>
        %mul3A_1576 = vector.broadcast %squeeze3A_1569 : f32 to vector<16xf32>
        %mul3A_1577 = arith.mulf %mul3A_1576, %get3A_1575 : vector<16xf32>
        %add3A_1578 = arith.addf %mul3A_1567, %mul3A_1577 : vector<16xf32>
        %swap3A_1579 = arith.index_cast %add3A_1487 : i32 to index
        %swap3A_1580 = arith.constant 368 : index
        %swap3A_1581 = tpu.vector_load %arg15[%swap3A_1579, %swap3A_1580] {strides = array<i32>} : memref<16x512xf32, #tpu.memory_space<vmem>>, vector<1x16xf32>,
        %swap3A_1582 = vector.shape_cast %swap3A_1581 : vector<1x16xf32> to vector<16xf32>
        %swap3A_1583 = vector.shape_cast %add3A_1578 : vector<16xf32> to vector<1x16xf32>
        tpu.vector_store %arg15[%swap3A_1579, %swap3A_1580], %swap3A_1583 {strides = array<i32>} : memref<16x512xf32, #tpu.memory_space<vmem>>, vector<1x16xf32>,
        %mul3A_1584 = arith.constant 16 : i32
        %mul3A_1585 = arith.muli %scan3A_114, %mul3A_1584 : i32
        %add3A_1586 = arith.constant 14 : i32
        %add3A_1587 = arith.addi %mul3A_1585, %add3A_1586 : i32
        %mul3A_1588 = arith.constant 2 : i32
        %mul3A_1589 = arith.muli %scan3A_114, %mul3A_1588 : i32
        %add3A_1590 = arith.constant 1 : i32
        %add3A_1591 = arith.addi %mul3A_1589, %add3A_1590 : i32
        %slice3A_1592 = vector.extract_strided_slice %get3A_122 {offsets = [14], sizes = [1], strides = [1]} : vector<16xf32> to vector<1xf32>
        %squeeze3A_1593 = vector.extract %slice3A_1592[0] : f32 from vector<1xf32>
        %get3A_1594 = arith.index_cast %add3A_1587 : i32 to index
        %get3A_1595 = arith.constant 0 : index
        %get3A_1596 = tpu.vector_load %arg14[%get3A_1594, %get3A_1595] {strides = array<i32>} : memref<512x128xf32, #tpu.memory_space<vmem>>, vector<1x16xf32>,
        %get3A_1597 = vector.shape_cast %get3A_1596 : vector<1x16xf32> to vector<16xf32>
        %mul3A_1598 = vector.broadcast %squeeze3A_1593 : f32 to vector<16xf32>
        %mul3A_1599 = arith.mulf %mul3A_1598, %get3A_1597 : vector<16xf32>
        %slice3A_1600 = vector.extract_strided_slice %get3A_130 {offsets = [14], sizes = [1], strides = [1]} : vector<16xf32> to vector<1xf32>
        %squeeze3A_1601 = vector.extract %slice3A_1600[0] : f32 from vector<1xf32>
        %add3A_1602 = arith.constant 128 : i32
        %add3A_1603 = arith.addi %add3A_1602, %add3A_1587 : i32
        %get3A_1604 = arith.index_cast %add3A_1603 : i32 to index
        %get3A_1605 = arith.constant 0 : index
        %get3A_1606 = tpu.vector_load %arg14[%get3A_1604, %get3A_1605] {strides = array<i32>} : memref<512x128xf32, #tpu.memory_space<vmem>>, vector<1x16xf32>,
        %get3A_1607 = vector.shape_cast %get3A_1606 : vector<1x16xf32> to vector<16xf32>
        %mul3A_1608 = vector.broadcast %squeeze3A_1601 : f32 to vector<16xf32>
        %mul3A_1609 = arith.mulf %mul3A_1608, %get3A_1607 : vector<16xf32>
        %add3A_1610 = arith.addf %mul3A_1599, %mul3A_1609 : vector<16xf32>
        %swap3A_1611 = arith.index_cast %add3A_1591 : i32 to index
        %swap3A_1612 = arith.constant 384 : index
        %swap3A_1613 = tpu.vector_load %arg15[%swap3A_1611, %swap3A_1612] {strides = array<i32>} : memref<16x512xf32, #tpu.memory_space<vmem>>, vector<1x16xf32>,
        %swap3A_1614 = vector.shape_cast %swap3A_1613 : vector<1x16xf32> to vector<16xf32>
        %swap3A_1615 = vector.shape_cast %add3A_1610 : vector<16xf32> to vector<1x16xf32>
        tpu.vector_store %arg15[%swap3A_1611, %swap3A_1612], %swap3A_1615 {strides = array<i32>} : memref<16x512xf32, #tpu.memory_space<vmem>>, vector<1x16xf32>,
        %slice3A_1616 = vector.extract_strided_slice %get3A_122 {offsets = [14], sizes = [1], strides = [1]} : vector<16xf32> to vector<1xf32>
        %squeeze3A_1617 = vector.extract %slice3A_1616[0] : f32 from vector<1xf32>
        %get3A_1618 = arith.index_cast %add3A_1587 : i32 to index
        %get3A_1619 = arith.constant 16 : index
        %get3A_1620 = tpu.vector_load %arg14[%get3A_1618, %get3A_1619] {strides = array<i32>} : memref<512x128xf32, #tpu.memory_space<vmem>>, vector<1x16xf32>,
        %get3A_1621 = vector.shape_cast %get3A_1620 : vector<1x16xf32> to vector<16xf32>
        %mul3A_1622 = vector.broadcast %squeeze3A_1617 : f32 to vector<16xf32>
        %mul3A_1623 = arith.mulf %mul3A_1622, %get3A_1621 : vector<16xf32>
        %slice3A_1624 = vector.extract_strided_slice %get3A_130 {offsets = [14], sizes = [1], strides = [1]} : vector<16xf32> to vector<1xf32>
        %squeeze3A_1625 = vector.extract %slice3A_1624[0] : f32 from vector<1xf32>
        %add3A_1626 = arith.constant 128 : i32
        %add3A_1627 = arith.addi %add3A_1626, %add3A_1587 : i32
        %get3A_1628 = arith.index_cast %add3A_1627 : i32 to index
        %get3A_1629 = arith.constant 16 : index
        %get3A_1630 = tpu.vector_load %arg14[%get3A_1628, %get3A_1629] {strides = array<i32>} : memref<512x128xf32, #tpu.memory_space<vmem>>, vector<1x16xf32>,
        %get3A_1631 = vector.shape_cast %get3A_1630 : vector<1x16xf32> to vector<16xf32>
        %mul3A_1632 = vector.broadcast %squeeze3A_1625 : f32 to vector<16xf32>
        %mul3A_1633 = arith.mulf %mul3A_1632, %get3A_1631 : vector<16xf32>
        %add3A_1634 = arith.addf %mul3A_1623, %mul3A_1633 : vector<16xf32>
        %swap3A_1635 = arith.index_cast %add3A_1591 : i32 to index
        %swap3A_1636 = arith.constant 400 : index
        %swap3A_1637 = tpu.vector_load %arg15[%swap3A_1635, %swap3A_1636] {strides = array<i32>} : memref<16x512xf32, #tpu.memory_space<vmem>>, vector<1x16xf32>,
        %swap3A_1638 = vector.shape_cast %swap3A_1637 : vector<1x16xf32> to vector<16xf32>
        %swap3A_1639 = vector.shape_cast %add3A_1634 : vector<16xf32> to vector<1x16xf32>
        tpu.vector_store %arg15[%swap3A_1635, %swap3A_1636], %swap3A_1639 {strides = array<i32>} : memref<16x512xf32, #tpu.memory_space<vmem>>, vector<1x16xf32>,
        %slice3A_1640 = vector.extract_strided_slice %get3A_122 {offsets = [14], sizes = [1], strides = [1]} : vector<16xf32> to vector<1xf32>
        %squeeze3A_1641 = vector.extract %slice3A_1640[0] : f32 from vector<1xf32>
        %get3A_1642 = arith.index_cast %add3A_1587 : i32 to index
        %get3A_1643 = arith.constant 32 : index
        %get3A_1644 = tpu.vector_load %arg14[%get3A_1642, %get3A_1643] {strides = array<i32>} : memref<512x128xf32, #tpu.memory_space<vmem>>, vector<1x16xf32>,
        %get3A_1645 = vector.shape_cast %get3A_1644 : vector<1x16xf32> to vector<16xf32>
        %mul3A_1646 = vector.broadcast %squeeze3A_1641 : f32 to vector<16xf32>
        %mul3A_1647 = arith.mulf %mul3A_1646, %get3A_1645 : vector<16xf32>
        %slice3A_1648 = vector.extract_strided_slice %get3A_130 {offsets = [14], sizes = [1], strides = [1]} : vector<16xf32> to vector<1xf32>
        %squeeze3A_1649 = vector.extract %slice3A_1648[0] : f32 from vector<1xf32>
        %add3A_1650 = arith.constant 128 : i32
        %add3A_1651 = arith.addi %add3A_1650, %add3A_1587 : i32
        %get3A_1652 = arith.index_cast %add3A_1651 : i32 to index
        %get3A_1653 = arith.constant 32 : index
        %get3A_1654 = tpu.vector_load %arg14[%get3A_1652, %get3A_1653] {strides = array<i32>} : memref<512x128xf32, #tpu.memory_space<vmem>>, vector<1x16xf32>,
        %get3A_1655 = vector.shape_cast %get3A_1654 : vector<1x16xf32> to vector<16xf32>
        %mul3A_1656 = vector.broadcast %squeeze3A_1649 : f32 to vector<16xf32>
        %mul3A_1657 = arith.mulf %mul3A_1656, %get3A_1655 : vector<16xf32>
        %add3A_1658 = arith.addf %mul3A_1647, %mul3A_1657 : vector<16xf32>
        %swap3A_1659 = arith.index_cast %add3A_1591 : i32 to index
        %swap3A_1660 = arith.constant 416 : index
        %swap3A_1661 = tpu.vector_load %arg15[%swap3A_1659, %swap3A_1660] {strides = array<i32>} : memref<16x512xf32, #tpu.memory_space<vmem>>, vector<1x16xf32>,
        %swap3A_1662 = vector.shape_cast %swap3A_1661 : vector<1x16xf32> to vector<16xf32>
        %swap3A_1663 = vector.shape_cast %add3A_1658 : vector<16xf32> to vector<1x16xf32>
        tpu.vector_store %arg15[%swap3A_1659, %swap3A_1660], %swap3A_1663 {strides = array<i32>} : memref<16x512xf32, #tpu.memory_space<vmem>>, vector<1x16xf32>,
        %slice3A_1664 = vector.extract_strided_slice %get3A_122 {offsets = [14], sizes = [1], strides = [1]} : vector<16xf32> to vector<1xf32>
        %squeeze3A_1665 = vector.extract %slice3A_1664[0] : f32 from vector<1xf32>
        %get3A_1666 = arith.index_cast %add3A_1587 : i32 to index
        %get3A_1667 = arith.constant 48 : index
        %get3A_1668 = tpu.vector_load %arg14[%get3A_1666, %get3A_1667] {strides = array<i32>} : memref<512x128xf32, #tpu.memory_space<vmem>>, vector<1x16xf32>,
        %get3A_1669 = vector.shape_cast %get3A_1668 : vector<1x16xf32> to vector<16xf32>
        %mul3A_1670 = vector.broadcast %squeeze3A_1665 : f32 to vector<16xf32>
        %mul3A_1671 = arith.mulf %mul3A_1670, %get3A_1669 : vector<16xf32>
        %slice3A_1672 = vector.extract_strided_slice %get3A_130 {offsets = [14], sizes = [1], strides = [1]} : vector<16xf32> to vector<1xf32>
        %squeeze3A_1673 = vector.extract %slice3A_1672[0] : f32 from vector<1xf32>
        %add3A_1674 = arith.constant 128 : i32
        %add3A_1675 = arith.addi %add3A_1674, %add3A_1587 : i32
        %get3A_1676 = arith.index_cast %add3A_1675 : i32 to index
        %get3A_1677 = arith.constant 48 : index
        %get3A_1678 = tpu.vector_load %arg14[%get3A_1676, %get3A_1677] {strides = array<i32>} : memref<512x128xf32, #tpu.memory_space<vmem>>, vector<1x16xf32>,
        %get3A_1679 = vector.shape_cast %get3A_1678 : vector<1x16xf32> to vector<16xf32>
        %mul3A_1680 = vector.broadcast %squeeze3A_1673 : f32 to vector<16xf32>
        %mul3A_1681 = arith.mulf %mul3A_1680, %get3A_1679 : vector<16xf32>
        %add3A_1682 = arith.addf %mul3A_1671, %mul3A_1681 : vector<16xf32>
        %swap3A_1683 = arith.index_cast %add3A_1591 : i32 to index
        %swap3A_1684 = arith.constant 432 : index
        %swap3A_1685 = tpu.vector_load %arg15[%swap3A_1683, %swap3A_1684] {strides = array<i32>} : memref<16x512xf32, #tpu.memory_space<vmem>>, vector<1x16xf32>,
        %swap3A_1686 = vector.shape_cast %swap3A_1685 : vector<1x16xf32> to vector<16xf32>
        %swap3A_1687 = vector.shape_cast %add3A_1682 : vector<16xf32> to vector<1x16xf32>
        tpu.vector_store %arg15[%swap3A_1683, %swap3A_1684], %swap3A_1687 {strides = array<i32>} : memref<16x512xf32, #tpu.memory_space<vmem>>, vector<1x16xf32>,
        %mul3A_1688 = arith.constant 16 : i32
        %mul3A_1689 = arith.muli %scan3A_114, %mul3A_1688 : i32
        %add3A_1690 = arith.constant 15 : i32
        %add3A_1691 = arith.addi %mul3A_1689, %add3A_1690 : i32
        %mul3A_1692 = arith.constant 2 : i32
        %mul3A_1693 = arith.muli %scan3A_114, %mul3A_1692 : i32
        %add3A_1694 = arith.constant 1 : i32
        %add3A_1695 = arith.addi %mul3A_1693, %add3A_1694 : i32
        %slice3A_1696 = vector.extract_strided_slice %get3A_122 {offsets = [15], sizes = [1], strides = [1]} : vector<16xf32> to vector<1xf32>
        %squeeze3A_1697 = vector.extract %slice3A_1696[0] : f32 from vector<1xf32>
        %get3A_1698 = arith.index_cast %add3A_1691 : i32 to index
        %get3A_1699 = arith.constant 0 : index
        %get3A_1700 = tpu.vector_load %arg14[%get3A_1698, %get3A_1699] {strides = array<i32>} : memref<512x128xf32, #tpu.memory_space<vmem>>, vector<1x16xf32>,
        %get3A_1701 = vector.shape_cast %get3A_1700 : vector<1x16xf32> to vector<16xf32>
        %mul3A_1702 = vector.broadcast %squeeze3A_1697 : f32 to vector<16xf32>
        %mul3A_1703 = arith.mulf %mul3A_1702, %get3A_1701 : vector<16xf32>
        %slice3A_1704 = vector.extract_strided_slice %get3A_130 {offsets = [15], sizes = [1], strides = [1]} : vector<16xf32> to vector<1xf32>
        %squeeze3A_1705 = vector.extract %slice3A_1704[0] : f32 from vector<1xf32>
        %add3A_1706 = arith.constant 128 : i32
        %add3A_1707 = arith.addi %add3A_1706, %add3A_1691 : i32
        %get3A_1708 = arith.index_cast %add3A_1707 : i32 to index
        %get3A_1709 = arith.constant 0 : index
        %get3A_1710 = tpu.vector_load %arg14[%get3A_1708, %get3A_1709] {strides = array<i32>} : memref<512x128xf32, #tpu.memory_space<vmem>>, vector<1x16xf32>,
        %get3A_1711 = vector.shape_cast %get3A_1710 : vector<1x16xf32> to vector<16xf32>
        %mul3A_1712 = vector.broadcast %squeeze3A_1705 : f32 to vector<16xf32>
        %mul3A_1713 = arith.mulf %mul3A_1712, %get3A_1711 : vector<16xf32>
        %add3A_1714 = arith.addf %mul3A_1703, %mul3A_1713 : vector<16xf32>
        %swap3A_1715 = arith.index_cast %add3A_1695 : i32 to index
        %swap3A_1716 = arith.constant 448 : index
        %swap3A_1717 = tpu.vector_load %arg15[%swap3A_1715, %swap3A_1716] {strides = array<i32>} : memref<16x512xf32, #tpu.memory_space<vmem>>, vector<1x16xf32>,
        %swap3A_1718 = vector.shape_cast %swap3A_1717 : vector<1x16xf32> to vector<16xf32>
        %swap3A_1719 = vector.shape_cast %add3A_1714 : vector<16xf32> to vector<1x16xf32>
        tpu.vector_store %arg15[%swap3A_1715, %swap3A_1716], %swap3A_1719 {strides = array<i32>} : memref<16x512xf32, #tpu.memory_space<vmem>>, vector<1x16xf32>,
        %slice3A_1720 = vector.extract_strided_slice %get3A_122 {offsets = [15], sizes = [1], strides = [1]} : vector<16xf32> to vector<1xf32>
        %squeeze3A_1721 = vector.extract %slice3A_1720[0] : f32 from vector<1xf32>
        %get3A_1722 = arith.index_cast %add3A_1691 : i32 to index
        %get3A_1723 = arith.constant 16 : index
        %get3A_1724 = tpu.vector_load %arg14[%get3A_1722, %get3A_1723] {strides = array<i32>} : memref<512x128xf32, #tpu.memory_space<vmem>>, vector<1x16xf32>,
        %get3A_1725 = vector.shape_cast %get3A_1724 : vector<1x16xf32> to vector<16xf32>
        %mul3A_1726 = vector.broadcast %squeeze3A_1721 : f32 to vector<16xf32>
        %mul3A_1727 = arith.mulf %mul3A_1726, %get3A_1725 : vector<16xf32>
        %slice3A_1728 = vector.extract_strided_slice %get3A_130 {offsets = [15], sizes = [1], strides = [1]} : vector<16xf32> to vector<1xf32>
        %squeeze3A_1729 = vector.extract %slice3A_1728[0] : f32 from vector<1xf32>
        %add3A_1730 = arith.constant 128 : i32
        %add3A_1731 = arith.addi %add3A_1730, %add3A_1691 : i32
        %get3A_1732 = arith.index_cast %add3A_1731 : i32 to index
        %get3A_1733 = arith.constant 16 : index
        %get3A_1734 = tpu.vector_load %arg14[%get3A_1732, %get3A_1733] {strides = array<i32>} : memref<512x128xf32, #tpu.memory_space<vmem>>, vector<1x16xf32>,
        %get3A_1735 = vector.shape_cast %get3A_1734 : vector<1x16xf32> to vector<16xf32>
        %mul3A_1736 = vector.broadcast %squeeze3A_1729 : f32 to vector<16xf32>
        %mul3A_1737 = arith.mulf %mul3A_1736, %get3A_1735 : vector<16xf32>
        %add3A_1738 = arith.addf %mul3A_1727, %mul3A_1737 : vector<16xf32>
        %swap3A_1739 = arith.index_cast %add3A_1695 : i32 to index
        %swap3A_1740 = arith.constant 464 : index
        %swap3A_1741 = tpu.vector_load %arg15[%swap3A_1739, %swap3A_1740] {strides = array<i32>} : memref<16x512xf32, #tpu.memory_space<vmem>>, vector<1x16xf32>,
        %swap3A_1742 = vector.shape_cast %swap3A_1741 : vector<1x16xf32> to vector<16xf32>
        %swap3A_1743 = vector.shape_cast %add3A_1738 : vector<16xf32> to vector<1x16xf32>
        tpu.vector_store %arg15[%swap3A_1739, %swap3A_1740], %swap3A_1743 {strides = array<i32>} : memref<16x512xf32, #tpu.memory_space<vmem>>, vector<1x16xf32>,
        %slice3A_1744 = vector.extract_strided_slice %get3A_122 {offsets = [15], sizes = [1], strides = [1]} : vector<16xf32> to vector<1xf32>
        %squeeze3A_1745 = vector.extract %slice3A_1744[0] : f32 from vector<1xf32>
        %get3A_1746 = arith.index_cast %add3A_1691 : i32 to index
        %get3A_1747 = arith.constant 32 : index
        %get3A_1748 = tpu.vector_load %arg14[%get3A_1746, %get3A_1747] {strides = array<i32>} : memref<512x128xf32, #tpu.memory_space<vmem>>, vector<1x16xf32>,
        %get3A_1749 = vector.shape_cast %get3A_1748 : vector<1x16xf32> to vector<16xf32>
        %mul3A_1750 = vector.broadcast %squeeze3A_1745 : f32 to vector<16xf32>
        %mul3A_1751 = arith.mulf %mul3A_1750, %get3A_1749 : vector<16xf32>
        %slice3A_1752 = vector.extract_strided_slice %get3A_130 {offsets = [15], sizes = [1], strides = [1]} : vector<16xf32> to vector<1xf32>
        %squeeze3A_1753 = vector.extract %slice3A_1752[0] : f32 from vector<1xf32>
        %add3A_1754 = arith.constant 128 : i32
        %add3A_1755 = arith.addi %add3A_1754, %add3A_1691 : i32
        %get3A_1756 = arith.index_cast %add3A_1755 : i32 to index
        %get3A_1757 = arith.constant 32 : index
        %get3A_1758 = tpu.vector_load %arg14[%get3A_1756, %get3A_1757] {strides = array<i32>} : memref<512x128xf32, #tpu.memory_space<vmem>>, vector<1x16xf32>,
        %get3A_1759 = vector.shape_cast %get3A_1758 : vector<1x16xf32> to vector<16xf32>
        %mul3A_1760 = vector.broadcast %squeeze3A_1753 : f32 to vector<16xf32>
        %mul3A_1761 = arith.mulf %mul3A_1760, %get3A_1759 : vector<16xf32>
        %add3A_1762 = arith.addf %mul3A_1751, %mul3A_1761 : vector<16xf32>
        %swap3A_1763 = arith.index_cast %add3A_1695 : i32 to index
        %swap3A_1764 = arith.constant 480 : index
        %swap3A_1765 = tpu.vector_load %arg15[%swap3A_1763, %swap3A_1764] {strides = array<i32>} : memref<16x512xf32, #tpu.memory_space<vmem>>, vector<1x16xf32>,
        %swap3A_1766 = vector.shape_cast %swap3A_1765 : vector<1x16xf32> to vector<16xf32>
        %swap3A_1767 = vector.shape_cast %add3A_1762 : vector<16xf32> to vector<1x16xf32>
        tpu.vector_store %arg15[%swap3A_1763, %swap3A_1764], %swap3A_1767 {strides = array<i32>} : memref<16x512xf32, #tpu.memory_space<vmem>>, vector<1x16xf32>,
        %slice3A_1768 = vector.extract_strided_slice %get3A_122 {offsets = [15], sizes = [1], strides = [1]} : vector<16xf32> to vector<1xf32>
        %squeeze3A_1769 = vector.extract %slice3A_1768[0] : f32 from vector<1xf32>
        %get3A_1770 = arith.index_cast %add3A_1691 : i32 to index
        %get3A_1771 = arith.constant 48 : index
        %get3A_1772 = tpu.vector_load %arg14[%get3A_1770, %get3A_1771] {strides = array<i32>} : memref<512x128xf32, #tpu.memory_space<vmem>>, vector<1x16xf32>,
        %get3A_1773 = vector.shape_cast %get3A_1772 : vector<1x16xf32> to vector<16xf32>
        %mul3A_1774 = vector.broadcast %squeeze3A_1769 : f32 to vector<16xf32>
        %mul3A_1775 = arith.mulf %mul3A_1774, %get3A_1773 : vector<16xf32>
        %slice3A_1776 = vector.extract_strided_slice %get3A_130 {offsets = [15], sizes = [1], strides = [1]} : vector<16xf32> to vector<1xf32>
        %squeeze3A_1777 = vector.extract %slice3A_1776[0] : f32 from vector<1xf32>
        %add3A_1778 = arith.constant 128 : i32
        %add3A_1779 = arith.addi %add3A_1778, %add3A_1691 : i32
        %get3A_1780 = arith.index_cast %add3A_1779 : i32 to index
        %get3A_1781 = arith.constant 48 : index
        %get3A_1782 = tpu.vector_load %arg14[%get3A_1780, %get3A_1781] {strides = array<i32>} : memref<512x128xf32, #tpu.memory_space<vmem>>, vector<1x16xf32>,
        %get3A_1783 = vector.shape_cast %get3A_1782 : vector<1x16xf32> to vector<16xf32>
        %mul3A_1784 = vector.broadcast %squeeze3A_1777 : f32 to vector<16xf32>
        %mul3A_1785 = arith.mulf %mul3A_1784, %get3A_1783 : vector<16xf32>
        %add3A_1786 = arith.addf %mul3A_1775, %mul3A_1785 : vector<16xf32>
        %swap3A_1787 = arith.index_cast %add3A_1695 : i32 to index
        %swap3A_1788 = arith.constant 496 : index
        %swap3A_1789 = tpu.vector_load %arg15[%swap3A_1787, %swap3A_1788] {strides = array<i32>} : memref<16x512xf32, #tpu.memory_space<vmem>>, vector<1x16xf32>,
        %swap3A_1790 = vector.shape_cast %swap3A_1789 : vector<1x16xf32> to vector<16xf32>
        %swap3A_1791 = vector.shape_cast %add3A_1786 : vector<16xf32> to vector<1x16xf32>
        tpu.vector_store %arg15[%swap3A_1787, %swap3A_1788], %swap3A_1791 {strides = array<i32>} : memref<16x512xf32, #tpu.memory_space<vmem>>, vector<1x16xf32>,
        %scan3A_1792 = arith.constant 0 : i32
        scf.yield %scan3A_1792 : i32
      }
      %scan3A_82 = arith.constant 8 : i32
      %dma_wait3A_83 = arith.constant 2 : i32
      %dma_wait3A_84 = arith.constant 256 : i32
      %dma_wait3A_85 = arith.constant 0 : i32
      %dma_wait3A_86 = tpu.memref_slice %arg14[%dma_wait3A_84, %dma_wait3A_85] : memref<512x128xf32, #tpu.memory_space<vmem>> -> memref<128x128xf32, #tpu.memory_space<vmem>>
      %dma_wait3A_87 = arith.constant 0 : i32
      %dma_wait3A_88 = tpu.memref_slice %arg12[%dma_wait3A_83, %scan3A_16, %dma_wait3A_87] : memref<4x32x128xi32, #tpu.memory_space<vmem>> -> memref<1x1x128xi32, #tpu.memory_space<vmem>>
      %dma_wait3A_89 = tpu.memref_squeeze %dma_wait3A_88 : memref<1x1x128xi32, #tpu.memory_space<vmem>> -> memref<128xi32, #tpu.memory_space<vmem>>
      %dma_wait3A_90 = arith.constant 0 : i32
      %dma_wait3A_91 = arith.constant 0 : i32
      %dma_wait3A_92 = tpu.memref_slice %arg2[%dma_wait3A_90, %dma_wait3A_91] : memref<1048576x128xf32, #tpu.memory_space<hbm>> -> memref<1048576x128xf32, #tpu.memory_space<hbm>>
      tpu.wait_indirect_dma semaphore(%arg17 : memref<!tpu.dma_semaphore, #tpu.memory_space<semaphore_mem>>) src(%dma_wait3A_92 : memref<1048576x128xf32, #tpu.memory_space<hbm>>) dst(%dma_wait3A_86 : memref<128x128xf32, #tpu.memory_space<vmem>>)
      %dma_wait3A_93 = arith.constant 3 : i32
      %dma_wait3A_94 = arith.constant 384 : i32
      %dma_wait3A_95 = arith.constant 0 : i32
      %dma_wait3A_96 = tpu.memref_slice %arg14[%dma_wait3A_94, %dma_wait3A_95] : memref<512x128xf32, #tpu.memory_space<vmem>> -> memref<128x128xf32, #tpu.memory_space<vmem>>
      %dma_wait3A_97 = arith.constant 0 : i32
      %dma_wait3A_98 = tpu.memref_slice %arg12[%dma_wait3A_93, %scan3A_16, %dma_wait3A_97] : memref<4x32x128xi32, #tpu.memory_space<vmem>> -> memref<1x1x128xi32, #tpu.memory_space<vmem>>
      %dma_wait3A_99 = tpu.memref_squeeze %dma_wait3A_98 : memref<1x1x128xi32, #tpu.memory_space<vmem>> -> memref<128xi32, #tpu.memory_space<vmem>>
      %dma_wait3A_100 = arith.constant 0 : i32
      %dma_wait3A_101 = arith.constant 0 : i32
      %dma_wait3A_102 = tpu.memref_slice %arg2[%dma_wait3A_100, %dma_wait3A_101] : memref<1048576x128xf32, #tpu.memory_space<hbm>> -> memref<1048576x128xf32, #tpu.memory_space<hbm>>
      tpu.wait_indirect_dma semaphore(%arg17 : memref<!tpu.dma_semaphore, #tpu.memory_space<semaphore_mem>>) src(%dma_wait3A_102 : memref<1048576x128xf32, #tpu.memory_space<hbm>>) dst(%dma_wait3A_96 : memref<128x128xf32, #tpu.memory_space<vmem>>)
      %scan3A_103 = arith.constant 0 : i32
      %scan3A_104 = arith.constant 0 : i32
      %scan3A_105 = arith.constant 8 : i32
      %scan3A_106 = arith.addi %scan3A_104, %scan3A_105 : i32
      %scan3A_107 = arith.constant 1 : i32
      %scan3A_108 = scf.for %scan3A_114 = %scan3A_104 to %scan3A_106 step %scan3A_107 iter_args(%scan3A_115 = %scan3A_103) -> (i32)  : i32 {
        %mul3A_116 = arith.constant 16 : i32
        %mul3A_117 = arith.muli %scan3A_114, %mul3A_116 : i32
        %get3A = arith.constant 2 : i32
        %get3A_118 = arith.index_cast %get3A : i32 to index
        %get3A_119 = arith.index_cast %scan3A_16 : i32 to index
        %get3A_120 = arith.index_cast %mul3A_117 : i32 to index
        %get3A_121 = tpu.vector_load %arg13[%get3A_118, %get3A_119, %get3A_120] {strides = array<i32>} : memref<4x32x128xf32, #tpu.memory_space<vmem>>, vector<1x1x16xf32>,
        %get3A_122 = vector.shape_cast %get3A_121 : vector<1x1x16xf32> to vector<16xf32>
        %mul3A_123 = arith.constant 16 : i32
        %mul3A_124 = arith.muli %scan3A_114, %mul3A_123 : i32
        %get3A_125 = arith.constant 3 : i32
        %get3A_126 = arith.index_cast %get3A_125 : i32 to index
        %get3A_127 = arith.index_cast %scan3A_16 : i32 to index
        %get3A_128 = arith.index_cast %mul3A_124 : i32 to index
        %get3A_129 = tpu.vector_load %arg13[%get3A_126, %get3A_127, %get3A_128] {strides = array<i32>} : memref<4x32x128xf32, #tpu.memory_space<vmem>>, vector<1x1x16xf32>,
        %get3A_130 = vector.shape_cast %get3A_129 : vector<1x1x16xf32> to vector<16xf32>
        %mul3A_131 = arith.constant 16 : i32
        %mul3A_132 = arith.muli %scan3A_114, %mul3A_131 : i32
        %add3A_133 = arith.constant 0 : i32
        %add3A_134 = arith.addi %mul3A_132, %add3A_133 : i32
        %mul3A_135 = arith.constant 2 : i32
        %mul3A_136 = arith.muli %scan3A_114, %mul3A_135 : i32
        %add3A_137 = arith.constant 0 : i32
        %add3A_138 = arith.addi %mul3A_136, %add3A_137 : i32
        %get3A_139 = arith.index_cast %add3A_138 : i32 to index
        %get3A_140 = arith.constant 0 : index
        %get3A_141 = tpu.vector_load %arg15[%get3A_139, %get3A_140] {strides = array<i32>} : memref<16x512xf32, #tpu.memory_space<vmem>>, vector<1x16xf32>,
        %get3A_142 = vector.shape_cast %get3A_141 : vector<1x16xf32> to vector<16xf32>
        %slice3A = vector.extract_strided_slice %get3A_122 {offsets = [0], sizes = [1], strides = [1]} : vector<16xf32> to vector<1xf32>
        %squeeze3A = vector.extract %slice3A[0] : f32 from vector<1xf32>
        %add3A_143 = arith.constant 256 : i32
        %add3A_144 = arith.addi %add3A_143, %add3A_134 : i32
        %get3A_145 = arith.index_cast %add3A_144 : i32 to index
        %get3A_146 = arith.constant 0 : index
        %get3A_147 = tpu.vector_load %arg14[%get3A_145, %get3A_146] {strides = array<i32>} : memref<512x128xf32, #tpu.memory_space<vmem>>, vector<1x16xf32>,
        %get3A_148 = vector.shape_cast %get3A_147 : vector<1x16xf32> to vector<16xf32>
        %mul3A_149 = vector.broadcast %squeeze3A : f32 to vector<16xf32>
        %mul3A_150 = arith.mulf %mul3A_149, %get3A_148 : vector<16xf32>
        %add3A_151 = arith.addf %get3A_142, %mul3A_150 : vector<16xf32>
        %slice3A_152 = vector.extract_strided_slice %get3A_130 {offsets = [0], sizes = [1], strides = [1]} : vector<16xf32> to vector<1xf32>
        %squeeze3A_153 = vector.extract %slice3A_152[0] : f32 from vector<1xf32>
        %add3A_154 = arith.constant 384 : i32
        %add3A_155 = arith.addi %add3A_154, %add3A_134 : i32
        %get3A_156 = arith.index_cast %add3A_155 : i32 to index
        %get3A_157 = arith.constant 0 : index
        %get3A_158 = tpu.vector_load %arg14[%get3A_156, %get3A_157] {strides = array<i32>} : memref<512x128xf32, #tpu.memory_space<vmem>>, vector<1x16xf32>,
        %get3A_159 = vector.shape_cast %get3A_158 : vector<1x16xf32> to vector<16xf32>
        %mul3A_160 = vector.broadcast %squeeze3A_153 : f32 to vector<16xf32>
        %mul3A_161 = arith.mulf %mul3A_160, %get3A_159 : vector<16xf32>
        %add3A_162 = arith.addf %add3A_151, %mul3A_161 : vector<16xf32>
        %swap3A = arith.index_cast %add3A_138 : i32 to index
        %swap3A_163 = arith.constant 0 : index
        %swap3A_164 = tpu.vector_load %arg15[%swap3A, %swap3A_163] {strides = array<i32>} : memref<16x512xf32, #tpu.memory_space<vmem>>, vector<1x16xf32>,
        %swap3A_165 = vector.shape_cast %swap3A_164 : vector<1x16xf32> to vector<16xf32>
        %swap3A_166 = vector.shape_cast %add3A_162 : vector<16xf32> to vector<1x16xf32>
        tpu.vector_store %arg15[%swap3A, %swap3A_163], %swap3A_166 {strides = array<i32>} : memref<16x512xf32, #tpu.memory_space<vmem>>, vector<1x16xf32>,
        %get3A_167 = arith.index_cast %add3A_138 : i32 to index
        %get3A_168 = arith.constant 16 : index
        %get3A_169 = tpu.vector_load %arg15[%get3A_167, %get3A_168] {strides = array<i32>} : memref<16x512xf32, #tpu.memory_space<vmem>>, vector<1x16xf32>,
        %get3A_170 = vector.shape_cast %get3A_169 : vector<1x16xf32> to vector<16xf32>
        %slice3A_171 = vector.extract_strided_slice %get3A_122 {offsets = [0], sizes = [1], strides = [1]} : vector<16xf32> to vector<1xf32>
        %squeeze3A_172 = vector.extract %slice3A_171[0] : f32 from vector<1xf32>
        %add3A_173 = arith.constant 256 : i32
        %add3A_174 = arith.addi %add3A_173, %add3A_134 : i32
        %get3A_175 = arith.index_cast %add3A_174 : i32 to index
        %get3A_176 = arith.constant 16 : index
        %get3A_177 = tpu.vector_load %arg14[%get3A_175, %get3A_176] {strides = array<i32>} : memref<512x128xf32, #tpu.memory_space<vmem>>, vector<1x16xf32>,
        %get3A_178 = vector.shape_cast %get3A_177 : vector<1x16xf32> to vector<16xf32>
        %mul3A_179 = vector.broadcast %squeeze3A_172 : f32 to vector<16xf32>
        %mul3A_180 = arith.mulf %mul3A_179, %get3A_178 : vector<16xf32>
        %add3A_181 = arith.addf %get3A_170, %mul3A_180 : vector<16xf32>
        %slice3A_182 = vector.extract_strided_slice %get3A_130 {offsets = [0], sizes = [1], strides = [1]} : vector<16xf32> to vector<1xf32>
        %squeeze3A_183 = vector.extract %slice3A_182[0] : f32 from vector<1xf32>
        %add3A_184 = arith.constant 384 : i32
        %add3A_185 = arith.addi %add3A_184, %add3A_134 : i32
        %get3A_186 = arith.index_cast %add3A_185 : i32 to index
        %get3A_187 = arith.constant 16 : index
        %get3A_188 = tpu.vector_load %arg14[%get3A_186, %get3A_187] {strides = array<i32>} : memref<512x128xf32, #tpu.memory_space<vmem>>, vector<1x16xf32>,
        %get3A_189 = vector.shape_cast %get3A_188 : vector<1x16xf32> to vector<16xf32>
        %mul3A_190 = vector.broadcast %squeeze3A_183 : f32 to vector<16xf32>
        %mul3A_191 = arith.mulf %mul3A_190, %get3A_189 : vector<16xf32>
        %add3A_192 = arith.addf %add3A_181, %mul3A_191 : vector<16xf32>
        %swap3A_193 = arith.index_cast %add3A_138 : i32 to index
        %swap3A_194 = arith.constant 16 : index
        %swap3A_195 = tpu.vector_load %arg15[%swap3A_193, %swap3A_194] {strides = array<i32>} : memref<16x512xf32, #tpu.memory_space<vmem>>, vector<1x16xf32>,
        %swap3A_196 = vector.shape_cast %swap3A_195 : vector<1x16xf32> to vector<16xf32>
        %swap3A_197 = vector.shape_cast %add3A_192 : vector<16xf32> to vector<1x16xf32>
        tpu.vector_store %arg15[%swap3A_193, %swap3A_194], %swap3A_197 {strides = array<i32>} : memref<16x512xf32, #tpu.memory_space<vmem>>, vector<1x16xf32>,
        %get3A_198 = arith.index_cast %add3A_138 : i32 to index
        %get3A_199 = arith.constant 32 : index
        %get3A_200 = tpu.vector_load %arg15[%get3A_198, %get3A_199] {strides = array<i32>} : memref<16x512xf32, #tpu.memory_space<vmem>>, vector<1x16xf32>,
        %get3A_201 = vector.shape_cast %get3A_200 : vector<1x16xf32> to vector<16xf32>
        %slice3A_202 = vector.extract_strided_slice %get3A_122 {offsets = [0], sizes = [1], strides = [1]} : vector<16xf32> to vector<1xf32>
        %squeeze3A_203 = vector.extract %slice3A_202[0] : f32 from vector<1xf32>
        %add3A_204 = arith.constant 256 : i32
        %add3A_205 = arith.addi %add3A_204, %add3A_134 : i32
        %get3A_206 = arith.index_cast %add3A_205 : i32 to index
        %get3A_207 = arith.constant 32 : index
        %get3A_208 = tpu.vector_load %arg14[%get3A_206, %get3A_207] {strides = array<i32>} : memref<512x128xf32, #tpu.memory_space<vmem>>, vector<1x16xf32>,
        %get3A_209 = vector.shape_cast %get3A_208 : vector<1x16xf32> to vector<16xf32>
        %mul3A_210 = vector.broadcast %squeeze3A_203 : f32 to vector<16xf32>
        %mul3A_211 = arith.mulf %mul3A_210, %get3A_209 : vector<16xf32>
        %add3A_212 = arith.addf %get3A_201, %mul3A_211 : vector<16xf32>
        %slice3A_213 = vector.extract_strided_slice %get3A_130 {offsets = [0], sizes = [1], strides = [1]} : vector<16xf32> to vector<1xf32>
        %squeeze3A_214 = vector.extract %slice3A_213[0] : f32 from vector<1xf32>
        %add3A_215 = arith.constant 384 : i32
        %add3A_216 = arith.addi %add3A_215, %add3A_134 : i32
        %get3A_217 = arith.index_cast %add3A_216 : i32 to index
        %get3A_218 = arith.constant 32 : index
        %get3A_219 = tpu.vector_load %arg14[%get3A_217, %get3A_218] {strides = array<i32>} : memref<512x128xf32, #tpu.memory_space<vmem>>, vector<1x16xf32>,
        %get3A_220 = vector.shape_cast %get3A_219 : vector<1x16xf32> to vector<16xf32>
        %mul3A_221 = vector.broadcast %squeeze3A_214 : f32 to vector<16xf32>
        %mul3A_222 = arith.mulf %mul3A_221, %get3A_220 : vector<16xf32>
        %add3A_223 = arith.addf %add3A_212, %mul3A_222 : vector<16xf32>
        %swap3A_224 = arith.index_cast %add3A_138 : i32 to index
        %swap3A_225 = arith.constant 32 : index
        %swap3A_226 = tpu.vector_load %arg15[%swap3A_224, %swap3A_225] {strides = array<i32>} : memref<16x512xf32, #tpu.memory_space<vmem>>, vector<1x16xf32>,
        %swap3A_227 = vector.shape_cast %swap3A_226 : vector<1x16xf32> to vector<16xf32>
        %swap3A_228 = vector.shape_cast %add3A_223 : vector<16xf32> to vector<1x16xf32>
        tpu.vector_store %arg15[%swap3A_224, %swap3A_225], %swap3A_228 {strides = array<i32>} : memref<16x512xf32, #tpu.memory_space<vmem>>, vector<1x16xf32>,
        %get3A_229 = arith.index_cast %add3A_138 : i32 to index
        %get3A_230 = arith.constant 48 : index
        %get3A_231 = tpu.vector_load %arg15[%get3A_229, %get3A_230] {strides = array<i32>} : memref<16x512xf32, #tpu.memory_space<vmem>>, vector<1x16xf32>,
        %get3A_232 = vector.shape_cast %get3A_231 : vector<1x16xf32> to vector<16xf32>
        %slice3A_233 = vector.extract_strided_slice %get3A_122 {offsets = [0], sizes = [1], strides = [1]} : vector<16xf32> to vector<1xf32>
        %squeeze3A_234 = vector.extract %slice3A_233[0] : f32 from vector<1xf32>
        %add3A_235 = arith.constant 256 : i32
        %add3A_236 = arith.addi %add3A_235, %add3A_134 : i32
        %get3A_237 = arith.index_cast %add3A_236 : i32 to index
        %get3A_238 = arith.constant 48 : index
        %get3A_239 = tpu.vector_load %arg14[%get3A_237, %get3A_238] {strides = array<i32>} : memref<512x128xf32, #tpu.memory_space<vmem>>, vector<1x16xf32>,
        %get3A_240 = vector.shape_cast %get3A_239 : vector<1x16xf32> to vector<16xf32>
        %mul3A_241 = vector.broadcast %squeeze3A_234 : f32 to vector<16xf32>
        %mul3A_242 = arith.mulf %mul3A_241, %get3A_240 : vector<16xf32>
        %add3A_243 = arith.addf %get3A_232, %mul3A_242 : vector<16xf32>
        %slice3A_244 = vector.extract_strided_slice %get3A_130 {offsets = [0], sizes = [1], strides = [1]} : vector<16xf32> to vector<1xf32>
        %squeeze3A_245 = vector.extract %slice3A_244[0] : f32 from vector<1xf32>
        %add3A_246 = arith.constant 384 : i32
        %add3A_247 = arith.addi %add3A_246, %add3A_134 : i32
        %get3A_248 = arith.index_cast %add3A_247 : i32 to index
        %get3A_249 = arith.constant 48 : index
        %get3A_250 = tpu.vector_load %arg14[%get3A_248, %get3A_249] {strides = array<i32>} : memref<512x128xf32, #tpu.memory_space<vmem>>, vector<1x16xf32>,
        %get3A_251 = vector.shape_cast %get3A_250 : vector<1x16xf32> to vector<16xf32>
        %mul3A_252 = vector.broadcast %squeeze3A_245 : f32 to vector<16xf32>
        %mul3A_253 = arith.mulf %mul3A_252, %get3A_251 : vector<16xf32>
        %add3A_254 = arith.addf %add3A_243, %mul3A_253 : vector<16xf32>
        %swap3A_255 = arith.index_cast %add3A_138 : i32 to index
        %swap3A_256 = arith.constant 48 : index
        %swap3A_257 = tpu.vector_load %arg15[%swap3A_255, %swap3A_256] {strides = array<i32>} : memref<16x512xf32, #tpu.memory_space<vmem>>, vector<1x16xf32>,
        %swap3A_258 = vector.shape_cast %swap3A_257 : vector<1x16xf32> to vector<16xf32>
        %swap3A_259 = vector.shape_cast %add3A_254 : vector<16xf32> to vector<1x16xf32>
        tpu.vector_store %arg15[%swap3A_255, %swap3A_256], %swap3A_259 {strides = array<i32>} : memref<16x512xf32, #tpu.memory_space<vmem>>, vector<1x16xf32>,
        %mul3A_260 = arith.constant 16 : i32
        %mul3A_261 = arith.muli %scan3A_114, %mul3A_260 : i32
        %add3A_262 = arith.constant 1 : i32
        %add3A_263 = arith.addi %mul3A_261, %add3A_262 : i32
        %mul3A_264 = arith.constant 2 : i32
        %mul3A_265 = arith.muli %scan3A_114, %mul3A_264 : i32
        %add3A_266 = arith.constant 0 : i32
        %add3A_267 = arith.addi %mul3A_265, %add3A_266 : i32
        %get3A_268 = arith.index_cast %add3A_267 : i32 to index
        %get3A_269 = arith.constant 64 : index
        %get3A_270 = tpu.vector_load %arg15[%get3A_268, %get3A_269] {strides = array<i32>} : memref<16x512xf32, #tpu.memory_space<vmem>>, vector<1x16xf32>,
        %get3A_271 = vector.shape_cast %get3A_270 : vector<1x16xf32> to vector<16xf32>
        %slice3A_272 = vector.extract_strided_slice %get3A_122 {offsets = [1], sizes = [1], strides = [1]} : vector<16xf32> to vector<1xf32>
        %squeeze3A_273 = vector.extract %slice3A_272[0] : f32 from vector<1xf32>
        %add3A_274 = arith.constant 256 : i32
        %add3A_275 = arith.addi %add3A_274, %add3A_263 : i32
        %get3A_276 = arith.index_cast %add3A_275 : i32 to index
        %get3A_277 = arith.constant 0 : index
        %get3A_278 = tpu.vector_load %arg14[%get3A_276, %get3A_277] {strides = array<i32>} : memref<512x128xf32, #tpu.memory_space<vmem>>, vector<1x16xf32>,
        %get3A_279 = vector.shape_cast %get3A_278 : vector<1x16xf32> to vector<16xf32>
        %mul3A_280 = vector.broadcast %squeeze3A_273 : f32 to vector<16xf32>
        %mul3A_281 = arith.mulf %mul3A_280, %get3A_279 : vector<16xf32>
        %add3A_282 = arith.addf %get3A_271, %mul3A_281 : vector<16xf32>
        %slice3A_283 = vector.extract_strided_slice %get3A_130 {offsets = [1], sizes = [1], strides = [1]} : vector<16xf32> to vector<1xf32>
        %squeeze3A_284 = vector.extract %slice3A_283[0] : f32 from vector<1xf32>
        %add3A_285 = arith.constant 384 : i32
        %add3A_286 = arith.addi %add3A_285, %add3A_263 : i32
        %get3A_287 = arith.index_cast %add3A_286 : i32 to index
        %get3A_288 = arith.constant 0 : index
        %get3A_289 = tpu.vector_load %arg14[%get3A_287, %get3A_288] {strides = array<i32>} : memref<512x128xf32, #tpu.memory_space<vmem>>, vector<1x16xf32>,
        %get3A_290 = vector.shape_cast %get3A_289 : vector<1x16xf32> to vector<16xf32>
        %mul3A_291 = vector.broadcast %squeeze3A_284 : f32 to vector<16xf32>
        %mul3A_292 = arith.mulf %mul3A_291, %get3A_290 : vector<16xf32>
        %add3A_293 = arith.addf %add3A_282, %mul3A_292 : vector<16xf32>
        %swap3A_294 = arith.index_cast %add3A_267 : i32 to index
        %swap3A_295 = arith.constant 64 : index
        %swap3A_296 = tpu.vector_load %arg15[%swap3A_294, %swap3A_295] {strides = array<i32>} : memref<16x512xf32, #tpu.memory_space<vmem>>, vector<1x16xf32>,
        %swap3A_297 = vector.shape_cast %swap3A_296 : vector<1x16xf32> to vector<16xf32>
        %swap3A_298 = vector.shape_cast %add3A_293 : vector<16xf32> to vector<1x16xf32>
        tpu.vector_store %arg15[%swap3A_294, %swap3A_295], %swap3A_298 {strides = array<i32>} : memref<16x512xf32, #tpu.memory_space<vmem>>, vector<1x16xf32>,
        %get3A_299 = arith.index_cast %add3A_267 : i32 to index
        %get3A_300 = arith.constant 80 : index
        %get3A_301 = tpu.vector_load %arg15[%get3A_299, %get3A_300] {strides = array<i32>} : memref<16x512xf32, #tpu.memory_space<vmem>>, vector<1x16xf32>,
        %get3A_302 = vector.shape_cast %get3A_301 : vector<1x16xf32> to vector<16xf32>
        %slice3A_303 = vector.extract_strided_slice %get3A_122 {offsets = [1], sizes = [1], strides = [1]} : vector<16xf32> to vector<1xf32>
        %squeeze3A_304 = vector.extract %slice3A_303[0] : f32 from vector<1xf32>
        %add3A_305 = arith.constant 256 : i32
        %add3A_306 = arith.addi %add3A_305, %add3A_263 : i32
        %get3A_307 = arith.index_cast %add3A_306 : i32 to index
        %get3A_308 = arith.constant 16 : index
        %get3A_309 = tpu.vector_load %arg14[%get3A_307, %get3A_308] {strides = array<i32>} : memref<512x128xf32, #tpu.memory_space<vmem>>, vector<1x16xf32>,
        %get3A_310 = vector.shape_cast %get3A_309 : vector<1x16xf32> to vector<16xf32>
        %mul3A_311 = vector.broadcast %squeeze3A_304 : f32 to vector<16xf32>
        %mul3A_312 = arith.mulf %mul3A_311, %get3A_310 : vector<16xf32>
        %add3A_313 = arith.addf %get3A_302, %mul3A_312 : vector<16xf32>
        %slice3A_314 = vector.extract_strided_slice %get3A_130 {offsets = [1], sizes = [1], strides = [1]} : vector<16xf32> to vector<1xf32>
        %squeeze3A_315 = vector.extract %slice3A_314[0] : f32 from vector<1xf32>
        %add3A_316 = arith.constant 384 : i32
        %add3A_317 = arith.addi %add3A_316, %add3A_263 : i32
        %get3A_318 = arith.index_cast %add3A_317 : i32 to index
        %get3A_319 = arith.constant 16 : index
        %get3A_320 = tpu.vector_load %arg14[%get3A_318, %get3A_319] {strides = array<i32>} : memref<512x128xf32, #tpu.memory_space<vmem>>, vector<1x16xf32>,
        %get3A_321 = vector.shape_cast %get3A_320 : vector<1x16xf32> to vector<16xf32>
        %mul3A_322 = vector.broadcast %squeeze3A_315 : f32 to vector<16xf32>
        %mul3A_323 = arith.mulf %mul3A_322, %get3A_321 : vector<16xf32>
        %add3A_324 = arith.addf %add3A_313, %mul3A_323 : vector<16xf32>
        %swap3A_325 = arith.index_cast %add3A_267 : i32 to index
        %swap3A_326 = arith.constant 80 : index
        %swap3A_327 = tpu.vector_load %arg15[%swap3A_325, %swap3A_326] {strides = array<i32>} : memref<16x512xf32, #tpu.memory_space<vmem>>, vector<1x16xf32>,
        %swap3A_328 = vector.shape_cast %swap3A_327 : vector<1x16xf32> to vector<16xf32>
        %swap3A_329 = vector.shape_cast %add3A_324 : vector<16xf32> to vector<1x16xf32>
        tpu.vector_store %arg15[%swap3A_325, %swap3A_326], %swap3A_329 {strides = array<i32>} : memref<16x512xf32, #tpu.memory_space<vmem>>, vector<1x16xf32>,
        %get3A_330 = arith.index_cast %add3A_267 : i32 to index
        %get3A_331 = arith.constant 96 : index
        %get3A_332 = tpu.vector_load %arg15[%get3A_330, %get3A_331] {strides = array<i32>} : memref<16x512xf32, #tpu.memory_space<vmem>>, vector<1x16xf32>,
        %get3A_333 = vector.shape_cast %get3A_332 : vector<1x16xf32> to vector<16xf32>
        %slice3A_334 = vector.extract_strided_slice %get3A_122 {offsets = [1], sizes = [1], strides = [1]} : vector<16xf32> to vector<1xf32>
        %squeeze3A_335 = vector.extract %slice3A_334[0] : f32 from vector<1xf32>
        %add3A_336 = arith.constant 256 : i32
        %add3A_337 = arith.addi %add3A_336, %add3A_263 : i32
        %get3A_338 = arith.index_cast %add3A_337 : i32 to index
        %get3A_339 = arith.constant 32 : index
        %get3A_340 = tpu.vector_load %arg14[%get3A_338, %get3A_339] {strides = array<i32>} : memref<512x128xf32, #tpu.memory_space<vmem>>, vector<1x16xf32>,
        %get3A_341 = vector.shape_cast %get3A_340 : vector<1x16xf32> to vector<16xf32>
        %mul3A_342 = vector.broadcast %squeeze3A_335 : f32 to vector<16xf32>
        %mul3A_343 = arith.mulf %mul3A_342, %get3A_341 : vector<16xf32>
        %add3A_344 = arith.addf %get3A_333, %mul3A_343 : vector<16xf32>
        %slice3A_345 = vector.extract_strided_slice %get3A_130 {offsets = [1], sizes = [1], strides = [1]} : vector<16xf32> to vector<1xf32>
        %squeeze3A_346 = vector.extract %slice3A_345[0] : f32 from vector<1xf32>
        %add3A_347 = arith.constant 384 : i32
        %add3A_348 = arith.addi %add3A_347, %add3A_263 : i32
        %get3A_349 = arith.index_cast %add3A_348 : i32 to index
        %get3A_350 = arith.constant 32 : index
        %get3A_351 = tpu.vector_load %arg14[%get3A_349, %get3A_350] {strides = array<i32>} : memref<512x128xf32, #tpu.memory_space<vmem>>, vector<1x16xf32>,
        %get3A_352 = vector.shape_cast %get3A_351 : vector<1x16xf32> to vector<16xf32>
        %mul3A_353 = vector.broadcast %squeeze3A_346 : f32 to vector<16xf32>
        %mul3A_354 = arith.mulf %mul3A_353, %get3A_352 : vector<16xf32>
        %add3A_355 = arith.addf %add3A_344, %mul3A_354 : vector<16xf32>
        %swap3A_356 = arith.index_cast %add3A_267 : i32 to index
        %swap3A_357 = arith.constant 96 : index
        %swap3A_358 = tpu.vector_load %arg15[%swap3A_356, %swap3A_357] {strides = array<i32>} : memref<16x512xf32, #tpu.memory_space<vmem>>, vector<1x16xf32>,
        %swap3A_359 = vector.shape_cast %swap3A_358 : vector<1x16xf32> to vector<16xf32>
        %swap3A_360 = vector.shape_cast %add3A_355 : vector<16xf32> to vector<1x16xf32>
        tpu.vector_store %arg15[%swap3A_356, %swap3A_357], %swap3A_360 {strides = array<i32>} : memref<16x512xf32, #tpu.memory_space<vmem>>, vector<1x16xf32>,
        %get3A_361 = arith.index_cast %add3A_267 : i32 to index
        %get3A_362 = arith.constant 112 : index
        %get3A_363 = tpu.vector_load %arg15[%get3A_361, %get3A_362] {strides = array<i32>} : memref<16x512xf32, #tpu.memory_space<vmem>>, vector<1x16xf32>,
        %get3A_364 = vector.shape_cast %get3A_363 : vector<1x16xf32> to vector<16xf32>
        %slice3A_365 = vector.extract_strided_slice %get3A_122 {offsets = [1], sizes = [1], strides = [1]} : vector<16xf32> to vector<1xf32>
        %squeeze3A_366 = vector.extract %slice3A_365[0] : f32 from vector<1xf32>
        %add3A_367 = arith.constant 256 : i32
        %add3A_368 = arith.addi %add3A_367, %add3A_263 : i32
        %get3A_369 = arith.index_cast %add3A_368 : i32 to index
        %get3A_370 = arith.constant 48 : index
        %get3A_371 = tpu.vector_load %arg14[%get3A_369, %get3A_370] {strides = array<i32>} : memref<512x128xf32, #tpu.memory_space<vmem>>, vector<1x16xf32>,
        %get3A_372 = vector.shape_cast %get3A_371 : vector<1x16xf32> to vector<16xf32>
        %mul3A_373 = vector.broadcast %squeeze3A_366 : f32 to vector<16xf32>
        %mul3A_374 = arith.mulf %mul3A_373, %get3A_372 : vector<16xf32>
        %add3A_375 = arith.addf %get3A_364, %mul3A_374 : vector<16xf32>
        %slice3A_376 = vector.extract_strided_slice %get3A_130 {offsets = [1], sizes = [1], strides = [1]} : vector<16xf32> to vector<1xf32>
        %squeeze3A_377 = vector.extract %slice3A_376[0] : f32 from vector<1xf32>
        %add3A_378 = arith.constant 384 : i32
        %add3A_379 = arith.addi %add3A_378, %add3A_263 : i32
        %get3A_380 = arith.index_cast %add3A_379 : i32 to index
        %get3A_381 = arith.constant 48 : index
        %get3A_382 = tpu.vector_load %arg14[%get3A_380, %get3A_381] {strides = array<i32>} : memref<512x128xf32, #tpu.memory_space<vmem>>, vector<1x16xf32>,
        %get3A_383 = vector.shape_cast %get3A_382 : vector<1x16xf32> to vector<16xf32>
        %mul3A_384 = vector.broadcast %squeeze3A_377 : f32 to vector<16xf32>
        %mul3A_385 = arith.mulf %mul3A_384, %get3A_383 : vector<16xf32>
        %add3A_386 = arith.addf %add3A_375, %mul3A_385 : vector<16xf32>
        %swap3A_387 = arith.index_cast %add3A_267 : i32 to index
        %swap3A_388 = arith.constant 112 : index
        %swap3A_389 = tpu.vector_load %arg15[%swap3A_387, %swap3A_388] {strides = array<i32>} : memref<16x512xf32, #tpu.memory_space<vmem>>, vector<1x16xf32>,
        %swap3A_390 = vector.shape_cast %swap3A_389 : vector<1x16xf32> to vector<16xf32>
        %swap3A_391 = vector.shape_cast %add3A_386 : vector<16xf32> to vector<1x16xf32>
        tpu.vector_store %arg15[%swap3A_387, %swap3A_388], %swap3A_391 {strides = array<i32>} : memref<16x512xf32, #tpu.memory_space<vmem>>, vector<1x16xf32>,
        %mul3A_392 = arith.constant 16 : i32
        %mul3A_393 = arith.muli %scan3A_114, %mul3A_392 : i32
        %add3A_394 = arith.constant 2 : i32
        %add3A_395 = arith.addi %mul3A_393, %add3A_394 : i32
        %mul3A_396 = arith.constant 2 : i32
        %mul3A_397 = arith.muli %scan3A_114, %mul3A_396 : i32
        %add3A_398 = arith.constant 0 : i32
        %add3A_399 = arith.addi %mul3A_397, %add3A_398 : i32
        %get3A_400 = arith.index_cast %add3A_399 : i32 to index
        %get3A_401 = arith.constant 128 : index
        %get3A_402 = tpu.vector_load %arg15[%get3A_400, %get3A_401] {strides = array<i32>} : memref<16x512xf32, #tpu.memory_space<vmem>>, vector<1x16xf32>,
        %get3A_403 = vector.shape_cast %get3A_402 : vector<1x16xf32> to vector<16xf32>
        %slice3A_404 = vector.extract_strided_slice %get3A_122 {offsets = [2], sizes = [1], strides = [1]} : vector<16xf32> to vector<1xf32>
        %squeeze3A_405 = vector.extract %slice3A_404[0] : f32 from vector<1xf32>
        %add3A_406 = arith.constant 256 : i32
        %add3A_407 = arith.addi %add3A_406, %add3A_395 : i32
        %get3A_408 = arith.index_cast %add3A_407 : i32 to index
        %get3A_409 = arith.constant 0 : index
        %get3A_410 = tpu.vector_load %arg14[%get3A_408, %get3A_409] {strides = array<i32>} : memref<512x128xf32, #tpu.memory_space<vmem>>, vector<1x16xf32>,
        %get3A_411 = vector.shape_cast %get3A_410 : vector<1x16xf32> to vector<16xf32>
        %mul3A_412 = vector.broadcast %squeeze3A_405 : f32 to vector<16xf32>
        %mul3A_413 = arith.mulf %mul3A_412, %get3A_411 : vector<16xf32>
        %add3A_414 = arith.addf %get3A_403, %mul3A_413 : vector<16xf32>
        %slice3A_415 = vector.extract_strided_slice %get3A_130 {offsets = [2], sizes = [1], strides = [1]} : vector<16xf32> to vector<1xf32>
        %squeeze3A_416 = vector.extract %slice3A_415[0] : f32 from vector<1xf32>
        %add3A_417 = arith.constant 384 : i32
        %add3A_418 = arith.addi %add3A_417, %add3A_395 : i32
        %get3A_419 = arith.index_cast %add3A_418 : i32 to index
        %get3A_420 = arith.constant 0 : index
        %get3A_421 = tpu.vector_load %arg14[%get3A_419, %get3A_420] {strides = array<i32>} : memref<512x128xf32, #tpu.memory_space<vmem>>, vector<1x16xf32>,
        %get3A_422 = vector.shape_cast %get3A_421 : vector<1x16xf32> to vector<16xf32>
        %mul3A_423 = vector.broadcast %squeeze3A_416 : f32 to vector<16xf32>
        %mul3A_424 = arith.mulf %mul3A_423, %get3A_422 : vector<16xf32>
        %add3A_425 = arith.addf %add3A_414, %mul3A_424 : vector<16xf32>
        %swap3A_426 = arith.index_cast %add3A_399 : i32 to index
        %swap3A_427 = arith.constant 128 : index
        %swap3A_428 = tpu.vector_load %arg15[%swap3A_426, %swap3A_427] {strides = array<i32>} : memref<16x512xf32, #tpu.memory_space<vmem>>, vector<1x16xf32>,
        %swap3A_429 = vector.shape_cast %swap3A_428 : vector<1x16xf32> to vector<16xf32>
        %swap3A_430 = vector.shape_cast %add3A_425 : vector<16xf32> to vector<1x16xf32>
        tpu.vector_store %arg15[%swap3A_426, %swap3A_427], %swap3A_430 {strides = array<i32>} : memref<16x512xf32, #tpu.memory_space<vmem>>, vector<1x16xf32>,
        %get3A_431 = arith.index_cast %add3A_399 : i32 to index
        %get3A_432 = arith.constant 144 : index
        %get3A_433 = tpu.vector_load %arg15[%get3A_431, %get3A_432] {strides = array<i32>} : memref<16x512xf32, #tpu.memory_space<vmem>>, vector<1x16xf32>,
        %get3A_434 = vector.shape_cast %get3A_433 : vector<1x16xf32> to vector<16xf32>
        %slice3A_435 = vector.extract_strided_slice %get3A_122 {offsets = [2], sizes = [1], strides = [1]} : vector<16xf32> to vector<1xf32>
        %squeeze3A_436 = vector.extract %slice3A_435[0] : f32 from vector<1xf32>
        %add3A_437 = arith.constant 256 : i32
        %add3A_438 = arith.addi %add3A_437, %add3A_395 : i32
        %get3A_439 = arith.index_cast %add3A_438 : i32 to index
        %get3A_440 = arith.constant 16 : index
        %get3A_441 = tpu.vector_load %arg14[%get3A_439, %get3A_440] {strides = array<i32>} : memref<512x128xf32, #tpu.memory_space<vmem>>, vector<1x16xf32>,
        %get3A_442 = vector.shape_cast %get3A_441 : vector<1x16xf32> to vector<16xf32>
        %mul3A_443 = vector.broadcast %squeeze3A_436 : f32 to vector<16xf32>
        %mul3A_444 = arith.mulf %mul3A_443, %get3A_442 : vector<16xf32>
        %add3A_445 = arith.addf %get3A_434, %mul3A_444 : vector<16xf32>
        %slice3A_446 = vector.extract_strided_slice %get3A_130 {offsets = [2], sizes = [1], strides = [1]} : vector<16xf32> to vector<1xf32>
        %squeeze3A_447 = vector.extract %slice3A_446[0] : f32 from vector<1xf32>
        %add3A_448 = arith.constant 384 : i32
        %add3A_449 = arith.addi %add3A_448, %add3A_395 : i32
        %get3A_450 = arith.index_cast %add3A_449 : i32 to index
        %get3A_451 = arith.constant 16 : index
        %get3A_452 = tpu.vector_load %arg14[%get3A_450, %get3A_451] {strides = array<i32>} : memref<512x128xf32, #tpu.memory_space<vmem>>, vector<1x16xf32>,
        %get3A_453 = vector.shape_cast %get3A_452 : vector<1x16xf32> to vector<16xf32>
        %mul3A_454 = vector.broadcast %squeeze3A_447 : f32 to vector<16xf32>
        %mul3A_455 = arith.mulf %mul3A_454, %get3A_453 : vector<16xf32>
        %add3A_456 = arith.addf %add3A_445, %mul3A_455 : vector<16xf32>
        %swap3A_457 = arith.index_cast %add3A_399 : i32 to index
        %swap3A_458 = arith.constant 144 : index
        %swap3A_459 = tpu.vector_load %arg15[%swap3A_457, %swap3A_458] {strides = array<i32>} : memref<16x512xf32, #tpu.memory_space<vmem>>, vector<1x16xf32>,
        %swap3A_460 = vector.shape_cast %swap3A_459 : vector<1x16xf32> to vector<16xf32>
        %swap3A_461 = vector.shape_cast %add3A_456 : vector<16xf32> to vector<1x16xf32>
        tpu.vector_store %arg15[%swap3A_457, %swap3A_458], %swap3A_461 {strides = array<i32>} : memref<16x512xf32, #tpu.memory_space<vmem>>, vector<1x16xf32>,
        %get3A_462 = arith.index_cast %add3A_399 : i32 to index
        %get3A_463 = arith.constant 160 : index
        %get3A_464 = tpu.vector_load %arg15[%get3A_462, %get3A_463] {strides = array<i32>} : memref<16x512xf32, #tpu.memory_space<vmem>>, vector<1x16xf32>,
        %get3A_465 = vector.shape_cast %get3A_464 : vector<1x16xf32> to vector<16xf32>
        %slice3A_466 = vector.extract_strided_slice %get3A_122 {offsets = [2], sizes = [1], strides = [1]} : vector<16xf32> to vector<1xf32>
        %squeeze3A_467 = vector.extract %slice3A_466[0] : f32 from vector<1xf32>
        %add3A_468 = arith.constant 256 : i32
        %add3A_469 = arith.addi %add3A_468, %add3A_395 : i32
        %get3A_470 = arith.index_cast %add3A_469 : i32 to index
        %get3A_471 = arith.constant 32 : index
        %get3A_472 = tpu.vector_load %arg14[%get3A_470, %get3A_471] {strides = array<i32>} : memref<512x128xf32, #tpu.memory_space<vmem>>, vector<1x16xf32>,
        %get3A_473 = vector.shape_cast %get3A_472 : vector<1x16xf32> to vector<16xf32>
        %mul3A_474 = vector.broadcast %squeeze3A_467 : f32 to vector<16xf32>
        %mul3A_475 = arith.mulf %mul3A_474, %get3A_473 : vector<16xf32>
        %add3A_476 = arith.addf %get3A_465, %mul3A_475 : vector<16xf32>
        %slice3A_477 = vector.extract_strided_slice %get3A_130 {offsets = [2], sizes = [1], strides = [1]} : vector<16xf32> to vector<1xf32>
        %squeeze3A_478 = vector.extract %slice3A_477[0] : f32 from vector<1xf32>
        %add3A_479 = arith.constant 384 : i32
        %add3A_480 = arith.addi %add3A_479, %add3A_395 : i32
        %get3A_481 = arith.index_cast %add3A_480 : i32 to index
        %get3A_482 = arith.constant 32 : index
        %get3A_483 = tpu.vector_load %arg14[%get3A_481, %get3A_482] {strides = array<i32>} : memref<512x128xf32, #tpu.memory_space<vmem>>, vector<1x16xf32>,
        %get3A_484 = vector.shape_cast %get3A_483 : vector<1x16xf32> to vector<16xf32>
        %mul3A_485 = vector.broadcast %squeeze3A_478 : f32 to vector<16xf32>
        %mul3A_486 = arith.mulf %mul3A_485, %get3A_484 : vector<16xf32>
        %add3A_487 = arith.addf %add3A_476, %mul3A_486 : vector<16xf32>
        %swap3A_488 = arith.index_cast %add3A_399 : i32 to index
        %swap3A_489 = arith.constant 160 : index
        %swap3A_490 = tpu.vector_load %arg15[%swap3A_488, %swap3A_489] {strides = array<i32>} : memref<16x512xf32, #tpu.memory_space<vmem>>, vector<1x16xf32>,
        %swap3A_491 = vector.shape_cast %swap3A_490 : vector<1x16xf32> to vector<16xf32>
        %swap3A_492 = vector.shape_cast %add3A_487 : vector<16xf32> to vector<1x16xf32>
        tpu.vector_store %arg15[%swap3A_488, %swap3A_489], %swap3A_492 {strides = array<i32>} : memref<16x512xf32, #tpu.memory_space<vmem>>, vector<1x16xf32>,
        %get3A_493 = arith.index_cast %add3A_399 : i32 to index
        %get3A_494 = arith.constant 176 : index
        %get3A_495 = tpu.vector_load %arg15[%get3A_493, %get3A_494] {strides = array<i32>} : memref<16x512xf32, #tpu.memory_space<vmem>>, vector<1x16xf32>,
        %get3A_496 = vector.shape_cast %get3A_495 : vector<1x16xf32> to vector<16xf32>
        %slice3A_497 = vector.extract_strided_slice %get3A_122 {offsets = [2], sizes = [1], strides = [1]} : vector<16xf32> to vector<1xf32>
        %squeeze3A_498 = vector.extract %slice3A_497[0] : f32 from vector<1xf32>
        %add3A_499 = arith.constant 256 : i32
        %add3A_500 = arith.addi %add3A_499, %add3A_395 : i32
        %get3A_501 = arith.index_cast %add3A_500 : i32 to index
        %get3A_502 = arith.constant 48 : index
        %get3A_503 = tpu.vector_load %arg14[%get3A_501, %get3A_502] {strides = array<i32>} : memref<512x128xf32, #tpu.memory_space<vmem>>, vector<1x16xf32>,
        %get3A_504 = vector.shape_cast %get3A_503 : vector<1x16xf32> to vector<16xf32>
        %mul3A_505 = vector.broadcast %squeeze3A_498 : f32 to vector<16xf32>
        %mul3A_506 = arith.mulf %mul3A_505, %get3A_504 : vector<16xf32>
        %add3A_507 = arith.addf %get3A_496, %mul3A_506 : vector<16xf32>
        %slice3A_508 = vector.extract_strided_slice %get3A_130 {offsets = [2], sizes = [1], strides = [1]} : vector<16xf32> to vector<1xf32>
        %squeeze3A_509 = vector.extract %slice3A_508[0] : f32 from vector<1xf32>
        %add3A_510 = arith.constant 384 : i32
        %add3A_511 = arith.addi %add3A_510, %add3A_395 : i32
        %get3A_512 = arith.index_cast %add3A_511 : i32 to index
        %get3A_513 = arith.constant 48 : index
        %get3A_514 = tpu.vector_load %arg14[%get3A_512, %get3A_513] {strides = array<i32>} : memref<512x128xf32, #tpu.memory_space<vmem>>, vector<1x16xf32>,
        %get3A_515 = vector.shape_cast %get3A_514 : vector<1x16xf32> to vector<16xf32>
        %mul3A_516 = vector.broadcast %squeeze3A_509 : f32 to vector<16xf32>
        %mul3A_517 = arith.mulf %mul3A_516, %get3A_515 : vector<16xf32>
        %add3A_518 = arith.addf %add3A_507, %mul3A_517 : vector<16xf32>
        %swap3A_519 = arith.index_cast %add3A_399 : i32 to index
        %swap3A_520 = arith.constant 176 : index
        %swap3A_521 = tpu.vector_load %arg15[%swap3A_519, %swap3A_520] {strides = array<i32>} : memref<16x512xf32, #tpu.memory_space<vmem>>, vector<1x16xf32>,
        %swap3A_522 = vector.shape_cast %swap3A_521 : vector<1x16xf32> to vector<16xf32>
        %swap3A_523 = vector.shape_cast %add3A_518 : vector<16xf32> to vector<1x16xf32>
        tpu.vector_store %arg15[%swap3A_519, %swap3A_520], %swap3A_523 {strides = array<i32>} : memref<16x512xf32, #tpu.memory_space<vmem>>, vector<1x16xf32>,
        %mul3A_524 = arith.constant 16 : i32
        %mul3A_525 = arith.muli %scan3A_114, %mul3A_524 : i32
        %add3A_526 = arith.constant 3 : i32
        %add3A_527 = arith.addi %mul3A_525, %add3A_526 : i32
        %mul3A_528 = arith.constant 2 : i32
        %mul3A_529 = arith.muli %scan3A_114, %mul3A_528 : i32
        %add3A_530 = arith.constant 0 : i32
        %add3A_531 = arith.addi %mul3A_529, %add3A_530 : i32
        %get3A_532 = arith.index_cast %add3A_531 : i32 to index
        %get3A_533 = arith.constant 192 : index
        %get3A_534 = tpu.vector_load %arg15[%get3A_532, %get3A_533] {strides = array<i32>} : memref<16x512xf32, #tpu.memory_space<vmem>>, vector<1x16xf32>,
        %get3A_535 = vector.shape_cast %get3A_534 : vector<1x16xf32> to vector<16xf32>
        %slice3A_536 = vector.extract_strided_slice %get3A_122 {offsets = [3], sizes = [1], strides = [1]} : vector<16xf32> to vector<1xf32>
        %squeeze3A_537 = vector.extract %slice3A_536[0] : f32 from vector<1xf32>
        %add3A_538 = arith.constant 256 : i32
        %add3A_539 = arith.addi %add3A_538, %add3A_527 : i32
        %get3A_540 = arith.index_cast %add3A_539 : i32 to index
        %get3A_541 = arith.constant 0 : index
        %get3A_542 = tpu.vector_load %arg14[%get3A_540, %get3A_541] {strides = array<i32>} : memref<512x128xf32, #tpu.memory_space<vmem>>, vector<1x16xf32>,
        %get3A_543 = vector.shape_cast %get3A_542 : vector<1x16xf32> to vector<16xf32>
        %mul3A_544 = vector.broadcast %squeeze3A_537 : f32 to vector<16xf32>
        %mul3A_545 = arith.mulf %mul3A_544, %get3A_543 : vector<16xf32>
        %add3A_546 = arith.addf %get3A_535, %mul3A_545 : vector<16xf32>
        %slice3A_547 = vector.extract_strided_slice %get3A_130 {offsets = [3], sizes = [1], strides = [1]} : vector<16xf32> to vector<1xf32>
        %squeeze3A_548 = vector.extract %slice3A_547[0] : f32 from vector<1xf32>
        %add3A_549 = arith.constant 384 : i32
        %add3A_550 = arith.addi %add3A_549, %add3A_527 : i32
        %get3A_551 = arith.index_cast %add3A_550 : i32 to index
        %get3A_552 = arith.constant 0 : index
        %get3A_553 = tpu.vector_load %arg14[%get3A_551, %get3A_552] {strides = array<i32>} : memref<512x128xf32, #tpu.memory_space<vmem>>, vector<1x16xf32>,
        %get3A_554 = vector.shape_cast %get3A_553 : vector<1x16xf32> to vector<16xf32>
        %mul3A_555 = vector.broadcast %squeeze3A_548 : f32 to vector<16xf32>
        %mul3A_556 = arith.mulf %mul3A_555, %get3A_554 : vector<16xf32>
        %add3A_557 = arith.addf %add3A_546, %mul3A_556 : vector<16xf32>
        %swap3A_558 = arith.index_cast %add3A_531 : i32 to index
        %swap3A_559 = arith.constant 192 : index
        %swap3A_560 = tpu.vector_load %arg15[%swap3A_558, %swap3A_559] {strides = array<i32>} : memref<16x512xf32, #tpu.memory_space<vmem>>, vector<1x16xf32>,
        %swap3A_561 = vector.shape_cast %swap3A_560 : vector<1x16xf32> to vector<16xf32>
        %swap3A_562 = vector.shape_cast %add3A_557 : vector<16xf32> to vector<1x16xf32>
        tpu.vector_store %arg15[%swap3A_558, %swap3A_559], %swap3A_562 {strides = array<i32>} : memref<16x512xf32, #tpu.memory_space<vmem>>, vector<1x16xf32>,
        %get3A_563 = arith.index_cast %add3A_531 : i32 to index
        %get3A_564 = arith.constant 208 : index
        %get3A_565 = tpu.vector_load %arg15[%get3A_563, %get3A_564] {strides = array<i32>} : memref<16x512xf32, #tpu.memory_space<vmem>>, vector<1x16xf32>,
        %get3A_566 = vector.shape_cast %get3A_565 : vector<1x16xf32> to vector<16xf32>
        %slice3A_567 = vector.extract_strided_slice %get3A_122 {offsets = [3], sizes = [1], strides = [1]} : vector<16xf32> to vector<1xf32>
        %squeeze3A_568 = vector.extract %slice3A_567[0] : f32 from vector<1xf32>
        %add3A_569 = arith.constant 256 : i32
        %add3A_570 = arith.addi %add3A_569, %add3A_527 : i32
        %get3A_571 = arith.index_cast %add3A_570 : i32 to index
        %get3A_572 = arith.constant 16 : index
        %get3A_573 = tpu.vector_load %arg14[%get3A_571, %get3A_572] {strides = array<i32>} : memref<512x128xf32, #tpu.memory_space<vmem>>, vector<1x16xf32>,
        %get3A_574 = vector.shape_cast %get3A_573 : vector<1x16xf32> to vector<16xf32>
        %mul3A_575 = vector.broadcast %squeeze3A_568 : f32 to vector<16xf32>
        %mul3A_576 = arith.mulf %mul3A_575, %get3A_574 : vector<16xf32>
        %add3A_577 = arith.addf %get3A_566, %mul3A_576 : vector<16xf32>
        %slice3A_578 = vector.extract_strided_slice %get3A_130 {offsets = [3], sizes = [1], strides = [1]} : vector<16xf32> to vector<1xf32>
        %squeeze3A_579 = vector.extract %slice3A_578[0] : f32 from vector<1xf32>
        %add3A_580 = arith.constant 384 : i32
        %add3A_581 = arith.addi %add3A_580, %add3A_527 : i32
        %get3A_582 = arith.index_cast %add3A_581 : i32 to index
        %get3A_583 = arith.constant 16 : index
        %get3A_584 = tpu.vector_load %arg14[%get3A_582, %get3A_583] {strides = array<i32>} : memref<512x128xf32, #tpu.memory_space<vmem>>, vector<1x16xf32>,
        %get3A_585 = vector.shape_cast %get3A_584 : vector<1x16xf32> to vector<16xf32>
        %mul3A_586 = vector.broadcast %squeeze3A_579 : f32 to vector<16xf32>
        %mul3A_587 = arith.mulf %mul3A_586, %get3A_585 : vector<16xf32>
        %add3A_588 = arith.addf %add3A_577, %mul3A_587 : vector<16xf32>
        %swap3A_589 = arith.index_cast %add3A_531 : i32 to index
        %swap3A_590 = arith.constant 208 : index
        %swap3A_591 = tpu.vector_load %arg15[%swap3A_589, %swap3A_590] {strides = array<i32>} : memref<16x512xf32, #tpu.memory_space<vmem>>, vector<1x16xf32>,
        %swap3A_592 = vector.shape_cast %swap3A_591 : vector<1x16xf32> to vector<16xf32>
        %swap3A_593 = vector.shape_cast %add3A_588 : vector<16xf32> to vector<1x16xf32>
        tpu.vector_store %arg15[%swap3A_589, %swap3A_590], %swap3A_593 {strides = array<i32>} : memref<16x512xf32, #tpu.memory_space<vmem>>, vector<1x16xf32>,
        %get3A_594 = arith.index_cast %add3A_531 : i32 to index
        %get3A_595 = arith.constant 224 : index
        %get3A_596 = tpu.vector_load %arg15[%get3A_594, %get3A_595] {strides = array<i32>} : memref<16x512xf32, #tpu.memory_space<vmem>>, vector<1x16xf32>,
        %get3A_597 = vector.shape_cast %get3A_596 : vector<1x16xf32> to vector<16xf32>
        %slice3A_598 = vector.extract_strided_slice %get3A_122 {offsets = [3], sizes = [1], strides = [1]} : vector<16xf32> to vector<1xf32>
        %squeeze3A_599 = vector.extract %slice3A_598[0] : f32 from vector<1xf32>
        %add3A_600 = arith.constant 256 : i32
        %add3A_601 = arith.addi %add3A_600, %add3A_527 : i32
        %get3A_602 = arith.index_cast %add3A_601 : i32 to index
        %get3A_603 = arith.constant 32 : index
        %get3A_604 = tpu.vector_load %arg14[%get3A_602, %get3A_603] {strides = array<i32>} : memref<512x128xf32, #tpu.memory_space<vmem>>, vector<1x16xf32>,
        %get3A_605 = vector.shape_cast %get3A_604 : vector<1x16xf32> to vector<16xf32>
        %mul3A_606 = vector.broadcast %squeeze3A_599 : f32 to vector<16xf32>
        %mul3A_607 = arith.mulf %mul3A_606, %get3A_605 : vector<16xf32>
        %add3A_608 = arith.addf %get3A_597, %mul3A_607 : vector<16xf32>
        %slice3A_609 = vector.extract_strided_slice %get3A_130 {offsets = [3], sizes = [1], strides = [1]} : vector<16xf32> to vector<1xf32>
        %squeeze3A_610 = vector.extract %slice3A_609[0] : f32 from vector<1xf32>
        %add3A_611 = arith.constant 384 : i32
        %add3A_612 = arith.addi %add3A_611, %add3A_527 : i32
        %get3A_613 = arith.index_cast %add3A_612 : i32 to index
        %get3A_614 = arith.constant 32 : index
        %get3A_615 = tpu.vector_load %arg14[%get3A_613, %get3A_614] {strides = array<i32>} : memref<512x128xf32, #tpu.memory_space<vmem>>, vector<1x16xf32>,
        %get3A_616 = vector.shape_cast %get3A_615 : vector<1x16xf32> to vector<16xf32>
        %mul3A_617 = vector.broadcast %squeeze3A_610 : f32 to vector<16xf32>
        %mul3A_618 = arith.mulf %mul3A_617, %get3A_616 : vector<16xf32>
        %add3A_619 = arith.addf %add3A_608, %mul3A_618 : vector<16xf32>
        %swap3A_620 = arith.index_cast %add3A_531 : i32 to index
        %swap3A_621 = arith.constant 224 : index
        %swap3A_622 = tpu.vector_load %arg15[%swap3A_620, %swap3A_621] {strides = array<i32>} : memref<16x512xf32, #tpu.memory_space<vmem>>, vector<1x16xf32>,
        %swap3A_623 = vector.shape_cast %swap3A_622 : vector<1x16xf32> to vector<16xf32>
        %swap3A_624 = vector.shape_cast %add3A_619 : vector<16xf32> to vector<1x16xf32>
        tpu.vector_store %arg15[%swap3A_620, %swap3A_621], %swap3A_624 {strides = array<i32>} : memref<16x512xf32, #tpu.memory_space<vmem>>, vector<1x16xf32>,
        %get3A_625 = arith.index_cast %add3A_531 : i32 to index
        %get3A_626 = arith.constant 240 : index
        %get3A_627 = tpu.vector_load %arg15[%get3A_625, %get3A_626] {strides = array<i32>} : memref<16x512xf32, #tpu.memory_space<vmem>>, vector<1x16xf32>,
        %get3A_628 = vector.shape_cast %get3A_627 : vector<1x16xf32> to vector<16xf32>
        %slice3A_629 = vector.extract_strided_slice %get3A_122 {offsets = [3], sizes = [1], strides = [1]} : vector<16xf32> to vector<1xf32>
        %squeeze3A_630 = vector.extract %slice3A_629[0] : f32 from vector<1xf32>
        %add3A_631 = arith.constant 256 : i32
        %add3A_632 = arith.addi %add3A_631, %add3A_527 : i32
        %get3A_633 = arith.index_cast %add3A_632 : i32 to index
        %get3A_634 = arith.constant 48 : index
        %get3A_635 = tpu.vector_load %arg14[%get3A_633, %get3A_634] {strides = array<i32>} : memref<512x128xf32, #tpu.memory_space<vmem>>, vector<1x16xf32>,
        %get3A_636 = vector.shape_cast %get3A_635 : vector<1x16xf32> to vector<16xf32>
        %mul3A_637 = vector.broadcast %squeeze3A_630 : f32 to vector<16xf32>
        %mul3A_638 = arith.mulf %mul3A_637, %get3A_636 : vector<16xf32>
        %add3A_639 = arith.addf %get3A_628, %mul3A_638 : vector<16xf32>
        %slice3A_640 = vector.extract_strided_slice %get3A_130 {offsets = [3], sizes = [1], strides = [1]} : vector<16xf32> to vector<1xf32>
        %squeeze3A_641 = vector.extract %slice3A_640[0] : f32 from vector<1xf32>
        %add3A_642 = arith.constant 384 : i32
        %add3A_643 = arith.addi %add3A_642, %add3A_527 : i32
        %get3A_644 = arith.index_cast %add3A_643 : i32 to index
        %get3A_645 = arith.constant 48 : index
        %get3A_646 = tpu.vector_load %arg14[%get3A_644, %get3A_645] {strides = array<i32>} : memref<512x128xf32, #tpu.memory_space<vmem>>, vector<1x16xf32>,
        %get3A_647 = vector.shape_cast %get3A_646 : vector<1x16xf32> to vector<16xf32>
        %mul3A_648 = vector.broadcast %squeeze3A_641 : f32 to vector<16xf32>
        %mul3A_649 = arith.mulf %mul3A_648, %get3A_647 : vector<16xf32>
        %add3A_650 = arith.addf %add3A_639, %mul3A_649 : vector<16xf32>
        %swap3A_651 = arith.index_cast %add3A_531 : i32 to index
        %swap3A_652 = arith.constant 240 : index
        %swap3A_653 = tpu.vector_load %arg15[%swap3A_651, %swap3A_652] {strides = array<i32>} : memref<16x512xf32, #tpu.memory_space<vmem>>, vector<1x16xf32>,
        %swap3A_654 = vector.shape_cast %swap3A_653 : vector<1x16xf32> to vector<16xf32>
        %swap3A_655 = vector.shape_cast %add3A_650 : vector<16xf32> to vector<1x16xf32>
        tpu.vector_store %arg15[%swap3A_651, %swap3A_652], %swap3A_655 {strides = array<i32>} : memref<16x512xf32, #tpu.memory_space<vmem>>, vector<1x16xf32>,
        %mul3A_656 = arith.constant 16 : i32
        %mul3A_657 = arith.muli %scan3A_114, %mul3A_656 : i32
        %add3A_658 = arith.constant 4 : i32
        %add3A_659 = arith.addi %mul3A_657, %add3A_658 : i32
        %mul3A_660 = arith.constant 2 : i32
        %mul3A_661 = arith.muli %scan3A_114, %mul3A_660 : i32
        %add3A_662 = arith.constant 0 : i32
        %add3A_663 = arith.addi %mul3A_661, %add3A_662 : i32
        %get3A_664 = arith.index_cast %add3A_663 : i32 to index
        %get3A_665 = arith.constant 256 : index
        %get3A_666 = tpu.vector_load %arg15[%get3A_664, %get3A_665] {strides = array<i32>} : memref<16x512xf32, #tpu.memory_space<vmem>>, vector<1x16xf32>,
        %get3A_667 = vector.shape_cast %get3A_666 : vector<1x16xf32> to vector<16xf32>
        %slice3A_668 = vector.extract_strided_slice %get3A_122 {offsets = [4], sizes = [1], strides = [1]} : vector<16xf32> to vector<1xf32>
        %squeeze3A_669 = vector.extract %slice3A_668[0] : f32 from vector<1xf32>
        %add3A_670 = arith.constant 256 : i32
        %add3A_671 = arith.addi %add3A_670, %add3A_659 : i32
        %get3A_672 = arith.index_cast %add3A_671 : i32 to index
        %get3A_673 = arith.constant 0 : index
        %get3A_674 = tpu.vector_load %arg14[%get3A_672, %get3A_673] {strides = array<i32>} : memref<512x128xf32, #tpu.memory_space<vmem>>, vector<1x16xf32>,
        %get3A_675 = vector.shape_cast %get3A_674 : vector<1x16xf32> to vector<16xf32>
        %mul3A_676 = vector.broadcast %squeeze3A_669 : f32 to vector<16xf32>
        %mul3A_677 = arith.mulf %mul3A_676, %get3A_675 : vector<16xf32>
        %add3A_678 = arith.addf %get3A_667, %mul3A_677 : vector<16xf32>
        %slice3A_679 = vector.extract_strided_slice %get3A_130 {offsets = [4], sizes = [1], strides = [1]} : vector<16xf32> to vector<1xf32>
        %squeeze3A_680 = vector.extract %slice3A_679[0] : f32 from vector<1xf32>
        %add3A_681 = arith.constant 384 : i32
        %add3A_682 = arith.addi %add3A_681, %add3A_659 : i32
        %get3A_683 = arith.index_cast %add3A_682 : i32 to index
        %get3A_684 = arith.constant 0 : index
        %get3A_685 = tpu.vector_load %arg14[%get3A_683, %get3A_684] {strides = array<i32>} : memref<512x128xf32, #tpu.memory_space<vmem>>, vector<1x16xf32>,
        %get3A_686 = vector.shape_cast %get3A_685 : vector<1x16xf32> to vector<16xf32>
        %mul3A_687 = vector.broadcast %squeeze3A_680 : f32 to vector<16xf32>
        %mul3A_688 = arith.mulf %mul3A_687, %get3A_686 : vector<16xf32>
        %add3A_689 = arith.addf %add3A_678, %mul3A_688 : vector<16xf32>
        %swap3A_690 = arith.index_cast %add3A_663 : i32 to index
        %swap3A_691 = arith.constant 256 : index
        %swap3A_692 = tpu.vector_load %arg15[%swap3A_690, %swap3A_691] {strides = array<i32>} : memref<16x512xf32, #tpu.memory_space<vmem>>, vector<1x16xf32>,
        %swap3A_693 = vector.shape_cast %swap3A_692 : vector<1x16xf32> to vector<16xf32>
        %swap3A_694 = vector.shape_cast %add3A_689 : vector<16xf32> to vector<1x16xf32>
        tpu.vector_store %arg15[%swap3A_690, %swap3A_691], %swap3A_694 {strides = array<i32>} : memref<16x512xf32, #tpu.memory_space<vmem>>, vector<1x16xf32>,
        %get3A_695 = arith.index_cast %add3A_663 : i32 to index
        %get3A_696 = arith.constant 272 : index
        %get3A_697 = tpu.vector_load %arg15[%get3A_695, %get3A_696] {strides = array<i32>} : memref<16x512xf32, #tpu.memory_space<vmem>>, vector<1x16xf32>,
        %get3A_698 = vector.shape_cast %get3A_697 : vector<1x16xf32> to vector<16xf32>
        %slice3A_699 = vector.extract_strided_slice %get3A_122 {offsets = [4], sizes = [1], strides = [1]} : vector<16xf32> to vector<1xf32>
        %squeeze3A_700 = vector.extract %slice3A_699[0] : f32 from vector<1xf32>
        %add3A_701 = arith.constant 256 : i32
        %add3A_702 = arith.addi %add3A_701, %add3A_659 : i32
        %get3A_703 = arith.index_cast %add3A_702 : i32 to index
        %get3A_704 = arith.constant 16 : index
        %get3A_705 = tpu.vector_load %arg14[%get3A_703, %get3A_704] {strides = array<i32>} : memref<512x128xf32, #tpu.memory_space<vmem>>, vector<1x16xf32>,
        %get3A_706 = vector.shape_cast %get3A_705 : vector<1x16xf32> to vector<16xf32>
        %mul3A_707 = vector.broadcast %squeeze3A_700 : f32 to vector<16xf32>
        %mul3A_708 = arith.mulf %mul3A_707, %get3A_706 : vector<16xf32>
        %add3A_709 = arith.addf %get3A_698, %mul3A_708 : vector<16xf32>
        %slice3A_710 = vector.extract_strided_slice %get3A_130 {offsets = [4], sizes = [1], strides = [1]} : vector<16xf32> to vector<1xf32>
        %squeeze3A_711 = vector.extract %slice3A_710[0] : f32 from vector<1xf32>
        %add3A_712 = arith.constant 384 : i32
        %add3A_713 = arith.addi %add3A_712, %add3A_659 : i32
        %get3A_714 = arith.index_cast %add3A_713 : i32 to index
        %get3A_715 = arith.constant 16 : index
        %get3A_716 = tpu.vector_load %arg14[%get3A_714, %get3A_715] {strides = array<i32>} : memref<512x128xf32, #tpu.memory_space<vmem>>, vector<1x16xf32>,
        %get3A_717 = vector.shape_cast %get3A_716 : vector<1x16xf32> to vector<16xf32>
        %mul3A_718 = vector.broadcast %squeeze3A_711 : f32 to vector<16xf32>
        %mul3A_719 = arith.mulf %mul3A_718, %get3A_717 : vector<16xf32>
        %add3A_720 = arith.addf %add3A_709, %mul3A_719 : vector<16xf32>
        %swap3A_721 = arith.index_cast %add3A_663 : i32 to index
        %swap3A_722 = arith.constant 272 : index
        %swap3A_723 = tpu.vector_load %arg15[%swap3A_721, %swap3A_722] {strides = array<i32>} : memref<16x512xf32, #tpu.memory_space<vmem>>, vector<1x16xf32>,
        %swap3A_724 = vector.shape_cast %swap3A_723 : vector<1x16xf32> to vector<16xf32>
        %swap3A_725 = vector.shape_cast %add3A_720 : vector<16xf32> to vector<1x16xf32>
        tpu.vector_store %arg15[%swap3A_721, %swap3A_722], %swap3A_725 {strides = array<i32>} : memref<16x512xf32, #tpu.memory_space<vmem>>, vector<1x16xf32>,
        %get3A_726 = arith.index_cast %add3A_663 : i32 to index
        %get3A_727 = arith.constant 288 : index
        %get3A_728 = tpu.vector_load %arg15[%get3A_726, %get3A_727] {strides = array<i32>} : memref<16x512xf32, #tpu.memory_space<vmem>>, vector<1x16xf32>,
        %get3A_729 = vector.shape_cast %get3A_728 : vector<1x16xf32> to vector<16xf32>
        %slice3A_730 = vector.extract_strided_slice %get3A_122 {offsets = [4], sizes = [1], strides = [1]} : vector<16xf32> to vector<1xf32>
        %squeeze3A_731 = vector.extract %slice3A_730[0] : f32 from vector<1xf32>
        %add3A_732 = arith.constant 256 : i32
        %add3A_733 = arith.addi %add3A_732, %add3A_659 : i32
        %get3A_734 = arith.index_cast %add3A_733 : i32 to index
        %get3A_735 = arith.constant 32 : index
        %get3A_736 = tpu.vector_load %arg14[%get3A_734, %get3A_735] {strides = array<i32>} : memref<512x128xf32, #tpu.memory_space<vmem>>, vector<1x16xf32>,
        %get3A_737 = vector.shape_cast %get3A_736 : vector<1x16xf32> to vector<16xf32>
        %mul3A_738 = vector.broadcast %squeeze3A_731 : f32 to vector<16xf32>
        %mul3A_739 = arith.mulf %mul3A_738, %get3A_737 : vector<16xf32>
        %add3A_740 = arith.addf %get3A_729, %mul3A_739 : vector<16xf32>
        %slice3A_741 = vector.extract_strided_slice %get3A_130 {offsets = [4], sizes = [1], strides = [1]} : vector<16xf32> to vector<1xf32>
        %squeeze3A_742 = vector.extract %slice3A_741[0] : f32 from vector<1xf32>
        %add3A_743 = arith.constant 384 : i32
        %add3A_744 = arith.addi %add3A_743, %add3A_659 : i32
        %get3A_745 = arith.index_cast %add3A_744 : i32 to index
        %get3A_746 = arith.constant 32 : index
        %get3A_747 = tpu.vector_load %arg14[%get3A_745, %get3A_746] {strides = array<i32>} : memref<512x128xf32, #tpu.memory_space<vmem>>, vector<1x16xf32>,
        %get3A_748 = vector.shape_cast %get3A_747 : vector<1x16xf32> to vector<16xf32>
        %mul3A_749 = vector.broadcast %squeeze3A_742 : f32 to vector<16xf32>
        %mul3A_750 = arith.mulf %mul3A_749, %get3A_748 : vector<16xf32>
        %add3A_751 = arith.addf %add3A_740, %mul3A_750 : vector<16xf32>
        %swap3A_752 = arith.index_cast %add3A_663 : i32 to index
        %swap3A_753 = arith.constant 288 : index
        %swap3A_754 = tpu.vector_load %arg15[%swap3A_752, %swap3A_753] {strides = array<i32>} : memref<16x512xf32, #tpu.memory_space<vmem>>, vector<1x16xf32>,
        %swap3A_755 = vector.shape_cast %swap3A_754 : vector<1x16xf32> to vector<16xf32>
        %swap3A_756 = vector.shape_cast %add3A_751 : vector<16xf32> to vector<1x16xf32>
        tpu.vector_store %arg15[%swap3A_752, %swap3A_753], %swap3A_756 {strides = array<i32>} : memref<16x512xf32, #tpu.memory_space<vmem>>, vector<1x16xf32>,
        %get3A_757 = arith.index_cast %add3A_663 : i32 to index
        %get3A_758 = arith.constant 304 : index
        %get3A_759 = tpu.vector_load %arg15[%get3A_757, %get3A_758] {strides = array<i32>} : memref<16x512xf32, #tpu.memory_space<vmem>>, vector<1x16xf32>,
        %get3A_760 = vector.shape_cast %get3A_759 : vector<1x16xf32> to vector<16xf32>
        %slice3A_761 = vector.extract_strided_slice %get3A_122 {offsets = [4], sizes = [1], strides = [1]} : vector<16xf32> to vector<1xf32>
        %squeeze3A_762 = vector.extract %slice3A_761[0] : f32 from vector<1xf32>
        %add3A_763 = arith.constant 256 : i32
        %add3A_764 = arith.addi %add3A_763, %add3A_659 : i32
        %get3A_765 = arith.index_cast %add3A_764 : i32 to index
        %get3A_766 = arith.constant 48 : index
        %get3A_767 = tpu.vector_load %arg14[%get3A_765, %get3A_766] {strides = array<i32>} : memref<512x128xf32, #tpu.memory_space<vmem>>, vector<1x16xf32>,
        %get3A_768 = vector.shape_cast %get3A_767 : vector<1x16xf32> to vector<16xf32>
        %mul3A_769 = vector.broadcast %squeeze3A_762 : f32 to vector<16xf32>
        %mul3A_770 = arith.mulf %mul3A_769, %get3A_768 : vector<16xf32>
        %add3A_771 = arith.addf %get3A_760, %mul3A_770 : vector<16xf32>
        %slice3A_772 = vector.extract_strided_slice %get3A_130 {offsets = [4], sizes = [1], strides = [1]} : vector<16xf32> to vector<1xf32>
        %squeeze3A_773 = vector.extract %slice3A_772[0] : f32 from vector<1xf32>
        %add3A_774 = arith.constant 384 : i32
        %add3A_775 = arith.addi %add3A_774, %add3A_659 : i32
        %get3A_776 = arith.index_cast %add3A_775 : i32 to index
        %get3A_777 = arith.constant 48 : index
        %get3A_778 = tpu.vector_load %arg14[%get3A_776, %get3A_777] {strides = array<i32>} : memref<512x128xf32, #tpu.memory_space<vmem>>, vector<1x16xf32>,
        %get3A_779 = vector.shape_cast %get3A_778 : vector<1x16xf32> to vector<16xf32>
        %mul3A_780 = vector.broadcast %squeeze3A_773 : f32 to vector<16xf32>
        %mul3A_781 = arith.mulf %mul3A_780, %get3A_779 : vector<16xf32>
        %add3A_782 = arith.addf %add3A_771, %mul3A_781 : vector<16xf32>
        %swap3A_783 = arith.index_cast %add3A_663 : i32 to index
        %swap3A_784 = arith.constant 304 : index
        %swap3A_785 = tpu.vector_load %arg15[%swap3A_783, %swap3A_784] {strides = array<i32>} : memref<16x512xf32, #tpu.memory_space<vmem>>, vector<1x16xf32>,
        %swap3A_786 = vector.shape_cast %swap3A_785 : vector<1x16xf32> to vector<16xf32>
        %swap3A_787 = vector.shape_cast %add3A_782 : vector<16xf32> to vector<1x16xf32>
        tpu.vector_store %arg15[%swap3A_783, %swap3A_784], %swap3A_787 {strides = array<i32>} : memref<16x512xf32, #tpu.memory_space<vmem>>, vector<1x16xf32>,
        %mul3A_788 = arith.constant 16 : i32
        %mul3A_789 = arith.muli %scan3A_114, %mul3A_788 : i32
        %add3A_790 = arith.constant 5 : i32
        %add3A_791 = arith.addi %mul3A_789, %add3A_790 : i32
        %mul3A_792 = arith.constant 2 : i32
        %mul3A_793 = arith.muli %scan3A_114, %mul3A_792 : i32
        %add3A_794 = arith.constant 0 : i32
        %add3A_795 = arith.addi %mul3A_793, %add3A_794 : i32
        %get3A_796 = arith.index_cast %add3A_795 : i32 to index
        %get3A_797 = arith.constant 320 : index
        %get3A_798 = tpu.vector_load %arg15[%get3A_796, %get3A_797] {strides = array<i32>} : memref<16x512xf32, #tpu.memory_space<vmem>>, vector<1x16xf32>,
        %get3A_799 = vector.shape_cast %get3A_798 : vector<1x16xf32> to vector<16xf32>
        %slice3A_800 = vector.extract_strided_slice %get3A_122 {offsets = [5], sizes = [1], strides = [1]} : vector<16xf32> to vector<1xf32>
        %squeeze3A_801 = vector.extract %slice3A_800[0] : f32 from vector<1xf32>
        %add3A_802 = arith.constant 256 : i32
        %add3A_803 = arith.addi %add3A_802, %add3A_791 : i32
        %get3A_804 = arith.index_cast %add3A_803 : i32 to index
        %get3A_805 = arith.constant 0 : index
        %get3A_806 = tpu.vector_load %arg14[%get3A_804, %get3A_805] {strides = array<i32>} : memref<512x128xf32, #tpu.memory_space<vmem>>, vector<1x16xf32>,
        %get3A_807 = vector.shape_cast %get3A_806 : vector<1x16xf32> to vector<16xf32>
        %mul3A_808 = vector.broadcast %squeeze3A_801 : f32 to vector<16xf32>
        %mul3A_809 = arith.mulf %mul3A_808, %get3A_807 : vector<16xf32>
        %add3A_810 = arith.addf %get3A_799, %mul3A_809 : vector<16xf32>
        %slice3A_811 = vector.extract_strided_slice %get3A_130 {offsets = [5], sizes = [1], strides = [1]} : vector<16xf32> to vector<1xf32>
        %squeeze3A_812 = vector.extract %slice3A_811[0] : f32 from vector<1xf32>
        %add3A_813 = arith.constant 384 : i32
        %add3A_814 = arith.addi %add3A_813, %add3A_791 : i32
        %get3A_815 = arith.index_cast %add3A_814 : i32 to index
        %get3A_816 = arith.constant 0 : index
        %get3A_817 = tpu.vector_load %arg14[%get3A_815, %get3A_816] {strides = array<i32>} : memref<512x128xf32, #tpu.memory_space<vmem>>, vector<1x16xf32>,
        %get3A_818 = vector.shape_cast %get3A_817 : vector<1x16xf32> to vector<16xf32>
        %mul3A_819 = vector.broadcast %squeeze3A_812 : f32 to vector<16xf32>
        %mul3A_820 = arith.mulf %mul3A_819, %get3A_818 : vector<16xf32>
        %add3A_821 = arith.addf %add3A_810, %mul3A_820 : vector<16xf32>
        %swap3A_822 = arith.index_cast %add3A_795 : i32 to index
        %swap3A_823 = arith.constant 320 : index
        %swap3A_824 = tpu.vector_load %arg15[%swap3A_822, %swap3A_823] {strides = array<i32>} : memref<16x512xf32, #tpu.memory_space<vmem>>, vector<1x16xf32>,
        %swap3A_825 = vector.shape_cast %swap3A_824 : vector<1x16xf32> to vector<16xf32>
        %swap3A_826 = vector.shape_cast %add3A_821 : vector<16xf32> to vector<1x16xf32>
        tpu.vector_store %arg15[%swap3A_822, %swap3A_823], %swap3A_826 {strides = array<i32>} : memref<16x512xf32, #tpu.memory_space<vmem>>, vector<1x16xf32>,
        %get3A_827 = arith.index_cast %add3A_795 : i32 to index
        %get3A_828 = arith.constant 336 : index
        %get3A_829 = tpu.vector_load %arg15[%get3A_827, %get3A_828] {strides = array<i32>} : memref<16x512xf32, #tpu.memory_space<vmem>>, vector<1x16xf32>,
        %get3A_830 = vector.shape_cast %get3A_829 : vector<1x16xf32> to vector<16xf32>
        %slice3A_831 = vector.extract_strided_slice %get3A_122 {offsets = [5], sizes = [1], strides = [1]} : vector<16xf32> to vector<1xf32>
        %squeeze3A_832 = vector.extract %slice3A_831[0] : f32 from vector<1xf32>
        %add3A_833 = arith.constant 256 : i32
        %add3A_834 = arith.addi %add3A_833, %add3A_791 : i32
        %get3A_835 = arith.index_cast %add3A_834 : i32 to index
        %get3A_836 = arith.constant 16 : index
        %get3A_837 = tpu.vector_load %arg14[%get3A_835, %get3A_836] {strides = array<i32>} : memref<512x128xf32, #tpu.memory_space<vmem>>, vector<1x16xf32>,
        %get3A_838 = vector.shape_cast %get3A_837 : vector<1x16xf32> to vector<16xf32>
        %mul3A_839 = vector.broadcast %squeeze3A_832 : f32 to vector<16xf32>
        %mul3A_840 = arith.mulf %mul3A_839, %get3A_838 : vector<16xf32>
        %add3A_841 = arith.addf %get3A_830, %mul3A_840 : vector<16xf32>
        %slice3A_842 = vector.extract_strided_slice %get3A_130 {offsets = [5], sizes = [1], strides = [1]} : vector<16xf32> to vector<1xf32>
        %squeeze3A_843 = vector.extract %slice3A_842[0] : f32 from vector<1xf32>
        %add3A_844 = arith.constant 384 : i32
        %add3A_845 = arith.addi %add3A_844, %add3A_791 : i32
        %get3A_846 = arith.index_cast %add3A_845 : i32 to index
        %get3A_847 = arith.constant 16 : index
        %get3A_848 = tpu.vector_load %arg14[%get3A_846, %get3A_847] {strides = array<i32>} : memref<512x128xf32, #tpu.memory_space<vmem>>, vector<1x16xf32>,
        %get3A_849 = vector.shape_cast %get3A_848 : vector<1x16xf32> to vector<16xf32>
        %mul3A_850 = vector.broadcast %squeeze3A_843 : f32 to vector<16xf32>
        %mul3A_851 = arith.mulf %mul3A_850, %get3A_849 : vector<16xf32>
        %add3A_852 = arith.addf %add3A_841, %mul3A_851 : vector<16xf32>
        %swap3A_853 = arith.index_cast %add3A_795 : i32 to index
        %swap3A_854 = arith.constant 336 : index
        %swap3A_855 = tpu.vector_load %arg15[%swap3A_853, %swap3A_854] {strides = array<i32>} : memref<16x512xf32, #tpu.memory_space<vmem>>, vector<1x16xf32>,
        %swap3A_856 = vector.shape_cast %swap3A_855 : vector<1x16xf32> to vector<16xf32>
        %swap3A_857 = vector.shape_cast %add3A_852 : vector<16xf32> to vector<1x16xf32>
        tpu.vector_store %arg15[%swap3A_853, %swap3A_854], %swap3A_857 {strides = array<i32>} : memref<16x512xf32, #tpu.memory_space<vmem>>, vector<1x16xf32>,
        %get3A_858 = arith.index_cast %add3A_795 : i32 to index
        %get3A_859 = arith.constant 352 : index
        %get3A_860 = tpu.vector_load %arg15[%get3A_858, %get3A_859] {strides = array<i32>} : memref<16x512xf32, #tpu.memory_space<vmem>>, vector<1x16xf32>,
        %get3A_861 = vector.shape_cast %get3A_860 : vector<1x16xf32> to vector<16xf32>
        %slice3A_862 = vector.extract_strided_slice %get3A_122 {offsets = [5], sizes = [1], strides = [1]} : vector<16xf32> to vector<1xf32>
        %squeeze3A_863 = vector.extract %slice3A_862[0] : f32 from vector<1xf32>
        %add3A_864 = arith.constant 256 : i32
        %add3A_865 = arith.addi %add3A_864, %add3A_791 : i32
        %get3A_866 = arith.index_cast %add3A_865 : i32 to index
        %get3A_867 = arith.constant 32 : index
        %get3A_868 = tpu.vector_load %arg14[%get3A_866, %get3A_867] {strides = array<i32>} : memref<512x128xf32, #tpu.memory_space<vmem>>, vector<1x16xf32>,
        %get3A_869 = vector.shape_cast %get3A_868 : vector<1x16xf32> to vector<16xf32>
        %mul3A_870 = vector.broadcast %squeeze3A_863 : f32 to vector<16xf32>
        %mul3A_871 = arith.mulf %mul3A_870, %get3A_869 : vector<16xf32>
        %add3A_872 = arith.addf %get3A_861, %mul3A_871 : vector<16xf32>
        %slice3A_873 = vector.extract_strided_slice %get3A_130 {offsets = [5], sizes = [1], strides = [1]} : vector<16xf32> to vector<1xf32>
        %squeeze3A_874 = vector.extract %slice3A_873[0] : f32 from vector<1xf32>
        %add3A_875 = arith.constant 384 : i32
        %add3A_876 = arith.addi %add3A_875, %add3A_791 : i32
        %get3A_877 = arith.index_cast %add3A_876 : i32 to index
        %get3A_878 = arith.constant 32 : index
        %get3A_879 = tpu.vector_load %arg14[%get3A_877, %get3A_878] {strides = array<i32>} : memref<512x128xf32, #tpu.memory_space<vmem>>, vector<1x16xf32>,
        %get3A_880 = vector.shape_cast %get3A_879 : vector<1x16xf32> to vector<16xf32>
        %mul3A_881 = vector.broadcast %squeeze3A_874 : f32 to vector<16xf32>
        %mul3A_882 = arith.mulf %mul3A_881, %get3A_880 : vector<16xf32>
        %add3A_883 = arith.addf %add3A_872, %mul3A_882 : vector<16xf32>
        %swap3A_884 = arith.index_cast %add3A_795 : i32 to index
        %swap3A_885 = arith.constant 352 : index
        %swap3A_886 = tpu.vector_load %arg15[%swap3A_884, %swap3A_885] {strides = array<i32>} : memref<16x512xf32, #tpu.memory_space<vmem>>, vector<1x16xf32>,
        %swap3A_887 = vector.shape_cast %swap3A_886 : vector<1x16xf32> to vector<16xf32>
        %swap3A_888 = vector.shape_cast %add3A_883 : vector<16xf32> to vector<1x16xf32>
        tpu.vector_store %arg15[%swap3A_884, %swap3A_885], %swap3A_888 {strides = array<i32>} : memref<16x512xf32, #tpu.memory_space<vmem>>, vector<1x16xf32>,
        %get3A_889 = arith.index_cast %add3A_795 : i32 to index
        %get3A_890 = arith.constant 368 : index
        %get3A_891 = tpu.vector_load %arg15[%get3A_889, %get3A_890] {strides = array<i32>} : memref<16x512xf32, #tpu.memory_space<vmem>>, vector<1x16xf32>,
        %get3A_892 = vector.shape_cast %get3A_891 : vector<1x16xf32> to vector<16xf32>
        %slice3A_893 = vector.extract_strided_slice %get3A_122 {offsets = [5], sizes = [1], strides = [1]} : vector<16xf32> to vector<1xf32>
        %squeeze3A_894 = vector.extract %slice3A_893[0] : f32 from vector<1xf32>
        %add3A_895 = arith.constant 256 : i32
        %add3A_896 = arith.addi %add3A_895, %add3A_791 : i32
        %get3A_897 = arith.index_cast %add3A_896 : i32 to index
        %get3A_898 = arith.constant 48 : index
        %get3A_899 = tpu.vector_load %arg14[%get3A_897, %get3A_898] {strides = array<i32>} : memref<512x128xf32, #tpu.memory_space<vmem>>, vector<1x16xf32>,
        %get3A_900 = vector.shape_cast %get3A_899 : vector<1x16xf32> to vector<16xf32>
        %mul3A_901 = vector.broadcast %squeeze3A_894 : f32 to vector<16xf32>
        %mul3A_902 = arith.mulf %mul3A_901, %get3A_900 : vector<16xf32>
        %add3A_903 = arith.addf %get3A_892, %mul3A_902 : vector<16xf32>
        %slice3A_904 = vector.extract_strided_slice %get3A_130 {offsets = [5], sizes = [1], strides = [1]} : vector<16xf32> to vector<1xf32>
        %squeeze3A_905 = vector.extract %slice3A_904[0] : f32 from vector<1xf32>
        %add3A_906 = arith.constant 384 : i32
        %add3A_907 = arith.addi %add3A_906, %add3A_791 : i32
        %get3A_908 = arith.index_cast %add3A_907 : i32 to index
        %get3A_909 = arith.constant 48 : index
        %get3A_910 = tpu.vector_load %arg14[%get3A_908, %get3A_909] {strides = array<i32>} : memref<512x128xf32, #tpu.memory_space<vmem>>, vector<1x16xf32>,
        %get3A_911 = vector.shape_cast %get3A_910 : vector<1x16xf32> to vector<16xf32>
        %mul3A_912 = vector.broadcast %squeeze3A_905 : f32 to vector<16xf32>
        %mul3A_913 = arith.mulf %mul3A_912, %get3A_911 : vector<16xf32>
        %add3A_914 = arith.addf %add3A_903, %mul3A_913 : vector<16xf32>
        %swap3A_915 = arith.index_cast %add3A_795 : i32 to index
        %swap3A_916 = arith.constant 368 : index
        %swap3A_917 = tpu.vector_load %arg15[%swap3A_915, %swap3A_916] {strides = array<i32>} : memref<16x512xf32, #tpu.memory_space<vmem>>, vector<1x16xf32>,
        %swap3A_918 = vector.shape_cast %swap3A_917 : vector<1x16xf32> to vector<16xf32>
        %swap3A_919 = vector.shape_cast %add3A_914 : vector<16xf32> to vector<1x16xf32>
        tpu.vector_store %arg15[%swap3A_915, %swap3A_916], %swap3A_919 {strides = array<i32>} : memref<16x512xf32, #tpu.memory_space<vmem>>, vector<1x16xf32>,
        %mul3A_920 = arith.constant 16 : i32
        %mul3A_921 = arith.muli %scan3A_114, %mul3A_920 : i32
        %add3A_922 = arith.constant 6 : i32
        %add3A_923 = arith.addi %mul3A_921, %add3A_922 : i32
        %mul3A_924 = arith.constant 2 : i32
        %mul3A_925 = arith.muli %scan3A_114, %mul3A_924 : i32
        %add3A_926 = arith.constant 0 : i32
        %add3A_927 = arith.addi %mul3A_925, %add3A_926 : i32
        %get3A_928 = arith.index_cast %add3A_927 : i32 to index
        %get3A_929 = arith.constant 384 : index
        %get3A_930 = tpu.vector_load %arg15[%get3A_928, %get3A_929] {strides = array<i32>} : memref<16x512xf32, #tpu.memory_space<vmem>>, vector<1x16xf32>,
        %get3A_931 = vector.shape_cast %get3A_930 : vector<1x16xf32> to vector<16xf32>
        %slice3A_932 = vector.extract_strided_slice %get3A_122 {offsets = [6], sizes = [1], strides = [1]} : vector<16xf32> to vector<1xf32>
        %squeeze3A_933 = vector.extract %slice3A_932[0] : f32 from vector<1xf32>
        %add3A_934 = arith.constant 256 : i32
        %add3A_935 = arith.addi %add3A_934, %add3A_923 : i32
        %get3A_936 = arith.index_cast %add3A_935 : i32 to index
        %get3A_937 = arith.constant 0 : index
        %get3A_938 = tpu.vector_load %arg14[%get3A_936, %get3A_937] {strides = array<i32>} : memref<512x128xf32, #tpu.memory_space<vmem>>, vector<1x16xf32>,
        %get3A_939 = vector.shape_cast %get3A_938 : vector<1x16xf32> to vector<16xf32>
        %mul3A_940 = vector.broadcast %squeeze3A_933 : f32 to vector<16xf32>
        %mul3A_941 = arith.mulf %mul3A_940, %get3A_939 : vector<16xf32>
        %add3A_942 = arith.addf %get3A_931, %mul3A_941 : vector<16xf32>
        %slice3A_943 = vector.extract_strided_slice %get3A_130 {offsets = [6], sizes = [1], strides = [1]} : vector<16xf32> to vector<1xf32>
        %squeeze3A_944 = vector.extract %slice3A_943[0] : f32 from vector<1xf32>
        %add3A_945 = arith.constant 384 : i32
        %add3A_946 = arith.addi %add3A_945, %add3A_923 : i32
        %get3A_947 = arith.index_cast %add3A_946 : i32 to index
        %get3A_948 = arith.constant 0 : index
        %get3A_949 = tpu.vector_load %arg14[%get3A_947, %get3A_948] {strides = array<i32>} : memref<512x128xf32, #tpu.memory_space<vmem>>, vector<1x16xf32>,
        %get3A_950 = vector.shape_cast %get3A_949 : vector<1x16xf32> to vector<16xf32>
        %mul3A_951 = vector.broadcast %squeeze3A_944 : f32 to vector<16xf32>
        %mul3A_952 = arith.mulf %mul3A_951, %get3A_950 : vector<16xf32>
        %add3A_953 = arith.addf %add3A_942, %mul3A_952 : vector<16xf32>
        %swap3A_954 = arith.index_cast %add3A_927 : i32 to index
        %swap3A_955 = arith.constant 384 : index
        %swap3A_956 = tpu.vector_load %arg15[%swap3A_954, %swap3A_955] {strides = array<i32>} : memref<16x512xf32, #tpu.memory_space<vmem>>, vector<1x16xf32>,
        %swap3A_957 = vector.shape_cast %swap3A_956 : vector<1x16xf32> to vector<16xf32>
        %swap3A_958 = vector.shape_cast %add3A_953 : vector<16xf32> to vector<1x16xf32>
        tpu.vector_store %arg15[%swap3A_954, %swap3A_955], %swap3A_958 {strides = array<i32>} : memref<16x512xf32, #tpu.memory_space<vmem>>, vector<1x16xf32>,
        %get3A_959 = arith.index_cast %add3A_927 : i32 to index
        %get3A_960 = arith.constant 400 : index
        %get3A_961 = tpu.vector_load %arg15[%get3A_959, %get3A_960] {strides = array<i32>} : memref<16x512xf32, #tpu.memory_space<vmem>>, vector<1x16xf32>,
        %get3A_962 = vector.shape_cast %get3A_961 : vector<1x16xf32> to vector<16xf32>
        %slice3A_963 = vector.extract_strided_slice %get3A_122 {offsets = [6], sizes = [1], strides = [1]} : vector<16xf32> to vector<1xf32>
        %squeeze3A_964 = vector.extract %slice3A_963[0] : f32 from vector<1xf32>
        %add3A_965 = arith.constant 256 : i32
        %add3A_966 = arith.addi %add3A_965, %add3A_923 : i32
        %get3A_967 = arith.index_cast %add3A_966 : i32 to index
        %get3A_968 = arith.constant 16 : index
        %get3A_969 = tpu.vector_load %arg14[%get3A_967, %get3A_968] {strides = array<i32>} : memref<512x128xf32, #tpu.memory_space<vmem>>, vector<1x16xf32>,
        %get3A_970 = vector.shape_cast %get3A_969 : vector<1x16xf32> to vector<16xf32>
        %mul3A_971 = vector.broadcast %squeeze3A_964 : f32 to vector<16xf32>
        %mul3A_972 = arith.mulf %mul3A_971, %get3A_970 : vector<16xf32>
        %add3A_973 = arith.addf %get3A_962, %mul3A_972 : vector<16xf32>
        %slice3A_974 = vector.extract_strided_slice %get3A_130 {offsets = [6], sizes = [1], strides = [1]} : vector<16xf32> to vector<1xf32>
        %squeeze3A_975 = vector.extract %slice3A_974[0] : f32 from vector<1xf32>
        %add3A_976 = arith.constant 384 : i32
        %add3A_977 = arith.addi %add3A_976, %add3A_923 : i32
        %get3A_978 = arith.index_cast %add3A_977 : i32 to index
        %get3A_979 = arith.constant 16 : index
        %get3A_980 = tpu.vector_load %arg14[%get3A_978, %get3A_979] {strides = array<i32>} : memref<512x128xf32, #tpu.memory_space<vmem>>, vector<1x16xf32>,
        %get3A_981 = vector.shape_cast %get3A_980 : vector<1x16xf32> to vector<16xf32>
        %mul3A_982 = vector.broadcast %squeeze3A_975 : f32 to vector<16xf32>
        %mul3A_983 = arith.mulf %mul3A_982, %get3A_981 : vector<16xf32>
        %add3A_984 = arith.addf %add3A_973, %mul3A_983 : vector<16xf32>
        %swap3A_985 = arith.index_cast %add3A_927 : i32 to index
        %swap3A_986 = arith.constant 400 : index
        %swap3A_987 = tpu.vector_load %arg15[%swap3A_985, %swap3A_986] {strides = array<i32>} : memref<16x512xf32, #tpu.memory_space<vmem>>, vector<1x16xf32>,
        %swap3A_988 = vector.shape_cast %swap3A_987 : vector<1x16xf32> to vector<16xf32>
        %swap3A_989 = vector.shape_cast %add3A_984 : vector<16xf32> to vector<1x16xf32>
        tpu.vector_store %arg15[%swap3A_985, %swap3A_986], %swap3A_989 {strides = array<i32>} : memref<16x512xf32, #tpu.memory_space<vmem>>, vector<1x16xf32>,
        %get3A_990 = arith.index_cast %add3A_927 : i32 to index
        %get3A_991 = arith.constant 416 : index
        %get3A_992 = tpu.vector_load %arg15[%get3A_990, %get3A_991] {strides = array<i32>} : memref<16x512xf32, #tpu.memory_space<vmem>>, vector<1x16xf32>,
        %get3A_993 = vector.shape_cast %get3A_992 : vector<1x16xf32> to vector<16xf32>
        %slice3A_994 = vector.extract_strided_slice %get3A_122 {offsets = [6], sizes = [1], strides = [1]} : vector<16xf32> to vector<1xf32>
        %squeeze3A_995 = vector.extract %slice3A_994[0] : f32 from vector<1xf32>
        %add3A_996 = arith.constant 256 : i32
        %add3A_997 = arith.addi %add3A_996, %add3A_923 : i32
        %get3A_998 = arith.index_cast %add3A_997 : i32 to index
        %get3A_999 = arith.constant 32 : index
        %get3A_1000 = tpu.vector_load %arg14[%get3A_998, %get3A_999] {strides = array<i32>} : memref<512x128xf32, #tpu.memory_space<vmem>>, vector<1x16xf32>,
        %get3A_1001 = vector.shape_cast %get3A_1000 : vector<1x16xf32> to vector<16xf32>
        %mul3A_1002 = vector.broadcast %squeeze3A_995 : f32 to vector<16xf32>
        %mul3A_1003 = arith.mulf %mul3A_1002, %get3A_1001 : vector<16xf32>
        %add3A_1004 = arith.addf %get3A_993, %mul3A_1003 : vector<16xf32>
        %slice3A_1005 = vector.extract_strided_slice %get3A_130 {offsets = [6], sizes = [1], strides = [1]} : vector<16xf32> to vector<1xf32>
        %squeeze3A_1006 = vector.extract %slice3A_1005[0] : f32 from vector<1xf32>
        %add3A_1007 = arith.constant 384 : i32
        %add3A_1008 = arith.addi %add3A_1007, %add3A_923 : i32
        %get3A_1009 = arith.index_cast %add3A_1008 : i32 to index
        %get3A_1010 = arith.constant 32 : index
        %get3A_1011 = tpu.vector_load %arg14[%get3A_1009, %get3A_1010] {strides = array<i32>} : memref<512x128xf32, #tpu.memory_space<vmem>>, vector<1x16xf32>,
        %get3A_1012 = vector.shape_cast %get3A_1011 : vector<1x16xf32> to vector<16xf32>
        %mul3A_1013 = vector.broadcast %squeeze3A_1006 : f32 to vector<16xf32>
        %mul3A_1014 = arith.mulf %mul3A_1013, %get3A_1012 : vector<16xf32>
        %add3A_1015 = arith.addf %add3A_1004, %mul3A_1014 : vector<16xf32>
        %swap3A_1016 = arith.index_cast %add3A_927 : i32 to index
        %swap3A_1017 = arith.constant 416 : index
        %swap3A_1018 = tpu.vector_load %arg15[%swap3A_1016, %swap3A_1017] {strides = array<i32>} : memref<16x512xf32, #tpu.memory_space<vmem>>, vector<1x16xf32>,
        %swap3A_1019 = vector.shape_cast %swap3A_1018 : vector<1x16xf32> to vector<16xf32>
        %swap3A_1020 = vector.shape_cast %add3A_1015 : vector<16xf32> to vector<1x16xf32>
        tpu.vector_store %arg15[%swap3A_1016, %swap3A_1017], %swap3A_1020 {strides = array<i32>} : memref<16x512xf32, #tpu.memory_space<vmem>>, vector<1x16xf32>,
        %get3A_1021 = arith.index_cast %add3A_927 : i32 to index
        %get3A_1022 = arith.constant 432 : index
        %get3A_1023 = tpu.vector_load %arg15[%get3A_1021, %get3A_1022] {strides = array<i32>} : memref<16x512xf32, #tpu.memory_space<vmem>>, vector<1x16xf32>,
        %get3A_1024 = vector.shape_cast %get3A_1023 : vector<1x16xf32> to vector<16xf32>
        %slice3A_1025 = vector.extract_strided_slice %get3A_122 {offsets = [6], sizes = [1], strides = [1]} : vector<16xf32> to vector<1xf32>
        %squeeze3A_1026 = vector.extract %slice3A_1025[0] : f32 from vector<1xf32>
        %add3A_1027 = arith.constant 256 : i32
        %add3A_1028 = arith.addi %add3A_1027, %add3A_923 : i32
        %get3A_1029 = arith.index_cast %add3A_1028 : i32 to index
        %get3A_1030 = arith.constant 48 : index
        %get3A_1031 = tpu.vector_load %arg14[%get3A_1029, %get3A_1030] {strides = array<i32>} : memref<512x128xf32, #tpu.memory_space<vmem>>, vector<1x16xf32>,
        %get3A_1032 = vector.shape_cast %get3A_1031 : vector<1x16xf32> to vector<16xf32>
        %mul3A_1033 = vector.broadcast %squeeze3A_1026 : f32 to vector<16xf32>
        %mul3A_1034 = arith.mulf %mul3A_1033, %get3A_1032 : vector<16xf32>
        %add3A_1035 = arith.addf %get3A_1024, %mul3A_1034 : vector<16xf32>
        %slice3A_1036 = vector.extract_strided_slice %get3A_130 {offsets = [6], sizes = [1], strides = [1]} : vector<16xf32> to vector<1xf32>
        %squeeze3A_1037 = vector.extract %slice3A_1036[0] : f32 from vector<1xf32>
        %add3A_1038 = arith.constant 384 : i32
        %add3A_1039 = arith.addi %add3A_1038, %add3A_923 : i32
        %get3A_1040 = arith.index_cast %add3A_1039 : i32 to index
        %get3A_1041 = arith.constant 48 : index
        %get3A_1042 = tpu.vector_load %arg14[%get3A_1040, %get3A_1041] {strides = array<i32>} : memref<512x128xf32, #tpu.memory_space<vmem>>, vector<1x16xf32>,
        %get3A_1043 = vector.shape_cast %get3A_1042 : vector<1x16xf32> to vector<16xf32>
        %mul3A_1044 = vector.broadcast %squeeze3A_1037 : f32 to vector<16xf32>
        %mul3A_1045 = arith.mulf %mul3A_1044, %get3A_1043 : vector<16xf32>
        %add3A_1046 = arith.addf %add3A_1035, %mul3A_1045 : vector<16xf32>
        %swap3A_1047 = arith.index_cast %add3A_927 : i32 to index
        %swap3A_1048 = arith.constant 432 : index
        %swap3A_1049 = tpu.vector_load %arg15[%swap3A_1047, %swap3A_1048] {strides = array<i32>} : memref<16x512xf32, #tpu.memory_space<vmem>>, vector<1x16xf32>,
        %swap3A_1050 = vector.shape_cast %swap3A_1049 : vector<1x16xf32> to vector<16xf32>
        %swap3A_1051 = vector.shape_cast %add3A_1046 : vector<16xf32> to vector<1x16xf32>
        tpu.vector_store %arg15[%swap3A_1047, %swap3A_1048], %swap3A_1051 {strides = array<i32>} : memref<16x512xf32, #tpu.memory_space<vmem>>, vector<1x16xf32>,
        %mul3A_1052 = arith.constant 16 : i32
        %mul3A_1053 = arith.muli %scan3A_114, %mul3A_1052 : i32
        %add3A_1054 = arith.constant 7 : i32
        %add3A_1055 = arith.addi %mul3A_1053, %add3A_1054 : i32
        %mul3A_1056 = arith.constant 2 : i32
        %mul3A_1057 = arith.muli %scan3A_114, %mul3A_1056 : i32
        %add3A_1058 = arith.constant 0 : i32
        %add3A_1059 = arith.addi %mul3A_1057, %add3A_1058 : i32
        %get3A_1060 = arith.index_cast %add3A_1059 : i32 to index
        %get3A_1061 = arith.constant 448 : index
        %get3A_1062 = tpu.vector_load %arg15[%get3A_1060, %get3A_1061] {strides = array<i32>} : memref<16x512xf32, #tpu.memory_space<vmem>>, vector<1x16xf32>,
        %get3A_1063 = vector.shape_cast %get3A_1062 : vector<1x16xf32> to vector<16xf32>
        %slice3A_1064 = vector.extract_strided_slice %get3A_122 {offsets = [7], sizes = [1], strides = [1]} : vector<16xf32> to vector<1xf32>
        %squeeze3A_1065 = vector.extract %slice3A_1064[0] : f32 from vector<1xf32>
        %add3A_1066 = arith.constant 256 : i32
        %add3A_1067 = arith.addi %add3A_1066, %add3A_1055 : i32
        %get3A_1068 = arith.index_cast %add3A_1067 : i32 to index
        %get3A_1069 = arith.constant 0 : index
        %get3A_1070 = tpu.vector_load %arg14[%get3A_1068, %get3A_1069] {strides = array<i32>} : memref<512x128xf32, #tpu.memory_space<vmem>>, vector<1x16xf32>,
        %get3A_1071 = vector.shape_cast %get3A_1070 : vector<1x16xf32> to vector<16xf32>
        %mul3A_1072 = vector.broadcast %squeeze3A_1065 : f32 to vector<16xf32>
        %mul3A_1073 = arith.mulf %mul3A_1072, %get3A_1071 : vector<16xf32>
        %add3A_1074 = arith.addf %get3A_1063, %mul3A_1073 : vector<16xf32>
        %slice3A_1075 = vector.extract_strided_slice %get3A_130 {offsets = [7], sizes = [1], strides = [1]} : vector<16xf32> to vector<1xf32>
        %squeeze3A_1076 = vector.extract %slice3A_1075[0] : f32 from vector<1xf32>
        %add3A_1077 = arith.constant 384 : i32
        %add3A_1078 = arith.addi %add3A_1077, %add3A_1055 : i32
        %get3A_1079 = arith.index_cast %add3A_1078 : i32 to index
        %get3A_1080 = arith.constant 0 : index
        %get3A_1081 = tpu.vector_load %arg14[%get3A_1079, %get3A_1080] {strides = array<i32>} : memref<512x128xf32, #tpu.memory_space<vmem>>, vector<1x16xf32>,
        %get3A_1082 = vector.shape_cast %get3A_1081 : vector<1x16xf32> to vector<16xf32>
        %mul3A_1083 = vector.broadcast %squeeze3A_1076 : f32 to vector<16xf32>
        %mul3A_1084 = arith.mulf %mul3A_1083, %get3A_1082 : vector<16xf32>
        %add3A_1085 = arith.addf %add3A_1074, %mul3A_1084 : vector<16xf32>
        %swap3A_1086 = arith.index_cast %add3A_1059 : i32 to index
        %swap3A_1087 = arith.constant 448 : index
        %swap3A_1088 = tpu.vector_load %arg15[%swap3A_1086, %swap3A_1087] {strides = array<i32>} : memref<16x512xf32, #tpu.memory_space<vmem>>, vector<1x16xf32>,
        %swap3A_1089 = vector.shape_cast %swap3A_1088 : vector<1x16xf32> to vector<16xf32>
        %swap3A_1090 = vector.shape_cast %add3A_1085 : vector<16xf32> to vector<1x16xf32>
        tpu.vector_store %arg15[%swap3A_1086, %swap3A_1087], %swap3A_1090 {strides = array<i32>} : memref<16x512xf32, #tpu.memory_space<vmem>>, vector<1x16xf32>,
        %get3A_1091 = arith.index_cast %add3A_1059 : i32 to index
        %get3A_1092 = arith.constant 464 : index
        %get3A_1093 = tpu.vector_load %arg15[%get3A_1091, %get3A_1092] {strides = array<i32>} : memref<16x512xf32, #tpu.memory_space<vmem>>, vector<1x16xf32>,
        %get3A_1094 = vector.shape_cast %get3A_1093 : vector<1x16xf32> to vector<16xf32>
        %slice3A_1095 = vector.extract_strided_slice %get3A_122 {offsets = [7], sizes = [1], strides = [1]} : vector<16xf32> to vector<1xf32>
        %squeeze3A_1096 = vector.extract %slice3A_1095[0] : f32 from vector<1xf32>
        %add3A_1097 = arith.constant 256 : i32
        %add3A_1098 = arith.addi %add3A_1097, %add3A_1055 : i32
        %get3A_1099 = arith.index_cast %add3A_1098 : i32 to index
        %get3A_1100 = arith.constant 16 : index
        %get3A_1101 = tpu.vector_load %arg14[%get3A_1099, %get3A_1100] {strides = array<i32>} : memref<512x128xf32, #tpu.memory_space<vmem>>, vector<1x16xf32>,
        %get3A_1102 = vector.shape_cast %get3A_1101 : vector<1x16xf32> to vector<16xf32>
        %mul3A_1103 = vector.broadcast %squeeze3A_1096 : f32 to vector<16xf32>
        %mul3A_1104 = arith.mulf %mul3A_1103, %get3A_1102 : vector<16xf32>
        %add3A_1105 = arith.addf %get3A_1094, %mul3A_1104 : vector<16xf32>
        %slice3A_1106 = vector.extract_strided_slice %get3A_130 {offsets = [7], sizes = [1], strides = [1]} : vector<16xf32> to vector<1xf32>
        %squeeze3A_1107 = vector.extract %slice3A_1106[0] : f32 from vector<1xf32>
        %add3A_1108 = arith.constant 384 : i32
        %add3A_1109 = arith.addi %add3A_1108, %add3A_1055 : i32
        %get3A_1110 = arith.index_cast %add3A_1109 : i32 to index
        %get3A_1111 = arith.constant 16 : index
        %get3A_1112 = tpu.vector_load %arg14[%get3A_1110, %get3A_1111] {strides = array<i32>} : memref<512x128xf32, #tpu.memory_space<vmem>>, vector<1x16xf32>,
        %get3A_1113 = vector.shape_cast %get3A_1112 : vector<1x16xf32> to vector<16xf32>
        %mul3A_1114 = vector.broadcast %squeeze3A_1107 : f32 to vector<16xf32>
        %mul3A_1115 = arith.mulf %mul3A_1114, %get3A_1113 : vector<16xf32>
        %add3A_1116 = arith.addf %add3A_1105, %mul3A_1115 : vector<16xf32>
        %swap3A_1117 = arith.index_cast %add3A_1059 : i32 to index
        %swap3A_1118 = arith.constant 464 : index
        %swap3A_1119 = tpu.vector_load %arg15[%swap3A_1117, %swap3A_1118] {strides = array<i32>} : memref<16x512xf32, #tpu.memory_space<vmem>>, vector<1x16xf32>,
        %swap3A_1120 = vector.shape_cast %swap3A_1119 : vector<1x16xf32> to vector<16xf32>
        %swap3A_1121 = vector.shape_cast %add3A_1116 : vector<16xf32> to vector<1x16xf32>
        tpu.vector_store %arg15[%swap3A_1117, %swap3A_1118], %swap3A_1121 {strides = array<i32>} : memref<16x512xf32, #tpu.memory_space<vmem>>, vector<1x16xf32>,
        %get3A_1122 = arith.index_cast %add3A_1059 : i32 to index
        %get3A_1123 = arith.constant 480 : index
        %get3A_1124 = tpu.vector_load %arg15[%get3A_1122, %get3A_1123] {strides = array<i32>} : memref<16x512xf32, #tpu.memory_space<vmem>>, vector<1x16xf32>,
        %get3A_1125 = vector.shape_cast %get3A_1124 : vector<1x16xf32> to vector<16xf32>
        %slice3A_1126 = vector.extract_strided_slice %get3A_122 {offsets = [7], sizes = [1], strides = [1]} : vector<16xf32> to vector<1xf32>
        %squeeze3A_1127 = vector.extract %slice3A_1126[0] : f32 from vector<1xf32>
        %add3A_1128 = arith.constant 256 : i32
        %add3A_1129 = arith.addi %add3A_1128, %add3A_1055 : i32
        %get3A_1130 = arith.index_cast %add3A_1129 : i32 to index
        %get3A_1131 = arith.constant 32 : index
        %get3A_1132 = tpu.vector_load %arg14[%get3A_1130, %get3A_1131] {strides = array<i32>} : memref<512x128xf32, #tpu.memory_space<vmem>>, vector<1x16xf32>,
        %get3A_1133 = vector.shape_cast %get3A_1132 : vector<1x16xf32> to vector<16xf32>
        %mul3A_1134 = vector.broadcast %squeeze3A_1127 : f32 to vector<16xf32>
        %mul3A_1135 = arith.mulf %mul3A_1134, %get3A_1133 : vector<16xf32>
        %add3A_1136 = arith.addf %get3A_1125, %mul3A_1135 : vector<16xf32>
        %slice3A_1137 = vector.extract_strided_slice %get3A_130 {offsets = [7], sizes = [1], strides = [1]} : vector<16xf32> to vector<1xf32>
        %squeeze3A_1138 = vector.extract %slice3A_1137[0] : f32 from vector<1xf32>
        %add3A_1139 = arith.constant 384 : i32
        %add3A_1140 = arith.addi %add3A_1139, %add3A_1055 : i32
        %get3A_1141 = arith.index_cast %add3A_1140 : i32 to index
        %get3A_1142 = arith.constant 32 : index
        %get3A_1143 = tpu.vector_load %arg14[%get3A_1141, %get3A_1142] {strides = array<i32>} : memref<512x128xf32, #tpu.memory_space<vmem>>, vector<1x16xf32>,
        %get3A_1144 = vector.shape_cast %get3A_1143 : vector<1x16xf32> to vector<16xf32>
        %mul3A_1145 = vector.broadcast %squeeze3A_1138 : f32 to vector<16xf32>
        %mul3A_1146 = arith.mulf %mul3A_1145, %get3A_1144 : vector<16xf32>
        %add3A_1147 = arith.addf %add3A_1136, %mul3A_1146 : vector<16xf32>
        %swap3A_1148 = arith.index_cast %add3A_1059 : i32 to index
        %swap3A_1149 = arith.constant 480 : index
        %swap3A_1150 = tpu.vector_load %arg15[%swap3A_1148, %swap3A_1149] {strides = array<i32>} : memref<16x512xf32, #tpu.memory_space<vmem>>, vector<1x16xf32>,
        %swap3A_1151 = vector.shape_cast %swap3A_1150 : vector<1x16xf32> to vector<16xf32>
        %swap3A_1152 = vector.shape_cast %add3A_1147 : vector<16xf32> to vector<1x16xf32>
        tpu.vector_store %arg15[%swap3A_1148, %swap3A_1149], %swap3A_1152 {strides = array<i32>} : memref<16x512xf32, #tpu.memory_space<vmem>>, vector<1x16xf32>,
        %get3A_1153 = arith.index_cast %add3A_1059 : i32 to index
        %get3A_1154 = arith.constant 496 : index
        %get3A_1155 = tpu.vector_load %arg15[%get3A_1153, %get3A_1154] {strides = array<i32>} : memref<16x512xf32, #tpu.memory_space<vmem>>, vector<1x16xf32>,
        %get3A_1156 = vector.shape_cast %get3A_1155 : vector<1x16xf32> to vector<16xf32>
        %slice3A_1157 = vector.extract_strided_slice %get3A_122 {offsets = [7], sizes = [1], strides = [1]} : vector<16xf32> to vector<1xf32>
        %squeeze3A_1158 = vector.extract %slice3A_1157[0] : f32 from vector<1xf32>
        %add3A_1159 = arith.constant 256 : i32
        %add3A_1160 = arith.addi %add3A_1159, %add3A_1055 : i32
        %get3A_1161 = arith.index_cast %add3A_1160 : i32 to index
        %get3A_1162 = arith.constant 48 : index
        %get3A_1163 = tpu.vector_load %arg14[%get3A_1161, %get3A_1162] {strides = array<i32>} : memref<512x128xf32, #tpu.memory_space<vmem>>, vector<1x16xf32>,
        %get3A_1164 = vector.shape_cast %get3A_1163 : vector<1x16xf32> to vector<16xf32>
        %mul3A_1165 = vector.broadcast %squeeze3A_1158 : f32 to vector<16xf32>
        %mul3A_1166 = arith.mulf %mul3A_1165, %get3A_1164 : vector<16xf32>
        %add3A_1167 = arith.addf %get3A_1156, %mul3A_1166 : vector<16xf32>
        %slice3A_1168 = vector.extract_strided_slice %get3A_130 {offsets = [7], sizes = [1], strides = [1]} : vector<16xf32> to vector<1xf32>
        %squeeze3A_1169 = vector.extract %slice3A_1168[0] : f32 from vector<1xf32>
        %add3A_1170 = arith.constant 384 : i32
        %add3A_1171 = arith.addi %add3A_1170, %add3A_1055 : i32
        %get3A_1172 = arith.index_cast %add3A_1171 : i32 to index
        %get3A_1173 = arith.constant 48 : index
        %get3A_1174 = tpu.vector_load %arg14[%get3A_1172, %get3A_1173] {strides = array<i32>} : memref<512x128xf32, #tpu.memory_space<vmem>>, vector<1x16xf32>,
        %get3A_1175 = vector.shape_cast %get3A_1174 : vector<1x16xf32> to vector<16xf32>
        %mul3A_1176 = vector.broadcast %squeeze3A_1169 : f32 to vector<16xf32>
        %mul3A_1177 = arith.mulf %mul3A_1176, %get3A_1175 : vector<16xf32>
        %add3A_1178 = arith.addf %add3A_1167, %mul3A_1177 : vector<16xf32>
        %swap3A_1179 = arith.index_cast %add3A_1059 : i32 to index
        %swap3A_1180 = arith.constant 496 : index
        %swap3A_1181 = tpu.vector_load %arg15[%swap3A_1179, %swap3A_1180] {strides = array<i32>} : memref<16x512xf32, #tpu.memory_space<vmem>>, vector<1x16xf32>,
        %swap3A_1182 = vector.shape_cast %swap3A_1181 : vector<1x16xf32> to vector<16xf32>
        %swap3A_1183 = vector.shape_cast %add3A_1178 : vector<16xf32> to vector<1x16xf32>
        tpu.vector_store %arg15[%swap3A_1179, %swap3A_1180], %swap3A_1183 {strides = array<i32>} : memref<16x512xf32, #tpu.memory_space<vmem>>, vector<1x16xf32>,
        %mul3A_1184 = arith.constant 16 : i32
        %mul3A_1185 = arith.muli %scan3A_114, %mul3A_1184 : i32
        %add3A_1186 = arith.constant 8 : i32
        %add3A_1187 = arith.addi %mul3A_1185, %add3A_1186 : i32
        %mul3A_1188 = arith.constant 2 : i32
        %mul3A_1189 = arith.muli %scan3A_114, %mul3A_1188 : i32
        %add3A_1190 = arith.constant 1 : i32
        %add3A_1191 = arith.addi %mul3A_1189, %add3A_1190 : i32
        %get3A_1192 = arith.index_cast %add3A_1191 : i32 to index
        %get3A_1193 = arith.constant 0 : index
        %get3A_1194 = tpu.vector_load %arg15[%get3A_1192, %get3A_1193] {strides = array<i32>} : memref<16x512xf32, #tpu.memory_space<vmem>>, vector<1x16xf32>,
        %get3A_1195 = vector.shape_cast %get3A_1194 : vector<1x16xf32> to vector<16xf32>
        %slice3A_1196 = vector.extract_strided_slice %get3A_122 {offsets = [8], sizes = [1], strides = [1]} : vector<16xf32> to vector<1xf32>
        %squeeze3A_1197 = vector.extract %slice3A_1196[0] : f32 from vector<1xf32>
        %add3A_1198 = arith.constant 256 : i32
        %add3A_1199 = arith.addi %add3A_1198, %add3A_1187 : i32
        %get3A_1200 = arith.index_cast %add3A_1199 : i32 to index
        %get3A_1201 = arith.constant 0 : index
        %get3A_1202 = tpu.vector_load %arg14[%get3A_1200, %get3A_1201] {strides = array<i32>} : memref<512x128xf32, #tpu.memory_space<vmem>>, vector<1x16xf32>,
        %get3A_1203 = vector.shape_cast %get3A_1202 : vector<1x16xf32> to vector<16xf32>
        %mul3A_1204 = vector.broadcast %squeeze3A_1197 : f32 to vector<16xf32>
        %mul3A_1205 = arith.mulf %mul3A_1204, %get3A_1203 : vector<16xf32>
        %add3A_1206 = arith.addf %get3A_1195, %mul3A_1205 : vector<16xf32>
        %slice3A_1207 = vector.extract_strided_slice %get3A_130 {offsets = [8], sizes = [1], strides = [1]} : vector<16xf32> to vector<1xf32>
        %squeeze3A_1208 = vector.extract %slice3A_1207[0] : f32 from vector<1xf32>
        %add3A_1209 = arith.constant 384 : i32
        %add3A_1210 = arith.addi %add3A_1209, %add3A_1187 : i32
        %get3A_1211 = arith.index_cast %add3A_1210 : i32 to index
        %get3A_1212 = arith.constant 0 : index
        %get3A_1213 = tpu.vector_load %arg14[%get3A_1211, %get3A_1212] {strides = array<i32>} : memref<512x128xf32, #tpu.memory_space<vmem>>, vector<1x16xf32>,
        %get3A_1214 = vector.shape_cast %get3A_1213 : vector<1x16xf32> to vector<16xf32>
        %mul3A_1215 = vector.broadcast %squeeze3A_1208 : f32 to vector<16xf32>
        %mul3A_1216 = arith.mulf %mul3A_1215, %get3A_1214 : vector<16xf32>
        %add3A_1217 = arith.addf %add3A_1206, %mul3A_1216 : vector<16xf32>
        %swap3A_1218 = arith.index_cast %add3A_1191 : i32 to index
        %swap3A_1219 = arith.constant 0 : index
        %swap3A_1220 = tpu.vector_load %arg15[%swap3A_1218, %swap3A_1219] {strides = array<i32>} : memref<16x512xf32, #tpu.memory_space<vmem>>, vector<1x16xf32>,
        %swap3A_1221 = vector.shape_cast %swap3A_1220 : vector<1x16xf32> to vector<16xf32>
        %swap3A_1222 = vector.shape_cast %add3A_1217 : vector<16xf32> to vector<1x16xf32>
        tpu.vector_store %arg15[%swap3A_1218, %swap3A_1219], %swap3A_1222 {strides = array<i32>} : memref<16x512xf32, #tpu.memory_space<vmem>>, vector<1x16xf32>,
        %get3A_1223 = arith.index_cast %add3A_1191 : i32 to index
        %get3A_1224 = arith.constant 16 : index
        %get3A_1225 = tpu.vector_load %arg15[%get3A_1223, %get3A_1224] {strides = array<i32>} : memref<16x512xf32, #tpu.memory_space<vmem>>, vector<1x16xf32>,
        %get3A_1226 = vector.shape_cast %get3A_1225 : vector<1x16xf32> to vector<16xf32>
        %slice3A_1227 = vector.extract_strided_slice %get3A_122 {offsets = [8], sizes = [1], strides = [1]} : vector<16xf32> to vector<1xf32>
        %squeeze3A_1228 = vector.extract %slice3A_1227[0] : f32 from vector<1xf32>
        %add3A_1229 = arith.constant 256 : i32
        %add3A_1230 = arith.addi %add3A_1229, %add3A_1187 : i32
        %get3A_1231 = arith.index_cast %add3A_1230 : i32 to index
        %get3A_1232 = arith.constant 16 : index
        %get3A_1233 = tpu.vector_load %arg14[%get3A_1231, %get3A_1232] {strides = array<i32>} : memref<512x128xf32, #tpu.memory_space<vmem>>, vector<1x16xf32>,
        %get3A_1234 = vector.shape_cast %get3A_1233 : vector<1x16xf32> to vector<16xf32>
        %mul3A_1235 = vector.broadcast %squeeze3A_1228 : f32 to vector<16xf32>
        %mul3A_1236 = arith.mulf %mul3A_1235, %get3A_1234 : vector<16xf32>
        %add3A_1237 = arith.addf %get3A_1226, %mul3A_1236 : vector<16xf32>
        %slice3A_1238 = vector.extract_strided_slice %get3A_130 {offsets = [8], sizes = [1], strides = [1]} : vector<16xf32> to vector<1xf32>
        %squeeze3A_1239 = vector.extract %slice3A_1238[0] : f32 from vector<1xf32>
        %add3A_1240 = arith.constant 384 : i32
        %add3A_1241 = arith.addi %add3A_1240, %add3A_1187 : i32
        %get3A_1242 = arith.index_cast %add3A_1241 : i32 to index
        %get3A_1243 = arith.constant 16 : index
        %get3A_1244 = tpu.vector_load %arg14[%get3A_1242, %get3A_1243] {strides = array<i32>} : memref<512x128xf32, #tpu.memory_space<vmem>>, vector<1x16xf32>,
        %get3A_1245 = vector.shape_cast %get3A_1244 : vector<1x16xf32> to vector<16xf32>
        %mul3A_1246 = vector.broadcast %squeeze3A_1239 : f32 to vector<16xf32>
        %mul3A_1247 = arith.mulf %mul3A_1246, %get3A_1245 : vector<16xf32>
        %add3A_1248 = arith.addf %add3A_1237, %mul3A_1247 : vector<16xf32>
        %swap3A_1249 = arith.index_cast %add3A_1191 : i32 to index
        %swap3A_1250 = arith.constant 16 : index
        %swap3A_1251 = tpu.vector_load %arg15[%swap3A_1249, %swap3A_1250] {strides = array<i32>} : memref<16x512xf32, #tpu.memory_space<vmem>>, vector<1x16xf32>,
        %swap3A_1252 = vector.shape_cast %swap3A_1251 : vector<1x16xf32> to vector<16xf32>
        %swap3A_1253 = vector.shape_cast %add3A_1248 : vector<16xf32> to vector<1x16xf32>
        tpu.vector_store %arg15[%swap3A_1249, %swap3A_1250], %swap3A_1253 {strides = array<i32>} : memref<16x512xf32, #tpu.memory_space<vmem>>, vector<1x16xf32>,
        %get3A_1254 = arith.index_cast %add3A_1191 : i32 to index
        %get3A_1255 = arith.constant 32 : index
        %get3A_1256 = tpu.vector_load %arg15[%get3A_1254, %get3A_1255] {strides = array<i32>} : memref<16x512xf32, #tpu.memory_space<vmem>>, vector<1x16xf32>,
        %get3A_1257 = vector.shape_cast %get3A_1256 : vector<1x16xf32> to vector<16xf32>
        %slice3A_1258 = vector.extract_strided_slice %get3A_122 {offsets = [8], sizes = [1], strides = [1]} : vector<16xf32> to vector<1xf32>
        %squeeze3A_1259 = vector.extract %slice3A_1258[0] : f32 from vector<1xf32>
        %add3A_1260 = arith.constant 256 : i32
        %add3A_1261 = arith.addi %add3A_1260, %add3A_1187 : i32
        %get3A_1262 = arith.index_cast %add3A_1261 : i32 to index
        %get3A_1263 = arith.constant 32 : index
        %get3A_1264 = tpu.vector_load %arg14[%get3A_1262, %get3A_1263] {strides = array<i32>} : memref<512x128xf32, #tpu.memory_space<vmem>>, vector<1x16xf32>,
        %get3A_1265 = vector.shape_cast %get3A_1264 : vector<1x16xf32> to vector<16xf32>
        %mul3A_1266 = vector.broadcast %squeeze3A_1259 : f32 to vector<16xf32>
        %mul3A_1267 = arith.mulf %mul3A_1266, %get3A_1265 : vector<16xf32>
        %add3A_1268 = arith.addf %get3A_1257, %mul3A_1267 : vector<16xf32>
        %slice3A_1269 = vector.extract_strided_slice %get3A_130 {offsets = [8], sizes = [1], strides = [1]} : vector<16xf32> to vector<1xf32>
        %squeeze3A_1270 = vector.extract %slice3A_1269[0] : f32 from vector<1xf32>
        %add3A_1271 = arith.constant 384 : i32
        %add3A_1272 = arith.addi %add3A_1271, %add3A_1187 : i32
        %get3A_1273 = arith.index_cast %add3A_1272 : i32 to index
        %get3A_1274 = arith.constant 32 : index
        %get3A_1275 = tpu.vector_load %arg14[%get3A_1273, %get3A_1274] {strides = array<i32>} : memref<512x128xf32, #tpu.memory_space<vmem>>, vector<1x16xf32>,
        %get3A_1276 = vector.shape_cast %get3A_1275 : vector<1x16xf32> to vector<16xf32>
        %mul3A_1277 = vector.broadcast %squeeze3A_1270 : f32 to vector<16xf32>
        %mul3A_1278 = arith.mulf %mul3A_1277, %get3A_1276 : vector<16xf32>
        %add3A_1279 = arith.addf %add3A_1268, %mul3A_1278 : vector<16xf32>
        %swap3A_1280 = arith.index_cast %add3A_1191 : i32 to index
        %swap3A_1281 = arith.constant 32 : index
        %swap3A_1282 = tpu.vector_load %arg15[%swap3A_1280, %swap3A_1281] {strides = array<i32>} : memref<16x512xf32, #tpu.memory_space<vmem>>, vector<1x16xf32>,
        %swap3A_1283 = vector.shape_cast %swap3A_1282 : vector<1x16xf32> to vector<16xf32>
        %swap3A_1284 = vector.shape_cast %add3A_1279 : vector<16xf32> to vector<1x16xf32>
        tpu.vector_store %arg15[%swap3A_1280, %swap3A_1281], %swap3A_1284 {strides = array<i32>} : memref<16x512xf32, #tpu.memory_space<vmem>>, vector<1x16xf32>,
        %get3A_1285 = arith.index_cast %add3A_1191 : i32 to index
        %get3A_1286 = arith.constant 48 : index
        %get3A_1287 = tpu.vector_load %arg15[%get3A_1285, %get3A_1286] {strides = array<i32>} : memref<16x512xf32, #tpu.memory_space<vmem>>, vector<1x16xf32>,
        %get3A_1288 = vector.shape_cast %get3A_1287 : vector<1x16xf32> to vector<16xf32>
        %slice3A_1289 = vector.extract_strided_slice %get3A_122 {offsets = [8], sizes = [1], strides = [1]} : vector<16xf32> to vector<1xf32>
        %squeeze3A_1290 = vector.extract %slice3A_1289[0] : f32 from vector<1xf32>
        %add3A_1291 = arith.constant 256 : i32
        %add3A_1292 = arith.addi %add3A_1291, %add3A_1187 : i32
        %get3A_1293 = arith.index_cast %add3A_1292 : i32 to index
        %get3A_1294 = arith.constant 48 : index
        %get3A_1295 = tpu.vector_load %arg14[%get3A_1293, %get3A_1294] {strides = array<i32>} : memref<512x128xf32, #tpu.memory_space<vmem>>, vector<1x16xf32>,
        %get3A_1296 = vector.shape_cast %get3A_1295 : vector<1x16xf32> to vector<16xf32>
        %mul3A_1297 = vector.broadcast %squeeze3A_1290 : f32 to vector<16xf32>
        %mul3A_1298 = arith.mulf %mul3A_1297, %get3A_1296 : vector<16xf32>
        %add3A_1299 = arith.addf %get3A_1288, %mul3A_1298 : vector<16xf32>
        %slice3A_1300 = vector.extract_strided_slice %get3A_130 {offsets = [8], sizes = [1], strides = [1]} : vector<16xf32> to vector<1xf32>
        %squeeze3A_1301 = vector.extract %slice3A_1300[0] : f32 from vector<1xf32>
        %add3A_1302 = arith.constant 384 : i32
        %add3A_1303 = arith.addi %add3A_1302, %add3A_1187 : i32
        %get3A_1304 = arith.index_cast %add3A_1303 : i32 to index
        %get3A_1305 = arith.constant 48 : index
        %get3A_1306 = tpu.vector_load %arg14[%get3A_1304, %get3A_1305] {strides = array<i32>} : memref<512x128xf32, #tpu.memory_space<vmem>>, vector<1x16xf32>,
        %get3A_1307 = vector.shape_cast %get3A_1306 : vector<1x16xf32> to vector<16xf32>
        %mul3A_1308 = vector.broadcast %squeeze3A_1301 : f32 to vector<16xf32>
        %mul3A_1309 = arith.mulf %mul3A_1308, %get3A_1307 : vector<16xf32>
        %add3A_1310 = arith.addf %add3A_1299, %mul3A_1309 : vector<16xf32>
        %swap3A_1311 = arith.index_cast %add3A_1191 : i32 to index
        %swap3A_1312 = arith.constant 48 : index
        %swap3A_1313 = tpu.vector_load %arg15[%swap3A_1311, %swap3A_1312] {strides = array<i32>} : memref<16x512xf32, #tpu.memory_space<vmem>>, vector<1x16xf32>,
        %swap3A_1314 = vector.shape_cast %swap3A_1313 : vector<1x16xf32> to vector<16xf32>
        %swap3A_1315 = vector.shape_cast %add3A_1310 : vector<16xf32> to vector<1x16xf32>
        tpu.vector_store %arg15[%swap3A_1311, %swap3A_1312], %swap3A_1315 {strides = array<i32>} : memref<16x512xf32, #tpu.memory_space<vmem>>, vector<1x16xf32>,
        %mul3A_1316 = arith.constant 16 : i32
        %mul3A_1317 = arith.muli %scan3A_114, %mul3A_1316 : i32
        %add3A_1318 = arith.constant 9 : i32
        %add3A_1319 = arith.addi %mul3A_1317, %add3A_1318 : i32
        %mul3A_1320 = arith.constant 2 : i32
        %mul3A_1321 = arith.muli %scan3A_114, %mul3A_1320 : i32
        %add3A_1322 = arith.constant 1 : i32
        %add3A_1323 = arith.addi %mul3A_1321, %add3A_1322 : i32
        %get3A_1324 = arith.index_cast %add3A_1323 : i32 to index
        %get3A_1325 = arith.constant 64 : index
        %get3A_1326 = tpu.vector_load %arg15[%get3A_1324, %get3A_1325] {strides = array<i32>} : memref<16x512xf32, #tpu.memory_space<vmem>>, vector<1x16xf32>,
        %get3A_1327 = vector.shape_cast %get3A_1326 : vector<1x16xf32> to vector<16xf32>
        %slice3A_1328 = vector.extract_strided_slice %get3A_122 {offsets = [9], sizes = [1], strides = [1]} : vector<16xf32> to vector<1xf32>
        %squeeze3A_1329 = vector.extract %slice3A_1328[0] : f32 from vector<1xf32>
        %add3A_1330 = arith.constant 256 : i32
        %add3A_1331 = arith.addi %add3A_1330, %add3A_1319 : i32
        %get3A_1332 = arith.index_cast %add3A_1331 : i32 to index
        %get3A_1333 = arith.constant 0 : index
        %get3A_1334 = tpu.vector_load %arg14[%get3A_1332, %get3A_1333] {strides = array<i32>} : memref<512x128xf32, #tpu.memory_space<vmem>>, vector<1x16xf32>,
        %get3A_1335 = vector.shape_cast %get3A_1334 : vector<1x16xf32> to vector<16xf32>
        %mul3A_1336 = vector.broadcast %squeeze3A_1329 : f32 to vector<16xf32>
        %mul3A_1337 = arith.mulf %mul3A_1336, %get3A_1335 : vector<16xf32>
        %add3A_1338 = arith.addf %get3A_1327, %mul3A_1337 : vector<16xf32>
        %slice3A_1339 = vector.extract_strided_slice %get3A_130 {offsets = [9], sizes = [1], strides = [1]} : vector<16xf32> to vector<1xf32>
        %squeeze3A_1340 = vector.extract %slice3A_1339[0] : f32 from vector<1xf32>
        %add3A_1341 = arith.constant 384 : i32
        %add3A_1342 = arith.addi %add3A_1341, %add3A_1319 : i32
        %get3A_1343 = arith.index_cast %add3A_1342 : i32 to index
        %get3A_1344 = arith.constant 0 : index
        %get3A_1345 = tpu.vector_load %arg14[%get3A_1343, %get3A_1344] {strides = array<i32>} : memref<512x128xf32, #tpu.memory_space<vmem>>, vector<1x16xf32>,
        %get3A_1346 = vector.shape_cast %get3A_1345 : vector<1x16xf32> to vector<16xf32>
        %mul3A_1347 = vector.broadcast %squeeze3A_1340 : f32 to vector<16xf32>
        %mul3A_1348 = arith.mulf %mul3A_1347, %get3A_1346 : vector<16xf32>
        %add3A_1349 = arith.addf %add3A_1338, %mul3A_1348 : vector<16xf32>
        %swap3A_1350 = arith.index_cast %add3A_1323 : i32 to index
        %swap3A_1351 = arith.constant 64 : index
        %swap3A_1352 = tpu.vector_load %arg15[%swap3A_1350, %swap3A_1351] {strides = array<i32>} : memref<16x512xf32, #tpu.memory_space<vmem>>, vector<1x16xf32>,
        %swap3A_1353 = vector.shape_cast %swap3A_1352 : vector<1x16xf32> to vector<16xf32>
        %swap3A_1354 = vector.shape_cast %add3A_1349 : vector<16xf32> to vector<1x16xf32>
        tpu.vector_store %arg15[%swap3A_1350, %swap3A_1351], %swap3A_1354 {strides = array<i32>} : memref<16x512xf32, #tpu.memory_space<vmem>>, vector<1x16xf32>,
        %get3A_1355 = arith.index_cast %add3A_1323 : i32 to index
        %get3A_1356 = arith.constant 80 : index
        %get3A_1357 = tpu.vector_load %arg15[%get3A_1355, %get3A_1356] {strides = array<i32>} : memref<16x512xf32, #tpu.memory_space<vmem>>, vector<1x16xf32>,
        %get3A_1358 = vector.shape_cast %get3A_1357 : vector<1x16xf32> to vector<16xf32>
        %slice3A_1359 = vector.extract_strided_slice %get3A_122 {offsets = [9], sizes = [1], strides = [1]} : vector<16xf32> to vector<1xf32>
        %squeeze3A_1360 = vector.extract %slice3A_1359[0] : f32 from vector<1xf32>
        %add3A_1361 = arith.constant 256 : i32
        %add3A_1362 = arith.addi %add3A_1361, %add3A_1319 : i32
        %get3A_1363 = arith.index_cast %add3A_1362 : i32 to index
        %get3A_1364 = arith.constant 16 : index
        %get3A_1365 = tpu.vector_load %arg14[%get3A_1363, %get3A_1364] {strides = array<i32>} : memref<512x128xf32, #tpu.memory_space<vmem>>, vector<1x16xf32>,
        %get3A_1366 = vector.shape_cast %get3A_1365 : vector<1x16xf32> to vector<16xf32>
        %mul3A_1367 = vector.broadcast %squeeze3A_1360 : f32 to vector<16xf32>
        %mul3A_1368 = arith.mulf %mul3A_1367, %get3A_1366 : vector<16xf32>
        %add3A_1369 = arith.addf %get3A_1358, %mul3A_1368 : vector<16xf32>
        %slice3A_1370 = vector.extract_strided_slice %get3A_130 {offsets = [9], sizes = [1], strides = [1]} : vector<16xf32> to vector<1xf32>
        %squeeze3A_1371 = vector.extract %slice3A_1370[0] : f32 from vector<1xf32>
        %add3A_1372 = arith.constant 384 : i32
        %add3A_1373 = arith.addi %add3A_1372, %add3A_1319 : i32
        %get3A_1374 = arith.index_cast %add3A_1373 : i32 to index
        %get3A_1375 = arith.constant 16 : index
        %get3A_1376 = tpu.vector_load %arg14[%get3A_1374, %get3A_1375] {strides = array<i32>} : memref<512x128xf32, #tpu.memory_space<vmem>>, vector<1x16xf32>,
        %get3A_1377 = vector.shape_cast %get3A_1376 : vector<1x16xf32> to vector<16xf32>
        %mul3A_1378 = vector.broadcast %squeeze3A_1371 : f32 to vector<16xf32>
        %mul3A_1379 = arith.mulf %mul3A_1378, %get3A_1377 : vector<16xf32>
        %add3A_1380 = arith.addf %add3A_1369, %mul3A_1379 : vector<16xf32>
        %swap3A_1381 = arith.index_cast %add3A_1323 : i32 to index
        %swap3A_1382 = arith.constant 80 : index
        %swap3A_1383 = tpu.vector_load %arg15[%swap3A_1381, %swap3A_1382] {strides = array<i32>} : memref<16x512xf32, #tpu.memory_space<vmem>>, vector<1x16xf32>,
        %swap3A_1384 = vector.shape_cast %swap3A_1383 : vector<1x16xf32> to vector<16xf32>
        %swap3A_1385 = vector.shape_cast %add3A_1380 : vector<16xf32> to vector<1x16xf32>
        tpu.vector_store %arg15[%swap3A_1381, %swap3A_1382], %swap3A_1385 {strides = array<i32>} : memref<16x512xf32, #tpu.memory_space<vmem>>, vector<1x16xf32>,
        %get3A_1386 = arith.index_cast %add3A_1323 : i32 to index
        %get3A_1387 = arith.constant 96 : index
        %get3A_1388 = tpu.vector_load %arg15[%get3A_1386, %get3A_1387] {strides = array<i32>} : memref<16x512xf32, #tpu.memory_space<vmem>>, vector<1x16xf32>,
        %get3A_1389 = vector.shape_cast %get3A_1388 : vector<1x16xf32> to vector<16xf32>
        %slice3A_1390 = vector.extract_strided_slice %get3A_122 {offsets = [9], sizes = [1], strides = [1]} : vector<16xf32> to vector<1xf32>
        %squeeze3A_1391 = vector.extract %slice3A_1390[0] : f32 from vector<1xf32>
        %add3A_1392 = arith.constant 256 : i32
        %add3A_1393 = arith.addi %add3A_1392, %add3A_1319 : i32
        %get3A_1394 = arith.index_cast %add3A_1393 : i32 to index
        %get3A_1395 = arith.constant 32 : index
        %get3A_1396 = tpu.vector_load %arg14[%get3A_1394, %get3A_1395] {strides = array<i32>} : memref<512x128xf32, #tpu.memory_space<vmem>>, vector<1x16xf32>,
        %get3A_1397 = vector.shape_cast %get3A_1396 : vector<1x16xf32> to vector<16xf32>
        %mul3A_1398 = vector.broadcast %squeeze3A_1391 : f32 to vector<16xf32>
        %mul3A_1399 = arith.mulf %mul3A_1398, %get3A_1397 : vector<16xf32>
        %add3A_1400 = arith.addf %get3A_1389, %mul3A_1399 : vector<16xf32>
        %slice3A_1401 = vector.extract_strided_slice %get3A_130 {offsets = [9], sizes = [1], strides = [1]} : vector<16xf32> to vector<1xf32>
        %squeeze3A_1402 = vector.extract %slice3A_1401[0] : f32 from vector<1xf32>
        %add3A_1403 = arith.constant 384 : i32
        %add3A_1404 = arith.addi %add3A_1403, %add3A_1319 : i32
        %get3A_1405 = arith.index_cast %add3A_1404 : i32 to index
        %get3A_1406 = arith.constant 32 : index
        %get3A_1407 = tpu.vector_load %arg14[%get3A_1405, %get3A_1406] {strides = array<i32>} : memref<512x128xf32, #tpu.memory_space<vmem>>, vector<1x16xf32>,
        %get3A_1408 = vector.shape_cast %get3A_1407 : vector<1x16xf32> to vector<16xf32>
        %mul3A_1409 = vector.broadcast %squeeze3A_1402 : f32 to vector<16xf32>
        %mul3A_1410 = arith.mulf %mul3A_1409, %get3A_1408 : vector<16xf32>
        %add3A_1411 = arith.addf %add3A_1400, %mul3A_1410 : vector<16xf32>
        %swap3A_1412 = arith.index_cast %add3A_1323 : i32 to index
        %swap3A_1413 = arith.constant 96 : index
        %swap3A_1414 = tpu.vector_load %arg15[%swap3A_1412, %swap3A_1413] {strides = array<i32>} : memref<16x512xf32, #tpu.memory_space<vmem>>, vector<1x16xf32>,
        %swap3A_1415 = vector.shape_cast %swap3A_1414 : vector<1x16xf32> to vector<16xf32>
        %swap3A_1416 = vector.shape_cast %add3A_1411 : vector<16xf32> to vector<1x16xf32>
        tpu.vector_store %arg15[%swap3A_1412, %swap3A_1413], %swap3A_1416 {strides = array<i32>} : memref<16x512xf32, #tpu.memory_space<vmem>>, vector<1x16xf32>,
        %get3A_1417 = arith.index_cast %add3A_1323 : i32 to index
        %get3A_1418 = arith.constant 112 : index
        %get3A_1419 = tpu.vector_load %arg15[%get3A_1417, %get3A_1418] {strides = array<i32>} : memref<16x512xf32, #tpu.memory_space<vmem>>, vector<1x16xf32>,
        %get3A_1420 = vector.shape_cast %get3A_1419 : vector<1x16xf32> to vector<16xf32>
        %slice3A_1421 = vector.extract_strided_slice %get3A_122 {offsets = [9], sizes = [1], strides = [1]} : vector<16xf32> to vector<1xf32>
        %squeeze3A_1422 = vector.extract %slice3A_1421[0] : f32 from vector<1xf32>
        %add3A_1423 = arith.constant 256 : i32
        %add3A_1424 = arith.addi %add3A_1423, %add3A_1319 : i32
        %get3A_1425 = arith.index_cast %add3A_1424 : i32 to index
        %get3A_1426 = arith.constant 48 : index
        %get3A_1427 = tpu.vector_load %arg14[%get3A_1425, %get3A_1426] {strides = array<i32>} : memref<512x128xf32, #tpu.memory_space<vmem>>, vector<1x16xf32>,
        %get3A_1428 = vector.shape_cast %get3A_1427 : vector<1x16xf32> to vector<16xf32>
        %mul3A_1429 = vector.broadcast %squeeze3A_1422 : f32 to vector<16xf32>
        %mul3A_1430 = arith.mulf %mul3A_1429, %get3A_1428 : vector<16xf32>
        %add3A_1431 = arith.addf %get3A_1420, %mul3A_1430 : vector<16xf32>
        %slice3A_1432 = vector.extract_strided_slice %get3A_130 {offsets = [9], sizes = [1], strides = [1]} : vector<16xf32> to vector<1xf32>
        %squeeze3A_1433 = vector.extract %slice3A_1432[0] : f32 from vector<1xf32>
        %add3A_1434 = arith.constant 384 : i32
        %add3A_1435 = arith.addi %add3A_1434, %add3A_1319 : i32
        %get3A_1436 = arith.index_cast %add3A_1435 : i32 to index
        %get3A_1437 = arith.constant 48 : index
        %get3A_1438 = tpu.vector_load %arg14[%get3A_1436, %get3A_1437] {strides = array<i32>} : memref<512x128xf32, #tpu.memory_space<vmem>>, vector<1x16xf32>,
        %get3A_1439 = vector.shape_cast %get3A_1438 : vector<1x16xf32> to vector<16xf32>
        %mul3A_1440 = vector.broadcast %squeeze3A_1433 : f32 to vector<16xf32>
        %mul3A_1441 = arith.mulf %mul3A_1440, %get3A_1439 : vector<16xf32>
        %add3A_1442 = arith.addf %add3A_1431, %mul3A_1441 : vector<16xf32>
        %swap3A_1443 = arith.index_cast %add3A_1323 : i32 to index
        %swap3A_1444 = arith.constant 112 : index
        %swap3A_1445 = tpu.vector_load %arg15[%swap3A_1443, %swap3A_1444] {strides = array<i32>} : memref<16x512xf32, #tpu.memory_space<vmem>>, vector<1x16xf32>,
        %swap3A_1446 = vector.shape_cast %swap3A_1445 : vector<1x16xf32> to vector<16xf32>
        %swap3A_1447 = vector.shape_cast %add3A_1442 : vector<16xf32> to vector<1x16xf32>
        tpu.vector_store %arg15[%swap3A_1443, %swap3A_1444], %swap3A_1447 {strides = array<i32>} : memref<16x512xf32, #tpu.memory_space<vmem>>, vector<1x16xf32>,
        %mul3A_1448 = arith.constant 16 : i32
        %mul3A_1449 = arith.muli %scan3A_114, %mul3A_1448 : i32
        %add3A_1450 = arith.constant 10 : i32
        %add3A_1451 = arith.addi %mul3A_1449, %add3A_1450 : i32
        %mul3A_1452 = arith.constant 2 : i32
        %mul3A_1453 = arith.muli %scan3A_114, %mul3A_1452 : i32
        %add3A_1454 = arith.constant 1 : i32
        %add3A_1455 = arith.addi %mul3A_1453, %add3A_1454 : i32
        %get3A_1456 = arith.index_cast %add3A_1455 : i32 to index
        %get3A_1457 = arith.constant 128 : index
        %get3A_1458 = tpu.vector_load %arg15[%get3A_1456, %get3A_1457] {strides = array<i32>} : memref<16x512xf32, #tpu.memory_space<vmem>>, vector<1x16xf32>,
        %get3A_1459 = vector.shape_cast %get3A_1458 : vector<1x16xf32> to vector<16xf32>
        %slice3A_1460 = vector.extract_strided_slice %get3A_122 {offsets = [10], sizes = [1], strides = [1]} : vector<16xf32> to vector<1xf32>
        %squeeze3A_1461 = vector.extract %slice3A_1460[0] : f32 from vector<1xf32>
        %add3A_1462 = arith.constant 256 : i32
        %add3A_1463 = arith.addi %add3A_1462, %add3A_1451 : i32
        %get3A_1464 = arith.index_cast %add3A_1463 : i32 to index
        %get3A_1465 = arith.constant 0 : index
        %get3A_1466 = tpu.vector_load %arg14[%get3A_1464, %get3A_1465] {strides = array<i32>} : memref<512x128xf32, #tpu.memory_space<vmem>>, vector<1x16xf32>,
        %get3A_1467 = vector.shape_cast %get3A_1466 : vector<1x16xf32> to vector<16xf32>
        %mul3A_1468 = vector.broadcast %squeeze3A_1461 : f32 to vector<16xf32>
        %mul3A_1469 = arith.mulf %mul3A_1468, %get3A_1467 : vector<16xf32>
        %add3A_1470 = arith.addf %get3A_1459, %mul3A_1469 : vector<16xf32>
        %slice3A_1471 = vector.extract_strided_slice %get3A_130 {offsets = [10], sizes = [1], strides = [1]} : vector<16xf32> to vector<1xf32>
        %squeeze3A_1472 = vector.extract %slice3A_1471[0] : f32 from vector<1xf32>
        %add3A_1473 = arith.constant 384 : i32
        %add3A_1474 = arith.addi %add3A_1473, %add3A_1451 : i32
        %get3A_1475 = arith.index_cast %add3A_1474 : i32 to index
        %get3A_1476 = arith.constant 0 : index
        %get3A_1477 = tpu.vector_load %arg14[%get3A_1475, %get3A_1476] {strides = array<i32>} : memref<512x128xf32, #tpu.memory_space<vmem>>, vector<1x16xf32>,
        %get3A_1478 = vector.shape_cast %get3A_1477 : vector<1x16xf32> to vector<16xf32>
        %mul3A_1479 = vector.broadcast %squeeze3A_1472 : f32 to vector<16xf32>
        %mul3A_1480 = arith.mulf %mul3A_1479, %get3A_1478 : vector<16xf32>
        %add3A_1481 = arith.addf %add3A_1470, %mul3A_1480 : vector<16xf32>
        %swap3A_1482 = arith.index_cast %add3A_1455 : i32 to index
        %swap3A_1483 = arith.constant 128 : index
        %swap3A_1484 = tpu.vector_load %arg15[%swap3A_1482, %swap3A_1483] {strides = array<i32>} : memref<16x512xf32, #tpu.memory_space<vmem>>, vector<1x16xf32>,
        %swap3A_1485 = vector.shape_cast %swap3A_1484 : vector<1x16xf32> to vector<16xf32>
        %swap3A_1486 = vector.shape_cast %add3A_1481 : vector<16xf32> to vector<1x16xf32>
        tpu.vector_store %arg15[%swap3A_1482, %swap3A_1483], %swap3A_1486 {strides = array<i32>} : memref<16x512xf32, #tpu.memory_space<vmem>>, vector<1x16xf32>,
        %get3A_1487 = arith.index_cast %add3A_1455 : i32 to index
        %get3A_1488 = arith.constant 144 : index
        %get3A_1489 = tpu.vector_load %arg15[%get3A_1487, %get3A_1488] {strides = array<i32>} : memref<16x512xf32, #tpu.memory_space<vmem>>, vector<1x16xf32>,
        %get3A_1490 = vector.shape_cast %get3A_1489 : vector<1x16xf32> to vector<16xf32>
        %slice3A_1491 = vector.extract_strided_slice %get3A_122 {offsets = [10], sizes = [1], strides = [1]} : vector<16xf32> to vector<1xf32>
        %squeeze3A_1492 = vector.extract %slice3A_1491[0] : f32 from vector<1xf32>
        %add3A_1493 = arith.constant 256 : i32
        %add3A_1494 = arith.addi %add3A_1493, %add3A_1451 : i32
        %get3A_1495 = arith.index_cast %add3A_1494 : i32 to index
        %get3A_1496 = arith.constant 16 : index
        %get3A_1497 = tpu.vector_load %arg14[%get3A_1495, %get3A_1496] {strides = array<i32>} : memref<512x128xf32, #tpu.memory_space<vmem>>, vector<1x16xf32>,
        %get3A_1498 = vector.shape_cast %get3A_1497 : vector<1x16xf32> to vector<16xf32>
        %mul3A_1499 = vector.broadcast %squeeze3A_1492 : f32 to vector<16xf32>
        %mul3A_1500 = arith.mulf %mul3A_1499, %get3A_1498 : vector<16xf32>
        %add3A_1501 = arith.addf %get3A_1490, %mul3A_1500 : vector<16xf32>
        %slice3A_1502 = vector.extract_strided_slice %get3A_130 {offsets = [10], sizes = [1], strides = [1]} : vector<16xf32> to vector<1xf32>
        %squeeze3A_1503 = vector.extract %slice3A_1502[0] : f32 from vector<1xf32>
        %add3A_1504 = arith.constant 384 : i32
        %add3A_1505 = arith.addi %add3A_1504, %add3A_1451 : i32
        %get3A_1506 = arith.index_cast %add3A_1505 : i32 to index
        %get3A_1507 = arith.constant 16 : index
        %get3A_1508 = tpu.vector_load %arg14[%get3A_1506, %get3A_1507] {strides = array<i32>} : memref<512x128xf32, #tpu.memory_space<vmem>>, vector<1x16xf32>,
        %get3A_1509 = vector.shape_cast %get3A_1508 : vector<1x16xf32> to vector<16xf32>
        %mul3A_1510 = vector.broadcast %squeeze3A_1503 : f32 to vector<16xf32>
        %mul3A_1511 = arith.mulf %mul3A_1510, %get3A_1509 : vector<16xf32>
        %add3A_1512 = arith.addf %add3A_1501, %mul3A_1511 : vector<16xf32>
        %swap3A_1513 = arith.index_cast %add3A_1455 : i32 to index
        %swap3A_1514 = arith.constant 144 : index
        %swap3A_1515 = tpu.vector_load %arg15[%swap3A_1513, %swap3A_1514] {strides = array<i32>} : memref<16x512xf32, #tpu.memory_space<vmem>>, vector<1x16xf32>,
        %swap3A_1516 = vector.shape_cast %swap3A_1515 : vector<1x16xf32> to vector<16xf32>
        %swap3A_1517 = vector.shape_cast %add3A_1512 : vector<16xf32> to vector<1x16xf32>
        tpu.vector_store %arg15[%swap3A_1513, %swap3A_1514], %swap3A_1517 {strides = array<i32>} : memref<16x512xf32, #tpu.memory_space<vmem>>, vector<1x16xf32>,
        %get3A_1518 = arith.index_cast %add3A_1455 : i32 to index
        %get3A_1519 = arith.constant 160 : index
        %get3A_1520 = tpu.vector_load %arg15[%get3A_1518, %get3A_1519] {strides = array<i32>} : memref<16x512xf32, #tpu.memory_space<vmem>>, vector<1x16xf32>,
        %get3A_1521 = vector.shape_cast %get3A_1520 : vector<1x16xf32> to vector<16xf32>
        %slice3A_1522 = vector.extract_strided_slice %get3A_122 {offsets = [10], sizes = [1], strides = [1]} : vector<16xf32> to vector<1xf32>
        %squeeze3A_1523 = vector.extract %slice3A_1522[0] : f32 from vector<1xf32>
        %add3A_1524 = arith.constant 256 : i32
        %add3A_1525 = arith.addi %add3A_1524, %add3A_1451 : i32
        %get3A_1526 = arith.index_cast %add3A_1525 : i32 to index
        %get3A_1527 = arith.constant 32 : index
        %get3A_1528 = tpu.vector_load %arg14[%get3A_1526, %get3A_1527] {strides = array<i32>} : memref<512x128xf32, #tpu.memory_space<vmem>>, vector<1x16xf32>,
        %get3A_1529 = vector.shape_cast %get3A_1528 : vector<1x16xf32> to vector<16xf32>
        %mul3A_1530 = vector.broadcast %squeeze3A_1523 : f32 to vector<16xf32>
        %mul3A_1531 = arith.mulf %mul3A_1530, %get3A_1529 : vector<16xf32>
        %add3A_1532 = arith.addf %get3A_1521, %mul3A_1531 : vector<16xf32>
        %slice3A_1533 = vector.extract_strided_slice %get3A_130 {offsets = [10], sizes = [1], strides = [1]} : vector<16xf32> to vector<1xf32>
        %squeeze3A_1534 = vector.extract %slice3A_1533[0] : f32 from vector<1xf32>
        %add3A_1535 = arith.constant 384 : i32
        %add3A_1536 = arith.addi %add3A_1535, %add3A_1451 : i32
        %get3A_1537 = arith.index_cast %add3A_1536 : i32 to index
        %get3A_1538 = arith.constant 32 : index
        %get3A_1539 = tpu.vector_load %arg14[%get3A_1537, %get3A_1538] {strides = array<i32>} : memref<512x128xf32, #tpu.memory_space<vmem>>, vector<1x16xf32>,
        %get3A_1540 = vector.shape_cast %get3A_1539 : vector<1x16xf32> to vector<16xf32>
        %mul3A_1541 = vector.broadcast %squeeze3A_1534 : f32 to vector<16xf32>
        %mul3A_1542 = arith.mulf %mul3A_1541, %get3A_1540 : vector<16xf32>
        %add3A_1543 = arith.addf %add3A_1532, %mul3A_1542 : vector<16xf32>
        %swap3A_1544 = arith.index_cast %add3A_1455 : i32 to index
        %swap3A_1545 = arith.constant 160 : index
        %swap3A_1546 = tpu.vector_load %arg15[%swap3A_1544, %swap3A_1545] {strides = array<i32>} : memref<16x512xf32, #tpu.memory_space<vmem>>, vector<1x16xf32>,
        %swap3A_1547 = vector.shape_cast %swap3A_1546 : vector<1x16xf32> to vector<16xf32>
        %swap3A_1548 = vector.shape_cast %add3A_1543 : vector<16xf32> to vector<1x16xf32>
        tpu.vector_store %arg15[%swap3A_1544, %swap3A_1545], %swap3A_1548 {strides = array<i32>} : memref<16x512xf32, #tpu.memory_space<vmem>>, vector<1x16xf32>,
        %get3A_1549 = arith.index_cast %add3A_1455 : i32 to index
        %get3A_1550 = arith.constant 176 : index
        %get3A_1551 = tpu.vector_load %arg15[%get3A_1549, %get3A_1550] {strides = array<i32>} : memref<16x512xf32, #tpu.memory_space<vmem>>, vector<1x16xf32>,
        %get3A_1552 = vector.shape_cast %get3A_1551 : vector<1x16xf32> to vector<16xf32>
        %slice3A_1553 = vector.extract_strided_slice %get3A_122 {offsets = [10], sizes = [1], strides = [1]} : vector<16xf32> to vector<1xf32>
        %squeeze3A_1554 = vector.extract %slice3A_1553[0] : f32 from vector<1xf32>
        %add3A_1555 = arith.constant 256 : i32
        %add3A_1556 = arith.addi %add3A_1555, %add3A_1451 : i32
        %get3A_1557 = arith.index_cast %add3A_1556 : i32 to index
        %get3A_1558 = arith.constant 48 : index
        %get3A_1559 = tpu.vector_load %arg14[%get3A_1557, %get3A_1558] {strides = array<i32>} : memref<512x128xf32, #tpu.memory_space<vmem>>, vector<1x16xf32>,
        %get3A_1560 = vector.shape_cast %get3A_1559 : vector<1x16xf32> to vector<16xf32>
        %mul3A_1561 = vector.broadcast %squeeze3A_1554 : f32 to vector<16xf32>
        %mul3A_1562 = arith.mulf %mul3A_1561, %get3A_1560 : vector<16xf32>
        %add3A_1563 = arith.addf %get3A_1552, %mul3A_1562 : vector<16xf32>
        %slice3A_1564 = vector.extract_strided_slice %get3A_130 {offsets = [10], sizes = [1], strides = [1]} : vector<16xf32> to vector<1xf32>
        %squeeze3A_1565 = vector.extract %slice3A_1564[0] : f32 from vector<1xf32>
        %add3A_1566 = arith.constant 384 : i32
        %add3A_1567 = arith.addi %add3A_1566, %add3A_1451 : i32
        %get3A_1568 = arith.index_cast %add3A_1567 : i32 to index
        %get3A_1569 = arith.constant 48 : index
        %get3A_1570 = tpu.vector_load %arg14[%get3A_1568, %get3A_1569] {strides = array<i32>} : memref<512x128xf32, #tpu.memory_space<vmem>>, vector<1x16xf32>,
        %get3A_1571 = vector.shape_cast %get3A_1570 : vector<1x16xf32> to vector<16xf32>
        %mul3A_1572 = vector.broadcast %squeeze3A_1565 : f32 to vector<16xf32>
        %mul3A_1573 = arith.mulf %mul3A_1572, %get3A_1571 : vector<16xf32>
        %add3A_1574 = arith.addf %add3A_1563, %mul3A_1573 : vector<16xf32>
        %swap3A_1575 = arith.index_cast %add3A_1455 : i32 to index
        %swap3A_1576 = arith.constant 176 : index
        %swap3A_1577 = tpu.vector_load %arg15[%swap3A_1575, %swap3A_1576] {strides = array<i32>} : memref<16x512xf32, #tpu.memory_space<vmem>>, vector<1x16xf32>,
        %swap3A_1578 = vector.shape_cast %swap3A_1577 : vector<1x16xf32> to vector<16xf32>
        %swap3A_1579 = vector.shape_cast %add3A_1574 : vector<16xf32> to vector<1x16xf32>
        tpu.vector_store %arg15[%swap3A_1575, %swap3A_1576], %swap3A_1579 {strides = array<i32>} : memref<16x512xf32, #tpu.memory_space<vmem>>, vector<1x16xf32>,
        %mul3A_1580 = arith.constant 16 : i32
        %mul3A_1581 = arith.muli %scan3A_114, %mul3A_1580 : i32
        %add3A_1582 = arith.constant 11 : i32
        %add3A_1583 = arith.addi %mul3A_1581, %add3A_1582 : i32
        %mul3A_1584 = arith.constant 2 : i32
        %mul3A_1585 = arith.muli %scan3A_114, %mul3A_1584 : i32
        %add3A_1586 = arith.constant 1 : i32
        %add3A_1587 = arith.addi %mul3A_1585, %add3A_1586 : i32
        %get3A_1588 = arith.index_cast %add3A_1587 : i32 to index
        %get3A_1589 = arith.constant 192 : index
        %get3A_1590 = tpu.vector_load %arg15[%get3A_1588, %get3A_1589] {strides = array<i32>} : memref<16x512xf32, #tpu.memory_space<vmem>>, vector<1x16xf32>,
        %get3A_1591 = vector.shape_cast %get3A_1590 : vector<1x16xf32> to vector<16xf32>
        %slice3A_1592 = vector.extract_strided_slice %get3A_122 {offsets = [11], sizes = [1], strides = [1]} : vector<16xf32> to vector<1xf32>
        %squeeze3A_1593 = vector.extract %slice3A_1592[0] : f32 from vector<1xf32>
        %add3A_1594 = arith.constant 256 : i32
        %add3A_1595 = arith.addi %add3A_1594, %add3A_1583 : i32
        %get3A_1596 = arith.index_cast %add3A_1595 : i32 to index
        %get3A_1597 = arith.constant 0 : index
        %get3A_1598 = tpu.vector_load %arg14[%get3A_1596, %get3A_1597] {strides = array<i32>} : memref<512x128xf32, #tpu.memory_space<vmem>>, vector<1x16xf32>,
        %get3A_1599 = vector.shape_cast %get3A_1598 : vector<1x16xf32> to vector<16xf32>
        %mul3A_1600 = vector.broadcast %squeeze3A_1593 : f32 to vector<16xf32>
        %mul3A_1601 = arith.mulf %mul3A_1600, %get3A_1599 : vector<16xf32>
        %add3A_1602 = arith.addf %get3A_1591, %mul3A_1601 : vector<16xf32>
        %slice3A_1603 = vector.extract_strided_slice %get3A_130 {offsets = [11], sizes = [1], strides = [1]} : vector<16xf32> to vector<1xf32>
        %squeeze3A_1604 = vector.extract %slice3A_1603[0] : f32 from vector<1xf32>
        %add3A_1605 = arith.constant 384 : i32
        %add3A_1606 = arith.addi %add3A_1605, %add3A_1583 : i32
        %get3A_1607 = arith.index_cast %add3A_1606 : i32 to index
        %get3A_1608 = arith.constant 0 : index
        %get3A_1609 = tpu.vector_load %arg14[%get3A_1607, %get3A_1608] {strides = array<i32>} : memref<512x128xf32, #tpu.memory_space<vmem>>, vector<1x16xf32>,
        %get3A_1610 = vector.shape_cast %get3A_1609 : vector<1x16xf32> to vector<16xf32>
        %mul3A_1611 = vector.broadcast %squeeze3A_1604 : f32 to vector<16xf32>
        %mul3A_1612 = arith.mulf %mul3A_1611, %get3A_1610 : vector<16xf32>
        %add3A_1613 = arith.addf %add3A_1602, %mul3A_1612 : vector<16xf32>
        %swap3A_1614 = arith.index_cast %add3A_1587 : i32 to index
        %swap3A_1615 = arith.constant 192 : index
        %swap3A_1616 = tpu.vector_load %arg15[%swap3A_1614, %swap3A_1615] {strides = array<i32>} : memref<16x512xf32, #tpu.memory_space<vmem>>, vector<1x16xf32>,
        %swap3A_1617 = vector.shape_cast %swap3A_1616 : vector<1x16xf32> to vector<16xf32>
        %swap3A_1618 = vector.shape_cast %add3A_1613 : vector<16xf32> to vector<1x16xf32>
        tpu.vector_store %arg15[%swap3A_1614, %swap3A_1615], %swap3A_1618 {strides = array<i32>} : memref<16x512xf32, #tpu.memory_space<vmem>>, vector<1x16xf32>,
        %get3A_1619 = arith.index_cast %add3A_1587 : i32 to index
        %get3A_1620 = arith.constant 208 : index
        %get3A_1621 = tpu.vector_load %arg15[%get3A_1619, %get3A_1620] {strides = array<i32>} : memref<16x512xf32, #tpu.memory_space<vmem>>, vector<1x16xf32>,
        %get3A_1622 = vector.shape_cast %get3A_1621 : vector<1x16xf32> to vector<16xf32>
        %slice3A_1623 = vector.extract_strided_slice %get3A_122 {offsets = [11], sizes = [1], strides = [1]} : vector<16xf32> to vector<1xf32>
        %squeeze3A_1624 = vector.extract %slice3A_1623[0] : f32 from vector<1xf32>
        %add3A_1625 = arith.constant 256 : i32
        %add3A_1626 = arith.addi %add3A_1625, %add3A_1583 : i32
        %get3A_1627 = arith.index_cast %add3A_1626 : i32 to index
        %get3A_1628 = arith.constant 16 : index
        %get3A_1629 = tpu.vector_load %arg14[%get3A_1627, %get3A_1628] {strides = array<i32>} : memref<512x128xf32, #tpu.memory_space<vmem>>, vector<1x16xf32>,
        %get3A_1630 = vector.shape_cast %get3A_1629 : vector<1x16xf32> to vector<16xf32>
        %mul3A_1631 = vector.broadcast %squeeze3A_1624 : f32 to vector<16xf32>
        %mul3A_1632 = arith.mulf %mul3A_1631, %get3A_1630 : vector<16xf32>
        %add3A_1633 = arith.addf %get3A_1622, %mul3A_1632 : vector<16xf32>
        %slice3A_1634 = vector.extract_strided_slice %get3A_130 {offsets = [11], sizes = [1], strides = [1]} : vector<16xf32> to vector<1xf32>
        %squeeze3A_1635 = vector.extract %slice3A_1634[0] : f32 from vector<1xf32>
        %add3A_1636 = arith.constant 384 : i32
        %add3A_1637 = arith.addi %add3A_1636, %add3A_1583 : i32
        %get3A_1638 = arith.index_cast %add3A_1637 : i32 to index
        %get3A_1639 = arith.constant 16 : index
        %get3A_1640 = tpu.vector_load %arg14[%get3A_1638, %get3A_1639] {strides = array<i32>} : memref<512x128xf32, #tpu.memory_space<vmem>>, vector<1x16xf32>,
        %get3A_1641 = vector.shape_cast %get3A_1640 : vector<1x16xf32> to vector<16xf32>
        %mul3A_1642 = vector.broadcast %squeeze3A_1635 : f32 to vector<16xf32>
        %mul3A_1643 = arith.mulf %mul3A_1642, %get3A_1641 : vector<16xf32>
        %add3A_1644 = arith.addf %add3A_1633, %mul3A_1643 : vector<16xf32>
        %swap3A_1645 = arith.index_cast %add3A_1587 : i32 to index
        %swap3A_1646 = arith.constant 208 : index
        %swap3A_1647 = tpu.vector_load %arg15[%swap3A_1645, %swap3A_1646] {strides = array<i32>} : memref<16x512xf32, #tpu.memory_space<vmem>>, vector<1x16xf32>,
        %swap3A_1648 = vector.shape_cast %swap3A_1647 : vector<1x16xf32> to vector<16xf32>
        %swap3A_1649 = vector.shape_cast %add3A_1644 : vector<16xf32> to vector<1x16xf32>
        tpu.vector_store %arg15[%swap3A_1645, %swap3A_1646], %swap3A_1649 {strides = array<i32>} : memref<16x512xf32, #tpu.memory_space<vmem>>, vector<1x16xf32>,
        %get3A_1650 = arith.index_cast %add3A_1587 : i32 to index
        %get3A_1651 = arith.constant 224 : index
        %get3A_1652 = tpu.vector_load %arg15[%get3A_1650, %get3A_1651] {strides = array<i32>} : memref<16x512xf32, #tpu.memory_space<vmem>>, vector<1x16xf32>,
        %get3A_1653 = vector.shape_cast %get3A_1652 : vector<1x16xf32> to vector<16xf32>
        %slice3A_1654 = vector.extract_strided_slice %get3A_122 {offsets = [11], sizes = [1], strides = [1]} : vector<16xf32> to vector<1xf32>
        %squeeze3A_1655 = vector.extract %slice3A_1654[0] : f32 from vector<1xf32>
        %add3A_1656 = arith.constant 256 : i32
        %add3A_1657 = arith.addi %add3A_1656, %add3A_1583 : i32
        %get3A_1658 = arith.index_cast %add3A_1657 : i32 to index
        %get3A_1659 = arith.constant 32 : index
        %get3A_1660 = tpu.vector_load %arg14[%get3A_1658, %get3A_1659] {strides = array<i32>} : memref<512x128xf32, #tpu.memory_space<vmem>>, vector<1x16xf32>,
        %get3A_1661 = vector.shape_cast %get3A_1660 : vector<1x16xf32> to vector<16xf32>
        %mul3A_1662 = vector.broadcast %squeeze3A_1655 : f32 to vector<16xf32>
        %mul3A_1663 = arith.mulf %mul3A_1662, %get3A_1661 : vector<16xf32>
        %add3A_1664 = arith.addf %get3A_1653, %mul3A_1663 : vector<16xf32>
        %slice3A_1665 = vector.extract_strided_slice %get3A_130 {offsets = [11], sizes = [1], strides = [1]} : vector<16xf32> to vector<1xf32>
        %squeeze3A_1666 = vector.extract %slice3A_1665[0] : f32 from vector<1xf32>
        %add3A_1667 = arith.constant 384 : i32
        %add3A_1668 = arith.addi %add3A_1667, %add3A_1583 : i32
        %get3A_1669 = arith.index_cast %add3A_1668 : i32 to index
        %get3A_1670 = arith.constant 32 : index
        %get3A_1671 = tpu.vector_load %arg14[%get3A_1669, %get3A_1670] {strides = array<i32>} : memref<512x128xf32, #tpu.memory_space<vmem>>, vector<1x16xf32>,
        %get3A_1672 = vector.shape_cast %get3A_1671 : vector<1x16xf32> to vector<16xf32>
        %mul3A_1673 = vector.broadcast %squeeze3A_1666 : f32 to vector<16xf32>
        %mul3A_1674 = arith.mulf %mul3A_1673, %get3A_1672 : vector<16xf32>
        %add3A_1675 = arith.addf %add3A_1664, %mul3A_1674 : vector<16xf32>
        %swap3A_1676 = arith.index_cast %add3A_1587 : i32 to index
        %swap3A_1677 = arith.constant 224 : index
        %swap3A_1678 = tpu.vector_load %arg15[%swap3A_1676, %swap3A_1677] {strides = array<i32>} : memref<16x512xf32, #tpu.memory_space<vmem>>, vector<1x16xf32>,
        %swap3A_1679 = vector.shape_cast %swap3A_1678 : vector<1x16xf32> to vector<16xf32>
        %swap3A_1680 = vector.shape_cast %add3A_1675 : vector<16xf32> to vector<1x16xf32>
        tpu.vector_store %arg15[%swap3A_1676, %swap3A_1677], %swap3A_1680 {strides = array<i32>} : memref<16x512xf32, #tpu.memory_space<vmem>>, vector<1x16xf32>,
        %get3A_1681 = arith.index_cast %add3A_1587 : i32 to index
        %get3A_1682 = arith.constant 240 : index
        %get3A_1683 = tpu.vector_load %arg15[%get3A_1681, %get3A_1682] {strides = array<i32>} : memref<16x512xf32, #tpu.memory_space<vmem>>, vector<1x16xf32>,
        %get3A_1684 = vector.shape_cast %get3A_1683 : vector<1x16xf32> to vector<16xf32>
        %slice3A_1685 = vector.extract_strided_slice %get3A_122 {offsets = [11], sizes = [1], strides = [1]} : vector<16xf32> to vector<1xf32>
        %squeeze3A_1686 = vector.extract %slice3A_1685[0] : f32 from vector<1xf32>
        %add3A_1687 = arith.constant 256 : i32
        %add3A_1688 = arith.addi %add3A_1687, %add3A_1583 : i32
        %get3A_1689 = arith.index_cast %add3A_1688 : i32 to index
        %get3A_1690 = arith.constant 48 : index
        %get3A_1691 = tpu.vector_load %arg14[%get3A_1689, %get3A_1690] {strides = array<i32>} : memref<512x128xf32, #tpu.memory_space<vmem>>, vector<1x16xf32>,
        %get3A_1692 = vector.shape_cast %get3A_1691 : vector<1x16xf32> to vector<16xf32>
        %mul3A_1693 = vector.broadcast %squeeze3A_1686 : f32 to vector<16xf32>
        %mul3A_1694 = arith.mulf %mul3A_1693, %get3A_1692 : vector<16xf32>
        %add3A_1695 = arith.addf %get3A_1684, %mul3A_1694 : vector<16xf32>
        %slice3A_1696 = vector.extract_strided_slice %get3A_130 {offsets = [11], sizes = [1], strides = [1]} : vector<16xf32> to vector<1xf32>
        %squeeze3A_1697 = vector.extract %slice3A_1696[0] : f32 from vector<1xf32>
        %add3A_1698 = arith.constant 384 : i32
        %add3A_1699 = arith.addi %add3A_1698, %add3A_1583 : i32
        %get3A_1700 = arith.index_cast %add3A_1699 : i32 to index
        %get3A_1701 = arith.constant 48 : index
        %get3A_1702 = tpu.vector_load %arg14[%get3A_1700, %get3A_1701] {strides = array<i32>} : memref<512x128xf32, #tpu.memory_space<vmem>>, vector<1x16xf32>,
        %get3A_1703 = vector.shape_cast %get3A_1702 : vector<1x16xf32> to vector<16xf32>
        %mul3A_1704 = vector.broadcast %squeeze3A_1697 : f32 to vector<16xf32>
        %mul3A_1705 = arith.mulf %mul3A_1704, %get3A_1703 : vector<16xf32>
        %add3A_1706 = arith.addf %add3A_1695, %mul3A_1705 : vector<16xf32>
        %swap3A_1707 = arith.index_cast %add3A_1587 : i32 to index
        %swap3A_1708 = arith.constant 240 : index
        %swap3A_1709 = tpu.vector_load %arg15[%swap3A_1707, %swap3A_1708] {strides = array<i32>} : memref<16x512xf32, #tpu.memory_space<vmem>>, vector<1x16xf32>,
        %swap3A_1710 = vector.shape_cast %swap3A_1709 : vector<1x16xf32> to vector<16xf32>
        %swap3A_1711 = vector.shape_cast %add3A_1706 : vector<16xf32> to vector<1x16xf32>
        tpu.vector_store %arg15[%swap3A_1707, %swap3A_1708], %swap3A_1711 {strides = array<i32>} : memref<16x512xf32, #tpu.memory_space<vmem>>, vector<1x16xf32>,
        %mul3A_1712 = arith.constant 16 : i32
        %mul3A_1713 = arith.muli %scan3A_114, %mul3A_1712 : i32
        %add3A_1714 = arith.constant 12 : i32
        %add3A_1715 = arith.addi %mul3A_1713, %add3A_1714 : i32
        %mul3A_1716 = arith.constant 2 : i32
        %mul3A_1717 = arith.muli %scan3A_114, %mul3A_1716 : i32
        %add3A_1718 = arith.constant 1 : i32
        %add3A_1719 = arith.addi %mul3A_1717, %add3A_1718 : i32
        %get3A_1720 = arith.index_cast %add3A_1719 : i32 to index
        %get3A_1721 = arith.constant 256 : index
        %get3A_1722 = tpu.vector_load %arg15[%get3A_1720, %get3A_1721] {strides = array<i32>} : memref<16x512xf32, #tpu.memory_space<vmem>>, vector<1x16xf32>,
        %get3A_1723 = vector.shape_cast %get3A_1722 : vector<1x16xf32> to vector<16xf32>
        %slice3A_1724 = vector.extract_strided_slice %get3A_122 {offsets = [12], sizes = [1], strides = [1]} : vector<16xf32> to vector<1xf32>
        %squeeze3A_1725 = vector.extract %slice3A_1724[0] : f32 from vector<1xf32>
        %add3A_1726 = arith.constant 256 : i32
        %add3A_1727 = arith.addi %add3A_1726, %add3A_1715 : i32
        %get3A_1728 = arith.index_cast %add3A_1727 : i32 to index
        %get3A_1729 = arith.constant 0 : index
        %get3A_1730 = tpu.vector_load %arg14[%get3A_1728, %get3A_1729] {strides = array<i32>} : memref<512x128xf32, #tpu.memory_space<vmem>>, vector<1x16xf32>,
        %get3A_1731 = vector.shape_cast %get3A_1730 : vector<1x16xf32> to vector<16xf32>
        %mul3A_1732 = vector.broadcast %squeeze3A_1725 : f32 to vector<16xf32>
        %mul3A_1733 = arith.mulf %mul3A_1732, %get3A_1731 : vector<16xf32>
        %add3A_1734 = arith.addf %get3A_1723, %mul3A_1733 : vector<16xf32>
        %slice3A_1735 = vector.extract_strided_slice %get3A_130 {offsets = [12], sizes = [1], strides = [1]} : vector<16xf32> to vector<1xf32>
        %squeeze3A_1736 = vector.extract %slice3A_1735[0] : f32 from vector<1xf32>
        %add3A_1737 = arith.constant 384 : i32
        %add3A_1738 = arith.addi %add3A_1737, %add3A_1715 : i32
        %get3A_1739 = arith.index_cast %add3A_1738 : i32 to index
        %get3A_1740 = arith.constant 0 : index
        %get3A_1741 = tpu.vector_load %arg14[%get3A_1739, %get3A_1740] {strides = array<i32>} : memref<512x128xf32, #tpu.memory_space<vmem>>, vector<1x16xf32>,
        %get3A_1742 = vector.shape_cast %get3A_1741 : vector<1x16xf32> to vector<16xf32>
        %mul3A_1743 = vector.broadcast %squeeze3A_1736 : f32 to vector<16xf32>
        %mul3A_1744 = arith.mulf %mul3A_1743, %get3A_1742 : vector<16xf32>
        %add3A_1745 = arith.addf %add3A_1734, %mul3A_1744 : vector<16xf32>
        %swap3A_1746 = arith.index_cast %add3A_1719 : i32 to index
        %swap3A_1747 = arith.constant 256 : index
        %swap3A_1748 = tpu.vector_load %arg15[%swap3A_1746, %swap3A_1747] {strides = array<i32>} : memref<16x512xf32, #tpu.memory_space<vmem>>, vector<1x16xf32>,
        %swap3A_1749 = vector.shape_cast %swap3A_1748 : vector<1x16xf32> to vector<16xf32>
        %swap3A_1750 = vector.shape_cast %add3A_1745 : vector<16xf32> to vector<1x16xf32>
        tpu.vector_store %arg15[%swap3A_1746, %swap3A_1747], %swap3A_1750 {strides = array<i32>} : memref<16x512xf32, #tpu.memory_space<vmem>>, vector<1x16xf32>,
        %get3A_1751 = arith.index_cast %add3A_1719 : i32 to index
        %get3A_1752 = arith.constant 272 : index
        %get3A_1753 = tpu.vector_load %arg15[%get3A_1751, %get3A_1752] {strides = array<i32>} : memref<16x512xf32, #tpu.memory_space<vmem>>, vector<1x16xf32>,
        %get3A_1754 = vector.shape_cast %get3A_1753 : vector<1x16xf32> to vector<16xf32>
        %slice3A_1755 = vector.extract_strided_slice %get3A_122 {offsets = [12], sizes = [1], strides = [1]} : vector<16xf32> to vector<1xf32>
        %squeeze3A_1756 = vector.extract %slice3A_1755[0] : f32 from vector<1xf32>
        %add3A_1757 = arith.constant 256 : i32
        %add3A_1758 = arith.addi %add3A_1757, %add3A_1715 : i32
        %get3A_1759 = arith.index_cast %add3A_1758 : i32 to index
        %get3A_1760 = arith.constant 16 : index
        %get3A_1761 = tpu.vector_load %arg14[%get3A_1759, %get3A_1760] {strides = array<i32>} : memref<512x128xf32, #tpu.memory_space<vmem>>, vector<1x16xf32>,
        %get3A_1762 = vector.shape_cast %get3A_1761 : vector<1x16xf32> to vector<16xf32>
        %mul3A_1763 = vector.broadcast %squeeze3A_1756 : f32 to vector<16xf32>
        %mul3A_1764 = arith.mulf %mul3A_1763, %get3A_1762 : vector<16xf32>
        %add3A_1765 = arith.addf %get3A_1754, %mul3A_1764 : vector<16xf32>
        %slice3A_1766 = vector.extract_strided_slice %get3A_130 {offsets = [12], sizes = [1], strides = [1]} : vector<16xf32> to vector<1xf32>
        %squeeze3A_1767 = vector.extract %slice3A_1766[0] : f32 from vector<1xf32>
        %add3A_1768 = arith.constant 384 : i32
        %add3A_1769 = arith.addi %add3A_1768, %add3A_1715 : i32
        %get3A_1770 = arith.index_cast %add3A_1769 : i32 to index
        %get3A_1771 = arith.constant 16 : index
        %get3A_1772 = tpu.vector_load %arg14[%get3A_1770, %get3A_1771] {strides = array<i32>} : memref<512x128xf32, #tpu.memory_space<vmem>>, vector<1x16xf32>,
        %get3A_1773 = vector.shape_cast %get3A_1772 : vector<1x16xf32> to vector<16xf32>
        %mul3A_1774 = vector.broadcast %squeeze3A_1767 : f32 to vector<16xf32>
        %mul3A_1775 = arith.mulf %mul3A_1774, %get3A_1773 : vector<16xf32>
        %add3A_1776 = arith.addf %add3A_1765, %mul3A_1775 : vector<16xf32>
        %swap3A_1777 = arith.index_cast %add3A_1719 : i32 to index
        %swap3A_1778 = arith.constant 272 : index
        %swap3A_1779 = tpu.vector_load %arg15[%swap3A_1777, %swap3A_1778] {strides = array<i32>} : memref<16x512xf32, #tpu.memory_space<vmem>>, vector<1x16xf32>,
        %swap3A_1780 = vector.shape_cast %swap3A_1779 : vector<1x16xf32> to vector<16xf32>
        %swap3A_1781 = vector.shape_cast %add3A_1776 : vector<16xf32> to vector<1x16xf32>
        tpu.vector_store %arg15[%swap3A_1777, %swap3A_1778], %swap3A_1781 {strides = array<i32>} : memref<16x512xf32, #tpu.memory_space<vmem>>, vector<1x16xf32>,
        %get3A_1782 = arith.index_cast %add3A_1719 : i32 to index
        %get3A_1783 = arith.constant 288 : index
        %get3A_1784 = tpu.vector_load %arg15[%get3A_1782, %get3A_1783] {strides = array<i32>} : memref<16x512xf32, #tpu.memory_space<vmem>>, vector<1x16xf32>,
        %get3A_1785 = vector.shape_cast %get3A_1784 : vector<1x16xf32> to vector<16xf32>
        %slice3A_1786 = vector.extract_strided_slice %get3A_122 {offsets = [12], sizes = [1], strides = [1]} : vector<16xf32> to vector<1xf32>
        %squeeze3A_1787 = vector.extract %slice3A_1786[0] : f32 from vector<1xf32>
        %add3A_1788 = arith.constant 256 : i32
        %add3A_1789 = arith.addi %add3A_1788, %add3A_1715 : i32
        %get3A_1790 = arith.index_cast %add3A_1789 : i32 to index
        %get3A_1791 = arith.constant 32 : index
        %get3A_1792 = tpu.vector_load %arg14[%get3A_1790, %get3A_1791] {strides = array<i32>} : memref<512x128xf32, #tpu.memory_space<vmem>>, vector<1x16xf32>,
        %get3A_1793 = vector.shape_cast %get3A_1792 : vector<1x16xf32> to vector<16xf32>
        %mul3A_1794 = vector.broadcast %squeeze3A_1787 : f32 to vector<16xf32>
        %mul3A_1795 = arith.mulf %mul3A_1794, %get3A_1793 : vector<16xf32>
        %add3A_1796 = arith.addf %get3A_1785, %mul3A_1795 : vector<16xf32>
        %slice3A_1797 = vector.extract_strided_slice %get3A_130 {offsets = [12], sizes = [1], strides = [1]} : vector<16xf32> to vector<1xf32>
        %squeeze3A_1798 = vector.extract %slice3A_1797[0] : f32 from vector<1xf32>
        %add3A_1799 = arith.constant 384 : i32
        %add3A_1800 = arith.addi %add3A_1799, %add3A_1715 : i32
        %get3A_1801 = arith.index_cast %add3A_1800 : i32 to index
        %get3A_1802 = arith.constant 32 : index
        %get3A_1803 = tpu.vector_load %arg14[%get3A_1801, %get3A_1802] {strides = array<i32>} : memref<512x128xf32, #tpu.memory_space<vmem>>, vector<1x16xf32>,
        %get3A_1804 = vector.shape_cast %get3A_1803 : vector<1x16xf32> to vector<16xf32>
        %mul3A_1805 = vector.broadcast %squeeze3A_1798 : f32 to vector<16xf32>
        %mul3A_1806 = arith.mulf %mul3A_1805, %get3A_1804 : vector<16xf32>
        %add3A_1807 = arith.addf %add3A_1796, %mul3A_1806 : vector<16xf32>
        %swap3A_1808 = arith.index_cast %add3A_1719 : i32 to index
        %swap3A_1809 = arith.constant 288 : index
        %swap3A_1810 = tpu.vector_load %arg15[%swap3A_1808, %swap3A_1809] {strides = array<i32>} : memref<16x512xf32, #tpu.memory_space<vmem>>, vector<1x16xf32>,
        %swap3A_1811 = vector.shape_cast %swap3A_1810 : vector<1x16xf32> to vector<16xf32>
        %swap3A_1812 = vector.shape_cast %add3A_1807 : vector<16xf32> to vector<1x16xf32>
        tpu.vector_store %arg15[%swap3A_1808, %swap3A_1809], %swap3A_1812 {strides = array<i32>} : memref<16x512xf32, #tpu.memory_space<vmem>>, vector<1x16xf32>,
        %get3A_1813 = arith.index_cast %add3A_1719 : i32 to index
        %get3A_1814 = arith.constant 304 : index
        %get3A_1815 = tpu.vector_load %arg15[%get3A_1813, %get3A_1814] {strides = array<i32>} : memref<16x512xf32, #tpu.memory_space<vmem>>, vector<1x16xf32>,
        %get3A_1816 = vector.shape_cast %get3A_1815 : vector<1x16xf32> to vector<16xf32>
        %slice3A_1817 = vector.extract_strided_slice %get3A_122 {offsets = [12], sizes = [1], strides = [1]} : vector<16xf32> to vector<1xf32>
        %squeeze3A_1818 = vector.extract %slice3A_1817[0] : f32 from vector<1xf32>
        %add3A_1819 = arith.constant 256 : i32
        %add3A_1820 = arith.addi %add3A_1819, %add3A_1715 : i32
        %get3A_1821 = arith.index_cast %add3A_1820 : i32 to index
        %get3A_1822 = arith.constant 48 : index
        %get3A_1823 = tpu.vector_load %arg14[%get3A_1821, %get3A_1822] {strides = array<i32>} : memref<512x128xf32, #tpu.memory_space<vmem>>, vector<1x16xf32>,
        %get3A_1824 = vector.shape_cast %get3A_1823 : vector<1x16xf32> to vector<16xf32>
        %mul3A_1825 = vector.broadcast %squeeze3A_1818 : f32 to vector<16xf32>
        %mul3A_1826 = arith.mulf %mul3A_1825, %get3A_1824 : vector<16xf32>
        %add3A_1827 = arith.addf %get3A_1816, %mul3A_1826 : vector<16xf32>
        %slice3A_1828 = vector.extract_strided_slice %get3A_130 {offsets = [12], sizes = [1], strides = [1]} : vector<16xf32> to vector<1xf32>
        %squeeze3A_1829 = vector.extract %slice3A_1828[0] : f32 from vector<1xf32>
        %add3A_1830 = arith.constant 384 : i32
        %add3A_1831 = arith.addi %add3A_1830, %add3A_1715 : i32
        %get3A_1832 = arith.index_cast %add3A_1831 : i32 to index
        %get3A_1833 = arith.constant 48 : index
        %get3A_1834 = tpu.vector_load %arg14[%get3A_1832, %get3A_1833] {strides = array<i32>} : memref<512x128xf32, #tpu.memory_space<vmem>>, vector<1x16xf32>,
        %get3A_1835 = vector.shape_cast %get3A_1834 : vector<1x16xf32> to vector<16xf32>
        %mul3A_1836 = vector.broadcast %squeeze3A_1829 : f32 to vector<16xf32>
        %mul3A_1837 = arith.mulf %mul3A_1836, %get3A_1835 : vector<16xf32>
        %add3A_1838 = arith.addf %add3A_1827, %mul3A_1837 : vector<16xf32>
        %swap3A_1839 = arith.index_cast %add3A_1719 : i32 to index
        %swap3A_1840 = arith.constant 304 : index
        %swap3A_1841 = tpu.vector_load %arg15[%swap3A_1839, %swap3A_1840] {strides = array<i32>} : memref<16x512xf32, #tpu.memory_space<vmem>>, vector<1x16xf32>,
        %swap3A_1842 = vector.shape_cast %swap3A_1841 : vector<1x16xf32> to vector<16xf32>
        %swap3A_1843 = vector.shape_cast %add3A_1838 : vector<16xf32> to vector<1x16xf32>
        tpu.vector_store %arg15[%swap3A_1839, %swap3A_1840], %swap3A_1843 {strides = array<i32>} : memref<16x512xf32, #tpu.memory_space<vmem>>, vector<1x16xf32>,
        %mul3A_1844 = arith.constant 16 : i32
        %mul3A_1845 = arith.muli %scan3A_114, %mul3A_1844 : i32
        %add3A_1846 = arith.constant 13 : i32
        %add3A_1847 = arith.addi %mul3A_1845, %add3A_1846 : i32
        %mul3A_1848 = arith.constant 2 : i32
        %mul3A_1849 = arith.muli %scan3A_114, %mul3A_1848 : i32
        %add3A_1850 = arith.constant 1 : i32
        %add3A_1851 = arith.addi %mul3A_1849, %add3A_1850 : i32
        %get3A_1852 = arith.index_cast %add3A_1851 : i32 to index
        %get3A_1853 = arith.constant 320 : index
        %get3A_1854 = tpu.vector_load %arg15[%get3A_1852, %get3A_1853] {strides = array<i32>} : memref<16x512xf32, #tpu.memory_space<vmem>>, vector<1x16xf32>,
        %get3A_1855 = vector.shape_cast %get3A_1854 : vector<1x16xf32> to vector<16xf32>
        %slice3A_1856 = vector.extract_strided_slice %get3A_122 {offsets = [13], sizes = [1], strides = [1]} : vector<16xf32> to vector<1xf32>
        %squeeze3A_1857 = vector.extract %slice3A_1856[0] : f32 from vector<1xf32>
        %add3A_1858 = arith.constant 256 : i32
        %add3A_1859 = arith.addi %add3A_1858, %add3A_1847 : i32
        %get3A_1860 = arith.index_cast %add3A_1859 : i32 to index
        %get3A_1861 = arith.constant 0 : index
        %get3A_1862 = tpu.vector_load %arg14[%get3A_1860, %get3A_1861] {strides = array<i32>} : memref<512x128xf32, #tpu.memory_space<vmem>>, vector<1x16xf32>,
        %get3A_1863 = vector.shape_cast %get3A_1862 : vector<1x16xf32> to vector<16xf32>
        %mul3A_1864 = vector.broadcast %squeeze3A_1857 : f32 to vector<16xf32>
        %mul3A_1865 = arith.mulf %mul3A_1864, %get3A_1863 : vector<16xf32>
        %add3A_1866 = arith.addf %get3A_1855, %mul3A_1865 : vector<16xf32>
        %slice3A_1867 = vector.extract_strided_slice %get3A_130 {offsets = [13], sizes = [1], strides = [1]} : vector<16xf32> to vector<1xf32>
        %squeeze3A_1868 = vector.extract %slice3A_1867[0] : f32 from vector<1xf32>
        %add3A_1869 = arith.constant 384 : i32
        %add3A_1870 = arith.addi %add3A_1869, %add3A_1847 : i32
        %get3A_1871 = arith.index_cast %add3A_1870 : i32 to index
        %get3A_1872 = arith.constant 0 : index
        %get3A_1873 = tpu.vector_load %arg14[%get3A_1871, %get3A_1872] {strides = array<i32>} : memref<512x128xf32, #tpu.memory_space<vmem>>, vector<1x16xf32>,
        %get3A_1874 = vector.shape_cast %get3A_1873 : vector<1x16xf32> to vector<16xf32>
        %mul3A_1875 = vector.broadcast %squeeze3A_1868 : f32 to vector<16xf32>
        %mul3A_1876 = arith.mulf %mul3A_1875, %get3A_1874 : vector<16xf32>
        %add3A_1877 = arith.addf %add3A_1866, %mul3A_1876 : vector<16xf32>
        %swap3A_1878 = arith.index_cast %add3A_1851 : i32 to index
        %swap3A_1879 = arith.constant 320 : index
        %swap3A_1880 = tpu.vector_load %arg15[%swap3A_1878, %swap3A_1879] {strides = array<i32>} : memref<16x512xf32, #tpu.memory_space<vmem>>, vector<1x16xf32>,
        %swap3A_1881 = vector.shape_cast %swap3A_1880 : vector<1x16xf32> to vector<16xf32>
        %swap3A_1882 = vector.shape_cast %add3A_1877 : vector<16xf32> to vector<1x16xf32>
        tpu.vector_store %arg15[%swap3A_1878, %swap3A_1879], %swap3A_1882 {strides = array<i32>} : memref<16x512xf32, #tpu.memory_space<vmem>>, vector<1x16xf32>,
        %get3A_1883 = arith.index_cast %add3A_1851 : i32 to index
        %get3A_1884 = arith.constant 336 : index
        %get3A_1885 = tpu.vector_load %arg15[%get3A_1883, %get3A_1884] {strides = array<i32>} : memref<16x512xf32, #tpu.memory_space<vmem>>, vector<1x16xf32>,
        %get3A_1886 = vector.shape_cast %get3A_1885 : vector<1x16xf32> to vector<16xf32>
        %slice3A_1887 = vector.extract_strided_slice %get3A_122 {offsets = [13], sizes = [1], strides = [1]} : vector<16xf32> to vector<1xf32>
        %squeeze3A_1888 = vector.extract %slice3A_1887[0] : f32 from vector<1xf32>
        %add3A_1889 = arith.constant 256 : i32
        %add3A_1890 = arith.addi %add3A_1889, %add3A_1847 : i32
        %get3A_1891 = arith.index_cast %add3A_1890 : i32 to index
        %get3A_1892 = arith.constant 16 : index
        %get3A_1893 = tpu.vector_load %arg14[%get3A_1891, %get3A_1892] {strides = array<i32>} : memref<512x128xf32, #tpu.memory_space<vmem>>, vector<1x16xf32>,
        %get3A_1894 = vector.shape_cast %get3A_1893 : vector<1x16xf32> to vector<16xf32>
        %mul3A_1895 = vector.broadcast %squeeze3A_1888 : f32 to vector<16xf32>
        %mul3A_1896 = arith.mulf %mul3A_1895, %get3A_1894 : vector<16xf32>
        %add3A_1897 = arith.addf %get3A_1886, %mul3A_1896 : vector<16xf32>
        %slice3A_1898 = vector.extract_strided_slice %get3A_130 {offsets = [13], sizes = [1], strides = [1]} : vector<16xf32> to vector<1xf32>
        %squeeze3A_1899 = vector.extract %slice3A_1898[0] : f32 from vector<1xf32>
        %add3A_1900 = arith.constant 384 : i32
        %add3A_1901 = arith.addi %add3A_1900, %add3A_1847 : i32
        %get3A_1902 = arith.index_cast %add3A_1901 : i32 to index
        %get3A_1903 = arith.constant 16 : index
        %get3A_1904 = tpu.vector_load %arg14[%get3A_1902, %get3A_1903] {strides = array<i32>} : memref<512x128xf32, #tpu.memory_space<vmem>>, vector<1x16xf32>,
        %get3A_1905 = vector.shape_cast %get3A_1904 : vector<1x16xf32> to vector<16xf32>
        %mul3A_1906 = vector.broadcast %squeeze3A_1899 : f32 to vector<16xf32>
        %mul3A_1907 = arith.mulf %mul3A_1906, %get3A_1905 : vector<16xf32>
        %add3A_1908 = arith.addf %add3A_1897, %mul3A_1907 : vector<16xf32>
        %swap3A_1909 = arith.index_cast %add3A_1851 : i32 to index
        %swap3A_1910 = arith.constant 336 : index
        %swap3A_1911 = tpu.vector_load %arg15[%swap3A_1909, %swap3A_1910] {strides = array<i32>} : memref<16x512xf32, #tpu.memory_space<vmem>>, vector<1x16xf32>,
        %swap3A_1912 = vector.shape_cast %swap3A_1911 : vector<1x16xf32> to vector<16xf32>
        %swap3A_1913 = vector.shape_cast %add3A_1908 : vector<16xf32> to vector<1x16xf32>
        tpu.vector_store %arg15[%swap3A_1909, %swap3A_1910], %swap3A_1913 {strides = array<i32>} : memref<16x512xf32, #tpu.memory_space<vmem>>, vector<1x16xf32>,
        %get3A_1914 = arith.index_cast %add3A_1851 : i32 to index
        %get3A_1915 = arith.constant 352 : index
        %get3A_1916 = tpu.vector_load %arg15[%get3A_1914, %get3A_1915] {strides = array<i32>} : memref<16x512xf32, #tpu.memory_space<vmem>>, vector<1x16xf32>,
        %get3A_1917 = vector.shape_cast %get3A_1916 : vector<1x16xf32> to vector<16xf32>
        %slice3A_1918 = vector.extract_strided_slice %get3A_122 {offsets = [13], sizes = [1], strides = [1]} : vector<16xf32> to vector<1xf32>
        %squeeze3A_1919 = vector.extract %slice3A_1918[0] : f32 from vector<1xf32>
        %add3A_1920 = arith.constant 256 : i32
        %add3A_1921 = arith.addi %add3A_1920, %add3A_1847 : i32
        %get3A_1922 = arith.index_cast %add3A_1921 : i32 to index
        %get3A_1923 = arith.constant 32 : index
        %get3A_1924 = tpu.vector_load %arg14[%get3A_1922, %get3A_1923] {strides = array<i32>} : memref<512x128xf32, #tpu.memory_space<vmem>>, vector<1x16xf32>,
        %get3A_1925 = vector.shape_cast %get3A_1924 : vector<1x16xf32> to vector<16xf32>
        %mul3A_1926 = vector.broadcast %squeeze3A_1919 : f32 to vector<16xf32>
        %mul3A_1927 = arith.mulf %mul3A_1926, %get3A_1925 : vector<16xf32>
        %add3A_1928 = arith.addf %get3A_1917, %mul3A_1927 : vector<16xf32>
        %slice3A_1929 = vector.extract_strided_slice %get3A_130 {offsets = [13], sizes = [1], strides = [1]} : vector<16xf32> to vector<1xf32>
        %squeeze3A_1930 = vector.extract %slice3A_1929[0] : f32 from vector<1xf32>
        %add3A_1931 = arith.constant 384 : i32
        %add3A_1932 = arith.addi %add3A_1931, %add3A_1847 : i32
        %get3A_1933 = arith.index_cast %add3A_1932 : i32 to index
        %get3A_1934 = arith.constant 32 : index
        %get3A_1935 = tpu.vector_load %arg14[%get3A_1933, %get3A_1934] {strides = array<i32>} : memref<512x128xf32, #tpu.memory_space<vmem>>, vector<1x16xf32>,
        %get3A_1936 = vector.shape_cast %get3A_1935 : vector<1x16xf32> to vector<16xf32>
        %mul3A_1937 = vector.broadcast %squeeze3A_1930 : f32 to vector<16xf32>
        %mul3A_1938 = arith.mulf %mul3A_1937, %get3A_1936 : vector<16xf32>
        %add3A_1939 = arith.addf %add3A_1928, %mul3A_1938 : vector<16xf32>
        %swap3A_1940 = arith.index_cast %add3A_1851 : i32 to index
        %swap3A_1941 = arith.constant 352 : index
        %swap3A_1942 = tpu.vector_load %arg15[%swap3A_1940, %swap3A_1941] {strides = array<i32>} : memref<16x512xf32, #tpu.memory_space<vmem>>, vector<1x16xf32>,
        %swap3A_1943 = vector.shape_cast %swap3A_1942 : vector<1x16xf32> to vector<16xf32>
        %swap3A_1944 = vector.shape_cast %add3A_1939 : vector<16xf32> to vector<1x16xf32>
        tpu.vector_store %arg15[%swap3A_1940, %swap3A_1941], %swap3A_1944 {strides = array<i32>} : memref<16x512xf32, #tpu.memory_space<vmem>>, vector<1x16xf32>,
        %get3A_1945 = arith.index_cast %add3A_1851 : i32 to index
        %get3A_1946 = arith.constant 368 : index
        %get3A_1947 = tpu.vector_load %arg15[%get3A_1945, %get3A_1946] {strides = array<i32>} : memref<16x512xf32, #tpu.memory_space<vmem>>, vector<1x16xf32>,
        %get3A_1948 = vector.shape_cast %get3A_1947 : vector<1x16xf32> to vector<16xf32>
        %slice3A_1949 = vector.extract_strided_slice %get3A_122 {offsets = [13], sizes = [1], strides = [1]} : vector<16xf32> to vector<1xf32>
        %squeeze3A_1950 = vector.extract %slice3A_1949[0] : f32 from vector<1xf32>
        %add3A_1951 = arith.constant 256 : i32
        %add3A_1952 = arith.addi %add3A_1951, %add3A_1847 : i32
        %get3A_1953 = arith.index_cast %add3A_1952 : i32 to index
        %get3A_1954 = arith.constant 48 : index
        %get3A_1955 = tpu.vector_load %arg14[%get3A_1953, %get3A_1954] {strides = array<i32>} : memref<512x128xf32, #tpu.memory_space<vmem>>, vector<1x16xf32>,
        %get3A_1956 = vector.shape_cast %get3A_1955 : vector<1x16xf32> to vector<16xf32>
        %mul3A_1957 = vector.broadcast %squeeze3A_1950 : f32 to vector<16xf32>
        %mul3A_1958 = arith.mulf %mul3A_1957, %get3A_1956 : vector<16xf32>
        %add3A_1959 = arith.addf %get3A_1948, %mul3A_1958 : vector<16xf32>
        %slice3A_1960 = vector.extract_strided_slice %get3A_130 {offsets = [13], sizes = [1], strides = [1]} : vector<16xf32> to vector<1xf32>
        %squeeze3A_1961 = vector.extract %slice3A_1960[0] : f32 from vector<1xf32>
        %add3A_1962 = arith.constant 384 : i32
        %add3A_1963 = arith.addi %add3A_1962, %add3A_1847 : i32
        %get3A_1964 = arith.index_cast %add3A_1963 : i32 to index
        %get3A_1965 = arith.constant 48 : index
        %get3A_1966 = tpu.vector_load %arg14[%get3A_1964, %get3A_1965] {strides = array<i32>} : memref<512x128xf32, #tpu.memory_space<vmem>>, vector<1x16xf32>,
        %get3A_1967 = vector.shape_cast %get3A_1966 : vector<1x16xf32> to vector<16xf32>
        %mul3A_1968 = vector.broadcast %squeeze3A_1961 : f32 to vector<16xf32>
        %mul3A_1969 = arith.mulf %mul3A_1968, %get3A_1967 : vector<16xf32>
        %add3A_1970 = arith.addf %add3A_1959, %mul3A_1969 : vector<16xf32>
        %swap3A_1971 = arith.index_cast %add3A_1851 : i32 to index
        %swap3A_1972 = arith.constant 368 : index
        %swap3A_1973 = tpu.vector_load %arg15[%swap3A_1971, %swap3A_1972] {strides = array<i32>} : memref<16x512xf32, #tpu.memory_space<vmem>>, vector<1x16xf32>,
        %swap3A_1974 = vector.shape_cast %swap3A_1973 : vector<1x16xf32> to vector<16xf32>
        %swap3A_1975 = vector.shape_cast %add3A_1970 : vector<16xf32> to vector<1x16xf32>
        tpu.vector_store %arg15[%swap3A_1971, %swap3A_1972], %swap3A_1975 {strides = array<i32>} : memref<16x512xf32, #tpu.memory_space<vmem>>, vector<1x16xf32>,
        %mul3A_1976 = arith.constant 16 : i32
        %mul3A_1977 = arith.muli %scan3A_114, %mul3A_1976 : i32
        %add3A_1978 = arith.constant 14 : i32
        %add3A_1979 = arith.addi %mul3A_1977, %add3A_1978 : i32
        %mul3A_1980 = arith.constant 2 : i32
        %mul3A_1981 = arith.muli %scan3A_114, %mul3A_1980 : i32
        %add3A_1982 = arith.constant 1 : i32
        %add3A_1983 = arith.addi %mul3A_1981, %add3A_1982 : i32
        %get3A_1984 = arith.index_cast %add3A_1983 : i32 to index
        %get3A_1985 = arith.constant 384 : index
        %get3A_1986 = tpu.vector_load %arg15[%get3A_1984, %get3A_1985] {strides = array<i32>} : memref<16x512xf32, #tpu.memory_space<vmem>>, vector<1x16xf32>,
        %get3A_1987 = vector.shape_cast %get3A_1986 : vector<1x16xf32> to vector<16xf32>
        %slice3A_1988 = vector.extract_strided_slice %get3A_122 {offsets = [14], sizes = [1], strides = [1]} : vector<16xf32> to vector<1xf32>
        %squeeze3A_1989 = vector.extract %slice3A_1988[0] : f32 from vector<1xf32>
        %add3A_1990 = arith.constant 256 : i32
        %add3A_1991 = arith.addi %add3A_1990, %add3A_1979 : i32
        %get3A_1992 = arith.index_cast %add3A_1991 : i32 to index
        %get3A_1993 = arith.constant 0 : index
        %get3A_1994 = tpu.vector_load %arg14[%get3A_1992, %get3A_1993] {strides = array<i32>} : memref<512x128xf32, #tpu.memory_space<vmem>>, vector<1x16xf32>,
        %get3A_1995 = vector.shape_cast %get3A_1994 : vector<1x16xf32> to vector<16xf32>
        %mul3A_1996 = vector.broadcast %squeeze3A_1989 : f32 to vector<16xf32>
        %mul3A_1997 = arith.mulf %mul3A_1996, %get3A_1995 : vector<16xf32>
        %add3A_1998 = arith.addf %get3A_1987, %mul3A_1997 : vector<16xf32>
        %slice3A_1999 = vector.extract_strided_slice %get3A_130 {offsets = [14], sizes = [1], strides = [1]} : vector<16xf32> to vector<1xf32>
        %squeeze3A_2000 = vector.extract %slice3A_1999[0] : f32 from vector<1xf32>
        %add3A_2001 = arith.constant 384 : i32
        %add3A_2002 = arith.addi %add3A_2001, %add3A_1979 : i32
        %get3A_2003 = arith.index_cast %add3A_2002 : i32 to index
        %get3A_2004 = arith.constant 0 : index
        %get3A_2005 = tpu.vector_load %arg14[%get3A_2003, %get3A_2004] {strides = array<i32>} : memref<512x128xf32, #tpu.memory_space<vmem>>, vector<1x16xf32>,
        %get3A_2006 = vector.shape_cast %get3A_2005 : vector<1x16xf32> to vector<16xf32>
        %mul3A_2007 = vector.broadcast %squeeze3A_2000 : f32 to vector<16xf32>
        %mul3A_2008 = arith.mulf %mul3A_2007, %get3A_2006 : vector<16xf32>
        %add3A_2009 = arith.addf %add3A_1998, %mul3A_2008 : vector<16xf32>
        %swap3A_2010 = arith.index_cast %add3A_1983 : i32 to index
        %swap3A_2011 = arith.constant 384 : index
        %swap3A_2012 = tpu.vector_load %arg15[%swap3A_2010, %swap3A_2011] {strides = array<i32>} : memref<16x512xf32, #tpu.memory_space<vmem>>, vector<1x16xf32>,
        %swap3A_2013 = vector.shape_cast %swap3A_2012 : vector<1x16xf32> to vector<16xf32>
        %swap3A_2014 = vector.shape_cast %add3A_2009 : vector<16xf32> to vector<1x16xf32>
        tpu.vector_store %arg15[%swap3A_2010, %swap3A_2011], %swap3A_2014 {strides = array<i32>} : memref<16x512xf32, #tpu.memory_space<vmem>>, vector<1x16xf32>,
        %get3A_2015 = arith.index_cast %add3A_1983 : i32 to index
        %get3A_2016 = arith.constant 400 : index
        %get3A_2017 = tpu.vector_load %arg15[%get3A_2015, %get3A_2016] {strides = array<i32>} : memref<16x512xf32, #tpu.memory_space<vmem>>, vector<1x16xf32>,
        %get3A_2018 = vector.shape_cast %get3A_2017 : vector<1x16xf32> to vector<16xf32>
        %slice3A_2019 = vector.extract_strided_slice %get3A_122 {offsets = [14], sizes = [1], strides = [1]} : vector<16xf32> to vector<1xf32>
        %squeeze3A_2020 = vector.extract %slice3A_2019[0] : f32 from vector<1xf32>
        %add3A_2021 = arith.constant 256 : i32
        %add3A_2022 = arith.addi %add3A_2021, %add3A_1979 : i32
        %get3A_2023 = arith.index_cast %add3A_2022 : i32 to index
        %get3A_2024 = arith.constant 16 : index
        %get3A_2025 = tpu.vector_load %arg14[%get3A_2023, %get3A_2024] {strides = array<i32>} : memref<512x128xf32, #tpu.memory_space<vmem>>, vector<1x16xf32>,
        %get3A_2026 = vector.shape_cast %get3A_2025 : vector<1x16xf32> to vector<16xf32>
        %mul3A_2027 = vector.broadcast %squeeze3A_2020 : f32 to vector<16xf32>
        %mul3A_2028 = arith.mulf %mul3A_2027, %get3A_2026 : vector<16xf32>
        %add3A_2029 = arith.addf %get3A_2018, %mul3A_2028 : vector<16xf32>
        %slice3A_2030 = vector.extract_strided_slice %get3A_130 {offsets = [14], sizes = [1], strides = [1]} : vector<16xf32> to vector<1xf32>
        %squeeze3A_2031 = vector.extract %slice3A_2030[0] : f32 from vector<1xf32>
        %add3A_2032 = arith.constant 384 : i32
        %add3A_2033 = arith.addi %add3A_2032, %add3A_1979 : i32
        %get3A_2034 = arith.index_cast %add3A_2033 : i32 to index
        %get3A_2035 = arith.constant 16 : index
        %get3A_2036 = tpu.vector_load %arg14[%get3A_2034, %get3A_2035] {strides = array<i32>} : memref<512x128xf32, #tpu.memory_space<vmem>>, vector<1x16xf32>,
        %get3A_2037 = vector.shape_cast %get3A_2036 : vector<1x16xf32> to vector<16xf32>
        %mul3A_2038 = vector.broadcast %squeeze3A_2031 : f32 to vector<16xf32>
        %mul3A_2039 = arith.mulf %mul3A_2038, %get3A_2037 : vector<16xf32>
        %add3A_2040 = arith.addf %add3A_2029, %mul3A_2039 : vector<16xf32>
        %swap3A_2041 = arith.index_cast %add3A_1983 : i32 to index
        %swap3A_2042 = arith.constant 400 : index
        %swap3A_2043 = tpu.vector_load %arg15[%swap3A_2041, %swap3A_2042] {strides = array<i32>} : memref<16x512xf32, #tpu.memory_space<vmem>>, vector<1x16xf32>,
        %swap3A_2044 = vector.shape_cast %swap3A_2043 : vector<1x16xf32> to vector<16xf32>
        %swap3A_2045 = vector.shape_cast %add3A_2040 : vector<16xf32> to vector<1x16xf32>
        tpu.vector_store %arg15[%swap3A_2041, %swap3A_2042], %swap3A_2045 {strides = array<i32>} : memref<16x512xf32, #tpu.memory_space<vmem>>, vector<1x16xf32>,
        %get3A_2046 = arith.index_cast %add3A_1983 : i32 to index
        %get3A_2047 = arith.constant 416 : index
        %get3A_2048 = tpu.vector_load %arg15[%get3A_2046, %get3A_2047] {strides = array<i32>} : memref<16x512xf32, #tpu.memory_space<vmem>>, vector<1x16xf32>,
        %get3A_2049 = vector.shape_cast %get3A_2048 : vector<1x16xf32> to vector<16xf32>
        %slice3A_2050 = vector.extract_strided_slice %get3A_122 {offsets = [14], sizes = [1], strides = [1]} : vector<16xf32> to vector<1xf32>
        %squeeze3A_2051 = vector.extract %slice3A_2050[0] : f32 from vector<1xf32>
        %add3A_2052 = arith.constant 256 : i32
        %add3A_2053 = arith.addi %add3A_2052, %add3A_1979 : i32
        %get3A_2054 = arith.index_cast %add3A_2053 : i32 to index
        %get3A_2055 = arith.constant 32 : index
        %get3A_2056 = tpu.vector_load %arg14[%get3A_2054, %get3A_2055] {strides = array<i32>} : memref<512x128xf32, #tpu.memory_space<vmem>>, vector<1x16xf32>,
        %get3A_2057 = vector.shape_cast %get3A_2056 : vector<1x16xf32> to vector<16xf32>
        %mul3A_2058 = vector.broadcast %squeeze3A_2051 : f32 to vector<16xf32>
        %mul3A_2059 = arith.mulf %mul3A_2058, %get3A_2057 : vector<16xf32>
        %add3A_2060 = arith.addf %get3A_2049, %mul3A_2059 : vector<16xf32>
        %slice3A_2061 = vector.extract_strided_slice %get3A_130 {offsets = [14], sizes = [1], strides = [1]} : vector<16xf32> to vector<1xf32>
        %squeeze3A_2062 = vector.extract %slice3A_2061[0] : f32 from vector<1xf32>
        %add3A_2063 = arith.constant 384 : i32
        %add3A_2064 = arith.addi %add3A_2063, %add3A_1979 : i32
        %get3A_2065 = arith.index_cast %add3A_2064 : i32 to index
        %get3A_2066 = arith.constant 32 : index
        %get3A_2067 = tpu.vector_load %arg14[%get3A_2065, %get3A_2066] {strides = array<i32>} : memref<512x128xf32, #tpu.memory_space<vmem>>, vector<1x16xf32>,
        %get3A_2068 = vector.shape_cast %get3A_2067 : vector<1x16xf32> to vector<16xf32>
        %mul3A_2069 = vector.broadcast %squeeze3A_2062 : f32 to vector<16xf32>
        %mul3A_2070 = arith.mulf %mul3A_2069, %get3A_2068 : vector<16xf32>
        %add3A_2071 = arith.addf %add3A_2060, %mul3A_2070 : vector<16xf32>
        %swap3A_2072 = arith.index_cast %add3A_1983 : i32 to index
        %swap3A_2073 = arith.constant 416 : index
        %swap3A_2074 = tpu.vector_load %arg15[%swap3A_2072, %swap3A_2073] {strides = array<i32>} : memref<16x512xf32, #tpu.memory_space<vmem>>, vector<1x16xf32>,
        %swap3A_2075 = vector.shape_cast %swap3A_2074 : vector<1x16xf32> to vector<16xf32>
        %swap3A_2076 = vector.shape_cast %add3A_2071 : vector<16xf32> to vector<1x16xf32>
        tpu.vector_store %arg15[%swap3A_2072, %swap3A_2073], %swap3A_2076 {strides = array<i32>} : memref<16x512xf32, #tpu.memory_space<vmem>>, vector<1x16xf32>,
        %get3A_2077 = arith.index_cast %add3A_1983 : i32 to index
        %get3A_2078 = arith.constant 432 : index
        %get3A_2079 = tpu.vector_load %arg15[%get3A_2077, %get3A_2078] {strides = array<i32>} : memref<16x512xf32, #tpu.memory_space<vmem>>, vector<1x16xf32>,
        %get3A_2080 = vector.shape_cast %get3A_2079 : vector<1x16xf32> to vector<16xf32>
        %slice3A_2081 = vector.extract_strided_slice %get3A_122 {offsets = [14], sizes = [1], strides = [1]} : vector<16xf32> to vector<1xf32>
        %squeeze3A_2082 = vector.extract %slice3A_2081[0] : f32 from vector<1xf32>
        %add3A_2083 = arith.constant 256 : i32
        %add3A_2084 = arith.addi %add3A_2083, %add3A_1979 : i32
        %get3A_2085 = arith.index_cast %add3A_2084 : i32 to index
        %get3A_2086 = arith.constant 48 : index
        %get3A_2087 = tpu.vector_load %arg14[%get3A_2085, %get3A_2086] {strides = array<i32>} : memref<512x128xf32, #tpu.memory_space<vmem>>, vector<1x16xf32>,
        %get3A_2088 = vector.shape_cast %get3A_2087 : vector<1x16xf32> to vector<16xf32>
        %mul3A_2089 = vector.broadcast %squeeze3A_2082 : f32 to vector<16xf32>
        %mul3A_2090 = arith.mulf %mul3A_2089, %get3A_2088 : vector<16xf32>
        %add3A_2091 = arith.addf %get3A_2080, %mul3A_2090 : vector<16xf32>
        %slice3A_2092 = vector.extract_strided_slice %get3A_130 {offsets = [14], sizes = [1], strides = [1]} : vector<16xf32> to vector<1xf32>
        %squeeze3A_2093 = vector.extract %slice3A_2092[0] : f32 from vector<1xf32>
        %add3A_2094 = arith.constant 384 : i32
        %add3A_2095 = arith.addi %add3A_2094, %add3A_1979 : i32
        %get3A_2096 = arith.index_cast %add3A_2095 : i32 to index
        %get3A_2097 = arith.constant 48 : index
        %get3A_2098 = tpu.vector_load %arg14[%get3A_2096, %get3A_2097] {strides = array<i32>} : memref<512x128xf32, #tpu.memory_space<vmem>>, vector<1x16xf32>,
        %get3A_2099 = vector.shape_cast %get3A_2098 : vector<1x16xf32> to vector<16xf32>
        %mul3A_2100 = vector.broadcast %squeeze3A_2093 : f32 to vector<16xf32>
        %mul3A_2101 = arith.mulf %mul3A_2100, %get3A_2099 : vector<16xf32>
        %add3A_2102 = arith.addf %add3A_2091, %mul3A_2101 : vector<16xf32>
        %swap3A_2103 = arith.index_cast %add3A_1983 : i32 to index
        %swap3A_2104 = arith.constant 432 : index
        %swap3A_2105 = tpu.vector_load %arg15[%swap3A_2103, %swap3A_2104] {strides = array<i32>} : memref<16x512xf32, #tpu.memory_space<vmem>>, vector<1x16xf32>,
        %swap3A_2106 = vector.shape_cast %swap3A_2105 : vector<1x16xf32> to vector<16xf32>
        %swap3A_2107 = vector.shape_cast %add3A_2102 : vector<16xf32> to vector<1x16xf32>
        tpu.vector_store %arg15[%swap3A_2103, %swap3A_2104], %swap3A_2107 {strides = array<i32>} : memref<16x512xf32, #tpu.memory_space<vmem>>, vector<1x16xf32>,
        %mul3A_2108 = arith.constant 16 : i32
        %mul3A_2109 = arith.muli %scan3A_114, %mul3A_2108 : i32
        %add3A_2110 = arith.constant 15 : i32
        %add3A_2111 = arith.addi %mul3A_2109, %add3A_2110 : i32
        %mul3A_2112 = arith.constant 2 : i32
        %mul3A_2113 = arith.muli %scan3A_114, %mul3A_2112 : i32
        %add3A_2114 = arith.constant 1 : i32
        %add3A_2115 = arith.addi %mul3A_2113, %add3A_2114 : i32
        %get3A_2116 = arith.index_cast %add3A_2115 : i32 to index
        %get3A_2117 = arith.constant 448 : index
        %get3A_2118 = tpu.vector_load %arg15[%get3A_2116, %get3A_2117] {strides = array<i32>} : memref<16x512xf32, #tpu.memory_space<vmem>>, vector<1x16xf32>,
        %get3A_2119 = vector.shape_cast %get3A_2118 : vector<1x16xf32> to vector<16xf32>
        %slice3A_2120 = vector.extract_strided_slice %get3A_122 {offsets = [15], sizes = [1], strides = [1]} : vector<16xf32> to vector<1xf32>
        %squeeze3A_2121 = vector.extract %slice3A_2120[0] : f32 from vector<1xf32>
        %add3A_2122 = arith.constant 256 : i32
        %add3A_2123 = arith.addi %add3A_2122, %add3A_2111 : i32
        %get3A_2124 = arith.index_cast %add3A_2123 : i32 to index
        %get3A_2125 = arith.constant 0 : index
        %get3A_2126 = tpu.vector_load %arg14[%get3A_2124, %get3A_2125] {strides = array<i32>} : memref<512x128xf32, #tpu.memory_space<vmem>>, vector<1x16xf32>,
        %get3A_2127 = vector.shape_cast %get3A_2126 : vector<1x16xf32> to vector<16xf32>
        %mul3A_2128 = vector.broadcast %squeeze3A_2121 : f32 to vector<16xf32>
        %mul3A_2129 = arith.mulf %mul3A_2128, %get3A_2127 : vector<16xf32>
        %add3A_2130 = arith.addf %get3A_2119, %mul3A_2129 : vector<16xf32>
        %slice3A_2131 = vector.extract_strided_slice %get3A_130 {offsets = [15], sizes = [1], strides = [1]} : vector<16xf32> to vector<1xf32>
        %squeeze3A_2132 = vector.extract %slice3A_2131[0] : f32 from vector<1xf32>
        %add3A_2133 = arith.constant 384 : i32
        %add3A_2134 = arith.addi %add3A_2133, %add3A_2111 : i32
        %get3A_2135 = arith.index_cast %add3A_2134 : i32 to index
        %get3A_2136 = arith.constant 0 : index
        %get3A_2137 = tpu.vector_load %arg14[%get3A_2135, %get3A_2136] {strides = array<i32>} : memref<512x128xf32, #tpu.memory_space<vmem>>, vector<1x16xf32>,
        %get3A_2138 = vector.shape_cast %get3A_2137 : vector<1x16xf32> to vector<16xf32>
        %mul3A_2139 = vector.broadcast %squeeze3A_2132 : f32 to vector<16xf32>
        %mul3A_2140 = arith.mulf %mul3A_2139, %get3A_2138 : vector<16xf32>
        %add3A_2141 = arith.addf %add3A_2130, %mul3A_2140 : vector<16xf32>
        %swap3A_2142 = arith.index_cast %add3A_2115 : i32 to index
        %swap3A_2143 = arith.constant 448 : index
        %swap3A_2144 = tpu.vector_load %arg15[%swap3A_2142, %swap3A_2143] {strides = array<i32>} : memref<16x512xf32, #tpu.memory_space<vmem>>, vector<1x16xf32>,
        %swap3A_2145 = vector.shape_cast %swap3A_2144 : vector<1x16xf32> to vector<16xf32>
        %swap3A_2146 = vector.shape_cast %add3A_2141 : vector<16xf32> to vector<1x16xf32>
        tpu.vector_store %arg15[%swap3A_2142, %swap3A_2143], %swap3A_2146 {strides = array<i32>} : memref<16x512xf32, #tpu.memory_space<vmem>>, vector<1x16xf32>,
        %get3A_2147 = arith.index_cast %add3A_2115 : i32 to index
        %get3A_2148 = arith.constant 464 : index
        %get3A_2149 = tpu.vector_load %arg15[%get3A_2147, %get3A_2148] {strides = array<i32>} : memref<16x512xf32, #tpu.memory_space<vmem>>, vector<1x16xf32>,
        %get3A_2150 = vector.shape_cast %get3A_2149 : vector<1x16xf32> to vector<16xf32>
        %slice3A_2151 = vector.extract_strided_slice %get3A_122 {offsets = [15], sizes = [1], strides = [1]} : vector<16xf32> to vector<1xf32>
        %squeeze3A_2152 = vector.extract %slice3A_2151[0] : f32 from vector<1xf32>
        %add3A_2153 = arith.constant 256 : i32
        %add3A_2154 = arith.addi %add3A_2153, %add3A_2111 : i32
        %get3A_2155 = arith.index_cast %add3A_2154 : i32 to index
        %get3A_2156 = arith.constant 16 : index
        %get3A_2157 = tpu.vector_load %arg14[%get3A_2155, %get3A_2156] {strides = array<i32>} : memref<512x128xf32, #tpu.memory_space<vmem>>, vector<1x16xf32>,
        %get3A_2158 = vector.shape_cast %get3A_2157 : vector<1x16xf32> to vector<16xf32>
        %mul3A_2159 = vector.broadcast %squeeze3A_2152 : f32 to vector<16xf32>
        %mul3A_2160 = arith.mulf %mul3A_2159, %get3A_2158 : vector<16xf32>
        %add3A_2161 = arith.addf %get3A_2150, %mul3A_2160 : vector<16xf32>
        %slice3A_2162 = vector.extract_strided_slice %get3A_130 {offsets = [15], sizes = [1], strides = [1]} : vector<16xf32> to vector<1xf32>
        %squeeze3A_2163 = vector.extract %slice3A_2162[0] : f32 from vector<1xf32>
        %add3A_2164 = arith.constant 384 : i32
        %add3A_2165 = arith.addi %add3A_2164, %add3A_2111 : i32
        %get3A_2166 = arith.index_cast %add3A_2165 : i32 to index
        %get3A_2167 = arith.constant 16 : index
        %get3A_2168 = tpu.vector_load %arg14[%get3A_2166, %get3A_2167] {strides = array<i32>} : memref<512x128xf32, #tpu.memory_space<vmem>>, vector<1x16xf32>,
        %get3A_2169 = vector.shape_cast %get3A_2168 : vector<1x16xf32> to vector<16xf32>
        %mul3A_2170 = vector.broadcast %squeeze3A_2163 : f32 to vector<16xf32>
        %mul3A_2171 = arith.mulf %mul3A_2170, %get3A_2169 : vector<16xf32>
        %add3A_2172 = arith.addf %add3A_2161, %mul3A_2171 : vector<16xf32>
        %swap3A_2173 = arith.index_cast %add3A_2115 : i32 to index
        %swap3A_2174 = arith.constant 464 : index
        %swap3A_2175 = tpu.vector_load %arg15[%swap3A_2173, %swap3A_2174] {strides = array<i32>} : memref<16x512xf32, #tpu.memory_space<vmem>>, vector<1x16xf32>,
        %swap3A_2176 = vector.shape_cast %swap3A_2175 : vector<1x16xf32> to vector<16xf32>
        %swap3A_2177 = vector.shape_cast %add3A_2172 : vector<16xf32> to vector<1x16xf32>
        tpu.vector_store %arg15[%swap3A_2173, %swap3A_2174], %swap3A_2177 {strides = array<i32>} : memref<16x512xf32, #tpu.memory_space<vmem>>, vector<1x16xf32>,
        %get3A_2178 = arith.index_cast %add3A_2115 : i32 to index
        %get3A_2179 = arith.constant 480 : index
        %get3A_2180 = tpu.vector_load %arg15[%get3A_2178, %get3A_2179] {strides = array<i32>} : memref<16x512xf32, #tpu.memory_space<vmem>>, vector<1x16xf32>,
        %get3A_2181 = vector.shape_cast %get3A_2180 : vector<1x16xf32> to vector<16xf32>
        %slice3A_2182 = vector.extract_strided_slice %get3A_122 {offsets = [15], sizes = [1], strides = [1]} : vector<16xf32> to vector<1xf32>
        %squeeze3A_2183 = vector.extract %slice3A_2182[0] : f32 from vector<1xf32>
        %add3A_2184 = arith.constant 256 : i32
        %add3A_2185 = arith.addi %add3A_2184, %add3A_2111 : i32
        %get3A_2186 = arith.index_cast %add3A_2185 : i32 to index
        %get3A_2187 = arith.constant 32 : index
        %get3A_2188 = tpu.vector_load %arg14[%get3A_2186, %get3A_2187] {strides = array<i32>} : memref<512x128xf32, #tpu.memory_space<vmem>>, vector<1x16xf32>,
        %get3A_2189 = vector.shape_cast %get3A_2188 : vector<1x16xf32> to vector<16xf32>
        %mul3A_2190 = vector.broadcast %squeeze3A_2183 : f32 to vector<16xf32>
        %mul3A_2191 = arith.mulf %mul3A_2190, %get3A_2189 : vector<16xf32>
        %add3A_2192 = arith.addf %get3A_2181, %mul3A_2191 : vector<16xf32>
        %slice3A_2193 = vector.extract_strided_slice %get3A_130 {offsets = [15], sizes = [1], strides = [1]} : vector<16xf32> to vector<1xf32>
        %squeeze3A_2194 = vector.extract %slice3A_2193[0] : f32 from vector<1xf32>
        %add3A_2195 = arith.constant 384 : i32
        %add3A_2196 = arith.addi %add3A_2195, %add3A_2111 : i32
        %get3A_2197 = arith.index_cast %add3A_2196 : i32 to index
        %get3A_2198 = arith.constant 32 : index
        %get3A_2199 = tpu.vector_load %arg14[%get3A_2197, %get3A_2198] {strides = array<i32>} : memref<512x128xf32, #tpu.memory_space<vmem>>, vector<1x16xf32>,
        %get3A_2200 = vector.shape_cast %get3A_2199 : vector<1x16xf32> to vector<16xf32>
        %mul3A_2201 = vector.broadcast %squeeze3A_2194 : f32 to vector<16xf32>
        %mul3A_2202 = arith.mulf %mul3A_2201, %get3A_2200 : vector<16xf32>
        %add3A_2203 = arith.addf %add3A_2192, %mul3A_2202 : vector<16xf32>
        %swap3A_2204 = arith.index_cast %add3A_2115 : i32 to index
        %swap3A_2205 = arith.constant 480 : index
        %swap3A_2206 = tpu.vector_load %arg15[%swap3A_2204, %swap3A_2205] {strides = array<i32>} : memref<16x512xf32, #tpu.memory_space<vmem>>, vector<1x16xf32>,
        %swap3A_2207 = vector.shape_cast %swap3A_2206 : vector<1x16xf32> to vector<16xf32>
        %swap3A_2208 = vector.shape_cast %add3A_2203 : vector<16xf32> to vector<1x16xf32>
        tpu.vector_store %arg15[%swap3A_2204, %swap3A_2205], %swap3A_2208 {strides = array<i32>} : memref<16x512xf32, #tpu.memory_space<vmem>>, vector<1x16xf32>,
        %get3A_2209 = arith.index_cast %add3A_2115 : i32 to index
        %get3A_2210 = arith.constant 496 : index
        %get3A_2211 = tpu.vector_load %arg15[%get3A_2209, %get3A_2210] {strides = array<i32>} : memref<16x512xf32, #tpu.memory_space<vmem>>, vector<1x16xf32>,
        %get3A_2212 = vector.shape_cast %get3A_2211 : vector<1x16xf32> to vector<16xf32>
        %slice3A_2213 = vector.extract_strided_slice %get3A_122 {offsets = [15], sizes = [1], strides = [1]} : vector<16xf32> to vector<1xf32>
        %squeeze3A_2214 = vector.extract %slice3A_2213[0] : f32 from vector<1xf32>
        %add3A_2215 = arith.constant 256 : i32
        %add3A_2216 = arith.addi %add3A_2215, %add3A_2111 : i32
        %get3A_2217 = arith.index_cast %add3A_2216 : i32 to index
        %get3A_2218 = arith.constant 48 : index
        %get3A_2219 = tpu.vector_load %arg14[%get3A_2217, %get3A_2218] {strides = array<i32>} : memref<512x128xf32, #tpu.memory_space<vmem>>, vector<1x16xf32>,
        %get3A_2220 = vector.shape_cast %get3A_2219 : vector<1x16xf32> to vector<16xf32>
        %mul3A_2221 = vector.broadcast %squeeze3A_2214 : f32 to vector<16xf32>
        %mul3A_2222 = arith.mulf %mul3A_2221, %get3A_2220 : vector<16xf32>
        %add3A_2223 = arith.addf %get3A_2212, %mul3A_2222 : vector<16xf32>
        %slice3A_2224 = vector.extract_strided_slice %get3A_130 {offsets = [15], sizes = [1], strides = [1]} : vector<16xf32> to vector<1xf32>
        %squeeze3A_2225 = vector.extract %slice3A_2224[0] : f32 from vector<1xf32>
        %add3A_2226 = arith.constant 384 : i32
        %add3A_2227 = arith.addi %add3A_2226, %add3A_2111 : i32
        %get3A_2228 = arith.index_cast %add3A_2227 : i32 to index
        %get3A_2229 = arith.constant 48 : index
        %get3A_2230 = tpu.vector_load %arg14[%get3A_2228, %get3A_2229] {strides = array<i32>} : memref<512x128xf32, #tpu.memory_space<vmem>>, vector<1x16xf32>,
        %get3A_2231 = vector.shape_cast %get3A_2230 : vector<1x16xf32> to vector<16xf32>
        %mul3A_2232 = vector.broadcast %squeeze3A_2225 : f32 to vector<16xf32>
        %mul3A_2233 = arith.mulf %mul3A_2232, %get3A_2231 : vector<16xf32>
        %add3A_2234 = arith.addf %add3A_2223, %mul3A_2233 : vector<16xf32>
        %swap3A_2235 = arith.index_cast %add3A_2115 : i32 to index
        %swap3A_2236 = arith.constant 496 : index
        %swap3A_2237 = tpu.vector_load %arg15[%swap3A_2235, %swap3A_2236] {strides = array<i32>} : memref<16x512xf32, #tpu.memory_space<vmem>>, vector<1x16xf32>,
        %swap3A_2238 = vector.shape_cast %swap3A_2237 : vector<1x16xf32> to vector<16xf32>
        %swap3A_2239 = vector.shape_cast %add3A_2234 : vector<16xf32> to vector<1x16xf32>
        tpu.vector_store %arg15[%swap3A_2235, %swap3A_2236], %swap3A_2239 {strides = array<i32>} : memref<16x512xf32, #tpu.memory_space<vmem>>, vector<1x16xf32>,
        %scan3A_2240 = arith.constant 0 : i32
        scf.yield %scan3A_2240 : i32
      }
      %scan3A_109 = arith.constant 8 : i32
      %add3A_110 = arith.addi %mul3A_2, %scan3A_16 : i32
      %mul3A_111 = arith.constant 16 : i32
      %mul3A_112 = arith.muli %add3A_110, %mul3A_111 : i32
      "tpu.region"() ({
        %run_scoped3A_114 = tpu.sem_alloc : memref<!tpu.dma_semaphore, #tpu.memory_space<semaphore_mem>>
        %dma_start3A_115 = arith.constant 0 : i32
        %dma_start3A_116 = tpu.memref_slice %arg11[%mul3A_112, %dma_start3A_115] : memref<16384x512xf32, #tpu.memory_space<hbm>> -> memref<16x512xf32, #tpu.memory_space<hbm>>
        %dma_start3A_117 = arith.constant 0 : i32
        %dma_start3A_118 = tpu.memref_slice %arg11[%mul3A_112, %dma_start3A_117] : memref<16384x512xf32, #tpu.memory_space<hbm>> -> memref<16x512xf32, #tpu.memory_space<hbm>>
        tpu.enqueue_dma source(%arg15 : memref<16x512xf32, #tpu.memory_space<vmem>>) target(%dma_start3A_118 : memref<16x512xf32, #tpu.memory_space<hbm>>) target_semaphore(%run_scoped3A_114 : memref<!tpu.dma_semaphore, #tpu.memory_space<semaphore_mem>>)
        %dma_wait3A_119 = arith.constant 0 : i32
        %dma_wait3A_120 = tpu.memref_slice %arg11[%mul3A_112, %dma_wait3A_119] : memref<16384x512xf32, #tpu.memory_space<hbm>> -> memref<16x512xf32, #tpu.memory_space<hbm>>
        %dma_wait3A_121 = arith.constant 0 : i32
        %dma_wait3A_122 = tpu.memref_slice %arg11[%mul3A_112, %dma_wait3A_121] : memref<16384x512xf32, #tpu.memory_space<hbm>> -> memref<16x512xf32, #tpu.memory_space<hbm>>
        tpu.wait_dma2 semaphore(%run_scoped3A_114 : memref<!tpu.dma_semaphore, #tpu.memory_space<semaphore_mem>>) src(%arg15 : memref<16x512xf32, #tpu.memory_space<vmem>>) dst(%dma_wait3A_122 : memref<16x512xf32, #tpu.memory_space<hbm>>)
        tpu.yield
      }) : () -> ()
      %scan3A_113 = arith.constant 0 : i32
      scf.yield %scan3A_113 : i32
    }
    %scan3A_15 = arith.constant 32 : i32
    return
  }
}

module attributes {stable_mosaic.version = 14 : i64} {
  func.func @_transpose_body(%arg0: i32, %arg1: memref<8x64x1024xf32, #tpu.memory_space<vmem>>, %arg2: memref<8x1024x128xf32, #tpu.memory_space<vmem>>) attributes {dimension_semantics = [#tpu.dimension_semantics<arbitrary>], iteration_bounds = array<i64: 128>, scalar_prefetch = 0 : i64, scratch_operands = 0 : i64, tpu.core_type = #tpu.core_type<tc>, window_params = [{transform_indices = @transform_0, window_bounds = array<i64: 8, 64, 1024>}, {transform_indices = @transform_1, window_bounds = array<i64: 8, 1024, 128>}]} {
    %get3A = arith.constant 0 : index
    %get3A_0 = arith.constant 0 : index
    %get3A_1 = arith.constant 0 : index
    %get3A_2 = vector.load %arg1[%get3A, %get3A_0, %get3A_1] : memref<8x64x1024xf32, #tpu.memory_space<vmem>>, vector<8x64x1024xf32>
    %transpose3A = tpu.transpose %get3A_2, [0, 2, 1] : vector<8x64x1024xf32> -> vector<8x1024x64xf32>
    %swap3A = arith.constant 0 : index
    %swap3A_3 = arith.constant 0 : index
    %swap3A_4 = arith.constant 0 : index
    %swap3A_5 = vector.load %arg2[%swap3A, %swap3A_3, %swap3A_4] : memref<8x1024x128xf32, #tpu.memory_space<vmem>>, vector<8x1024x64xf32>
    tpu.vector_store %arg2[%swap3A, %swap3A_3, %swap3A_4], %transpose3A {strides = array<i32>} : memref<8x1024x128xf32, #tpu.memory_space<vmem>>, vector<8x1024x64xf32>,
    return
  }
  func.func @transform_0(%arg0: i32) -> (i32, i32, i32) {
    %c0_i32 = arith.constant 0 : i32
    %c0_i32_0 = arith.constant 0 : i32
    %c0_i32_1 = arith.constant 0 : i32
    return %arg0, %c0_i32, %c0_i32_0 : i32, i32, i32
  }
  func.func @transform_1(%arg0: i32) -> (i32, i32, i32) {
    %c0_i32 = arith.constant 0 : i32
    %c0_i32_0 = arith.constant 0 : i32
    %c0_i32_1 = arith.constant 0 : i32
    return %arg0, %c0_i32, %c0_i32_0 : i32, i32, i32
  }
}

module attributes {stable_mosaic.version = 14 : i64} {
  func.func @_proj_body(%arg0: i32, %arg1: memref<256x1024xf32, #tpu.memory_space<vmem>>, %arg2: memref<1024x1024xf32, #tpu.memory_space<vmem>>, %arg3: memref<1x1024xf32, #tpu.memory_space<vmem>>, %arg4: memref<1024x256xf32, #tpu.memory_space<vmem>>, %arg5: memref<1x256xf32, #tpu.memory_space<vmem>>, %arg6: memref<1024x4xf32, #tpu.memory_space<vmem>>, %arg7: memref<1x4xf32, #tpu.memory_space<vmem>>, %arg8: memref<256x1024xf32, #tpu.memory_space<vmem>>, %arg9: memref<256x128xi32, #tpu.memory_space<vmem>>, %arg10: memref<256x128xi32, #tpu.memory_space<vmem>>, %arg11: memref<256x128xi32, #tpu.memory_space<vmem>>, %arg12: memref<256x128xi32, #tpu.memory_space<vmem>>, %arg13: memref<256x128xf32, #tpu.memory_space<vmem>>, %arg14: memref<256x128xf32, #tpu.memory_space<vmem>>, %arg15: memref<256x128xf32, #tpu.memory_space<vmem>>, %arg16: memref<256x128xf32, #tpu.memory_space<vmem>>, %arg17: memref<256x4xf32, #tpu.memory_space<vmem>>) attributes {dimension_semantics = [#tpu.dimension_semantics<arbitrary>], iteration_bounds = array<i64: 4>, scalar_prefetch = 0 : i64, scratch_operands = 0 : i64, tpu.core_type = #tpu.core_type<tc>, window_params = [{transform_indices = @transform_0, window_bounds = array<i64: 256, 1024>}, {pipeline_mode = #tpu.pipeline_mode<synchronous>, transform_indices = @transform_1, window_bounds = array<i64: 1024, 1024>}, {pipeline_mode = #tpu.pipeline_mode<synchronous>, transform_indices = @transform_2, window_bounds = array<i64: 1, 1024>}, {pipeline_mode = #tpu.pipeline_mode<synchronous>, transform_indices = @transform_3, window_bounds = array<i64: 1024, 256>}, {pipeline_mode = #tpu.pipeline_mode<synchronous>, transform_indices = @transform_4, window_bounds = array<i64: 1, 256>}, {pipeline_mode = #tpu.pipeline_mode<synchronous>, transform_indices = @transform_5, window_bounds = array<i64: 1024, 4>}, {pipeline_mode = #tpu.pipeline_mode<synchronous>, transform_indices = @transform_6, window_bounds = array<i64: 1, 4>}, {transform_indices = @transform_7, window_bounds = array<i64: 256, 1024>}, {transform_indices = @transform_8, window_bounds = array<i64: 256, 128>}, {transform_indices = @transform_9, window_bounds = array<i64: 256, 128>}, {transform_indices = @transform_10, window_bounds = array<i64: 256, 128>}, {transform_indices = @transform_11, window_bounds = array<i64: 256, 128>}, {transform_indices = @transform_12, window_bounds = array<i64: 256, 128>}, {transform_indices = @transform_13, window_bounds = array<i64: 256, 128>}, {transform_indices = @transform_14, window_bounds = array<i64: 256, 128>}, {transform_indices = @transform_15, window_bounds = array<i64: 256, 128>}, {transform_indices = @transform_16, window_bounds = array<i64: 256, 4>}]} {
    %get3A = arith.constant 0 : index
    %get3A_0 = arith.constant 0 : index
    %get3A_1 = vector.load %arg1[%get3A, %get3A_0] : memref<256x1024xf32, #tpu.memory_space<vmem>>, vector<256x1024xf32>
    %get3A_2 = arith.constant 0 : index
    %get3A_3 = arith.constant 0 : index
    %get3A_4 = vector.load %arg2[%get3A_2, %get3A_3] : memref<1024x1024xf32, #tpu.memory_space<vmem>>, vector<1024x1024xf32>
    %dot_general3A = arith.constant dense<0.000000e+00> : vector<256x1024xf32>
    %dot_general3A_5 = tpu.matmul %get3A_1, %get3A_4, %dot_general3A {dimension_numbers = #tpu.dot_dimension_numbers<[1], [0], [0], [1], [0, 0, 1, 1], [], []>, transpose_lhs_hint = false} : vector<256x1024xf32>, vector<1024x1024xf32>, vector<256x1024xf32> -> vector<256x1024xf32>
    %get3A_6 = arith.constant 0 : index
    %get3A_7 = arith.constant 0 : index
    %get3A_8 = vector.load %arg3[%get3A_6, %get3A_7] : memref<1x1024xf32, #tpu.memory_space<vmem>>, vector<1x1024xf32>
    %add3A = vector.broadcast %get3A_8 : vector<1x1024xf32> to vector<256x1024xf32>
    %add3A_9 = arith.addf %dot_general3A_5, %add3A : vector<256x1024xf32>
    %swap3A = arith.constant 0 : index
    %swap3A_10 = arith.constant 0 : index
    %swap3A_11 = vector.load %arg8[%swap3A, %swap3A_10] : memref<256x1024xf32, #tpu.memory_space<vmem>>, vector<256x1024xf32>
    tpu.vector_store %arg8[%swap3A, %swap3A_10], %add3A_9 {strides = array<i32>} : memref<256x1024xf32, #tpu.memory_space<vmem>>, vector<256x1024xf32>,
    %get3A_12 = arith.constant 0 : index
    %get3A_13 = arith.constant 0 : index
    %get3A_14 = vector.load %arg4[%get3A_12, %get3A_13] : memref<1024x256xf32, #tpu.memory_space<vmem>>, vector<1024x256xf32>
    %dot_general3A_15 = arith.constant dense<0.000000e+00> : vector<256x256xf32>
    %dot_general3A_16 = tpu.matmul %get3A_1, %get3A_14, %dot_general3A_15 {dimension_numbers = #tpu.dot_dimension_numbers<[1], [0], [0], [1], [0, 0, 1, 1], [], []>, transpose_lhs_hint = false} : vector<256x1024xf32>, vector<1024x256xf32>, vector<256x256xf32> -> vector<256x256xf32>
    %get3A_17 = arith.constant 0 : index
    %get3A_18 = arith.constant 0 : index
    %get3A_19 = vector.load %arg5[%get3A_17, %get3A_18] : memref<1x256xf32, #tpu.memory_space<vmem>>, vector<1x256xf32>
    %add3A_20 = vector.broadcast %get3A_19 : vector<1x256xf32> to vector<256x256xf32>
    %add3A_21 = arith.addf %dot_general3A_16, %add3A_20 : vector<256x256xf32>
    %get3A_22 = arith.constant 0 : index
    %get3A_23 = arith.constant 0 : index
    %get3A_24 = vector.load %arg6[%get3A_22, %get3A_23] : memref<1024x4xf32, #tpu.memory_space<vmem>>, vector<1024x4xf32>
    %dot_general3A_25 = arith.constant dense<0.000000e+00> : vector<256x4xf32>
    %dot_general3A_26 = tpu.matmul %get3A_1, %get3A_24, %dot_general3A_25 {dimension_numbers = #tpu.dot_dimension_numbers<[1], [0], [0], [1], [0, 0, 1, 1], [], []>, transpose_lhs_hint = false} : vector<256x1024xf32>, vector<1024x4xf32>, vector<256x4xf32> -> vector<256x4xf32>
    %get3A_27 = arith.constant 0 : index
    %get3A_28 = arith.constant 0 : index
    %get3A_29 = vector.load %arg7[%get3A_27, %get3A_28] : memref<1x4xf32, #tpu.memory_space<vmem>>, vector<1x4xf32>
    %add3A_30 = vector.broadcast %get3A_29 : vector<1x4xf32> to vector<256x4xf32>
    %add3A_31 = arith.addf %dot_general3A_26, %add3A_30 : vector<256x4xf32>
    %swap3A_32 = arith.constant 0 : index
    %swap3A_33 = arith.constant 0 : index
    %swap3A_34 = vector.load %arg17[%swap3A_32, %swap3A_33] : memref<256x4xf32, #tpu.memory_space<vmem>>, vector<256x4xf32>
    tpu.vector_store %arg17[%swap3A_32, %swap3A_33], %add3A_31 {strides = array<i32>} : memref<256x4xf32, #tpu.memory_space<vmem>>, vector<256x4xf32>,
    %slice3A = vector.extract_strided_slice %add3A_21 {offsets = [0, 0], sizes = [256, 128], strides = [1, 1]} : vector<256x256xf32> to vector<256x128xf32>
    %slice3A_35 = vector.extract_strided_slice %add3A_31 {offsets = [0, 0], sizes = [256, 1], strides = [1, 1]} : vector<256x4xf32> to vector<256x1xf32>
    %add3A_36 = vector.broadcast %slice3A_35 : vector<256x1xf32> to vector<256x128xf32>
    %add3A_37 = arith.addf %slice3A, %add3A_36 : vector<256x128xf32>
    %slice3A_38 = vector.extract_strided_slice %add3A_21 {offsets = [0, 128], sizes = [256, 128], strides = [1, 1]} : vector<256x256xf32> to vector<256x128xf32>
    %slice3A_39 = vector.extract_strided_slice %add3A_31 {offsets = [0, 1], sizes = [256, 1], strides = [1, 1]} : vector<256x4xf32> to vector<256x1xf32>
    %add3A_40 = vector.broadcast %slice3A_39 : vector<256x1xf32> to vector<256x128xf32>
    %add3A_41 = arith.addf %slice3A_38, %add3A_40 : vector<256x128xf32>
    %add3A_42 = arith.constant 1.000000e+00 : f32
    %add3A_43 = vector.broadcast %add3A_42 : f32 to vector<256x128xf32>
    %add3A_44 = arith.addf %add3A_37, %add3A_43 : vector<256x128xf32>
    %mul3A = arith.constant 3.200000e+01 : f32
    %mul3A_45 = vector.broadcast %mul3A : f32 to vector<256x128xf32>
    %mul3A_46 = arith.mulf %add3A_44, %mul3A_45 : vector<256x128xf32>
    %sub3A = arith.constant 1.000000e+00 : f32
    %sub3A_47 = vector.broadcast %sub3A : f32 to vector<256x128xf32>
    %sub3A_48 = arith.subf %mul3A_46, %sub3A_47 : vector<256x128xf32>
    %mul3A_49 = arith.constant 5.000000e-01 : f32
    %mul3A_50 = vector.broadcast %mul3A_49 : f32 to vector<256x128xf32>
    %mul3A_51 = arith.mulf %sub3A_48, %mul3A_50 : vector<256x128xf32>
    %add3A_52 = arith.constant 1.000000e+00 : f32
    %add3A_53 = vector.broadcast %add3A_52 : f32 to vector<256x128xf32>
    %add3A_54 = arith.addf %add3A_41, %add3A_53 : vector<256x128xf32>
    %mul3A_55 = arith.constant 3.200000e+01 : f32
    %mul3A_56 = vector.broadcast %mul3A_55 : f32 to vector<256x128xf32>
    %mul3A_57 = arith.mulf %add3A_54, %mul3A_56 : vector<256x128xf32>
    %sub3A_58 = arith.constant 1.000000e+00 : f32
    %sub3A_59 = vector.broadcast %sub3A_58 : f32 to vector<256x128xf32>
    %sub3A_60 = arith.subf %mul3A_57, %sub3A_59 : vector<256x128xf32>
    %mul3A_61 = arith.constant 5.000000e-01 : f32
    %mul3A_62 = vector.broadcast %mul3A_61 : f32 to vector<256x128xf32>
    %mul3A_63 = arith.mulf %sub3A_60, %mul3A_62 : vector<256x128xf32>
    %floor3A = math.floor %mul3A_51 : vector<256x128xf32>
    %floor3A_64 = math.floor %mul3A_63 : vector<256x128xf32>
    %sub3A_65 = arith.subf %mul3A_51, %floor3A : vector<256x128xf32>
    %sub3A_66 = arith.constant 1.000000e+00 : f32
    %sub3A_67 = vector.broadcast %sub3A_66 : f32 to vector<256x128xf32>
    %sub3A_68 = arith.subf %sub3A_67, %sub3A_65 : vector<256x128xf32>
    %sub3A_69 = arith.subf %mul3A_63, %floor3A_64 : vector<256x128xf32>
    %sub3A_70 = arith.constant 1.000000e+00 : f32
    %sub3A_71 = vector.broadcast %sub3A_70 : f32 to vector<256x128xf32>
    %sub3A_72 = arith.subf %sub3A_71, %sub3A_69 : vector<256x128xf32>
    %mul3A_73 = arith.constant 256 : i32
    %mul3A_74 = arith.muli %arg0, %mul3A_73 : i32
    %iota3A = tpu.iota {dimensions = array<i32: 0>} : vector<256x128xi32>
    %add3A_75 = vector.broadcast %mul3A_74 : i32 to vector<256x128xi32>
    %add3A_76 = arith.addi %add3A_75, %iota3A : vector<256x128xi32>
    %iota3A_77 = tpu.iota {dimensions = array<i32: 1>} : vector<256x128xi32>
    %mul3A_78 = arith.constant 16 : i32
    %mul3A_79 = vector.broadcast %mul3A_78 : i32 to vector<256x128xi32>
    %mul3A_80 = arith.muli %add3A_76, %mul3A_79 : vector<256x128xi32>
    %jit3A = arith.constant 8 : i32
    %div3A = vector.broadcast %jit3A : i32 to vector<256x128xi32>
    %div3A_81 = arith.divsi %iota3A_77, %div3A : vector<256x128xi32>
    %sign3A = arith.constant 0 : i32
    %sign3A_82 = vector.broadcast %sign3A : i32 to vector<256x128xi32>
    %sign3A_83 = arith.cmpi sgt, %iota3A_77, %sign3A_82 : vector<256x128xi32>
    %sign3A_84 = arith.extui %sign3A_83 : vector<256x128xi1> to vector<256x128xi32>
    %sign3A_85 = arith.constant 0 : i32
    %sign3A_86 = vector.broadcast %sign3A_85 : i32 to vector<256x128xi32>
    %sign3A_87 = arith.cmpi slt, %iota3A_77, %sign3A_86 : vector<256x128xi32>
    %sign3A_88 = arith.extui %sign3A_87 : vector<256x128xi1> to vector<256x128xi32>
    %sign3A_89 = arith.subi %sign3A_84, %sign3A_88 : vector<256x128xi32>
    %sign3A_90 = arith.constant 0 : i32
    %sign3A_91 = arith.cmpi sgt, %jit3A, %sign3A_90 : i32
    %sign3A_92 = arith.extui %sign3A_91 : i1 to i32
    %sign3A_93 = arith.constant 0 : i32
    %sign3A_94 = arith.cmpi slt, %jit3A, %sign3A_93 : i32
    %sign3A_95 = arith.extui %sign3A_94 : i1 to i32
    %sign3A_96 = arith.subi %sign3A_92, %sign3A_95 : i32
    %ne3A = vector.broadcast %sign3A_96 : i32 to vector<256x128xi32>
    %ne3A_97 = arith.cmpi ne, %sign3A_89, %ne3A : vector<256x128xi32>
    %rem3A = vector.broadcast %jit3A : i32 to vector<256x128xi32>
    %rem3A_98 = arith.remsi %iota3A_77, %rem3A : vector<256x128xi32>
    %ne3A_99 = arith.constant 0 : i32
    %ne3A_100 = vector.broadcast %ne3A_99 : i32 to vector<256x128xi32>
    %ne3A_101 = arith.cmpi ne, %rem3A_98, %ne3A_100 : vector<256x128xi32>
    %and3A = arith.andi %ne3A_97, %ne3A_101 : vector<256x128xi1>
    %sub3A_102 = arith.constant 1 : i32
    %sub3A_103 = vector.broadcast %sub3A_102 : i32 to vector<256x128xi32>
    %sub3A_104 = arith.subi %div3A_81, %sub3A_103 : vector<256x128xi32>
    %select_n3A = arith.select %and3A, %sub3A_104, %div3A_81 : vector<256x128xi1>, vector<256x128xi32>
    %add3A_105 = arith.addi %mul3A_80, %select_n3A : vector<256x128xi32>
    %jit3A_106 = arith.constant 1024 : i32
    %eq3A = arith.constant 0 : i32
    %eq3A_107 = arith.cmpi eq, %jit3A_106, %eq3A : i32
    %jit3A_108 = arith.constant 1 : i32
    %select_n3A_109 = arith.select %eq3A_107, %jit3A_108, %jit3A_106 : i32
    %rem3A_110 = vector.broadcast %select_n3A_109 : i32 to vector<256x128xi32>
    %rem3A_111 = arith.remsi %add3A_105, %rem3A_110 : vector<256x128xi32>
    %ne3A_112 = arith.constant 0 : i32
    %ne3A_113 = vector.broadcast %ne3A_112 : i32 to vector<256x128xi32>
    %ne3A_114 = arith.cmpi ne, %rem3A_111, %ne3A_113 : vector<256x128xi32>
    %lt3A = arith.constant 0 : i32
    %lt3A_115 = vector.broadcast %lt3A : i32 to vector<256x128xi32>
    %lt3A_116 = arith.cmpi slt, %rem3A_111, %lt3A_115 : vector<256x128xi32>
    %lt3A_117 = arith.constant 0 : i32
    %lt3A_118 = arith.cmpi slt, %select_n3A_109, %lt3A_117 : i32
    %ne3A_119 = vector.broadcast %lt3A_118 : i1 to vector<256x128xi1>
    %ne3A_120 = vector.broadcast %ne3A_119 : vector<256x128xi1> to vector<256x128xi1>
    %ne3A_121 = arith.xori %lt3A_116, %ne3A_120 : vector<256x128xi1>
    %and3A_122 = arith.andi %ne3A_121, %ne3A_114 : vector<256x128xi1>
    %add3A_123 = vector.broadcast %select_n3A_109 : i32 to vector<256x128xi32>
    %add3A_124 = arith.addi %rem3A_111, %add3A_123 : vector<256x128xi32>
    %select_n3A_125 = arith.select %and3A_122, %add3A_124, %rem3A_111 : vector<256x128xi1>, vector<256x128xi32>
    %add3A_126 = arith.constant 0.000000e+00 : f32
    %add3A_127 = vector.broadcast %add3A_126 : f32 to vector<256x128xf32>
    %add3A_128 = arith.addf %floor3A, %add3A_127 : vector<256x128xf32>
    %add3A_129 = arith.constant 0.000000e+00 : f32
    %add3A_130 = vector.broadcast %add3A_129 : f32 to vector<256x128xf32>
    %add3A_131 = arith.addf %floor3A_64, %add3A_130 : vector<256x128xf32>
    %ge3A = arith.constant 0.000000e+00 : f32
    %ge3A_132 = vector.broadcast %ge3A : f32 to vector<256x128xf32>
    %ge3A_133 = arith.cmpf oge, %add3A_128, %ge3A_132 : vector<256x128xf32>
    %le3A = arith.constant 3.100000e+01 : f32
    %le3A_134 = vector.broadcast %le3A : f32 to vector<256x128xf32>
    %le3A_135 = arith.cmpf ole, %add3A_128, %le3A_134 : vector<256x128xf32>
    %and3A_136 = arith.andi %ge3A_133, %le3A_135 : vector<256x128xi1>
    %ge3A_137 = arith.constant 0.000000e+00 : f32
    %ge3A_138 = vector.broadcast %ge3A_137 : f32 to vector<256x128xf32>
    %ge3A_139 = arith.cmpf oge, %add3A_131, %ge3A_138 : vector<256x128xf32>
    %and3A_140 = arith.andi %and3A_136, %ge3A_139 : vector<256x128xi1>
    %le3A_141 = arith.constant 3.100000e+01 : f32
    %le3A_142 = vector.broadcast %le3A_141 : f32 to vector<256x128xf32>
    %le3A_143 = arith.cmpf ole, %add3A_131, %le3A_142 : vector<256x128xf32>
    %and3A_144 = arith.andi %and3A_140, %le3A_143 : vector<256x128xi1>
    %jit3A_145 = arith.constant 0 : i32
    %jit3A_146 = arith.constant 31 : i32
    %convert_element_type3A = arith.sitofp %jit3A_145 : i32 to f32
    %max3A = vector.broadcast %convert_element_type3A : f32 to vector<256x128xf32>
    %max3A_147 = arith.maximumf %max3A, %add3A_128 : vector<256x128xf32>
    %convert_element_type3A_148 = arith.sitofp %jit3A_146 : i32 to f32
    %min3A = vector.broadcast %convert_element_type3A_148 : f32 to vector<256x128xf32>
    %min3A_149 = arith.minimumf %min3A, %max3A_147 : vector<256x128xf32>
    %convert_element_type3A_150 = arith.fptosi %min3A_149 : vector<256x128xf32> to vector<256x128xi32>
    %jit3A_151 = arith.constant 0 : i32
    %jit3A_152 = arith.constant 31 : i32
    %convert_element_type3A_153 = arith.sitofp %jit3A_151 : i32 to f32
    %max3A_154 = vector.broadcast %convert_element_type3A_153 : f32 to vector<256x128xf32>
    %max3A_155 = arith.maximumf %max3A_154, %add3A_131 : vector<256x128xf32>
    %convert_element_type3A_156 = arith.sitofp %jit3A_152 : i32 to f32
    %min3A_157 = vector.broadcast %convert_element_type3A_156 : f32 to vector<256x128xf32>
    %min3A_158 = arith.minimumf %min3A_157, %max3A_155 : vector<256x128xf32>
    %convert_element_type3A_159 = arith.fptosi %min3A_158 : vector<256x128xf32> to vector<256x128xi32>
    %mul3A_160 = arith.constant 1024 : i32
    %mul3A_161 = vector.broadcast %mul3A_160 : i32 to vector<256x128xi32>
    %mul3A_162 = arith.muli %select_n3A_125, %mul3A_161 : vector<256x128xi32>
    %mul3A_163 = arith.constant 32 : i32
    %mul3A_164 = vector.broadcast %mul3A_163 : i32 to vector<256x128xi32>
    %mul3A_165 = arith.muli %convert_element_type3A_159, %mul3A_164 : vector<256x128xi32>
    %add3A_166 = arith.addi %mul3A_162, %mul3A_165 : vector<256x128xi32>
    %add3A_167 = arith.addi %add3A_166, %convert_element_type3A_150 : vector<256x128xi32>
    %swap3A_168 = arith.constant 0 : index
    %swap3A_169 = arith.constant 0 : index
    %swap3A_170 = vector.load %arg9[%swap3A_168, %swap3A_169] : memref<256x128xi32, #tpu.memory_space<vmem>>, vector<256x128xi32>
    tpu.vector_store %arg9[%swap3A_168, %swap3A_169], %add3A_167 {strides = array<i32>} : memref<256x128xi32, #tpu.memory_space<vmem>>, vector<256x128xi32>,
    %mul3A_171 = arith.mulf %sub3A_68, %sub3A_72 : vector<256x128xf32>
    %convert_element_type3A_172 = arith.extui %and3A_144 : vector<256x128xi1> to vector<256x128xi32>
    %convert_element_type3A_173 = arith.sitofp %convert_element_type3A_172 : vector<256x128xi32> to vector<256x128xf32>
    %mul3A_174 = arith.mulf %mul3A_171, %convert_element_type3A_173 : vector<256x128xf32>
    %swap3A_175 = arith.constant 0 : index
    %swap3A_176 = arith.constant 0 : index
    %swap3A_177 = vector.load %arg13[%swap3A_175, %swap3A_176] : memref<256x128xf32, #tpu.memory_space<vmem>>, vector<256x128xf32>
    tpu.vector_store %arg13[%swap3A_175, %swap3A_176], %mul3A_174 {strides = array<i32>} : memref<256x128xf32, #tpu.memory_space<vmem>>, vector<256x128xf32>,
    %add3A_178 = arith.constant 1.000000e+00 : f32
    %add3A_179 = vector.broadcast %add3A_178 : f32 to vector<256x128xf32>
    %add3A_180 = arith.addf %floor3A, %add3A_179 : vector<256x128xf32>
    %add3A_181 = arith.constant 0.000000e+00 : f32
    %add3A_182 = vector.broadcast %add3A_181 : f32 to vector<256x128xf32>
    %add3A_183 = arith.addf %floor3A_64, %add3A_182 : vector<256x128xf32>
    %ge3A_184 = arith.constant 0.000000e+00 : f32
    %ge3A_185 = vector.broadcast %ge3A_184 : f32 to vector<256x128xf32>
    %ge3A_186 = arith.cmpf oge, %add3A_180, %ge3A_185 : vector<256x128xf32>
    %le3A_187 = arith.constant 3.100000e+01 : f32
    %le3A_188 = vector.broadcast %le3A_187 : f32 to vector<256x128xf32>
    %le3A_189 = arith.cmpf ole, %add3A_180, %le3A_188 : vector<256x128xf32>
    %and3A_190 = arith.andi %ge3A_186, %le3A_189 : vector<256x128xi1>
    %ge3A_191 = arith.constant 0.000000e+00 : f32
    %ge3A_192 = vector.broadcast %ge3A_191 : f32 to vector<256x128xf32>
    %ge3A_193 = arith.cmpf oge, %add3A_183, %ge3A_192 : vector<256x128xf32>
    %and3A_194 = arith.andi %and3A_190, %ge3A_193 : vector<256x128xi1>
    %le3A_195 = arith.constant 3.100000e+01 : f32
    %le3A_196 = vector.broadcast %le3A_195 : f32 to vector<256x128xf32>
    %le3A_197 = arith.cmpf ole, %add3A_183, %le3A_196 : vector<256x128xf32>
    %and3A_198 = arith.andi %and3A_194, %le3A_197 : vector<256x128xi1>
    %jit3A_199 = arith.constant 0 : i32
    %jit3A_200 = arith.constant 31 : i32
    %convert_element_type3A_201 = arith.sitofp %jit3A_199 : i32 to f32
    %max3A_202 = vector.broadcast %convert_element_type3A_201 : f32 to vector<256x128xf32>
    %max3A_203 = arith.maximumf %max3A_202, %add3A_180 : vector<256x128xf32>
    %convert_element_type3A_204 = arith.sitofp %jit3A_200 : i32 to f32
    %min3A_205 = vector.broadcast %convert_element_type3A_204 : f32 to vector<256x128xf32>
    %min3A_206 = arith.minimumf %min3A_205, %max3A_203 : vector<256x128xf32>
    %convert_element_type3A_207 = arith.fptosi %min3A_206 : vector<256x128xf32> to vector<256x128xi32>
    %jit3A_208 = arith.constant 0 : i32
    %jit3A_209 = arith.constant 31 : i32
    %convert_element_type3A_210 = arith.sitofp %jit3A_208 : i32 to f32
    %max3A_211 = vector.broadcast %convert_element_type3A_210 : f32 to vector<256x128xf32>
    %max3A_212 = arith.maximumf %max3A_211, %add3A_183 : vector<256x128xf32>
    %convert_element_type3A_213 = arith.sitofp %jit3A_209 : i32 to f32
    %min3A_214 = vector.broadcast %convert_element_type3A_213 : f32 to vector<256x128xf32>
    %min3A_215 = arith.minimumf %min3A_214, %max3A_212 : vector<256x128xf32>
    %convert_element_type3A_216 = arith.fptosi %min3A_215 : vector<256x128xf32> to vector<256x128xi32>
    %mul3A_217 = arith.constant 1024 : i32
    %mul3A_218 = vector.broadcast %mul3A_217 : i32 to vector<256x128xi32>
    %mul3A_219 = arith.muli %select_n3A_125, %mul3A_218 : vector<256x128xi32>
    %mul3A_220 = arith.constant 32 : i32
    %mul3A_221 = vector.broadcast %mul3A_220 : i32 to vector<256x128xi32>
    %mul3A_222 = arith.muli %convert_element_type3A_216, %mul3A_221 : vector<256x128xi32>
    %add3A_223 = arith.addi %mul3A_219, %mul3A_222 : vector<256x128xi32>
    %add3A_224 = arith.addi %add3A_223, %convert_element_type3A_207 : vector<256x128xi32>
    %swap3A_225 = arith.constant 0 : index
    %swap3A_226 = arith.constant 0 : index
    %swap3A_227 = vector.load %arg10[%swap3A_225, %swap3A_226] : memref<256x128xi32, #tpu.memory_space<vmem>>, vector<256x128xi32>
    tpu.vector_store %arg10[%swap3A_225, %swap3A_226], %add3A_224 {strides = array<i32>} : memref<256x128xi32, #tpu.memory_space<vmem>>, vector<256x128xi32>,
    %mul3A_228 = arith.mulf %sub3A_65, %sub3A_72 : vector<256x128xf32>
    %convert_element_type3A_229 = arith.extui %and3A_198 : vector<256x128xi1> to vector<256x128xi32>
    %convert_element_type3A_230 = arith.sitofp %convert_element_type3A_229 : vector<256x128xi32> to vector<256x128xf32>
    %mul3A_231 = arith.mulf %mul3A_228, %convert_element_type3A_230 : vector<256x128xf32>
    %swap3A_232 = arith.constant 0 : index
    %swap3A_233 = arith.constant 0 : index
    %swap3A_234 = vector.load %arg14[%swap3A_232, %swap3A_233] : memref<256x128xf32, #tpu.memory_space<vmem>>, vector<256x128xf32>
    tpu.vector_store %arg14[%swap3A_232, %swap3A_233], %mul3A_231 {strides = array<i32>} : memref<256x128xf32, #tpu.memory_space<vmem>>, vector<256x128xf32>,
    %add3A_235 = arith.constant 0.000000e+00 : f32
    %add3A_236 = vector.broadcast %add3A_235 : f32 to vector<256x128xf32>
    %add3A_237 = arith.addf %floor3A, %add3A_236 : vector<256x128xf32>
    %add3A_238 = arith.constant 1.000000e+00 : f32
    %add3A_239 = vector.broadcast %add3A_238 : f32 to vector<256x128xf32>
    %add3A_240 = arith.addf %floor3A_64, %add3A_239 : vector<256x128xf32>
    %ge3A_241 = arith.constant 0.000000e+00 : f32
    %ge3A_242 = vector.broadcast %ge3A_241 : f32 to vector<256x128xf32>
    %ge3A_243 = arith.cmpf oge, %add3A_237, %ge3A_242 : vector<256x128xf32>
    %le3A_244 = arith.constant 3.100000e+01 : f32
    %le3A_245 = vector.broadcast %le3A_244 : f32 to vector<256x128xf32>
    %le3A_246 = arith.cmpf ole, %add3A_237, %le3A_245 : vector<256x128xf32>
    %and3A_247 = arith.andi %ge3A_243, %le3A_246 : vector<256x128xi1>
    %ge3A_248 = arith.constant 0.000000e+00 : f32
    %ge3A_249 = vector.broadcast %ge3A_248 : f32 to vector<256x128xf32>
    %ge3A_250 = arith.cmpf oge, %add3A_240, %ge3A_249 : vector<256x128xf32>
    %and3A_251 = arith.andi %and3A_247, %ge3A_250 : vector<256x128xi1>
    %le3A_252 = arith.constant 3.100000e+01 : f32
    %le3A_253 = vector.broadcast %le3A_252 : f32 to vector<256x128xf32>
    %le3A_254 = arith.cmpf ole, %add3A_240, %le3A_253 : vector<256x128xf32>
    %and3A_255 = arith.andi %and3A_251, %le3A_254 : vector<256x128xi1>
    %jit3A_256 = arith.constant 0 : i32
    %jit3A_257 = arith.constant 31 : i32
    %convert_element_type3A_258 = arith.sitofp %jit3A_256 : i32 to f32
    %max3A_259 = vector.broadcast %convert_element_type3A_258 : f32 to vector<256x128xf32>
    %max3A_260 = arith.maximumf %max3A_259, %add3A_237 : vector<256x128xf32>
    %convert_element_type3A_261 = arith.sitofp %jit3A_257 : i32 to f32
    %min3A_262 = vector.broadcast %convert_element_type3A_261 : f32 to vector<256x128xf32>
    %min3A_263 = arith.minimumf %min3A_262, %max3A_260 : vector<256x128xf32>
    %convert_element_type3A_264 = arith.fptosi %min3A_263 : vector<256x128xf32> to vector<256x128xi32>
    %jit3A_265 = arith.constant 0 : i32
    %jit3A_266 = arith.constant 31 : i32
    %convert_element_type3A_267 = arith.sitofp %jit3A_265 : i32 to f32
    %max3A_268 = vector.broadcast %convert_element_type3A_267 : f32 to vector<256x128xf32>
    %max3A_269 = arith.maximumf %max3A_268, %add3A_240 : vector<256x128xf32>
    %convert_element_type3A_270 = arith.sitofp %jit3A_266 : i32 to f32
    %min3A_271 = vector.broadcast %convert_element_type3A_270 : f32 to vector<256x128xf32>
    %min3A_272 = arith.minimumf %min3A_271, %max3A_269 : vector<256x128xf32>
    %convert_element_type3A_273 = arith.fptosi %min3A_272 : vector<256x128xf32> to vector<256x128xi32>
    %mul3A_274 = arith.constant 1024 : i32
    %mul3A_275 = vector.broadcast %mul3A_274 : i32 to vector<256x128xi32>
    %mul3A_276 = arith.muli %select_n3A_125, %mul3A_275 : vector<256x128xi32>
    %mul3A_277 = arith.constant 32 : i32
    %mul3A_278 = vector.broadcast %mul3A_277 : i32 to vector<256x128xi32>
    %mul3A_279 = arith.muli %convert_element_type3A_273, %mul3A_278 : vector<256x128xi32>
    %add3A_280 = arith.addi %mul3A_276, %mul3A_279 : vector<256x128xi32>
    %add3A_281 = arith.addi %add3A_280, %convert_element_type3A_264 : vector<256x128xi32>
    %swap3A_282 = arith.constant 0 : index
    %swap3A_283 = arith.constant 0 : index
    %swap3A_284 = vector.load %arg11[%swap3A_282, %swap3A_283] : memref<256x128xi32, #tpu.memory_space<vmem>>, vector<256x128xi32>
    tpu.vector_store %arg11[%swap3A_282, %swap3A_283], %add3A_281 {strides = array<i32>} : memref<256x128xi32, #tpu.memory_space<vmem>>, vector<256x128xi32>,
    %mul3A_285 = arith.mulf %sub3A_68, %sub3A_69 : vector<256x128xf32>
    %convert_element_type3A_286 = arith.extui %and3A_255 : vector<256x128xi1> to vector<256x128xi32>
    %convert_element_type3A_287 = arith.sitofp %convert_element_type3A_286 : vector<256x128xi32> to vector<256x128xf32>
    %mul3A_288 = arith.mulf %mul3A_285, %convert_element_type3A_287 : vector<256x128xf32>
    %swap3A_289 = arith.constant 0 : index
    %swap3A_290 = arith.constant 0 : index
    %swap3A_291 = vector.load %arg15[%swap3A_289, %swap3A_290] : memref<256x128xf32, #tpu.memory_space<vmem>>, vector<256x128xf32>
    tpu.vector_store %arg15[%swap3A_289, %swap3A_290], %mul3A_288 {strides = array<i32>} : memref<256x128xf32, #tpu.memory_space<vmem>>, vector<256x128xf32>,
    %add3A_292 = arith.constant 1.000000e+00 : f32
    %add3A_293 = vector.broadcast %add3A_292 : f32 to vector<256x128xf32>
    %add3A_294 = arith.addf %floor3A, %add3A_293 : vector<256x128xf32>
    %add3A_295 = arith.constant 1.000000e+00 : f32
    %add3A_296 = vector.broadcast %add3A_295 : f32 to vector<256x128xf32>
    %add3A_297 = arith.addf %floor3A_64, %add3A_296 : vector<256x128xf32>
    %ge3A_298 = arith.constant 0.000000e+00 : f32
    %ge3A_299 = vector.broadcast %ge3A_298 : f32 to vector<256x128xf32>
    %ge3A_300 = arith.cmpf oge, %add3A_294, %ge3A_299 : vector<256x128xf32>
    %le3A_301 = arith.constant 3.100000e+01 : f32
    %le3A_302 = vector.broadcast %le3A_301 : f32 to vector<256x128xf32>
    %le3A_303 = arith.cmpf ole, %add3A_294, %le3A_302 : vector<256x128xf32>
    %and3A_304 = arith.andi %ge3A_300, %le3A_303 : vector<256x128xi1>
    %ge3A_305 = arith.constant 0.000000e+00 : f32
    %ge3A_306 = vector.broadcast %ge3A_305 : f32 to vector<256x128xf32>
    %ge3A_307 = arith.cmpf oge, %add3A_297, %ge3A_306 : vector<256x128xf32>
    %and3A_308 = arith.andi %and3A_304, %ge3A_307 : vector<256x128xi1>
    %le3A_309 = arith.constant 3.100000e+01 : f32
    %le3A_310 = vector.broadcast %le3A_309 : f32 to vector<256x128xf32>
    %le3A_311 = arith.cmpf ole, %add3A_297, %le3A_310 : vector<256x128xf32>
    %and3A_312 = arith.andi %and3A_308, %le3A_311 : vector<256x128xi1>
    %jit3A_313 = arith.constant 0 : i32
    %jit3A_314 = arith.constant 31 : i32
    %convert_element_type3A_315 = arith.sitofp %jit3A_313 : i32 to f32
    %max3A_316 = vector.broadcast %convert_element_type3A_315 : f32 to vector<256x128xf32>
    %max3A_317 = arith.maximumf %max3A_316, %add3A_294 : vector<256x128xf32>
    %convert_element_type3A_318 = arith.sitofp %jit3A_314 : i32 to f32
    %min3A_319 = vector.broadcast %convert_element_type3A_318 : f32 to vector<256x128xf32>
    %min3A_320 = arith.minimumf %min3A_319, %max3A_317 : vector<256x128xf32>
    %convert_element_type3A_321 = arith.fptosi %min3A_320 : vector<256x128xf32> to vector<256x128xi32>
    %jit3A_322 = arith.constant 0 : i32
    %jit3A_323 = arith.constant 31 : i32
    %convert_element_type3A_324 = arith.sitofp %jit3A_322 : i32 to f32
    %max3A_325 = vector.broadcast %convert_element_type3A_324 : f32 to vector<256x128xf32>
    %max3A_326 = arith.maximumf %max3A_325, %add3A_297 : vector<256x128xf32>
    %convert_element_type3A_327 = arith.sitofp %jit3A_323 : i32 to f32
    %min3A_328 = vector.broadcast %convert_element_type3A_327 : f32 to vector<256x128xf32>
    %min3A_329 = arith.minimumf %min3A_328, %max3A_326 : vector<256x128xf32>
    %convert_element_type3A_330 = arith.fptosi %min3A_329 : vector<256x128xf32> to vector<256x128xi32>
    %mul3A_331 = arith.constant 1024 : i32
    %mul3A_332 = vector.broadcast %mul3A_331 : i32 to vector<256x128xi32>
    %mul3A_333 = arith.muli %select_n3A_125, %mul3A_332 : vector<256x128xi32>
    %mul3A_334 = arith.constant 32 : i32
    %mul3A_335 = vector.broadcast %mul3A_334 : i32 to vector<256x128xi32>
    %mul3A_336 = arith.muli %convert_element_type3A_330, %mul3A_335 : vector<256x128xi32>
    %add3A_337 = arith.addi %mul3A_333, %mul3A_336 : vector<256x128xi32>
    %add3A_338 = arith.addi %add3A_337, %convert_element_type3A_321 : vector<256x128xi32>
    %swap3A_339 = arith.constant 0 : index
    %swap3A_340 = arith.constant 0 : index
    %swap3A_341 = vector.load %arg12[%swap3A_339, %swap3A_340] : memref<256x128xi32, #tpu.memory_space<vmem>>, vector<256x128xi32>
    tpu.vector_store %arg12[%swap3A_339, %swap3A_340], %add3A_338 {strides = array<i32>} : memref<256x128xi32, #tpu.memory_space<vmem>>, vector<256x128xi32>,
    %mul3A_342 = arith.mulf %sub3A_65, %sub3A_69 : vector<256x128xf32>
    %convert_element_type3A_343 = arith.extui %and3A_312 : vector<256x128xi1> to vector<256x128xi32>
    %convert_element_type3A_344 = arith.sitofp %convert_element_type3A_343 : vector<256x128xi32> to vector<256x128xf32>
    %mul3A_345 = arith.mulf %mul3A_342, %convert_element_type3A_344 : vector<256x128xf32>
    %swap3A_346 = arith.constant 0 : index
    %swap3A_347 = arith.constant 0 : index
    %swap3A_348 = vector.load %arg16[%swap3A_346, %swap3A_347] : memref<256x128xf32, #tpu.memory_space<vmem>>, vector<256x128xf32>
    tpu.vector_store %arg16[%swap3A_346, %swap3A_347], %mul3A_345 {strides = array<i32>} : memref<256x128xf32, #tpu.memory_space<vmem>>, vector<256x128xf32>,
    return
  }
  func.func @transform_0(%arg0: i32) -> (i32, i32) {
    %c0_i32 = arith.constant 0 : i32
    %c0_i32_0 = arith.constant 0 : i32
    return %arg0, %c0_i32 : i32, i32
  }
  func.func @transform_1(%arg0: i32) -> (i32, i32) {
    %c0_i32 = arith.constant 0 : i32
    %c0_i32_0 = arith.constant 0 : i32
    %c0_i32_1 = arith.constant 0 : i32
    return %c0_i32, %c0_i32_0 : i32, i32
  }
  func.func @transform_2(%arg0: i32) -> (i32, i32) {
    %c0_i32 = arith.constant 0 : i32
    %c0_i32_0 = arith.constant 0 : i32
    %c0_i32_1 = arith.constant 0 : i32
    return %c0_i32, %c0_i32_0 : i32, i32
  }
  func.func @transform_3(%arg0: i32) -> (i32, i32) {
    %c0_i32 = arith.constant 0 : i32
    %c0_i32_0 = arith.constant 0 : i32
    %c0_i32_1 = arith.constant 0 : i32
    return %c0_i32, %c0_i32_0 : i32, i32
  }
  func.func @transform_4(%arg0: i32) -> (i32, i32) {
    %c0_i32 = arith.constant 0 : i32
    %c0_i32_0 = arith.constant 0 : i32
    %c0_i32_1 = arith.constant 0 : i32
    return %c0_i32, %c0_i32_0 : i32, i32
  }
  func.func @transform_5(%arg0: i32) -> (i32, i32) {
    %c0_i32 = arith.constant 0 : i32
    %c0_i32_0 = arith.constant 0 : i32
    %c0_i32_1 = arith.constant 0 : i32
    return %c0_i32, %c0_i32_0 : i32, i32
  }
  func.func @transform_6(%arg0: i32) -> (i32, i32) {
    %c0_i32 = arith.constant 0 : i32
    %c0_i32_0 = arith.constant 0 : i32
    %c0_i32_1 = arith.constant 0 : i32
    return %c0_i32, %c0_i32_0 : i32, i32
  }
  func.func @transform_7(%arg0: i32) -> (i32, i32) {
    %c0_i32 = arith.constant 0 : i32
    %c0_i32_0 = arith.constant 0 : i32
    return %arg0, %c0_i32 : i32, i32
  }
  func.func @transform_8(%arg0: i32) -> (i32, i32) {
    %c0_i32 = arith.constant 0 : i32
    %c0_i32_0 = arith.constant 0 : i32
    return %arg0, %c0_i32 : i32, i32
  }
  func.func @transform_9(%arg0: i32) -> (i32, i32) {
    %c0_i32 = arith.constant 0 : i32
    %c0_i32_0 = arith.constant 0 : i32
    return %arg0, %c0_i32 : i32, i32
  }
  func.func @transform_10(%arg0: i32) -> (i32, i32) {
    %c0_i32 = arith.constant 0 : i32
    %c0_i32_0 = arith.constant 0 : i32
    return %arg0, %c0_i32 : i32, i32
  }
  func.func @transform_11(%arg0: i32) -> (i32, i32) {
    %c0_i32 = arith.constant 0 : i32
    %c0_i32_0 = arith.constant 0 : i32
    return %arg0, %c0_i32 : i32, i32
  }
  func.func @transform_12(%arg0: i32) -> (i32, i32) {
    %c0_i32 = arith.constant 0 : i32
    %c0_i32_0 = arith.constant 0 : i32
    return %arg0, %c0_i32 : i32, i32
  }
  func.func @transform_13(%arg0: i32) -> (i32, i32) {
    %c0_i32 = arith.constant 0 : i32
    %c0_i32_0 = arith.constant 0 : i32
    return %arg0, %c0_i32 : i32, i32
  }
  func.func @transform_14(%arg0: i32) -> (i32, i32) {
    %c0_i32 = arith.constant 0 : i32
    %c0_i32_0 = arith.constant 0 : i32
    return %arg0, %c0_i32 : i32, i32
  }
  func.func @transform_15(%arg0: i32) -> (i32, i32) {
    %c0_i32 = arith.constant 0 : i32
    %c0_i32_0 = arith.constant 0 : i32
    return %arg0, %c0_i32 : i32, i32
  }
  func.func @transform_16(%arg0: i32) -> (i32, i32) {
    %c0_i32 = arith.constant 0 : i32
    %c0_i32_0 = arith.constant 0 : i32
    return %arg0, %c0_i32 : i32, i32
  }
}

module attributes {stable_mosaic.version = 14 : i64} {
  func.func @_attn_body(%arg0: i32, %arg1: memref<2048x64xf32, #tpu.memory_space<vmem>>, %arg2: memref<2048x512xf32, #tpu.memory_space<vmem>>, %arg3: memref<2048x64xf32, #tpu.memory_space<vmem>>) attributes {dimension_semantics = [#tpu.dimension_semantics<arbitrary>], iteration_bounds = array<i64: 8>, scalar_prefetch = 0 : i64, scratch_operands = 0 : i64, tpu.core_type = #tpu.core_type<tc>, window_params = [{transform_indices = @transform_0, window_bounds = array<i64: 2048, 64>}, {transform_indices = @transform_1, window_bounds = array<i64: 2048, 512>}, {transform_indices = @transform_2, window_bounds = array<i64: 2048, 64>}]} {
    %get3A = arith.constant 0 : index
    %get3A_0 = arith.constant 0 : index
    %get3A_1 = vector.load %arg1[%get3A, %get3A_0] : memref<2048x64xf32, #tpu.memory_space<vmem>>, vector<2048x64xf32>
    %get3A_2 = arith.constant 0 : index
    %get3A_3 = arith.constant 0 : index
    %get3A_4 = vector.load %arg2[%get3A_2, %get3A_3] : memref<2048x512xf32, #tpu.memory_space<vmem>>, vector<2048x512xf32>
    %slice3A = vector.extract_strided_slice %get3A_4 {offsets = [0, 0], sizes = [2048, 64], strides = [1, 1]} : vector<2048x512xf32> to vector<2048x64xf32>
    %mul3A = arith.mulf %get3A_1, %slice3A : vector<2048x64xf32>
    %reduce_sum3A = arith.constant dense<0.000000e+00> : vector<2048xf32>
    %reduce_sum3A_5 = vector.multi_reduction <add>, %mul3A, %reduce_sum3A [1] : vector<2048x64xf32> to vector<2048xf32>
    %broadcast_in_dim3A = vector.shape_cast %reduce_sum3A_5 : vector<2048xf32> to vector<2048x1xf32>
    %slice3A_6 = vector.extract_strided_slice %get3A_4 {offsets = [0, 64], sizes = [2048, 64], strides = [1, 1]} : vector<2048x512xf32> to vector<2048x64xf32>
    %mul3A_7 = arith.mulf %get3A_1, %slice3A_6 : vector<2048x64xf32>
    %reduce_sum3A_8 = arith.constant dense<0.000000e+00> : vector<2048xf32>
    %reduce_sum3A_9 = vector.multi_reduction <add>, %mul3A_7, %reduce_sum3A_8 [1] : vector<2048x64xf32> to vector<2048xf32>
    %broadcast_in_dim3A_10 = vector.shape_cast %reduce_sum3A_9 : vector<2048xf32> to vector<2048x1xf32>
    %slice3A_11 = vector.extract_strided_slice %get3A_4 {offsets = [0, 128], sizes = [2048, 64], strides = [1, 1]} : vector<2048x512xf32> to vector<2048x64xf32>
    %mul3A_12 = arith.mulf %get3A_1, %slice3A_11 : vector<2048x64xf32>
    %reduce_sum3A_13 = arith.constant dense<0.000000e+00> : vector<2048xf32>
    %reduce_sum3A_14 = vector.multi_reduction <add>, %mul3A_12, %reduce_sum3A_13 [1] : vector<2048x64xf32> to vector<2048xf32>
    %broadcast_in_dim3A_15 = vector.shape_cast %reduce_sum3A_14 : vector<2048xf32> to vector<2048x1xf32>
    %slice3A_16 = vector.extract_strided_slice %get3A_4 {offsets = [0, 192], sizes = [2048, 64], strides = [1, 1]} : vector<2048x512xf32> to vector<2048x64xf32>
    %mul3A_17 = arith.mulf %get3A_1, %slice3A_16 : vector<2048x64xf32>
    %reduce_sum3A_18 = arith.constant dense<0.000000e+00> : vector<2048xf32>
    %reduce_sum3A_19 = vector.multi_reduction <add>, %mul3A_17, %reduce_sum3A_18 [1] : vector<2048x64xf32> to vector<2048xf32>
    %broadcast_in_dim3A_20 = vector.shape_cast %reduce_sum3A_19 : vector<2048xf32> to vector<2048x1xf32>
    %slice3A_21 = vector.extract_strided_slice %get3A_4 {offsets = [0, 256], sizes = [2048, 64], strides = [1, 1]} : vector<2048x512xf32> to vector<2048x64xf32>
    %mul3A_22 = arith.mulf %get3A_1, %slice3A_21 : vector<2048x64xf32>
    %reduce_sum3A_23 = arith.constant dense<0.000000e+00> : vector<2048xf32>
    %reduce_sum3A_24 = vector.multi_reduction <add>, %mul3A_22, %reduce_sum3A_23 [1] : vector<2048x64xf32> to vector<2048xf32>
    %broadcast_in_dim3A_25 = vector.shape_cast %reduce_sum3A_24 : vector<2048xf32> to vector<2048x1xf32>
    %slice3A_26 = vector.extract_strided_slice %get3A_4 {offsets = [0, 320], sizes = [2048, 64], strides = [1, 1]} : vector<2048x512xf32> to vector<2048x64xf32>
    %mul3A_27 = arith.mulf %get3A_1, %slice3A_26 : vector<2048x64xf32>
    %reduce_sum3A_28 = arith.constant dense<0.000000e+00> : vector<2048xf32>
    %reduce_sum3A_29 = vector.multi_reduction <add>, %mul3A_27, %reduce_sum3A_28 [1] : vector<2048x64xf32> to vector<2048xf32>
    %broadcast_in_dim3A_30 = vector.shape_cast %reduce_sum3A_29 : vector<2048xf32> to vector<2048x1xf32>
    %slice3A_31 = vector.extract_strided_slice %get3A_4 {offsets = [0, 384], sizes = [2048, 64], strides = [1, 1]} : vector<2048x512xf32> to vector<2048x64xf32>
    %mul3A_32 = arith.mulf %get3A_1, %slice3A_31 : vector<2048x64xf32>
    %reduce_sum3A_33 = arith.constant dense<0.000000e+00> : vector<2048xf32>
    %reduce_sum3A_34 = vector.multi_reduction <add>, %mul3A_32, %reduce_sum3A_33 [1] : vector<2048x64xf32> to vector<2048xf32>
    %broadcast_in_dim3A_35 = vector.shape_cast %reduce_sum3A_34 : vector<2048xf32> to vector<2048x1xf32>
    %slice3A_36 = vector.extract_strided_slice %get3A_4 {offsets = [0, 448], sizes = [2048, 64], strides = [1, 1]} : vector<2048x512xf32> to vector<2048x64xf32>
    %mul3A_37 = arith.mulf %get3A_1, %slice3A_36 : vector<2048x64xf32>
    %reduce_sum3A_38 = arith.constant dense<0.000000e+00> : vector<2048xf32>
    %reduce_sum3A_39 = vector.multi_reduction <add>, %mul3A_37, %reduce_sum3A_38 [1] : vector<2048x64xf32> to vector<2048xf32>
    %broadcast_in_dim3A_40 = vector.shape_cast %reduce_sum3A_39 : vector<2048xf32> to vector<2048x1xf32>
    %concatenate3A = tpu.concatenate %broadcast_in_dim3A, %broadcast_in_dim3A_10, %broadcast_in_dim3A_15, %broadcast_in_dim3A_20, %broadcast_in_dim3A_25, %broadcast_in_dim3A_30, %broadcast_in_dim3A_35, %broadcast_in_dim3A_40 in 1 : vector<2048x1xf32>, vector<2048x1xf32>, vector<2048x1xf32>, vector<2048x1xf32>, vector<2048x1xf32>, vector<2048x1xf32>, vector<2048x1xf32>, vector<2048x1xf32> -> vector<2048x8xf32>
    %mul3A_41 = arith.constant 1.250000e-01 : f32
    %mul3A_42 = vector.broadcast %mul3A_41 : f32 to vector<2048x8xf32>
    %mul3A_43 = arith.mulf %concatenate3A, %mul3A_42 : vector<2048x8xf32>
    %reduce_max3A = arith.constant dense<0xFF800000> : vector<2048xf32>
    %reduce_max3A_44 = vector.multi_reduction <maximumf>, %mul3A_43, %reduce_max3A [1] : vector<2048x8xf32> to vector<2048xf32>
    %broadcast_in_dim3A_45 = vector.shape_cast %reduce_max3A_44 : vector<2048xf32> to vector<2048x1xf32>
    %sub3A = vector.broadcast %broadcast_in_dim3A_45 : vector<2048x1xf32> to vector<2048x8xf32>
    %sub3A_46 = arith.subf %mul3A_43, %sub3A : vector<2048x8xf32>
    %exp3A = math.exp %sub3A_46 : vector<2048x8xf32>
    %reduce_sum3A_47 = arith.constant dense<0.000000e+00> : vector<2048xf32>
    %reduce_sum3A_48 = vector.multi_reduction <add>, %exp3A, %reduce_sum3A_47 [1] : vector<2048x8xf32> to vector<2048xf32>
    %broadcast_in_dim3A_49 = vector.shape_cast %reduce_sum3A_48 : vector<2048xf32> to vector<2048x1xf32>
    %div3A = vector.broadcast %broadcast_in_dim3A_49 : vector<2048x1xf32> to vector<2048x8xf32>
    %div3A_50 = arith.divf %exp3A, %div3A : vector<2048x8xf32>
    %slice3A_51 = vector.extract_strided_slice %div3A_50 {offsets = [0, 0], sizes = [2048, 1], strides = [1, 1]} : vector<2048x8xf32> to vector<2048x1xf32>
    %slice3A_52 = vector.extract_strided_slice %get3A_4 {offsets = [0, 0], sizes = [2048, 64], strides = [1, 1]} : vector<2048x512xf32> to vector<2048x64xf32>
    %mul3A_53 = vector.broadcast %slice3A_51 : vector<2048x1xf32> to vector<2048x64xf32>
    %mul3A_54 = arith.mulf %mul3A_53, %slice3A_52 : vector<2048x64xf32>
    %slice3A_55 = vector.extract_strided_slice %div3A_50 {offsets = [0, 1], sizes = [2048, 1], strides = [1, 1]} : vector<2048x8xf32> to vector<2048x1xf32>
    %slice3A_56 = vector.extract_strided_slice %get3A_4 {offsets = [0, 64], sizes = [2048, 64], strides = [1, 1]} : vector<2048x512xf32> to vector<2048x64xf32>
    %mul3A_57 = vector.broadcast %slice3A_55 : vector<2048x1xf32> to vector<2048x64xf32>
    %mul3A_58 = arith.mulf %mul3A_57, %slice3A_56 : vector<2048x64xf32>
    %add3A = arith.addf %mul3A_54, %mul3A_58 : vector<2048x64xf32>
    %slice3A_59 = vector.extract_strided_slice %div3A_50 {offsets = [0, 2], sizes = [2048, 1], strides = [1, 1]} : vector<2048x8xf32> to vector<2048x1xf32>
    %slice3A_60 = vector.extract_strided_slice %get3A_4 {offsets = [0, 128], sizes = [2048, 64], strides = [1, 1]} : vector<2048x512xf32> to vector<2048x64xf32>
    %mul3A_61 = vector.broadcast %slice3A_59 : vector<2048x1xf32> to vector<2048x64xf32>
    %mul3A_62 = arith.mulf %mul3A_61, %slice3A_60 : vector<2048x64xf32>
    %add3A_63 = arith.addf %add3A, %mul3A_62 : vector<2048x64xf32>
    %slice3A_64 = vector.extract_strided_slice %div3A_50 {offsets = [0, 3], sizes = [2048, 1], strides = [1, 1]} : vector<2048x8xf32> to vector<2048x1xf32>
    %slice3A_65 = vector.extract_strided_slice %get3A_4 {offsets = [0, 192], sizes = [2048, 64], strides = [1, 1]} : vector<2048x512xf32> to vector<2048x64xf32>
    %mul3A_66 = vector.broadcast %slice3A_64 : vector<2048x1xf32> to vector<2048x64xf32>
    %mul3A_67 = arith.mulf %mul3A_66, %slice3A_65 : vector<2048x64xf32>
    %add3A_68 = arith.addf %add3A_63, %mul3A_67 : vector<2048x64xf32>
    %slice3A_69 = vector.extract_strided_slice %div3A_50 {offsets = [0, 4], sizes = [2048, 1], strides = [1, 1]} : vector<2048x8xf32> to vector<2048x1xf32>
    %slice3A_70 = vector.extract_strided_slice %get3A_4 {offsets = [0, 256], sizes = [2048, 64], strides = [1, 1]} : vector<2048x512xf32> to vector<2048x64xf32>
    %mul3A_71 = vector.broadcast %slice3A_69 : vector<2048x1xf32> to vector<2048x64xf32>
    %mul3A_72 = arith.mulf %mul3A_71, %slice3A_70 : vector<2048x64xf32>
    %add3A_73 = arith.addf %add3A_68, %mul3A_72 : vector<2048x64xf32>
    %slice3A_74 = vector.extract_strided_slice %div3A_50 {offsets = [0, 5], sizes = [2048, 1], strides = [1, 1]} : vector<2048x8xf32> to vector<2048x1xf32>
    %slice3A_75 = vector.extract_strided_slice %get3A_4 {offsets = [0, 320], sizes = [2048, 64], strides = [1, 1]} : vector<2048x512xf32> to vector<2048x64xf32>
    %mul3A_76 = vector.broadcast %slice3A_74 : vector<2048x1xf32> to vector<2048x64xf32>
    %mul3A_77 = arith.mulf %mul3A_76, %slice3A_75 : vector<2048x64xf32>
    %add3A_78 = arith.addf %add3A_73, %mul3A_77 : vector<2048x64xf32>
    %slice3A_79 = vector.extract_strided_slice %div3A_50 {offsets = [0, 6], sizes = [2048, 1], strides = [1, 1]} : vector<2048x8xf32> to vector<2048x1xf32>
    %slice3A_80 = vector.extract_strided_slice %get3A_4 {offsets = [0, 384], sizes = [2048, 64], strides = [1, 1]} : vector<2048x512xf32> to vector<2048x64xf32>
    %mul3A_81 = vector.broadcast %slice3A_79 : vector<2048x1xf32> to vector<2048x64xf32>
    %mul3A_82 = arith.mulf %mul3A_81, %slice3A_80 : vector<2048x64xf32>
    %add3A_83 = arith.addf %add3A_78, %mul3A_82 : vector<2048x64xf32>
    %slice3A_84 = vector.extract_strided_slice %div3A_50 {offsets = [0, 7], sizes = [2048, 1], strides = [1, 1]} : vector<2048x8xf32> to vector<2048x1xf32>
    %slice3A_85 = vector.extract_strided_slice %get3A_4 {offsets = [0, 448], sizes = [2048, 64], strides = [1, 1]} : vector<2048x512xf32> to vector<2048x64xf32>
    %mul3A_86 = vector.broadcast %slice3A_84 : vector<2048x1xf32> to vector<2048x64xf32>
    %mul3A_87 = arith.mulf %mul3A_86, %slice3A_85 : vector<2048x64xf32>
    %add3A_88 = arith.addf %add3A_83, %mul3A_87 : vector<2048x64xf32>
    %swap3A = arith.constant 0 : index
    %swap3A_89 = arith.constant 0 : index
    %swap3A_90 = vector.load %arg3[%swap3A, %swap3A_89] : memref<2048x64xf32, #tpu.memory_space<vmem>>, vector<2048x64xf32>
    tpu.vector_store %arg3[%swap3A, %swap3A_89], %add3A_88 {strides = array<i32>} : memref<2048x64xf32, #tpu.memory_space<vmem>>, vector<2048x64xf32>,
    return
  }
  func.func @transform_0(%arg0: i32) -> (i32, i32) {
    %c0_i32 = arith.constant 0 : i32
    %c0_i32_0 = arith.constant 0 : i32
    return %arg0, %c0_i32 : i32, i32
  }
  func.func @transform_1(%arg0: i32) -> (i32, i32) {
    %c0_i32 = arith.constant 0 : i32
    %c0_i32_0 = arith.constant 0 : i32
    return %arg0, %c0_i32 : i32, i32
  }
  func.func @transform_2(%arg0: i32) -> (i32, i32) {
    %c0_i32 = arith.constant 0 : i32
    %c0_i32_0 = arith.constant 0 : i32
    return %arg0, %c0_i32 : i32, i32
  }
}

module attributes {stable_mosaic.version = 14 : i64} {
  func.func @_mm_body(%arg0: i32, %arg1: memref<128x1024xf32, #tpu.memory_space<vmem>>, %arg2: memref<1024x1024xf32, #tpu.memory_space<vmem>>, %arg3: memref<1x1024xf32, #tpu.memory_space<vmem>>, %arg4: memref<128x1024xf32, #tpu.memory_space<vmem>>) attributes {dimension_semantics = [#tpu.dimension_semantics<arbitrary>], iteration_bounds = array<i64: 8>, scalar_prefetch = 0 : i64, scratch_operands = 0 : i64, tpu.core_type = #tpu.core_type<tc>, window_params = [{transform_indices = @transform_0, window_bounds = array<i64: 128, 1024>}, {pipeline_mode = #tpu.pipeline_mode<synchronous>, transform_indices = @transform_1, window_bounds = array<i64: 1024, 1024>}, {pipeline_mode = #tpu.pipeline_mode<synchronous>, transform_indices = @transform_2, window_bounds = array<i64: 1, 1024>}, {transform_indices = @transform_3, window_bounds = array<i64: 128, 1024>}]} {
    %get3A = arith.constant 0 : index
    %get3A_0 = arith.constant 0 : index
    %get3A_1 = vector.load %arg1[%get3A, %get3A_0] : memref<128x1024xf32, #tpu.memory_space<vmem>>, vector<128x1024xf32>
    %get3A_2 = arith.constant 0 : index
    %get3A_3 = arith.constant 0 : index
    %get3A_4 = vector.load %arg2[%get3A_2, %get3A_3] : memref<1024x1024xf32, #tpu.memory_space<vmem>>, vector<1024x1024xf32>
    %dot_general3A = arith.constant dense<0.000000e+00> : vector<128x1024xf32>
    %dot_general3A_5 = tpu.matmul %get3A_1, %get3A_4, %dot_general3A {dimension_numbers = #tpu.dot_dimension_numbers<[1], [0], [0], [1], [0, 0, 1, 1], [], []>, transpose_lhs_hint = false} : vector<128x1024xf32>, vector<1024x1024xf32>, vector<128x1024xf32> -> vector<128x1024xf32>
    %get3A_6 = arith.constant 0 : index
    %get3A_7 = arith.constant 0 : index
    %get3A_8 = vector.load %arg3[%get3A_6, %get3A_7] : memref<1x1024xf32, #tpu.memory_space<vmem>>, vector<1x1024xf32>
    %add3A = vector.broadcast %get3A_8 : vector<1x1024xf32> to vector<128x1024xf32>
    %add3A_9 = arith.addf %dot_general3A_5, %add3A : vector<128x1024xf32>
    %swap3A = arith.constant 0 : index
    %swap3A_10 = arith.constant 0 : index
    %swap3A_11 = vector.load %arg4[%swap3A, %swap3A_10] : memref<128x1024xf32, #tpu.memory_space<vmem>>, vector<128x1024xf32>
    tpu.vector_store %arg4[%swap3A, %swap3A_10], %add3A_9 {strides = array<i32>} : memref<128x1024xf32, #tpu.memory_space<vmem>>, vector<128x1024xf32>,
    return
  }
  func.func @transform_0(%arg0: i32) -> (i32, i32) {
    %c0_i32 = arith.constant 0 : i32
    %c0_i32_0 = arith.constant 0 : i32
    return %arg0, %c0_i32 : i32, i32
  }
  func.func @transform_1(%arg0: i32) -> (i32, i32) {
    %c0_i32 = arith.constant 0 : i32
    %c0_i32_0 = arith.constant 0 : i32
    %c0_i32_1 = arith.constant 0 : i32
    return %c0_i32, %c0_i32_0 : i32, i32
  }
  func.func @transform_2(%arg0: i32) -> (i32, i32) {
    %c0_i32 = arith.constant 0 : i32
    %c0_i32_0 = arith.constant 0 : i32
    %c0_i32_1 = arith.constant 0 : i32
    return %c0_i32, %c0_i32_0 : i32, i32
  }
  func.func @transform_3(%arg0: i32) -> (i32, i32) {
    %c0_i32 = arith.constant 0 : i32
    %c0_i32_0 = arith.constant 0 : i32
    return %arg0, %c0_i32 : i32, i32
  }
}

</mosaic_0001>

<sc_bundles>
// kernel: kernel.7.cloned.1.call-start
scs
__scs_entry_jumppad:
0x0: {  	(pc) =	sbr.rel $0x88, $3  }
0x1: {  	(tag) =	ssettag $0x0;
	lr =	simm.s32 $0x1  }
0x2: {  	[smem:$0x3F95] =	sst lr;
	_ =	strace $0xD0000000  }
0x3: {  	_ = 	snop  }
0x4: {  	_ = 	snop  }
0x5: {  	_ = 	snop  }
0x6: {  	_ = 	snop  }
0x7: {  	_ = 	snop  }
__scs_overlays_trampoline_lowered:
0x8: {  	[smem:$0x3FA4] =	sst s0  }
0x9: {  	[smem:$0x3FA5] =	sst s1  }
0xa: {  	[smem:$0x3FA6] =	sst s2  }
0xb: {  	[smem:$0x3FA7] =	sst s3  }
0xc: {  	[smem:$0x3FA8] =	sst s4  }
0xd: {  	[smem:$0x3FA9] =	sst s5  }
0xe: {  	[smem:$0x3FAA] =	sst s6  }
0xf: {  	[smem:$0x3FAB] =	sst s7  }
0x10: {  	[smem:$0x3FAC] =	sst s8  }
0x11: {  	[smem:$0x3FAD] =	sst s9;
	s0 =	simm.s32 @!p0 $0x0  }
0x12: {  	s1 =	sld [smem:$0x3F93];
	s0 =	simm.s32 @p0 $0x1  }
0x13: {  	[smem:$0x3FAE] =	sst s0;
	s0 =	simm.s32 @!p1 $0x0  }
0x14: {  	s2 =	sld [smem:$0x3F92];
	s0 =	simm.s32 @p1 $0x1  }
0x15: {  	[smem:$0x3FAF] =	sst s0;
	s0 =	simm.s32 @!p2 $0x0  }
0x16: {  	s3 =	sld [smem:$0x3FDB];
	s0 =	simm.s32 @p2 $0x1  }
0x17: {  	s4 =	simm.s32 $0x1BF5;
	[smem:$0x3FB1] =	sst s0  }
0x18: {  	s0 =	sld [smem:$0x3F94];
	_ =	swait.ge [sflag:s4], $0x0  }
0x19: {  	s7 =	sld [smem:$0x3F95]  }
0x1a: {  	s8 =	sadd.s32 $0xFFFFE003, lr  }
0x1b: {  	s9 =	sadd.s32 $0xFFFFFEF7, lr;
	s5 =	simm.s32 $0xFFFFFFFF;
	p2 =	slt.u32 s8, $0xFFFFF086  }
0x1c: {  	p1 =	slt.u32 s9, $0xF7A;
	s5 =	simm.s32 @!p2 $0x0  }
0x1d: {  	s5 =	simm.s32 @p1 $0x1;
	p0 =	seq.s32 s7, s2  }
0x1e: {  	s7 =	smul.u32 @!p0 $0xF7A, s2;
	p2 =	seq.s32 @!p0 s5, $0x0  }
0x1f: {  	s9 =	smul.u32 $0xF7A, s1;
	s8 =	simm.s32 @!p0 $0x1BF5;
	p2 =	por !p2, p0  }
0x20: {  	[sflag:s8] =	ssyncset.s32 @!p0 $0xFFFFF086;
	s6 =	sadd.s32 @!p0 s3, s7;
	s7 =	simm.s32 @!p0 $0x108  }
0x21: {  	s3 =	sadd.s32 s3, s9;
	s6 =	sadd.s32 @!p0 $0x88, s6;
	s7 =	simm.s32 @p2 $0x1082  }
0x22: {  	[simem:s7], [sflag:s8] =	dma.local @!p0 [hbm:s6], $0xF7A  }
0x23: {  	s9 =	sor.u32 $0xD0000000, s2;
	s6 =	simm.s32 $0x108;
	_ =	swait.ge @!p0 [sflag:s8], $0x0  }
0x24: {  	s3 =	sadd.s32 $0x88, s3;
	s6 =	simm.s32 @!p1 $0x1082;
	[sflag:s4] =	ssyncset.s32 $0xFFFFF086  }
0x25: {  	[simem:s6], [sflag:s4] =	dma.local [hbm:s3], $0xF7A  }
0x26: {  	[smem:$0x3F95] =	sst s1;
	(tag) =	ssettag s2;
	_ =	strace s9  }
0x27: {  	s1 =	sld [smem:$0x3FA5]  }
0x28: {  	s2 =	sld [smem:$0x3FA6]  }
0x29: {  	s4 =	sld [smem:$0x3FA8]  }
0x2a: {  	p0 =	seq.s32 s5, $0x0;
	s5 =	sld [smem:$0x3FA9]  }
0x2b: {  	s6 =	sld [smem:$0x3FAA]  }
0x2c: {  	s7 =	sld [smem:$0x3FAB]  }
0x2d: {  	s3 =	simm.s32 $0x108;
	s8 =	sld [smem:$0x3FAC]  }
0x2e: {  	s3 =	simm.s32 @!p0 $0x1082;
	s9 =	sld [smem:$0x3FAD]  }
0x2f: {  	lr =	sadd.s32 s0, s3;
	s0 =	sld [smem:$0x3FA4]  }
0x30: {  	s3 =	sld [smem:$0x3FA7]  }
0x31: {  	[smem:$0x3FB0] =	sst s10  }
0x32: {  	s10 =	sld [smem:$0x3FAE];
	_ =	sdelay $0x3  }
0x33: {  	p0 =	seq.s32 s10, $0x1;
	s10 =	sld [smem:$0x3FB0];
	_ =	sdelay $0x3  }
0x34: {  	[smem:$0x3FB0] =	sst s10  }
0x35: {  	s10 =	sld [smem:$0x3FAF];
	_ =	sdelay $0x3  }
0x36: {  	p1 =	seq.s32 s10, $0x1;
	s10 =	sld [smem:$0x3FB0];
	_ =	sdelay $0x3  }
0x37: {  	[smem:$0x3FB0] =	sst s10  }
0x38: {  	s10 =	sld [smem:$0x3FB1]  }
0x39: {  	_ = 	snop;
	(pc) =	sbr.ind lr, $3  }
0x3a: {  	_ = 	snop  }
0x3b: {  	_ = 	snop  }
0x3c: {  	p2 =	seq.s32 s10, $0x1;
	s10 =	sld [smem:$0x3FB0]  }
0x3d: {  	_ =	shalt  }
0x3e: {  	_ =	shalt  }
0x3f: {  	_ =	shalt  }
0x40: {  	_ =	shalt  }
0x41: {  	_ =	shalt  }
0x42: {  	_ =	shalt  }
0x43: {  	_ =	shalt  }
0x44: {  	_ =	shalt  }
0x45: {  	_ =	shalt  }
0x46: {  	_ =	shalt  }
0x47: {  	_ =	shalt  }
0x48: {  	_ =	shalt  }
0x49: {  	_ =	shalt  }
0x4a: {  	_ =	shalt  }
0x4b: {  	_ =	shalt  }
0x4c: {  	_ =	shalt  }
0x4d: {  	_ =	shalt  }
0x4e: {  	_ =	shalt  }
0x4f: {  	_ =	shalt  }
0x50: {  	_ =	shalt  }
0x51: {  	_ =	shalt  }
0x52: {  	_ =	shalt  }
0x53: {  	_ =	shalt  }
0x54: {  	_ =	shalt  }
0x55: {  	_ =	shalt  }
0x56: {  	_ =	shalt  }
0x57: {  	_ =	shalt  }
0x58: {  	_ =	shalt  }
0x59: {  	_ =	shalt  }
0x5a: {  	_ =	shalt  }
0x5b: {  	_ =	shalt  }
0x5c: {  	_ =	shalt  }
0x5d: {  	_ =	shalt  }
0x5e: {  	_ =	shalt  }
0x5f: {  	_ =	shalt  }
0x60: {  	_ =	shalt  }
0x61: {  	_ =	shalt  }
0x62: {  	_ =	shalt  }
0x63: {  	_ =	shalt  }
0x64: {  	_ =	shalt  }
0x65: {  	_ =	shalt  }
0x66: {  	_ =	shalt  }
0x67: {  	_ =	shalt  }
0x68: {  	_ =	shalt  }
0x69: {  	_ =	shalt  }
0x6a: {  	_ =	shalt  }
0x6b: {  	_ =	shalt  }
0x6c: {  	_ =	shalt  }
0x6d: {  	_ =	shalt  }
0x6e: {  	_ =	shalt  }
0x6f: {  	_ =	shalt  }
0x70: {  	_ =	shalt  }
0x71: {  	_ =	shalt  }
0x72: {  	_ =	shalt  }
0x73: {  	_ =	shalt  }
0x74: {  	_ =	shalt  }
0x75: {  	_ =	shalt  }
0x76: {  	_ =	shalt  }
0x77: {  	_ =	shalt  }
0x78: {  	_ =	shalt  }
0x79: {  	_ =	shalt  }
0x7a: {  	_ =	shalt  }
0x7b: {  	_ =	shalt  }
0x7c: {  	_ =	shalt  }
0x7d: {  	_ =	shalt  }
0x7e: {  	_ =	shalt  }
0x7f: {  	_ =	shalt  }
0x80: {  	_ =	shalt  }
0x81: {  	_ =	shalt  }
0x82: {  	_ =	shalt  }
0x83: {  	_ =	shalt  }
0x84: {  	_ =	shalt  }
0x85: {  	_ =	shalt  }
0x86: {  	_ =	shalt  }
0x87: {  	_ =	shalt  }
.Lfunc_end0:
.L_simem_size_0:
called_computation_lowered:
.L_overlay_start_0:
0x88: {  	s2 =	sld [smem:$0x3FD9]  }
0x89: {  	s3 =	sld [smem:$0x3FFE];
	_ =	sdelay $0x1  }
0x8a: {  	s1 =	srdreg.scid  }
0x8b: {  	s0 =	sand.u32 $0x1, s1  }
0x8c: {  	s16 =	sshll.u32 s0, $0xA;
	s2 =	sadd.s32 s3, s2  }
0x8d: {  	s2 =	sadd.s32 s2, s16  }
0x8e: {  	[smem:$0x3FBC] =	sst s2  }
0x8f: {  	_ = 	snop  }
0x90: {  	(tm) =	ssettm $0x1  }
0x91: {  	s17 =	sld [smem:$0x3FFB];
	_ =	sdelay $0x3  }
0x92: {  	_ =	strace s17  }
0x93: {  	s2 =	sld [smem:$0x3FFC];
	_ =	sdelay $0x3  }
0x94: {  	_ =	strace s2  }
0x95: {  	s2 =	sld [smem:$0x3FFD];
	_ =	sdelay $0x3  }
0x96: {  	_ =	strace s2  }
0x97: {  	_ =	strace $0x8FFFFFFF  }
0x98: {  	s18 =	sld [smem:$0x3FDB];
	_ =	sdelay $0x1  }
0x99: {  	s19 =	simm.s32 $_scs_section_size  }
0x9a: {  	s4 =	simm.s32 $_size__tile_overlayer_lowered;
	s5 =	simm.s32 $_tile_overlayer_lowered  }
0x9b: {  	s22 =	simm.s32 $0x1BFF;
	s21 =	sshll.u32 s5, $0x1;
	s2 =	sadd.s32 s19, s18  }
0x9c: {  	s6 =	simm.s32 $0x0;
	s20 =	sshll.u32 s4, $0x1;
	s4 =	sadd.s32 s21, s2  }
0x9d: {  	[timem:s6], [sflag:s22] =	dma.local [hbm:s4], s20  }
0x9e: {  	_ =	swait.ge [sflag:s22], s20  }
0x9f: {  	s3 =	ssub.s32 $0x0, s20;
	[sflag:s22] =	ssyncset.done $0x0  }
0xa0: {  	[sflag:s22] =	ssyncadd.s32 s3;
	_ =	sdelay $0x1  }
0xa1: {  	s23 =	simm.s32 $0x1B8B  }
0xa2: {  	_ =	swait.ge [sflag:s23], $0x1  }
0xa3: {  	[sflag:s23] =	ssyncset.done $0x0  }
0xa4: {  	s25 =	simm.s32 $0x1B8E;
	s24 =	sld [smem:$0x3FFE];
	[sflag:s23] =	ssyncadd.s32 $0xFFFFFFFF  }
0xa5: {  	s26 =	simm.s32 $execute0_lowered;
	[smem:$0x3FD2] =	sst s25  }
0xa6: {  	s4 =	sshll.u32 s26, $0x1;
	_ =	strace $0x80000046;
	[dreg:$0x1] =	wrdreg $0xFFFFFFFF  }
0xa7: {  	s28 =	simm.s32 $_size_execute0_lowered;
	s2 =	sadd.s32 s2, s4;
	[dreg:$0x0] =	wrdreg $0x0  }
0xa8: {  	s4 =	sshll.u32 s28, $0x1;
	[dreg:$0x2] =	wrdreg s2  }
0xa9: {  	[dreg:$0x3] =	wrdreg s4  }
0xaa: {  	[dreg:$0x4] =	wrdreg $0xC0  }
0xab: {  	_ =	task [dreg:s6], $0x5FFFF  }
0xac: {  	[dreg:$0x1] =	wrdreg $0xFFFFFFFF  }
0xad: {  	[dreg:$0x0] =	wrdreg $0x60  }
0xae: {  	[dreg:$0x2] =	wrdreg s24  }
0xaf: {  	[dreg:$0x3] =	wrdreg $0x9  }
0xb0: {  	_ =	task.clear_ibuf [dreg:s6], $0x4FFFF;
	_ =	strace $0x90000046  }
0xb1: {  	s29 =	simm.s32 $0x9;
	_ =	strace $0x80000048  }
0xb2: {  	_ =	swait.ge [sflag:s29], $0x1  }
0xb3: {  	[sflag:s29] =	ssyncadd.s32 $0xFFFFFFFF  }
0xb4: {  	_ =	strace $0x90000048  }
0xb5: {  	_ =	sfence  }
0xb6: {  	s30 =	sld [smem:$0x0];
	_ =	sdelay $0x2  }
0xb7: {  	s31 =	sshll.u32 s1, $0xD;
	s1 =	sshrl.u32 s1, $0x2  }
0xb8: {  	s3 =	sand.u32 $0x4000, s31;
	s1 =	sadd.s32 s1, s30  }
0xb9: {  	s0 =	sor.u32 s3, s0;
	s1 =	sshll.u32 s1, $0x11  }
0xba: {  	s0 =	sor.u32 s1, s0  }
0xbb: {  	s0 =	sadd.s32 $0x8F2B, s0  }
0xbc: {  	[sflag:s0] =	ssyncadd.remote.s32 $0x1  }
0xbd: {  	_ =	sfence.sel $0xFFFF  }
0xbe: {  	[dreg:$0x0] =	wrdreg $0xFFFFFFFF;
	(pc) =	sbr.abs _section_cstart, $3  }
0xbf: {  	[dreg:$0x1] =	wrdreg $0xFFFFFFFF  }
0xc0: {  	_ =	task.clear_ibuf [dreg:s6], $0x2FFFF;
	_ =	strace $0x9FFFFFFF  }
0xc1: {  	(tm) =	ssettm $0x7FFFFFFF  }
tec
execute0_lowered:
.L_overlay_start_1:
0x0: {  	(tag) =	ssettag $0x1  }
0x1: {  	s0 =	rddreg [dreg:$0x0]  }
0x2: {  	s1 =	srdreg.scid;
	s2 =	simm.s32 $0x0;
	s3 =	stileid.u32  }
0x3: {  	s15 =	simm.s32 $0x3;
	s21 =	simm.s32 $0x80;
	s22 =	simm.s32 $0x8000  }
0x4: {  	s28 =	simm.s32 $0x2;
	s29 =	simm.s32 $0x18000;
	s1 =	sand.u32 $0x1, s1  }
0x5: {  	s30 =	simm.s32 $0x0;
	s3 =	sshll.u32 s3, $0x6;
	s4 =	sshll.u32 s1, $0x5  }
0x6: {  	[smem:$0x7FF] =	sst s2;
	s1 =	ssub.s32 $0x2, s1;
	s3 =	sor.u32 s4, s3  }
0x7: {  	_ =	strace $0x80000047;
	s6 =	sshrl.u32 s1, $0x1;
	s5 =	sshll.u32 s3, $0x4  }
0x8: {  	s4 =	sadd.s32 $0x807800, s0;
	s23 =	ssub.s32 s1, s6;
	s7 =	sadd.s32 s5, s0  }
0x9: {  	s5 =	sadd.s32 $0x27800, s0;
	s14 =	smax.u32 s23, $0x1;
	s24 =	sadd.s32 $0x3800, s7  }
0xa: {  	s23 =	simm.s32 $0xC000;
	s25 =	sadd.s32 $0x7800, s7;
	[dreg:$0x2] =	wrdreg s24  }
0xb: {  	s26 =	sadd.s32 $0xB800, s7;
	s31 =	sadd.s32 $0xF800, s7;
	[dreg:$0x3] =	wrdreg s25  }
0xc: {  	s10 =	sadd.s32 $0x13800, s7;
	s11 =	sadd.s32 $0x17800, s7;
	[dreg:$0x4] =	wrdreg s26  }
0xd: {  	s12 =	sadd.s32 $0x1B800, s7;
	s13 =	sadd.s32 $0x1F800, s7;
	[dreg:$0x5] =	wrdreg s31  }
0xe: {  	s24 =	simm.s32 $0x10000;
	s25 =	simm.s32 $0x14000;
	s26 =	simm.s32 $0x1  }
.LBB2_1:
0xf: {  	s0 =	rddreg [dreg:$0x2]  }
0x10: {  	[tilespmem:s2], [sflag:$0x3] =	stream.linear.gather [hbm4b:s0+s2], $0x1000, $0x38;
	[tilespmem:$0x1A000] =	vst v63  }
0x11: {  	_ =	swait.ge [sflag:s15], $0x1000  }
0x12: {  	[sflag:s15] =	ssyncset.done $0x0  }
0x13: {  	s1 =	simm.s32 $0x1000;
	s8 =	rddreg [dreg:$0x3];
	[sflag:s15] =	ssyncadd.s32 $0xFFFFF000  }
0x14: {  	[tilespmem:s1], [sflag:$0x3] =	stream.linear.gather [hbm4b:s8+s2], $0x1000, $0x38;
	[tilespmem:$0x1A000] =	vst v63  }
0x15: {  	_ =	swait.ge [sflag:s15], $0x1000  }
0x16: {  	[sflag:s15] =	ssyncset.done $0x0  }
0x17: {  	s16 =	simm.s32 $0x2000;
	s9 =	rddreg [dreg:$0x4];
	[sflag:s15] =	ssyncadd.s32 $0xFFFFF000  }
0x18: {  	[tilespmem:s16], [sflag:$0x3] =	stream.linear.gather [hbm4b:s9+s2], $0x1000, $0x38;
	[tilespmem:$0x1A000] =	vst v63  }
0x19: {  	_ =	swait.ge [sflag:s15], $0x1000  }
0x1a: {  	[sflag:s15] =	ssyncset.done $0x0  }
0x1b: {  	s18 =	simm.s32 $0x3000;
	s17 =	rddreg [dreg:$0x5];
	[sflag:s15] =	ssyncadd.s32 $0xFFFFF000  }
0x1c: {  	[tilespmem:s18], [sflag:$0x3] =	stream.linear.gather [hbm4b:s17+s2], $0x1000, $0x38;
	[tilespmem:$0x1A000] =	vst v63  }
0x1d: {  	_ =	swait.ge [sflag:s15], $0x1000  }
0x1e: {  	[sflag:s15] =	ssyncset.done $0x0  }
0x1f: {  	s19 =	simm.s32 $0x4000;
	[sflag:s15] =	ssyncadd.s32 $0xFFFFF000  }
0x20: {  	[tilespmem:s19], [sflag:$0x3] =	stream.linear.gather [hbm4b:s10+s2], $0x1000, $0x38;
	[tilespmem:$0x1A000] =	vst v63  }
0x21: {  	_ =	swait.ge [sflag:s15], $0x1000  }
0x22: {  	[sflag:s15] =	ssyncset.done $0x0  }
0x23: {  	s31 =	simm.s32 $0x5000;
	[sflag:s15] =	ssyncadd.s32 $0xFFFFF000  }
0x24: {  	[tilespmem:s31], [sflag:$0x3] =	stream.linear.gather [hbm4b:s11+s2], $0x1000, $0x38;
	[tilespmem:$0x1A000] =	vst v63  }
0x25: {  	_ =	swait.ge [sflag:s15], $0x1000  }
0x26: {  	[sflag:s15] =	ssyncset.done $0x0  }
0x27: {  	s20 =	simm.s32 $0x6000;
	[sflag:s15] =	ssyncadd.s32 $0xFFFFF000  }
0x28: {  	[tilespmem:s20], [sflag:$0x3] =	stream.linear.gather [hbm4b:s12+s2], $0x1000, $0x38;
	[tilespmem:$0x1A000] =	vst v63  }
0x29: {  	_ =	swait.ge [sflag:s15], $0x1000  }
0x2a: {  	[sflag:s15] =	ssyncset.done $0x0  }
0x2b: {  	s17 =	simm.s32 $0x7000;
	[sflag:s15] =	ssyncadd.s32 $0xFFFFF000  }
0x2c: {  	[tilespmem:s17], [sflag:$0x3] =	stream.linear.gather [hbm4b:s13+s2], $0x1000, $0x38;
	[tilespmem:$0x1A000] =	vst v63  }
0x2d: {  	_ =	swait.ge [sflag:s15], $0x1000  }
0x2e: {  	[sflag:s15] =	ssyncset.done $0x0  }
0x2f: {  	s1 =	simm.s32 $0x0;
	[sflag:s15] =	ssyncadd.s32 $0xFFFFF000  }
.LBB2_2:
0x30: {  	s0 =	sshll.u32 s1, $0x7  }
0x31: {  	[tilespmem:s22], [sflag:$0x1] =	stream.indirect.gather [hbm4b:s4+s21], $0x80, s0, s21, $0xb8;
	[tilespmem:$0x1A000] =	vst v63  }
0x32: {  	s6 =	sor.u32 $0x1000, s0  }
0x33: {  	[tilespmem:s23], [sflag:$0x1] =	stream.indirect.gather [hbm4b:s4+s21], $0x80, s6, s21, $0xb8;
	[tilespmem:$0x1A000] =	vst v63  }
0x34: {  	s20 =	sor.u32 $0x2000, s0  }
0x35: {  	[tilespmem:s24], [sflag:$0x2] =	stream.indirect.gather [hbm4b:s4+s21], $0x80, s20, s21, $0xb8;
	[tilespmem:$0x1A000] =	vst v63  }
0x36: {  	s0 =	sor.u32 $0x3000, s0  }
0x37: {  	[tilespmem:s25], [sflag:$0x2] =	stream.indirect.gather [hbm4b:s4+s21], $0x80, s0, s21, $0xb8;
	[tilespmem:$0x1A000] =	vst v63  }
0x38: {  	_ =	swait.ge [sflag:s26], $0x4000  }
0x39: {  	[sflag:s26] =	ssyncset.done $0x0  }
0x3a: {  	[sflag:s26] =	ssyncadd.s32 $0xFFFFC000  }
0x3b: {  	s7 =	simm.s32 $0x0;
	_ =	swait.ge [sflag:s26], $0x4000  }
0x3c: {  	s16 =	simm.s32 $0x0;
	s18 =	simm.s32 $0x0;
	[sflag:s26] =	ssyncset.done $0x0  }
0x3d: {  	s6 =	smov.u32 s31;
	s0 =	simm.s32 $0x0;
	[sflag:s26] =	ssyncadd.s32 $0xFFFFC000  }
.LBB2_3:
0x3e: {  	v0 =	vld [tilespmem:s6+$0xFFFFF000]  }
0x3f: {  	v1 =	vld [tilespmem:s6+$0x0];
	s19 =	sshra.s32 s18, $0x2  }
0x40: {  	v2 =	vld [tilespmem:s19+$0x8000]  }
0x41: {  	v3 =	vld [tilespmem:s19+$0xC000];
	_ =	sdelay $0x2  }
0x42: {  	v4 =	vbroadcast v0, $0x0;
	v5 =	vbroadcast v1, $0x0;
	_ =	sdelay $0x1  }
0x43: {  	v2 =	vmul.f32 v2, v4;
	v3 =	vmul.f32 v3, v5;
	_ =	sdelay $0x1  }
0x44: {  	s8 =	sand.u32 $0x1000, s16;
	s20 =	sand.u32 $0x300, s0;
	v2 =	vadd.f32 v3, v2  }
0x45: {  	s20 =	sor.u32 s20, s8  }
0x46: {  	[tilespmem:s20+$0x18000] =	vst v2  }
0x47: {  	v2 =	vld [tilespmem:s19+$0x8010]  }
0x48: {  	v29 =	vld [tilespmem:s19+$0xC010];
	_ =	sdelay $0x4  }
0x49: {  	v2 =	vmul.f32 v2, v4;
	v3 =	vmul.f32 v29, v5;
	_ =	sdelay $0x1  }
0x4a: {  	v2 =	vadd.f32 v3, v2;
	_ =	sdelay $0x1  }
0x4b: {  	[tilespmem:s20+$0x18010] =	vst v2  }
0x4c: {  	v2 =	vld [tilespmem:s19+$0x8020]  }
0x4d: {  	v30 =	vld [tilespmem:s19+$0xC020];
	_ =	sdelay $0x4  }
0x4e: {  	v2 =	vmul.f32 v2, v4;
	v3 =	vmul.f32 v30, v5;
	_ =	sdelay $0x1  }
0x4f: {  	v2 =	vadd.f32 v3, v2;
	_ =	sdelay $0x1  }
0x50: {  	[tilespmem:s20+$0x18020] =	vst v2  }
0x51: {  	v2 =	vld [tilespmem:s19+$0x8030]  }
0x52: {  	v31 =	vld [tilespmem:s19+$0xC030];
	_ =	sdelay $0x4  }
0x53: {  	v2 =	vmul.f32 v2, v4;
	v3 =	vmul.f32 v31, v5;
	_ =	sdelay $0x1  }
0x54: {  	v2 =	vadd.f32 v3, v2;
	_ =	sdelay $0x1  }
0x55: {  	[tilespmem:s20+$0x18030] =	vst v2  }
0x56: {  	v2 =	vld [tilespmem:s19+$0x8080]  }
0x57: {  	v32 =	vld [tilespmem:s19+$0xC080];
	_ =	sdelay $0x2  }
0x58: {  	v33 =	vbroadcast v0, $0x1;
	v34 =	vbroadcast v1, $0x1;
	_ =	sdelay $0x1  }
0x59: {  	v2 =	vmul.f32 v2, v33;
	v3 =	vmul.f32 v32, v34;
	_ =	sdelay $0x1  }
0x5a: {  	v2 =	vadd.f32 v3, v2;
	_ =	sdelay $0x1  }
0x5b: {  	[tilespmem:s20+$0x18040] =	vst v2  }
0x5c: {  	v2 =	vld [tilespmem:s19+$0x8090]  }
0x5d: {  	v35 =	vld [tilespmem:s19+$0xC090];
	_ =	sdelay $0x4  }
0x5e: {  	v2 =	vmul.f32 v2, v33;
	v3 =	vmul.f32 v35, v34;
	_ =	sdelay $0x1  }
0x5f: {  	v2 =	vadd.f32 v3, v2;
	_ =	sdelay $0x1  }
0x60: {  	[tilespmem:s20+$0x18050] =	vst v2  }
0x61: {  	v2 =	vld [tilespmem:s19+$0x80A0]  }
0x62: {  	v36 =	vld [tilespmem:s19+$0xC0A0];
	_ =	sdelay $0x4  }
0x63: {  	v2 =	vmul.f32 v2, v33;
	v3 =	vmul.f32 v36, v34;
	_ =	sdelay $0x1  }
0x64: {  	v2 =	vadd.f32 v3, v2;
	_ =	sdelay $0x1  }
0x65: {  	[tilespmem:s20+$0x18060] =	vst v2  }
0x66: {  	v2 =	vld [tilespmem:s19+$0x80B0]  }
0x67: {  	v37 =	vld [tilespmem:s19+$0xC0B0];
	_ =	sdelay $0x4  }
0x68: {  	v2 =	vmul.f32 v2, v33;
	v3 =	vmul.f32 v37, v34;
	_ =	sdelay $0x1  }
0x69: {  	v2 =	vadd.f32 v3, v2;
	_ =	sdelay $0x1  }
0x6a: {  	[tilespmem:s20+$0x18070] =	vst v2  }
0x6b: {  	v2 =	vld [tilespmem:s19+$0x8100]  }
0x6c: {  	v38 =	vld [tilespmem:s19+$0xC100];
	_ =	sdelay $0x2  }
0x6d: {  	v39 =	vbroadcast v0, $0x2;
	v40 =	vbroadcast v1, $0x2;
	_ =	sdelay $0x1  }
0x6e: {  	v2 =	vmul.f32 v2, v39;
	v3 =	vmul.f32 v38, v40;
	_ =	sdelay $0x1  }
0x6f: {  	v2 =	vadd.f32 v3, v2;
	_ =	sdelay $0x1  }
0x70: {  	[tilespmem:s20+$0x18400] =	vst v2  }
0x71: {  	v2 =	vld [tilespmem:s19+$0x8110]  }
0x72: {  	v41 =	vld [tilespmem:s19+$0xC110];
	_ =	sdelay $0x4  }
0x73: {  	v2 =	vmul.f32 v2, v39;
	v3 =	vmul.f32 v41, v40;
	_ =	sdelay $0x1  }
0x74: {  	v2 =	vadd.f32 v3, v2;
	_ =	sdelay $0x1  }
0x75: {  	[tilespmem:s20+$0x18410] =	vst v2  }
0x76: {  	v2 =	vld [tilespmem:s19+$0x8120]  }
0x77: {  	v42 =	vld [tilespmem:s19+$0xC120];
	_ =	sdelay $0x4  }
0x78: {  	v2 =	vmul.f32 v2, v39;
	v3 =	vmul.f32 v42, v40;
	_ =	sdelay $0x1  }
0x79: {  	v2 =	vadd.f32 v3, v2;
	_ =	sdelay $0x1  }
0x7a: {  	[tilespmem:s20+$0x18420] =	vst v2  }
0x7b: {  	v2 =	vld [tilespmem:s19+$0x8130]  }
0x7c: {  	v43 =	vld [tilespmem:s19+$0xC130];
	_ =	sdelay $0x4  }
0x7d: {  	v2 =	vmul.f32 v2, v39;
	v3 =	vmul.f32 v43, v40;
	_ =	sdelay $0x1  }
0x7e: {  	v2 =	vadd.f32 v3, v2;
	_ =	sdelay $0x1  }
0x7f: {  	[tilespmem:s20+$0x18430] =	vst v2  }
0x80: {  	v2 =	vld [tilespmem:s19+$0x8180]  }
0x81: {  	v44 =	vld [tilespmem:s19+$0xC180];
	_ =	sdelay $0x2  }
0x82: {  	v45 =	vbroadcast v0, $0x3;
	v46 =	vbroadcast v1, $0x3;
	_ =	sdelay $0x1  }
0x83: {  	v2 =	vmul.f32 v2, v45;
	v3 =	vmul.f32 v44, v46;
	_ =	sdelay $0x1  }
0x84: {  	v2 =	vadd.f32 v3, v2;
	_ =	sdelay $0x1  }
0x85: {  	[tilespmem:s20+$0x18440] =	vst v2  }
0x86: {  	v2 =	vld [tilespmem:s19+$0x8190]  }
0x87: {  	v47 =	vld [tilespmem:s19+$0xC190];
	_ =	sdelay $0x4  }
0x88: {  	v2 =	vmul.f32 v2, v45;
	v3 =	vmul.f32 v47, v46;
	_ =	sdelay $0x1  }
0x89: {  	v2 =	vadd.f32 v3, v2;
	_ =	sdelay $0x1  }
0x8a: {  	[tilespmem:s20+$0x18450] =	vst v2  }
0x8b: {  	v2 =	vld [tilespmem:s19+$0x81A0]  }
0x8c: {  	v48 =	vld [tilespmem:s19+$0xC1A0];
	_ =	sdelay $0x4  }
0x8d: {  	v2 =	vmul.f32 v2, v45;
	v3 =	vmul.f32 v48, v46;
	_ =	sdelay $0x1  }
0x8e: {  	v2 =	vadd.f32 v3, v2;
	_ =	sdelay $0x1  }
0x8f: {  	[tilespmem:s20+$0x18460] =	vst v2  }
0x90: {  	v2 =	vld [tilespmem:s19+$0x81B0]  }
0x91: {  	v49 =	vld [tilespmem:s19+$0xC1B0];
	_ =	sdelay $0x4  }
0x92: {  	v2 =	vmul.f32 v2, v45;
	v3 =	vmul.f32 v49, v46;
	_ =	sdelay $0x1  }
0x93: {  	v2 =	vadd.f32 v3, v2;
	_ =	sdelay $0x1  }
0x94: {  	[tilespmem:s20+$0x18470] =	vst v2  }
0x95: {  	v2 =	vld [tilespmem:s19+$0x8200]  }
0x96: {  	v50 =	vld [tilespmem:s19+$0xC200];
	_ =	sdelay $0x2  }
0x97: {  	v51 =	vbroadcast v0, $0x4;
	v52 =	vbroadcast v1, $0x4;
	_ =	sdelay $0x1  }
0x98: {  	v2 =	vmul.f32 v2, v51;
	v3 =	vmul.f32 v50, v52;
	_ =	sdelay $0x1  }
0x99: {  	v2 =	vadd.f32 v3, v2;
	_ =	sdelay $0x1  }
0x9a: {  	[tilespmem:s20+$0x18800] =	vst v2  }
0x9b: {  	v2 =	vld [tilespmem:s19+$0x8210]  }
0x9c: {  	v53 =	vld [tilespmem:s19+$0xC210];
	_ =	sdelay $0x4  }
0x9d: {  	v2 =	vmul.f32 v2, v51;
	v3 =	vmul.f32 v53, v52;
	_ =	sdelay $0x1  }
0x9e: {  	v2 =	vadd.f32 v3, v2;
	_ =	sdelay $0x1  }
0x9f: {  	[tilespmem:s20+$0x18810] =	vst v2  }
0xa0: {  	v2 =	vld [tilespmem:s19+$0x8220]  }
0xa1: {  	v54 =	vld [tilespmem:s19+$0xC220];
	_ =	sdelay $0x4  }
0xa2: {  	v2 =	vmul.f32 v2, v51;
	v3 =	vmul.f32 v54, v52;
	_ =	sdelay $0x1  }
0xa3: {  	v2 =	vadd.f32 v3, v2;
	_ =	sdelay $0x1  }
0xa4: {  	[tilespmem:s20+$0x18820] =	vst v2  }
0xa5: {  	v2 =	vld [tilespmem:s19+$0x8230]  }
0xa6: {  	v55 =	vld [tilespmem:s19+$0xC230];
	_ =	sdelay $0x4  }
0xa7: {  	v2 =	vmul.f32 v2, v51;
	v3 =	vmul.f32 v55, v52;
	_ =	sdelay $0x1  }
0xa8: {  	v2 =	vadd.f32 v3, v2;
	_ =	sdelay $0x1  }
0xa9: {  	[tilespmem:s20+$0x18830] =	vst v2  }
0xaa: {  	v2 =	vld [tilespmem:s19+$0x8280]  }
0xab: {  	v56 =	vld [tilespmem:s19+$0xC280];
	_ =	sdelay $0x2  }
0xac: {  	v57 =	vbroadcast v0, $0x5;
	v58 =	vbroadcast v1, $0x5;
	_ =	sdelay $0x1  }
0xad: {  	v2 =	vmul.f32 v2, v57;
	v3 =	vmul.f32 v56, v58;
	_ =	sdelay $0x1  }
0xae: {  	v2 =	vadd.f32 v3, v2;
	_ =	sdelay $0x1  }
0xaf: {  	[tilespmem:s20+$0x18840] =	vst v2  }
0xb0: {  	v2 =	vld [tilespmem:s19+$0x8290]  }
0xb1: {  	v59 =	vld [tilespmem:s19+$0xC290];
	_ =	sdelay $0x4  }
0xb2: {  	v2 =	vmul.f32 v2, v57;
	v3 =	vmul.f32 v59, v58;
	_ =	sdelay $0x1  }
0xb3: {  	v2 =	vadd.f32 v3, v2;
	_ =	sdelay $0x1  }
0xb4: {  	[tilespmem:s20+$0x18850] =	vst v2  }
0xb5: {  	v2 =	vld [tilespmem:s19+$0x82A0]  }
0xb6: {  	v60 =	vld [tilespmem:s19+$0xC2A0];
	_ =	sdelay $0x4  }
0xb7: {  	v2 =	vmul.f32 v2, v57;
	v3 =	vmul.f32 v60, v58;
	_ =	sdelay $0x1  }
0xb8: {  	v2 =	vadd.f32 v3, v2;
	_ =	sdelay $0x1  }
0xb9: {  	[tilespmem:s20+$0x18860] =	vst v2  }
0xba: {  	v2 =	vld [tilespmem:s19+$0x82B0]  }
0xbb: {  	v61 =	vld [tilespmem:s19+$0xC2B0];
	_ =	sdelay $0x4  }
0xbc: {  	v2 =	vmul.f32 v2, v57;
	v3 =	vmul.f32 v61, v58;
	_ =	sdelay $0x1  }
0xbd: {  	v2 =	vadd.f32 v3, v2;
	_ =	sdelay $0x1  }
0xbe: {  	[tilespmem:s20+$0x18870] =	vst v2  }
0xbf: {  	v2 =	vld [tilespmem:s19+$0x8300]  }
0xc0: {  	v62 =	vld [tilespmem:s19+$0xC300];
	_ =	sdelay $0x2  }
0xc1: {  	v63 =	vbroadcast v0, $0x6;
	v8 =	vbroadcast v1, $0x6;
	_ =	sdelay $0x1  }
0xc2: {  	s9 =	sand.u32 $0x3, s7;
	v2 =	vmul.f32 v2, v63;
	v3 =	vmul.f32 v62, v8  }
0xc3: {  	s8 =	sshll.u32 s9, $0x8  }
0xc4: {  	s8 =	sadd.s32 s8, s16;
	v2 =	vadd.f32 v3, v2  }
0xc5: {  	s9 =	sor.u32 $0xC00, s8  }
0xc6: {  	[tilespmem:s9+$0x18000] =	vst v2  }
0xc7: {  	v2 =	vld [tilespmem:s19+$0x8310]  }
0xc8: {  	v9 =	vld [tilespmem:s19+$0xC310];
	_ =	sdelay $0x4  }
0xc9: {  	v2 =	vmul.f32 v2, v63;
	v3 =	vmul.f32 v9, v8;
	_ =	sdelay $0x1  }
0xca: {  	v2 =	vadd.f32 v3, v2  }
0xcb: {  	s9 =	sor.u32 $0xC10, s8  }
0xcc: {  	[tilespmem:s9+$0x18000] =	vst v2  }
0xcd: {  	v2 =	vld [tilespmem:s19+$0x8320]  }
0xce: {  	v10 =	vld [tilespmem:s19+$0xC320];
	_ =	sdelay $0x4  }
0xcf: {  	v2 =	vmul.f32 v2, v63;
	v3 =	vmul.f32 v10, v8;
	_ =	sdelay $0x1  }
0xd0: {  	v2 =	vadd.f32 v3, v2  }
0xd1: {  	s9 =	sor.u32 $0xC20, s8  }
0xd2: {  	[tilespmem:s9+$0x18000] =	vst v2  }
0xd3: {  	v2 =	vld [tilespmem:s19+$0x8330]  }
0xd4: {  	v11 =	vld [tilespmem:s19+$0xC330];
	_ =	sdelay $0x4  }
0xd5: {  	v2 =	vmul.f32 v2, v63;
	v3 =	vmul.f32 v11, v8;
	_ =	sdelay $0x1  }
0xd6: {  	v2 =	vadd.f32 v3, v2  }
0xd7: {  	s9 =	sor.u32 $0xC30, s8  }
0xd8: {  	[tilespmem:s9+$0x18000] =	vst v2  }
0xd9: {  	v2 =	vld [tilespmem:s19+$0x8380]  }
0xda: {  	v12 =	vld [tilespmem:s19+$0xC380];
	_ =	sdelay $0x2  }
0xdb: {  	v13 =	vbroadcast v0, $0x7;
	v14 =	vbroadcast v1, $0x7;
	_ =	sdelay $0x1  }
0xdc: {  	v2 =	vmul.f32 v2, v13;
	v3 =	vmul.f32 v12, v14;
	_ =	sdelay $0x1  }
0xdd: {  	v2 =	vadd.f32 v3, v2  }
0xde: {  	s9 =	sor.u32 $0xC40, s8  }
0xdf: {  	[tilespmem:s9+$0x18000] =	vst v2  }
0xe0: {  	v2 =	vld [tilespmem:s19+$0x8390]  }
0xe1: {  	v15 =	vld [tilespmem:s19+$0xC390];
	_ =	sdelay $0x4  }
0xe2: {  	v2 =	vmul.f32 v2, v13;
	v3 =	vmul.f32 v15, v14;
	_ =	sdelay $0x1  }
0xe3: {  	v2 =	vadd.f32 v3, v2  }
0xe4: {  	s9 =	sor.u32 $0xC50, s8  }
0xe5: {  	[tilespmem:s9+$0x18000] =	vst v2  }
0xe6: {  	v2 =	vld [tilespmem:s19+$0x83A0]  }
0xe7: {  	v16 =	vld [tilespmem:s19+$0xC3A0];
	_ =	sdelay $0x4  }
0xe8: {  	v2 =	vmul.f32 v2, v13;
	v3 =	vmul.f32 v16, v14;
	_ =	sdelay $0x1  }
0xe9: {  	v2 =	vadd.f32 v3, v2  }
0xea: {  	s9 =	sor.u32 $0xC60, s8  }
0xeb: {  	[tilespmem:s9+$0x18000] =	vst v2  }
0xec: {  	v2 =	vld [tilespmem:s19+$0x83B0]  }
0xed: {  	v17 =	vld [tilespmem:s19+$0xC3B0];
	_ =	sdelay $0x4  }
0xee: {  	v2 =	vmul.f32 v2, v13;
	v3 =	vmul.f32 v17, v14;
	_ =	sdelay $0x1  }
0xef: {  	v2 =	vadd.f32 v3, v2  }
0xf0: {  	s9 =	sor.u32 $0xC70, s8  }
0xf1: {  	[tilespmem:s9+$0x18000] =	vst v2  }
0xf2: {  	v2 =	vld [tilespmem:s19+$0x8400]  }
0xf3: {  	v18 =	vld [tilespmem:s19+$0xC400];
	_ =	sdelay $0x2  }
0xf4: {  	v19 =	vbroadcast v0, $0x8;
	v20 =	vbroadcast v1, $0x8;
	_ =	sdelay $0x1  }
0xf5: {  	v2 =	vmul.f32 v2, v19;
	v3 =	vmul.f32 v18, v20;
	_ =	sdelay $0x1  }
0xf6: {  	v2 =	vadd.f32 v3, v2;
	_ =	sdelay $0x1  }
0xf7: {  	[tilespmem:s20+$0x18080] =	vst v2  }
0xf8: {  	v2 =	vld [tilespmem:s19+$0x8410]  }
0xf9: {  	v21 =	vld [tilespmem:s19+$0xC410];
	_ =	sdelay $0x4  }
0xfa: {  	v2 =	vmul.f32 v2, v19;
	v3 =	vmul.f32 v21, v20;
	_ =	sdelay $0x1  }
0xfb: {  	v2 =	vadd.f32 v3, v2;
	_ =	sdelay $0x1  }
0xfc: {  	[tilespmem:s20+$0x18090] =	vst v2  }
0xfd: {  	v2 =	vld [tilespmem:s19+$0x8420]  }
0xfe: {  	v22 =	vld [tilespmem:s19+$0xC420];
	_ =	sdelay $0x4  }
0xff: {  	v2 =	vmul.f32 v2, v19;
	v3 =	vmul.f32 v22, v20;
	_ =	sdelay $0x1  }
0x100: {  	v2 =	vadd.f32 v3, v2;
	_ =	sdelay $0x1  }
0x101: {  	[tilespmem:s20+$0x180A0] =	vst v2  }
0x102: {  	v2 =	vld [tilespmem:s19+$0x8430]  }
0x103: {  	v23 =	vld [tilespmem:s19+$0xC430];
	_ =	sdelay $0x4  }
0x104: {  	v2 =	vmul.f32 v2, v19;
	v3 =	vmul.f32 v23, v20;
	_ =	sdelay $0x1  }
0x105: {  	v2 =	vadd.f32 v3, v2;
	_ =	sdelay $0x1  }
0x106: {  	[tilespmem:s20+$0x180B0] =	vst v2  }
0x107: {  	v2 =	vld [tilespmem:s19+$0x8480]  }
0x108: {  	v24 =	vld [tilespmem:s19+$0xC480];
	_ =	sdelay $0x2  }
0x109: {  	v25 =	vbroadcast v0, $0x9;
	v26 =	vbroadcast v1, $0x9;
	_ =	sdelay $0x1  }
0x10a: {  	v2 =	vmul.f32 v2, v25;
	v3 =	vmul.f32 v24, v26;
	_ =	sdelay $0x1  }
0x10b: {  	v2 =	vadd.f32 v3, v2;
	_ =	sdelay $0x1  }
0x10c: {  	[tilespmem:s20+$0x180C0] =	vst v2  }
0x10d: {  	v2 =	vld [tilespmem:s19+$0x8490]  }
0x10e: {  	v27 =	vld [tilespmem:s19+$0xC490];
	_ =	sdelay $0x4  }
0x10f: {  	v2 =	vmul.f32 v2, v25;
	v3 =	vmul.f32 v27, v26;
	_ =	sdelay $0x1  }
0x110: {  	v2 =	vadd.f32 v3, v2;
	_ =	sdelay $0x1  }
0x111: {  	[tilespmem:s20+$0x180D0] =	vst v2  }
0x112: {  	v2 =	vld [tilespmem:s19+$0x84A0]  }
0x113: {  	v28 =	vld [tilespmem:s19+$0xC4A0];
	_ =	sdelay $0x4  }
0x114: {  	v2 =	vmul.f32 v2, v25;
	v3 =	vmul.f32 v28, v26;
	_ =	sdelay $0x1  }
0x115: {  	v2 =	vadd.f32 v3, v2;
	_ =	sdelay $0x1  }
0x116: {  	[tilespmem:s20+$0x180E0] =	vst v2  }
0x117: {  	v2 =	vld [tilespmem:s19+$0x84B0]  }
0x118: {  	v29 =	vld [tilespmem:s19+$0xC4B0];
	_ =	sdelay $0x4  }
0x119: {  	v2 =	vmul.f32 v2, v25;
	v3 =	vmul.f32 v29, v26;
	_ =	sdelay $0x1  }
0x11a: {  	v2 =	vadd.f32 v3, v2;
	_ =	sdelay $0x1  }
0x11b: {  	[tilespmem:s20+$0x180F0] =	vst v2  }
0x11c: {  	v2 =	vld [tilespmem:s19+$0x8500]  }
0x11d: {  	v30 =	vld [tilespmem:s19+$0xC500];
	_ =	sdelay $0x2  }
0x11e: {  	v31 =	vbroadcast v0, $0xA;
	v32 =	vbroadcast v1, $0xA;
	_ =	sdelay $0x1  }
0x11f: {  	v2 =	vmul.f32 v2, v31;
	v3 =	vmul.f32 v30, v32;
	_ =	sdelay $0x1  }
0x120: {  	v2 =	vadd.f32 v3, v2;
	_ =	sdelay $0x1  }
0x121: {  	[tilespmem:s20+$0x18480] =	vst v2  }
0x122: {  	v2 =	vld [tilespmem:s19+$0x8510]  }
0x123: {  	v33 =	vld [tilespmem:s19+$0xC510];
	_ =	sdelay $0x4  }
0x124: {  	v2 =	vmul.f32 v2, v31;
	v3 =	vmul.f32 v33, v32;
	_ =	sdelay $0x1  }
0x125: {  	v2 =	vadd.f32 v3, v2;
	_ =	sdelay $0x1  }
0x126: {  	[tilespmem:s20+$0x18490] =	vst v2  }
0x127: {  	v2 =	vld [tilespmem:s19+$0x8520]  }
0x128: {  	v34 =	vld [tilespmem:s19+$0xC520];
	_ =	sdelay $0x4  }
0x129: {  	v2 =	vmul.f32 v2, v31;
	v3 =	vmul.f32 v34, v32;
	_ =	sdelay $0x1  }
0x12a: {  	v2 =	vadd.f32 v3, v2;
	_ =	sdelay $0x1  }
0x12b: {  	[tilespmem:s20+$0x184A0] =	vst v2  }
0x12c: {  	v2 =	vld [tilespmem:s19+$0x8530]  }
0x12d: {  	v35 =	vld [tilespmem:s19+$0xC530];
	_ =	sdelay $0x4  }
0x12e: {  	v2 =	vmul.f32 v2, v31;
	v3 =	vmul.f32 v35, v32;
	_ =	sdelay $0x1  }
0x12f: {  	v2 =	vadd.f32 v3, v2;
	_ =	sdelay $0x1  }
0x130: {  	[tilespmem:s20+$0x184B0] =	vst v2  }
0x131: {  	v2 =	vld [tilespmem:s19+$0x8580]  }
0x132: {  	v36 =	vld [tilespmem:s19+$0xC580];
	_ =	sdelay $0x2  }
0x133: {  	v37 =	vbroadcast v0, $0xB;
	v38 =	vbroadcast v1, $0xB;
	_ =	sdelay $0x1  }
0x134: {  	v2 =	vmul.f32 v2, v37;
	v3 =	vmul.f32 v36, v38;
	_ =	sdelay $0x1  }
0x135: {  	v2 =	vadd.f32 v3, v2;
	_ =	sdelay $0x1  }
0x136: {  	[tilespmem:s20+$0x184C0] =	vst v2  }
0x137: {  	v2 =	vld [tilespmem:s19+$0x8590]  }
0x138: {  	v39 =	vld [tilespmem:s19+$0xC590];
	_ =	sdelay $0x4  }
0x139: {  	v2 =	vmul.f32 v2, v37;
	v3 =	vmul.f32 v39, v38;
	_ =	sdelay $0x1  }
0x13a: {  	v2 =	vadd.f32 v3, v2;
	_ =	sdelay $0x1  }
0x13b: {  	[tilespmem:s20+$0x184D0] =	vst v2  }
0x13c: {  	v2 =	vld [tilespmem:s19+$0x85A0]  }
0x13d: {  	v40 =	vld [tilespmem:s19+$0xC5A0];
	_ =	sdelay $0x4  }
0x13e: {  	v2 =	vmul.f32 v2, v37;
	v3 =	vmul.f32 v40, v38;
	_ =	sdelay $0x1  }
0x13f: {  	v2 =	vadd.f32 v3, v2;
	_ =	sdelay $0x1  }
0x140: {  	[tilespmem:s20+$0x184E0] =	vst v2  }
0x141: {  	v2 =	vld [tilespmem:s19+$0x85B0]  }
0x142: {  	v41 =	vld [tilespmem:s19+$0xC5B0];
	_ =	sdelay $0x4  }
0x143: {  	v2 =	vmul.f32 v2, v37;
	v3 =	vmul.f32 v41, v38;
	_ =	sdelay $0x1  }
0x144: {  	v2 =	vadd.f32 v3, v2;
	_ =	sdelay $0x1  }
0x145: {  	[tilespmem:s20+$0x184F0] =	vst v2  }
0x146: {  	v2 =	vld [tilespmem:s19+$0x8600]  }
0x147: {  	v42 =	vld [tilespmem:s19+$0xC600];
	_ =	sdelay $0x2  }
0x148: {  	v43 =	vbroadcast v0, $0xC;
	v44 =	vbroadcast v1, $0xC;
	_ =	sdelay $0x1  }
0x149: {  	v2 =	vmul.f32 v2, v43;
	v3 =	vmul.f32 v42, v44;
	_ =	sdelay $0x1  }
0x14a: {  	v2 =	vadd.f32 v3, v2;
	_ =	sdelay $0x1  }
0x14b: {  	[tilespmem:s20+$0x18880] =	vst v2  }
0x14c: {  	v2 =	vld [tilespmem:s19+$0x8610]  }
0x14d: {  	v45 =	vld [tilespmem:s19+$0xC610];
	_ =	sdelay $0x4  }
0x14e: {  	v2 =	vmul.f32 v2, v43;
	v3 =	vmul.f32 v45, v44;
	_ =	sdelay $0x1  }
0x14f: {  	v2 =	vadd.f32 v3, v2;
	_ =	sdelay $0x1  }
0x150: {  	[tilespmem:s20+$0x18890] =	vst v2  }
0x151: {  	v2 =	vld [tilespmem:s19+$0x8620]  }
0x152: {  	v46 =	vld [tilespmem:s19+$0xC620];
	_ =	sdelay $0x4  }
0x153: {  	v2 =	vmul.f32 v2, v43;
	v3 =	vmul.f32 v46, v44;
	_ =	sdelay $0x1  }
0x154: {  	v2 =	vadd.f32 v3, v2;
	_ =	sdelay $0x1  }
0x155: {  	[tilespmem:s20+$0x188A0] =	vst v2  }
0x156: {  	v2 =	vld [tilespmem:s19+$0x8630]  }
0x157: {  	v47 =	vld [tilespmem:s19+$0xC630];
	_ =	sdelay $0x4  }
0x158: {  	v2 =	vmul.f32 v2, v43;
	v3 =	vmul.f32 v47, v44;
	_ =	sdelay $0x1  }
0x159: {  	v2 =	vadd.f32 v3, v2;
	_ =	sdelay $0x1  }
0x15a: {  	[tilespmem:s20+$0x188B0] =	vst v2  }
0x15b: {  	v2 =	vld [tilespmem:s19+$0x8680]  }
0x15c: {  	v48 =	vld [tilespmem:s19+$0xC680];
	_ =	sdelay $0x2  }
0x15d: {  	v49 =	vbroadcast v0, $0xD;
	v50 =	vbroadcast v1, $0xD;
	_ =	sdelay $0x1  }
0x15e: {  	v2 =	vmul.f32 v2, v49;
	v3 =	vmul.f32 v48, v50;
	_ =	sdelay $0x1  }
0x15f: {  	v2 =	vadd.f32 v3, v2;
	_ =	sdelay $0x1  }
0x160: {  	[tilespmem:s20+$0x188C0] =	vst v2  }
0x161: {  	v2 =	vld [tilespmem:s19+$0x8690]  }
0x162: {  	v51 =	vld [tilespmem:s19+$0xC690];
	_ =	sdelay $0x4  }
0x163: {  	v2 =	vmul.f32 v2, v49;
	v3 =	vmul.f32 v51, v50;
	_ =	sdelay $0x1  }
0x164: {  	v2 =	vadd.f32 v3, v2;
	_ =	sdelay $0x1  }
0x165: {  	[tilespmem:s20+$0x188D0] =	vst v2  }
0x166: {  	v2 =	vld [tilespmem:s19+$0x86A0]  }
0x167: {  	v52 =	vld [tilespmem:s19+$0xC6A0];
	_ =	sdelay $0x4  }
0x168: {  	v2 =	vmul.f32 v2, v49;
	v3 =	vmul.f32 v52, v50;
	_ =	sdelay $0x1  }
0x169: {  	v2 =	vadd.f32 v3, v2;
	_ =	sdelay $0x1  }
0x16a: {  	[tilespmem:s20+$0x188E0] =	vst v2  }
0x16b: {  	v2 =	vld [tilespmem:s19+$0x86B0]  }
0x16c: {  	v53 =	vld [tilespmem:s19+$0xC6B0];
	_ =	sdelay $0x4  }
0x16d: {  	v2 =	vmul.f32 v2, v49;
	v3 =	vmul.f32 v53, v50;
	_ =	sdelay $0x1  }
0x16e: {  	v2 =	vadd.f32 v3, v2;
	_ =	sdelay $0x1  }
0x16f: {  	[tilespmem:s20+$0x188F0] =	vst v2  }
0x170: {  	v2 =	vld [tilespmem:s19+$0x8700]  }
0x171: {  	v54 =	vld [tilespmem:s19+$0xC700];
	_ =	sdelay $0x2  }
0x172: {  	v55 =	vbroadcast v0, $0xE;
	v56 =	vbroadcast v1, $0xE;
	_ =	sdelay $0x1  }
0x173: {  	v2 =	vmul.f32 v2, v55;
	v3 =	vmul.f32 v54, v56;
	_ =	sdelay $0x1  }
0x174: {  	s8 =	sadd.s32 $0x80, s8;
	v2 =	vadd.f32 v3, v2  }
0x175: {  	s20 =	sor.u32 $0xC00, s8  }
0x176: {  	[tilespmem:s20+$0x18000] =	vst v2  }
0x177: {  	v2 =	vld [tilespmem:s19+$0x8710]  }
0x178: {  	v57 =	vld [tilespmem:s19+$0xC710];
	_ =	sdelay $0x4  }
0x179: {  	v2 =	vmul.f32 v2, v55;
	v3 =	vmul.f32 v57, v56;
	_ =	sdelay $0x1  }
0x17a: {  	v2 =	vadd.f32 v3, v2  }
0x17b: {  	s20 =	sor.u32 $0xC10, s8  }
0x17c: {  	[tilespmem:s20+$0x18000] =	vst v2  }
0x17d: {  	v2 =	vld [tilespmem:s19+$0x8720]  }
0x17e: {  	v58 =	vld [tilespmem:s19+$0xC720];
	_ =	sdelay $0x4  }
0x17f: {  	v2 =	vmul.f32 v2, v55;
	v3 =	vmul.f32 v58, v56;
	_ =	sdelay $0x1  }
0x180: {  	v2 =	vadd.f32 v3, v2  }
0x181: {  	s20 =	sor.u32 $0xC20, s8  }
0x182: {  	[tilespmem:s20+$0x18000] =	vst v2  }
0x183: {  	v2 =	vld [tilespmem:s19+$0x8730]  }
0x184: {  	v59 =	vld [tilespmem:s19+$0xC730];
	_ =	sdelay $0x4  }
0x185: {  	v2 =	vmul.f32 v2, v55;
	v3 =	vmul.f32 v59, v56;
	_ =	sdelay $0x1  }
0x186: {  	v2 =	vadd.f32 v3, v2  }
0x187: {  	s20 =	sor.u32 $0xC30, s8  }
0x188: {  	[tilespmem:s20+$0x18000] =	vst v2  }
0x189: {  	v2 =	vld [tilespmem:s19+$0x8780]  }
0x18a: {  	v60 =	vld [tilespmem:s19+$0xC780];
	_ =	sdelay $0x2  }
0x18b: {  	v0 =	vbroadcast v0, $0xF;
	v1 =	vbroadcast v1, $0xF;
	_ =	sdelay $0x1  }
0x18c: {  	v2 =	vmul.f32 v2, v0;
	v3 =	vmul.f32 v60, v1;
	_ =	sdelay $0x1  }
0x18d: {  	v2 =	vadd.f32 v3, v2  }
0x18e: {  	s20 =	sor.u32 $0xC40, s8  }
0x18f: {  	[tilespmem:s20+$0x18000] =	vst v2  }
0x190: {  	v2 =	vld [tilespmem:s19+$0x8790]  }
0x191: {  	v61 =	vld [tilespmem:s19+$0xC790];
	_ =	sdelay $0x4  }
0x192: {  	v2 =	vmul.f32 v2, v0;
	v3 =	vmul.f32 v61, v1;
	_ =	sdelay $0x1  }
0x193: {  	v2 =	vadd.f32 v3, v2  }
0x194: {  	s20 =	sor.u32 $0xC50, s8  }
0x195: {  	[tilespmem:s20+$0x18000] =	vst v2  }
0x196: {  	v2 =	vld [tilespmem:s19+$0x87A0]  }
0x197: {  	v62 =	vld [tilespmem:s19+$0xC7A0];
	_ =	sdelay $0x4  }
0x198: {  	v2 =	vmul.f32 v2, v0;
	v3 =	vmul.f32 v62, v1;
	_ =	sdelay $0x1  }
0x199: {  	v2 =	vadd.f32 v3, v2  }
0x19a: {  	s20 =	sor.u32 $0xC60, s8  }
0x19b: {  	[tilespmem:s20+$0x18000] =	vst v2  }
0x19c: {  	v2 =	vld [tilespmem:s19+$0x87B0]  }
0x19d: {  	v63 =	vld [tilespmem:s19+$0xC7B0];
	_ =	sdelay $0x3  }
0x19e: {  	p0 =	sne.s32 s18, $0xE000  }
.Ltmp0:
0x19f: {  	v0 =	vmul.f32 v2, v0;
	v1 =	vmul.f32 v63, v1;
	(pc) =	sbr.rel @p0 .LBB2_3-.Ltmp0, $4  }
0x1a0: {  	_ = 	snop  }
0x1a1: {  	v0 =	vadd.f32 v1, v0  }
0x1a2: {  	s7 =	sadd.s32 $0x1, s7;
	s0 =	sadd.s32 $0x100, s0;
	s8 =	sor.u32 $0xC70, s8  }
0x1a3: {  	s6 =	sadd.s32 $0x10, s6;
	s18 =	sadd.s32 $0x2000, s18;
	s16 =	sadd.s32 $0x400, s16;
	[tilespmem:s8+$0x18000] =	vst v0  }
0x1a4: {  	_ =	swait.ge [sflag:s28], $0x4000  }
0x1a5: {  	[sflag:s28] =	ssyncset.done $0x0  }
0x1a6: {  	[sflag:s28] =	ssyncadd.s32 $0xFFFFC000  }
0x1a7: {  	s16 =	simm.s32 $0x0;
	_ =	swait.ge [sflag:s28], $0x4000  }
0x1a8: {  	s0 =	smov.u32 s17;
	s18 =	simm.s32 $0x0;
	[sflag:s28] =	ssyncset.done $0x0  }
0x1a9: {  	s19 =	simm.s32 $0x0;
	s20 =	simm.s32 $0x0;
	[sflag:s28] =	ssyncadd.s32 $0xFFFFC000  }
.LBB2_5:
0x1aa: {  	v1 =	vld [tilespmem:s0+$0xFFFFF000]  }
0x1ab: {  	v0 =	vld [tilespmem:s0+$0x0];
	s6 =	sshra.s32 s20, $0x2  }
0x1ac: {  	s7 =	sand.u32 $0x1000, s19;
	s8 =	sand.u32 $0x300, s16;
	v2 =	vld [tilespmem:s6+$0x10000]  }
0x1ad: {  	s7 =	sor.u32 s8, s7;
	v4 =	vld [tilespmem:s6+$0x14000]  }
0x1ae: {  	v3 =	vld [tilespmem:s7+$0x18000]  }
0x1af: {  	v5 =	vbroadcast v1, $0x0;
	_ =	sdelay $0x1  }
0x1b0: {  	v6 =	vbroadcast v0, $0x0;
	v2 =	vmul.f32 v2, v5;
	_ =	sdelay $0x1  }
0x1b1: {  	v16 =	vmul.f32 v4, v6;
	v2 =	vadd.f32 v2, v3;
	_ =	sdelay $0x1  }
0x1b2: {  	v2 =	vadd.f32 v16, v2;
	_ =	sdelay $0x1  }
0x1b3: {  	[tilespmem:s7+$0x18000] =	vst v2  }
0x1b4: {  	v2 =	vld [tilespmem:s6+$0x10010]  }
0x1b5: {  	v17 =	vld [tilespmem:s7+$0x18010]  }
0x1b6: {  	v18 =	vld [tilespmem:s6+$0x14010];
	_ =	sdelay $0x2  }
0x1b7: {  	v2 =	vmul.f32 v2, v5;
	_ =	sdelay $0x1  }
0x1b8: {  	v19 =	vmul.f32 v18, v6;
	v2 =	vadd.f32 v2, v17;
	_ =	sdelay $0x1  }
0x1b9: {  	v2 =	vadd.f32 v19, v2;
	_ =	sdelay $0x1  }
0x1ba: {  	[tilespmem:s7+$0x18010] =	vst v2  }
0x1bb: {  	v2 =	vld [tilespmem:s6+$0x10020]  }
0x1bc: {  	v20 =	vld [tilespmem:s7+$0x18020]  }
0x1bd: {  	v21 =	vld [tilespmem:s6+$0x14020];
	_ =	sdelay $0x2  }
0x1be: {  	v2 =	vmul.f32 v2, v5;
	_ =	sdelay $0x1  }
0x1bf: {  	v22 =	vmul.f32 v21, v6;
	v2 =	vadd.f32 v2, v20;
	_ =	sdelay $0x1  }
0x1c0: {  	v2 =	vadd.f32 v22, v2;
	_ =	sdelay $0x1  }
0x1c1: {  	[tilespmem:s7+$0x18020] =	vst v2  }
0x1c2: {  	v2 =	vld [tilespmem:s6+$0x10030]  }
0x1c3: {  	v23 =	vld [tilespmem:s7+$0x18030]  }
0x1c4: {  	v24 =	vld [tilespmem:s6+$0x14030];
	_ =	sdelay $0x2  }
0x1c5: {  	v2 =	vmul.f32 v2, v5;
	_ =	sdelay $0x1  }
0x1c6: {  	v25 =	vmul.f32 v24, v6;
	v2 =	vadd.f32 v2, v23;
	_ =	sdelay $0x1  }
0x1c7: {  	v2 =	vadd.f32 v25, v2;
	_ =	sdelay $0x1  }
0x1c8: {  	[tilespmem:s7+$0x18030] =	vst v2  }
0x1c9: {  	v2 =	vld [tilespmem:s6+$0x10080]  }
0x1ca: {  	v26 =	vld [tilespmem:s7+$0x18040]  }
0x1cb: {  	v27 =	vld [tilespmem:s6+$0x14080]  }
0x1cc: {  	v28 =	vbroadcast v1, $0x1;
	_ =	sdelay $0x1  }
0x1cd: {  	v29 =	vbroadcast v0, $0x1;
	v2 =	vmul.f32 v2, v28;
	_ =	sdelay $0x1  }
0x1ce: {  	v30 =	vmul.f32 v27, v29;
	v2 =	vadd.f32 v2, v26;
	_ =	sdelay $0x1  }
0x1cf: {  	v2 =	vadd.f32 v30, v2;
	_ =	sdelay $0x1  }
0x1d0: {  	[tilespmem:s7+$0x18040] =	vst v2  }
0x1d1: {  	v2 =	vld [tilespmem:s6+$0x10090]  }
0x1d2: {  	v31 =	vld [tilespmem:s7+$0x18050]  }
0x1d3: {  	v32 =	vld [tilespmem:s6+$0x14090];
	_ =	sdelay $0x2  }
0x1d4: {  	v2 =	vmul.f32 v2, v28;
	_ =	sdelay $0x1  }
0x1d5: {  	v33 =	vmul.f32 v32, v29;
	v2 =	vadd.f32 v2, v31;
	_ =	sdelay $0x1  }
0x1d6: {  	v2 =	vadd.f32 v33, v2;
	_ =	sdelay $0x1  }
0x1d7: {  	[tilespmem:s7+$0x18050] =	vst v2  }
0x1d8: {  	v2 =	vld [tilespmem:s6+$0x100A0]  }
0x1d9: {  	v34 =	vld [tilespmem:s7+$0x18060]  }
0x1da: {  	v35 =	vld [tilespmem:s6+$0x140A0];
	_ =	sdelay $0x2  }
0x1db: {  	v2 =	vmul.f32 v2, v28;
	_ =	sdelay $0x1  }
0x1dc: {  	v36 =	vmul.f32 v35, v29;
	v2 =	vadd.f32 v2, v34;
	_ =	sdelay $0x1  }
0x1dd: {  	v2 =	vadd.f32 v36, v2;
	_ =	sdelay $0x1  }
0x1de: {  	[tilespmem:s7+$0x18060] =	vst v2  }
0x1df: {  	v2 =	vld [tilespmem:s6+$0x100B0]  }
0x1e0: {  	v37 =	vld [tilespmem:s7+$0x18070]  }
0x1e1: {  	v38 =	vld [tilespmem:s6+$0x140B0];
	_ =	sdelay $0x2  }
0x1e2: {  	v2 =	vmul.f32 v2, v28;
	_ =	sdelay $0x1  }
0x1e3: {  	v39 =	vmul.f32 v38, v29;
	v2 =	vadd.f32 v2, v37;
	_ =	sdelay $0x1  }
0x1e4: {  	v2 =	vadd.f32 v39, v2;
	_ =	sdelay $0x1  }
0x1e5: {  	[tilespmem:s7+$0x18070] =	vst v2  }
0x1e6: {  	v2 =	vld [tilespmem:s6+$0x10100]  }
0x1e7: {  	v40 =	vld [tilespmem:s7+$0x18400]  }
0x1e8: {  	v41 =	vld [tilespmem:s6+$0x14100]  }
0x1e9: {  	v42 =	vbroadcast v1, $0x2;
	_ =	sdelay $0x1  }
0x1ea: {  	v43 =	vbroadcast v0, $0x2;
	v2 =	vmul.f32 v2, v42;
	_ =	sdelay $0x1  }
0x1eb: {  	v44 =	vmul.f32 v41, v43;
	v2 =	vadd.f32 v2, v40;
	_ =	sdelay $0x1  }
0x1ec: {  	v2 =	vadd.f32 v44, v2;
	_ =	sdelay $0x1  }
0x1ed: {  	[tilespmem:s7+$0x18400] =	vst v2  }
0x1ee: {  	v2 =	vld [tilespmem:s6+$0x10110]  }
0x1ef: {  	v45 =	vld [tilespmem:s7+$0x18410]  }
0x1f0: {  	v46 =	vld [tilespmem:s6+$0x14110];
	_ =	sdelay $0x2  }
0x1f1: {  	v2 =	vmul.f32 v2, v42;
	_ =	sdelay $0x1  }
0x1f2: {  	v47 =	vmul.f32 v46, v43;
	v2 =	vadd.f32 v2, v45;
	_ =	sdelay $0x1  }
0x1f3: {  	v2 =	vadd.f32 v47, v2;
	_ =	sdelay $0x1  }
0x1f4: {  	[tilespmem:s7+$0x18410] =	vst v2  }
0x1f5: {  	v2 =	vld [tilespmem:s6+$0x10120]  }
0x1f6: {  	v48 =	vld [tilespmem:s7+$0x18420]  }
0x1f7: {  	v49 =	vld [tilespmem:s6+$0x14120];
	_ =	sdelay $0x2  }
0x1f8: {  	v2 =	vmul.f32 v2, v42;
	_ =	sdelay $0x1  }
0x1f9: {  	v50 =	vmul.f32 v49, v43;
	v2 =	vadd.f32 v2, v48;
	_ =	sdelay $0x1  }
0x1fa: {  	v2 =	vadd.f32 v50, v2;
	_ =	sdelay $0x1  }
0x1fb: {  	[tilespmem:s7+$0x18420] =	vst v2  }
0x1fc: {  	v2 =	vld [tilespmem:s6+$0x10130]  }
0x1fd: {  	v51 =	vld [tilespmem:s7+$0x18430]  }
0x1fe: {  	v52 =	vld [tilespmem:s6+$0x14130];
	_ =	sdelay $0x2  }
0x1ff: {  	v2 =	vmul.f32 v2, v42;
	_ =	sdelay $0x1  }
0x200: {  	v53 =	vmul.f32 v52, v43;
	v2 =	vadd.f32 v2, v51;
	_ =	sdelay $0x1  }
0x201: {  	v2 =	vadd.f32 v53, v2;
	_ =	sdelay $0x1  }
0x202: {  	[tilespmem:s7+$0x18430] =	vst v2  }
0x203: {  	v2 =	vld [tilespmem:s6+$0x10180]  }
0x204: {  	v54 =	vld [tilespmem:s7+$0x18440]  }
0x205: {  	v55 =	vld [tilespmem:s6+$0x14180]  }
0x206: {  	v56 =	vbroadcast v1, $0x3;
	_ =	sdelay $0x1  }
0x207: {  	v57 =	vbroadcast v0, $0x3;
	v2 =	vmul.f32 v2, v56;
	_ =	sdelay $0x1  }
0x208: {  	v58 =	vmul.f32 v55, v57;
	v2 =	vadd.f32 v2, v54;
	_ =	sdelay $0x1  }
0x209: {  	v2 =	vadd.f32 v58, v2;
	_ =	sdelay $0x1  }
0x20a: {  	[tilespmem:s7+$0x18440] =	vst v2  }
0x20b: {  	v2 =	vld [tilespmem:s6+$0x10190]  }
0x20c: {  	v59 =	vld [tilespmem:s7+$0x18450]  }
0x20d: {  	v60 =	vld [tilespmem:s6+$0x14190];
	_ =	sdelay $0x2  }
0x20e: {  	v2 =	vmul.f32 v2, v56;
	_ =	sdelay $0x1  }
0x20f: {  	v61 =	vmul.f32 v60, v57;
	v2 =	vadd.f32 v2, v59;
	_ =	sdelay $0x1  }
0x210: {  	v2 =	vadd.f32 v61, v2;
	_ =	sdelay $0x1  }
0x211: {  	[tilespmem:s7+$0x18450] =	vst v2  }
0x212: {  	v2 =	vld [tilespmem:s6+$0x101A0]  }
0x213: {  	v62 =	vld [tilespmem:s7+$0x18460]  }
0x214: {  	v63 =	vld [tilespmem:s6+$0x141A0];
	_ =	sdelay $0x2  }
0x215: {  	v2 =	vmul.f32 v2, v56;
	_ =	sdelay $0x1  }
0x216: {  	v8 =	vmul.f32 v63, v57;
	v2 =	vadd.f32 v2, v62;
	_ =	sdelay $0x1  }
0x217: {  	v2 =	vadd.f32 v8, v2;
	_ =	sdelay $0x1  }
0x218: {  	[tilespmem:s7+$0x18460] =	vst v2  }
0x219: {  	v2 =	vld [tilespmem:s6+$0x101B0]  }
0x21a: {  	v9 =	vld [tilespmem:s7+$0x18470]  }
0x21b: {  	v10 =	vld [tilespmem:s6+$0x141B0];
	_ =	sdelay $0x2  }
0x21c: {  	v2 =	vmul.f32 v2, v56;
	_ =	sdelay $0x1  }
0x21d: {  	v11 =	vmul.f32 v10, v57;
	v2 =	vadd.f32 v2, v9;
	_ =	sdelay $0x1  }
0x21e: {  	v2 =	vadd.f32 v11, v2;
	_ =	sdelay $0x1  }
0x21f: {  	[tilespmem:s7+$0x18470] =	vst v2  }
0x220: {  	v2 =	vld [tilespmem:s6+$0x10200]  }
0x221: {  	v12 =	vld [tilespmem:s7+$0x18800]  }
0x222: {  	v13 =	vld [tilespmem:s6+$0x14200]  }
0x223: {  	v14 =	vbroadcast v1, $0x4;
	_ =	sdelay $0x1  }
0x224: {  	v15 =	vbroadcast v0, $0x4;
	v2 =	vmul.f32 v2, v14;
	_ =	sdelay $0x1  }
0x225: {  	v16 =	vmul.f32 v13, v15;
	v2 =	vadd.f32 v2, v12;
	_ =	sdelay $0x1  }
0x226: {  	v2 =	vadd.f32 v16, v2;
	_ =	sdelay $0x1  }
0x227: {  	[tilespmem:s7+$0x18800] =	vst v2  }
0x228: {  	v2 =	vld [tilespmem:s6+$0x10210]  }
0x229: {  	v17 =	vld [tilespmem:s7+$0x18810]  }
0x22a: {  	v18 =	vld [tilespmem:s6+$0x14210];
	_ =	sdelay $0x2  }
0x22b: {  	v2 =	vmul.f32 v2, v14;
	_ =	sdelay $0x1  }
0x22c: {  	v19 =	vmul.f32 v18, v15;
	v2 =	vadd.f32 v2, v17;
	_ =	sdelay $0x1  }
0x22d: {  	v2 =	vadd.f32 v19, v2;
	_ =	sdelay $0x1  }
0x22e: {  	[tilespmem:s7+$0x18810] =	vst v2  }
0x22f: {  	v2 =	vld [tilespmem:s6+$0x10220]  }
0x230: {  	v20 =	vld [tilespmem:s7+$0x18820]  }
0x231: {  	v21 =	vld [tilespmem:s6+$0x14220];
	_ =	sdelay $0x2  }
0x232: {  	v2 =	vmul.f32 v2, v14;
	_ =	sdelay $0x1  }
0x233: {  	v22 =	vmul.f32 v21, v15;
	v2 =	vadd.f32 v2, v20;
	_ =	sdelay $0x1  }
0x234: {  	v2 =	vadd.f32 v22, v2;
	_ =	sdelay $0x1  }
0x235: {  	[tilespmem:s7+$0x18820] =	vst v2  }
0x236: {  	v2 =	vld [tilespmem:s6+$0x10230]  }
0x237: {  	v23 =	vld [tilespmem:s7+$0x18830]  }
0x238: {  	v24 =	vld [tilespmem:s6+$0x14230];
	_ =	sdelay $0x2  }
0x239: {  	v2 =	vmul.f32 v2, v14;
	_ =	sdelay $0x1  }
0x23a: {  	v25 =	vmul.f32 v24, v15;
	v2 =	vadd.f32 v2, v23;
	_ =	sdelay $0x1  }
0x23b: {  	v2 =	vadd.f32 v25, v2;
	_ =	sdelay $0x1  }
0x23c: {  	[tilespmem:s7+$0x18830] =	vst v2  }
0x23d: {  	v2 =	vld [tilespmem:s6+$0x10280]  }
0x23e: {  	v26 =	vld [tilespmem:s7+$0x18840]  }
0x23f: {  	v27 =	vld [tilespmem:s6+$0x14280]  }
0x240: {  	v28 =	vbroadcast v1, $0x5;
	_ =	sdelay $0x1  }
0x241: {  	v29 =	vbroadcast v0, $0x5;
	v2 =	vmul.f32 v2, v28;
	_ =	sdelay $0x1  }
0x242: {  	v30 =	vmul.f32 v27, v29;
	v2 =	vadd.f32 v2, v26;
	_ =	sdelay $0x1  }
0x243: {  	v2 =	vadd.f32 v30, v2;
	_ =	sdelay $0x1  }
0x244: {  	[tilespmem:s7+$0x18840] =	vst v2  }
0x245: {  	v2 =	vld [tilespmem:s6+$0x10290]  }
0x246: {  	v31 =	vld [tilespmem:s7+$0x18850]  }
0x247: {  	v32 =	vld [tilespmem:s6+$0x14290];
	_ =	sdelay $0x2  }
0x248: {  	v2 =	vmul.f32 v2, v28;
	_ =	sdelay $0x1  }
0x249: {  	v33 =	vmul.f32 v32, v29;
	v2 =	vadd.f32 v2, v31;
	_ =	sdelay $0x1  }
0x24a: {  	v2 =	vadd.f32 v33, v2;
	_ =	sdelay $0x1  }
0x24b: {  	[tilespmem:s7+$0x18850] =	vst v2  }
0x24c: {  	v2 =	vld [tilespmem:s6+$0x102A0]  }
0x24d: {  	v34 =	vld [tilespmem:s7+$0x18860]  }
0x24e: {  	v35 =	vld [tilespmem:s6+$0x142A0];
	_ =	sdelay $0x2  }
0x24f: {  	v2 =	vmul.f32 v2, v28;
	_ =	sdelay $0x1  }
0x250: {  	v36 =	vmul.f32 v35, v29;
	v2 =	vadd.f32 v2, v34;
	_ =	sdelay $0x1  }
0x251: {  	v2 =	vadd.f32 v36, v2;
	_ =	sdelay $0x1  }
0x252: {  	[tilespmem:s7+$0x18860] =	vst v2  }
0x253: {  	v2 =	vld [tilespmem:s6+$0x102B0]  }
0x254: {  	v37 =	vld [tilespmem:s7+$0x18870]  }
0x255: {  	v38 =	vld [tilespmem:s6+$0x142B0];
	_ =	sdelay $0x2  }
0x256: {  	v2 =	vmul.f32 v2, v28;
	_ =	sdelay $0x1  }
0x257: {  	v39 =	vmul.f32 v38, v29;
	v2 =	vadd.f32 v2, v37;
	_ =	sdelay $0x1  }
0x258: {  	s9 =	sand.u32 $0x3, s18;
	v2 =	vadd.f32 v39, v2  }
0x259: {  	s8 =	sshll.u32 s9, $0x8  }
0x25a: {  	s8 =	sadd.s32 s8, s19;
	[tilespmem:s7+$0x18870] =	vst v2  }
0x25b: {  	s9 =	sor.u32 $0xC00, s8;
	v2 =	vld [tilespmem:s6+$0x10300]  }
0x25c: {  	v40 =	vld [tilespmem:s9+$0x18000]  }
0x25d: {  	v41 =	vld [tilespmem:s6+$0x14300]  }
0x25e: {  	v42 =	vbroadcast v1, $0x6;
	_ =	sdelay $0x1  }
0x25f: {  	v43 =	vbroadcast v0, $0x6;
	v2 =	vmul.f32 v2, v42;
	_ =	sdelay $0x1  }
0x260: {  	v44 =	vmul.f32 v41, v43;
	v2 =	vadd.f32 v2, v40;
	_ =	sdelay $0x1  }
0x261: {  	v2 =	vadd.f32 v44, v2;
	_ =	sdelay $0x1  }
0x262: {  	[tilespmem:s9+$0x18000] =	vst v2  }
0x263: {  	s9 =	sor.u32 $0xC10, s8;
	v2 =	vld [tilespmem:s6+$0x10310]  }
0x264: {  	v45 =	vld [tilespmem:s9+$0x18000]  }
0x265: {  	v46 =	vld [tilespmem:s6+$0x14310];
	_ =	sdelay $0x2  }
0x266: {  	v2 =	vmul.f32 v2, v42;
	_ =	sdelay $0x1  }
0x267: {  	v47 =	vmul.f32 v46, v43;
	v2 =	vadd.f32 v2, v45;
	_ =	sdelay $0x1  }
0x268: {  	v2 =	vadd.f32 v47, v2;
	_ =	sdelay $0x1  }
0x269: {  	[tilespmem:s9+$0x18000] =	vst v2  }
0x26a: {  	s9 =	sor.u32 $0xC20, s8;
	v2 =	vld [tilespmem:s6+$0x10320]  }
0x26b: {  	v48 =	vld [tilespmem:s9+$0x18000]  }
0x26c: {  	v49 =	vld [tilespmem:s6+$0x14320];
	_ =	sdelay $0x2  }
0x26d: {  	v2 =	vmul.f32 v2, v42;
	_ =	sdelay $0x1  }
0x26e: {  	v50 =	vmul.f32 v49, v43;
	v2 =	vadd.f32 v2, v48;
	_ =	sdelay $0x1  }
0x26f: {  	v2 =	vadd.f32 v50, v2;
	_ =	sdelay $0x1  }
0x270: {  	[tilespmem:s9+$0x18000] =	vst v2  }
0x271: {  	s9 =	sor.u32 $0xC30, s8;
	v2 =	vld [tilespmem:s6+$0x10330]  }
0x272: {  	v51 =	vld [tilespmem:s9+$0x18000]  }
0x273: {  	v52 =	vld [tilespmem:s6+$0x14330];
	_ =	sdelay $0x2  }
0x274: {  	v2 =	vmul.f32 v2, v42;
	_ =	sdelay $0x1  }
0x275: {  	v53 =	vmul.f32 v52, v43;
	v2 =	vadd.f32 v2, v51;
	_ =	sdelay $0x1  }
0x276: {  	v2 =	vadd.f32 v53, v2;
	_ =	sdelay $0x1  }
0x277: {  	[tilespmem:s9+$0x18000] =	vst v2  }
0x278: {  	s9 =	sor.u32 $0xC40, s8;
	v2 =	vld [tilespmem:s6+$0x10380]  }
0x279: {  	v54 =	vld [tilespmem:s9+$0x18000]  }
0x27a: {  	v55 =	vld [tilespmem:s6+$0x14380]  }
0x27b: {  	v56 =	vbroadcast v1, $0x7;
	_ =	sdelay $0x1  }
0x27c: {  	v57 =	vbroadcast v0, $0x7;
	v2 =	vmul.f32 v2, v56;
	_ =	sdelay $0x1  }
0x27d: {  	v58 =	vmul.f32 v55, v57;
	v2 =	vadd.f32 v2, v54;
	_ =	sdelay $0x1  }
0x27e: {  	v2 =	vadd.f32 v58, v2;
	_ =	sdelay $0x1  }
0x27f: {  	[tilespmem:s9+$0x18000] =	vst v2  }
0x280: {  	s9 =	sor.u32 $0xC50, s8;
	v2 =	vld [tilespmem:s6+$0x10390]  }
0x281: {  	v59 =	vld [tilespmem:s9+$0x18000]  }
0x282: {  	v60 =	vld [tilespmem:s6+$0x14390];
	_ =	sdelay $0x2  }
0x283: {  	v2 =	vmul.f32 v2, v56;
	_ =	sdelay $0x1  }
0x284: {  	v61 =	vmul.f32 v60, v57;
	v2 =	vadd.f32 v2, v59;
	_ =	sdelay $0x1  }
0x285: {  	v2 =	vadd.f32 v61, v2;
	_ =	sdelay $0x1  }
0x286: {  	[tilespmem:s9+$0x18000] =	vst v2  }
0x287: {  	s9 =	sor.u32 $0xC60, s8;
	v2 =	vld [tilespmem:s6+$0x103A0]  }
0x288: {  	v62 =	vld [tilespmem:s9+$0x18000]  }
0x289: {  	v63 =	vld [tilespmem:s6+$0x143A0];
	_ =	sdelay $0x2  }
0x28a: {  	v2 =	vmul.f32 v2, v56;
	_ =	sdelay $0x1  }
0x28b: {  	v8 =	vmul.f32 v63, v57;
	v2 =	vadd.f32 v2, v62;
	_ =	sdelay $0x1  }
0x28c: {  	v2 =	vadd.f32 v8, v2;
	_ =	sdelay $0x1  }
0x28d: {  	[tilespmem:s9+$0x18000] =	vst v2  }
0x28e: {  	s9 =	sor.u32 $0xC70, s8;
	v2 =	vld [tilespmem:s6+$0x103B0]  }
0x28f: {  	v9 =	vld [tilespmem:s9+$0x18000]  }
0x290: {  	v10 =	vld [tilespmem:s6+$0x143B0];
	_ =	sdelay $0x2  }
0x291: {  	v2 =	vmul.f32 v2, v56;
	_ =	sdelay $0x1  }
0x292: {  	v11 =	vmul.f32 v10, v57;
	v2 =	vadd.f32 v2, v9;
	_ =	sdelay $0x1  }
0x293: {  	v2 =	vadd.f32 v11, v2;
	_ =	sdelay $0x1  }
0x294: {  	[tilespmem:s9+$0x18000] =	vst v2  }
0x295: {  	v2 =	vld [tilespmem:s6+$0x10400]  }
0x296: {  	v12 =	vld [tilespmem:s7+$0x18080]  }
0x297: {  	v13 =	vld [tilespmem:s6+$0x14400]  }
0x298: {  	v14 =	vbroadcast v1, $0x8;
	_ =	sdelay $0x1  }
0x299: {  	v15 =	vbroadcast v0, $0x8;
	v2 =	vmul.f32 v2, v14;
	_ =	sdelay $0x1  }
0x29a: {  	v16 =	vmul.f32 v13, v15;
	v2 =	vadd.f32 v2, v12;
	_ =	sdelay $0x1  }
0x29b: {  	v2 =	vadd.f32 v16, v2;
	_ =	sdelay $0x1  }
0x29c: {  	[tilespmem:s7+$0x18080] =	vst v2  }
0x29d: {  	v2 =	vld [tilespmem:s6+$0x10410]  }
0x29e: {  	v17 =	vld [tilespmem:s7+$0x18090]  }
0x29f: {  	v18 =	vld [tilespmem:s6+$0x14410];
	_ =	sdelay $0x2  }
0x2a0: {  	v2 =	vmul.f32 v2, v14;
	_ =	sdelay $0x1  }
0x2a1: {  	v19 =	vmul.f32 v18, v15;
	v2 =	vadd.f32 v2, v17;
	_ =	sdelay $0x1  }
0x2a2: {  	v2 =	vadd.f32 v19, v2;
	_ =	sdelay $0x1  }
0x2a3: {  	[tilespmem:s7+$0x18090] =	vst v2  }
0x2a4: {  	v2 =	vld [tilespmem:s6+$0x10420]  }
0x2a5: {  	v20 =	vld [tilespmem:s7+$0x180A0]  }
0x2a6: {  	v21 =	vld [tilespmem:s6+$0x14420];
	_ =	sdelay $0x2  }
0x2a7: {  	v2 =	vmul.f32 v2, v14;
	_ =	sdelay $0x1  }
0x2a8: {  	v22 =	vmul.f32 v21, v15;
	v2 =	vadd.f32 v2, v20;
	_ =	sdelay $0x1  }
0x2a9: {  	v2 =	vadd.f32 v22, v2;
	_ =	sdelay $0x1  }
0x2aa: {  	[tilespmem:s7+$0x180A0] =	vst v2  }
0x2ab: {  	v2 =	vld [tilespmem:s6+$0x10430]  }
0x2ac: {  	v23 =	vld [tilespmem:s7+$0x180B0]  }
0x2ad: {  	v24 =	vld [tilespmem:s6+$0x14430];
	_ =	sdelay $0x2  }
0x2ae: {  	v2 =	vmul.f32 v2, v14;
	_ =	sdelay $0x1  }
0x2af: {  	v25 =	vmul.f32 v24, v15;
	v2 =	vadd.f32 v2, v23;
	_ =	sdelay $0x1  }
0x2b0: {  	v2 =	vadd.f32 v25, v2;
	_ =	sdelay $0x1  }
0x2b1: {  	[tilespmem:s7+$0x180B0] =	vst v2  }
0x2b2: {  	v2 =	vld [tilespmem:s6+$0x10480]  }
0x2b3: {  	v26 =	vld [tilespmem:s7+$0x180C0]  }
0x2b4: {  	v27 =	vld [tilespmem:s6+$0x14480]  }
0x2b5: {  	v28 =	vbroadcast v1, $0x9;
	_ =	sdelay $0x1  }
0x2b6: {  	v29 =	vbroadcast v0, $0x9;
	v2 =	vmul.f32 v2, v28;
	_ =	sdelay $0x1  }
0x2b7: {  	v30 =	vmul.f32 v27, v29;
	v2 =	vadd.f32 v2, v26;
	_ =	sdelay $0x1  }
0x2b8: {  	v2 =	vadd.f32 v30, v2;
	_ =	sdelay $0x1  }
0x2b9: {  	[tilespmem:s7+$0x180C0] =	vst v2  }
0x2ba: {  	v2 =	vld [tilespmem:s6+$0x10490]  }
0x2bb: {  	v31 =	vld [tilespmem:s7+$0x180D0]  }
0x2bc: {  	v32 =	vld [tilespmem:s6+$0x14490];
	_ =	sdelay $0x2  }
0x2bd: {  	v2 =	vmul.f32 v2, v28;
	_ =	sdelay $0x1  }
0x2be: {  	v33 =	vmul.f32 v32, v29;
	v2 =	vadd.f32 v2, v31;
	_ =	sdelay $0x1  }
0x2bf: {  	v2 =	vadd.f32 v33, v2;
	_ =	sdelay $0x1  }
0x2c0: {  	[tilespmem:s7+$0x180D0] =	vst v2  }
0x2c1: {  	v2 =	vld [tilespmem:s6+$0x104A0]  }
0x2c2: {  	v34 =	vld [tilespmem:s7+$0x180E0]  }
0x2c3: {  	v35 =	vld [tilespmem:s6+$0x144A0];
	_ =	sdelay $0x2  }
0x2c4: {  	v2 =	vmul.f32 v2, v28;
	_ =	sdelay $0x1  }
0x2c5: {  	v36 =	vmul.f32 v35, v29;
	v2 =	vadd.f32 v2, v34;
	_ =	sdelay $0x1  }
0x2c6: {  	v2 =	vadd.f32 v36, v2;
	_ =	sdelay $0x1  }
0x2c7: {  	[tilespmem:s7+$0x180E0] =	vst v2  }
0x2c8: {  	v2 =	vld [tilespmem:s6+$0x104B0]  }
0x2c9: {  	v37 =	vld [tilespmem:s7+$0x180F0]  }
0x2ca: {  	v38 =	vld [tilespmem:s6+$0x144B0];
	_ =	sdelay $0x2  }
0x2cb: {  	v2 =	vmul.f32 v2, v28;
	_ =	sdelay $0x1  }
0x2cc: {  	v39 =	vmul.f32 v38, v29;
	v2 =	vadd.f32 v2, v37;
	_ =	sdelay $0x1  }
0x2cd: {  	v2 =	vadd.f32 v39, v2;
	_ =	sdelay $0x1  }
0x2ce: {  	[tilespmem:s7+$0x180F0] =	vst v2  }
0x2cf: {  	v2 =	vld [tilespmem:s6+$0x10500]  }
0x2d0: {  	v40 =	vld [tilespmem:s7+$0x18480]  }
0x2d1: {  	v41 =	vld [tilespmem:s6+$0x14500]  }
0x2d2: {  	v42 =	vbroadcast v1, $0xA;
	_ =	sdelay $0x1  }
0x2d3: {  	v43 =	vbroadcast v0, $0xA;
	v2 =	vmul.f32 v2, v42;
	_ =	sdelay $0x1  }
0x2d4: {  	v44 =	vmul.f32 v41, v43;
	v2 =	vadd.f32 v2, v40;
	_ =	sdelay $0x1  }
0x2d5: {  	v2 =	vadd.f32 v44, v2;
	_ =	sdelay $0x1  }
0x2d6: {  	[tilespmem:s7+$0x18480] =	vst v2  }
0x2d7: {  	v2 =	vld [tilespmem:s6+$0x10510]  }
0x2d8: {  	v45 =	vld [tilespmem:s7+$0x18490]  }
0x2d9: {  	v46 =	vld [tilespmem:s6+$0x14510];
	_ =	sdelay $0x2  }
0x2da: {  	v2 =	vmul.f32 v2, v42;
	_ =	sdelay $0x1  }
0x2db: {  	v47 =	vmul.f32 v46, v43;
	v2 =	vadd.f32 v2, v45;
	_ =	sdelay $0x1  }
0x2dc: {  	v2 =	vadd.f32 v47, v2;
	_ =	sdelay $0x1  }
0x2dd: {  	[tilespmem:s7+$0x18490] =	vst v2  }
0x2de: {  	v2 =	vld [tilespmem:s6+$0x10520]  }
0x2df: {  	v48 =	vld [tilespmem:s7+$0x184A0]  }
0x2e0: {  	v49 =	vld [tilespmem:s6+$0x14520];
	_ =	sdelay $0x2  }
0x2e1: {  	v2 =	vmul.f32 v2, v42;
	_ =	sdelay $0x1  }
0x2e2: {  	v50 =	vmul.f32 v49, v43;
	v2 =	vadd.f32 v2, v48;
	_ =	sdelay $0x1  }
0x2e3: {  	v2 =	vadd.f32 v50, v2;
	_ =	sdelay $0x1  }
0x2e4: {  	[tilespmem:s7+$0x184A0] =	vst v2  }
0x2e5: {  	v2 =	vld [tilespmem:s6+$0x10530]  }
0x2e6: {  	v51 =	vld [tilespmem:s7+$0x184B0]  }
0x2e7: {  	v52 =	vld [tilespmem:s6+$0x14530];
	_ =	sdelay $0x2  }
0x2e8: {  	v2 =	vmul.f32 v2, v42;
	_ =	sdelay $0x1  }
0x2e9: {  	v53 =	vmul.f32 v52, v43;
	v2 =	vadd.f32 v2, v51;
	_ =	sdelay $0x1  }
0x2ea: {  	v2 =	vadd.f32 v53, v2;
	_ =	sdelay $0x1  }
0x2eb: {  	[tilespmem:s7+$0x184B0] =	vst v2  }
0x2ec: {  	v2 =	vld [tilespmem:s6+$0x10580]  }
0x2ed: {  	v54 =	vld [tilespmem:s7+$0x184C0]  }
0x2ee: {  	v55 =	vld [tilespmem:s6+$0x14580]  }
0x2ef: {  	v56 =	vbroadcast v1, $0xB;
	_ =	sdelay $0x1  }
0x2f0: {  	v57 =	vbroadcast v0, $0xB;
	v2 =	vmul.f32 v2, v56;
	_ =	sdelay $0x1  }
0x2f1: {  	v58 =	vmul.f32 v55, v57;
	v2 =	vadd.f32 v2, v54;
	_ =	sdelay $0x1  }
0x2f2: {  	v2 =	vadd.f32 v58, v2;
	_ =	sdelay $0x1  }
0x2f3: {  	[tilespmem:s7+$0x184C0] =	vst v2  }
0x2f4: {  	v2 =	vld [tilespmem:s6+$0x10590]  }
0x2f5: {  	v59 =	vld [tilespmem:s7+$0x184D0]  }
0x2f6: {  	v60 =	vld [tilespmem:s6+$0x14590];
	_ =	sdelay $0x2  }
0x2f7: {  	v2 =	vmul.f32 v2, v56;
	_ =	sdelay $0x1  }
0x2f8: {  	v61 =	vmul.f32 v60, v57;
	v2 =	vadd.f32 v2, v59;
	_ =	sdelay $0x1  }
0x2f9: {  	v2 =	vadd.f32 v61, v2;
	_ =	sdelay $0x1  }
0x2fa: {  	[tilespmem:s7+$0x184D0] =	vst v2  }
0x2fb: {  	v2 =	vld [tilespmem:s6+$0x105A0]  }
0x2fc: {  	v62 =	vld [tilespmem:s7+$0x184E0]  }
0x2fd: {  	v63 =	vld [tilespmem:s6+$0x145A0];
	_ =	sdelay $0x2  }
0x2fe: {  	v2 =	vmul.f32 v2, v56;
	_ =	sdelay $0x1  }
0x2ff: {  	v7 =	vmul.f32 v63, v57;
	v2 =	vadd.f32 v2, v62;
	_ =	sdelay $0x1  }
0x300: {  	v2 =	vadd.f32 v7, v2;
	_ =	sdelay $0x1  }
0x301: {  	[tilespmem:s7+$0x184E0] =	vst v2  }
0x302: {  	v2 =	vld [tilespmem:s6+$0x105B0]  }
0x303: {  	v8 =	vld [tilespmem:s7+$0x184F0]  }
0x304: {  	v9 =	vld [tilespmem:s6+$0x145B0];
	_ =	sdelay $0x2  }
0x305: {  	v2 =	vmul.f32 v2, v56;
	_ =	sdelay $0x1  }
0x306: {  	v10 =	vmul.f32 v9, v57;
	v2 =	vadd.f32 v2, v8;
	_ =	sdelay $0x1  }
0x307: {  	v2 =	vadd.f32 v10, v2;
	_ =	sdelay $0x1  }
0x308: {  	[tilespmem:s7+$0x184F0] =	vst v2  }
0x309: {  	v2 =	vld [tilespmem:s6+$0x10600]  }
0x30a: {  	v11 =	vld [tilespmem:s7+$0x18880]  }
0x30b: {  	v12 =	vld [tilespmem:s6+$0x14600]  }
0x30c: {  	v13 =	vbroadcast v1, $0xC;
	_ =	sdelay $0x1  }
0x30d: {  	v14 =	vbroadcast v0, $0xC;
	v2 =	vmul.f32 v2, v13;
	_ =	sdelay $0x1  }
0x30e: {  	v15 =	vmul.f32 v12, v14;
	v2 =	vadd.f32 v2, v11;
	_ =	sdelay $0x1  }
0x30f: {  	v2 =	vadd.f32 v15, v2;
	_ =	sdelay $0x1  }
0x310: {  	[tilespmem:s7+$0x18880] =	vst v2  }
0x311: {  	v2 =	vld [tilespmem:s6+$0x10610]  }
0x312: {  	v16 =	vld [tilespmem:s7+$0x18890]  }
0x313: {  	v17 =	vld [tilespmem:s6+$0x14610];
	_ =	sdelay $0x2  }
0x314: {  	v2 =	vmul.f32 v2, v13;
	_ =	sdelay $0x1  }
0x315: {  	v18 =	vmul.f32 v17, v14;
	v2 =	vadd.f32 v2, v16;
	_ =	sdelay $0x1  }
0x316: {  	v2 =	vadd.f32 v18, v2;
	_ =	sdelay $0x1  }
0x317: {  	[tilespmem:s7+$0x18890] =	vst v2  }
0x318: {  	v2 =	vld [tilespmem:s6+$0x10620]  }
0x319: {  	v19 =	vld [tilespmem:s7+$0x188A0]  }
0x31a: {  	v20 =	vld [tilespmem:s6+$0x14620];
	_ =	sdelay $0x2  }
0x31b: {  	v2 =	vmul.f32 v2, v13;
	_ =	sdelay $0x1  }
0x31c: {  	v21 =	vmul.f32 v20, v14;
	v2 =	vadd.f32 v2, v19;
	_ =	sdelay $0x1  }
0x31d: {  	v2 =	vadd.f32 v21, v2;
	_ =	sdelay $0x1  }
0x31e: {  	[tilespmem:s7+$0x188A0] =	vst v2  }
0x31f: {  	v2 =	vld [tilespmem:s6+$0x10630]  }
0x320: {  	v22 =	vld [tilespmem:s7+$0x188B0]  }
0x321: {  	v23 =	vld [tilespmem:s6+$0x14630];
	_ =	sdelay $0x2  }
0x322: {  	v2 =	vmul.f32 v2, v13;
	_ =	sdelay $0x1  }
0x323: {  	v24 =	vmul.f32 v23, v14;
	v2 =	vadd.f32 v2, v22;
	_ =	sdelay $0x1  }
0x324: {  	v2 =	vadd.f32 v24, v2;
	_ =	sdelay $0x1  }
0x325: {  	[tilespmem:s7+$0x188B0] =	vst v2  }
0x326: {  	v2 =	vld [tilespmem:s6+$0x10680]  }
0x327: {  	v25 =	vld [tilespmem:s7+$0x188C0]  }
0x328: {  	v26 =	vld [tilespmem:s6+$0x14680]  }
0x329: {  	v27 =	vbroadcast v1, $0xD;
	_ =	sdelay $0x1  }
0x32a: {  	v28 =	vbroadcast v0, $0xD;
	v2 =	vmul.f32 v2, v27;
	_ =	sdelay $0x1  }
0x32b: {  	v29 =	vmul.f32 v26, v28;
	v2 =	vadd.f32 v2, v25;
	_ =	sdelay $0x1  }
0x32c: {  	v2 =	vadd.f32 v29, v2;
	_ =	sdelay $0x1  }
0x32d: {  	[tilespmem:s7+$0x188C0] =	vst v2  }
0x32e: {  	v2 =	vld [tilespmem:s6+$0x10690]  }
0x32f: {  	v30 =	vld [tilespmem:s7+$0x188D0]  }
0x330: {  	v31 =	vld [tilespmem:s6+$0x14690];
	_ =	sdelay $0x2  }
0x331: {  	v2 =	vmul.f32 v2, v27;
	_ =	sdelay $0x1  }
0x332: {  	v32 =	vmul.f32 v31, v28;
	v2 =	vadd.f32 v2, v30;
	_ =	sdelay $0x1  }
0x333: {  	v2 =	vadd.f32 v32, v2;
	_ =	sdelay $0x1  }
0x334: {  	[tilespmem:s7+$0x188D0] =	vst v2  }
0x335: {  	v2 =	vld [tilespmem:s6+$0x106A0]  }
0x336: {  	v33 =	vld [tilespmem:s7+$0x188E0]  }
0x337: {  	v34 =	vld [tilespmem:s6+$0x146A0];
	_ =	sdelay $0x2  }
0x338: {  	v2 =	vmul.f32 v2, v27;
	_ =	sdelay $0x1  }
0x339: {  	v35 =	vmul.f32 v34, v28;
	v2 =	vadd.f32 v2, v33;
	_ =	sdelay $0x1  }
0x33a: {  	v2 =	vadd.f32 v35, v2;
	_ =	sdelay $0x1  }
0x33b: {  	[tilespmem:s7+$0x188E0] =	vst v2  }
0x33c: {  	v2 =	vld [tilespmem:s6+$0x106B0]  }
0x33d: {  	v36 =	vld [tilespmem:s7+$0x188F0]  }
0x33e: {  	v37 =	vld [tilespmem:s6+$0x146B0];
	_ =	sdelay $0x2  }
0x33f: {  	v2 =	vmul.f32 v2, v27;
	_ =	sdelay $0x1  }
0x340: {  	v38 =	vmul.f32 v37, v28;
	v2 =	vadd.f32 v2, v36;
	_ =	sdelay $0x1  }
0x341: {  	v2 =	vadd.f32 v38, v2;
	_ =	sdelay $0x1  }
0x342: {  	[tilespmem:s7+$0x188F0] =	vst v2  }
0x343: {  	s7 =	sadd.s32 $0x80, s8;
	v2 =	vld [tilespmem:s6+$0x10700]  }
0x344: {  	s8 =	sor.u32 $0xC00, s7;
	v40 =	vld [tilespmem:s6+$0x14700]  }
0x345: {  	v39 =	vld [tilespmem:s8+$0x18000]  }
0x346: {  	v41 =	vbroadcast v1, $0xE;
	_ =	sdelay $0x1  }
0x347: {  	v42 =	vbroadcast v0, $0xE;
	v2 =	vmul.f32 v2, v41;
	_ =	sdelay $0x1  }
0x348: {  	v43 =	vmul.f32 v40, v42;
	v2 =	vadd.f32 v2, v39;
	_ =	sdelay $0x1  }
0x349: {  	v2 =	vadd.f32 v43, v2;
	_ =	sdelay $0x1  }
0x34a: {  	[tilespmem:s8+$0x18000] =	vst v2  }
0x34b: {  	s9 =	sor.u32 $0xC10, s7;
	v2 =	vld [tilespmem:s6+$0x10710]  }
0x34c: {  	v44 =	vld [tilespmem:s9+$0x18000]  }
0x34d: {  	v45 =	vld [tilespmem:s6+$0x14710];
	_ =	sdelay $0x2  }
0x34e: {  	v2 =	vmul.f32 v2, v41;
	_ =	sdelay $0x1  }
0x34f: {  	v46 =	vmul.f32 v45, v42;
	v2 =	vadd.f32 v2, v44;
	_ =	sdelay $0x1  }
0x350: {  	v2 =	vadd.f32 v46, v2;
	_ =	sdelay $0x1  }
0x351: {  	[tilespmem:s9+$0x18000] =	vst v2  }
0x352: {  	s9 =	sor.u32 $0xC20, s7;
	v2 =	vld [tilespmem:s6+$0x10720]  }
0x353: {  	v47 =	vld [tilespmem:s9+$0x18000]  }
0x354: {  	v48 =	vld [tilespmem:s6+$0x14720];
	_ =	sdelay $0x2  }
0x355: {  	v2 =	vmul.f32 v2, v41;
	_ =	sdelay $0x1  }
0x356: {  	v49 =	vmul.f32 v48, v42;
	v2 =	vadd.f32 v2, v47;
	_ =	sdelay $0x1  }
0x357: {  	v2 =	vadd.f32 v49, v2;
	_ =	sdelay $0x1  }
0x358: {  	[tilespmem:s9+$0x18000] =	vst v2  }
0x359: {  	s9 =	sor.u32 $0xC30, s7;
	v2 =	vld [tilespmem:s6+$0x10730]  }
0x35a: {  	v50 =	vld [tilespmem:s9+$0x18000]  }
0x35b: {  	v51 =	vld [tilespmem:s6+$0x14730];
	_ =	sdelay $0x2  }
0x35c: {  	v2 =	vmul.f32 v2, v41;
	_ =	sdelay $0x1  }
0x35d: {  	v52 =	vmul.f32 v51, v42;
	v2 =	vadd.f32 v2, v50;
	_ =	sdelay $0x1  }
0x35e: {  	v2 =	vadd.f32 v52, v2;
	_ =	sdelay $0x1  }
0x35f: {  	[tilespmem:s9+$0x18000] =	vst v2  }
0x360: {  	s9 =	sor.u32 $0xC40, s7;
	v2 =	vld [tilespmem:s6+$0x10780]  }
0x361: {  	v53 =	vld [tilespmem:s9+$0x18000]  }
0x362: {  	v54 =	vld [tilespmem:s6+$0x14780]  }
0x363: {  	v1 =	vbroadcast v1, $0xF;
	_ =	sdelay $0x1  }
0x364: {  	v0 =	vbroadcast v0, $0xF;
	v2 =	vmul.f32 v2, v1;
	_ =	sdelay $0x1  }
0x365: {  	v55 =	vmul.f32 v54, v0;
	v2 =	vadd.f32 v2, v53;
	_ =	sdelay $0x1  }
0x366: {  	v2 =	vadd.f32 v55, v2;
	_ =	sdelay $0x1  }
0x367: {  	[tilespmem:s9+$0x18000] =	vst v2  }
0x368: {  	s9 =	sor.u32 $0xC50, s7;
	v2 =	vld [tilespmem:s6+$0x10790]  }
0x369: {  	v56 =	vld [tilespmem:s9+$0x18000]  }
0x36a: {  	v57 =	vld [tilespmem:s6+$0x14790];
	_ =	sdelay $0x2  }
0x36b: {  	v2 =	vmul.f32 v2, v1;
	_ =	sdelay $0x1  }
0x36c: {  	v58 =	vmul.f32 v57, v0;
	v2 =	vadd.f32 v2, v56;
	_ =	sdelay $0x1  }
0x36d: {  	v2 =	vadd.f32 v58, v2;
	_ =	sdelay $0x1  }
0x36e: {  	[tilespmem:s9+$0x18000] =	vst v2  }
0x36f: {  	s9 =	sor.u32 $0xC60, s7;
	v2 =	vld [tilespmem:s6+$0x107A0]  }
0x370: {  	v59 =	vld [tilespmem:s9+$0x18000]  }
0x371: {  	v60 =	vld [tilespmem:s6+$0x147A0];
	_ =	sdelay $0x2  }
0x372: {  	v2 =	vmul.f32 v2, v1;
	_ =	sdelay $0x1  }
0x373: {  	v61 =	vmul.f32 v60, v0;
	v2 =	vadd.f32 v2, v59;
	_ =	sdelay $0x1  }
0x374: {  	v2 =	vadd.f32 v61, v2;
	_ =	sdelay $0x1  }
0x375: {  	[tilespmem:s9+$0x18000] =	vst v2  }
0x376: {  	s7 =	sor.u32 $0xC70, s7;
	v2 =	vld [tilespmem:s6+$0x107B0]  }
0x377: {  	v62 =	vld [tilespmem:s7+$0x18000]  }
0x378: {  	v63 =	vld [tilespmem:s6+$0x147B0];
	_ =	sdelay $0x2  }
0x379: {  	v1 =	vmul.f32 v2, v1  }
0x37a: {  	p0 =	sne.s32 s20, $0xE000  }
.Ltmp1:
0x37b: {  	v0 =	vmul.f32 v63, v0;
	v1 =	vadd.f32 v1, v62;
	(pc) =	sbr.rel @p0 .LBB2_5-.Ltmp1, $4  }
0x37c: {  	_ = 	snop  }
0x37d: {  	v0 =	vadd.f32 v0, v1  }
0x37e: {  	s18 =	sadd.s32 $0x1, s18;
	s16 =	sadd.s32 $0x100, s16  }
0x37f: {  	s0 =	sadd.s32 $0x10, s0;
	s20 =	sadd.s32 $0x2000, s20;
	s19 =	sadd.s32 $0x400, s19;
	[tilespmem:s7+$0x18000] =	vst v0  }
0x380: {  	s0 =	sadd.s32 s3, s1;
	s1 =	sadd.s32 $0x1, s1  }
0x381: {  	s0 =	sshll.u32 s0, $0xA;
	p0 =	sne.s32 s1, $0x20  }
.Ltmp2:
0x382: {  	s0 =	sadd.s32 s5, s0;
	(pc) =	sbr.rel @p0 .LBB2_2-.Ltmp2, $4  }
0x383: {  	[hbm4b:s0+s2] =	stream.linear.scatter [tilespmem:s29], [sflag:$0x3], $0x2000, $0x38;
	[tilespmem:$0x1A000] =	vst v63  }
0x384: {  	_ =	swait.ge [sflag:s15], $0x2000  }
0x385: {  	[sflag:s15] =	ssyncset.done $0x0  }
0x386: {  	s31 =	sadd.s32 $0x80, s31;
	s17 =	sadd.s32 $0x80, s17;
	[sflag:s15] =	ssyncadd.s32 $0xFFFFE000  }
0x387: {  	s30 =	sadd.s32 $0x1, s30  }
0x388: {  	p0 =	sne.s32 s30, s14  }
.Ltmp3:
0x389: {  	_ = 	snop;
	(pc) =	sbr.rel @p0 .LBB2_1-.Ltmp3, $1  }
0x38a: {  	_ =	sdelay $0x3  }
0x38b: {  	_ =	sfence.sel $0x180000  }
0x38c: {  	[bflag:$0x0] =	sbarrier.arrive $0xFFFF  }
0x38d: {  	_ =	strace $0x90000047  }
0x38e: {  	s0 =	stileid.u32;
	[bflag:$0x2] =	sbarrier.arrive $0xFFFF  }
0x38f: {  	p0 =	sne.s32 s0, $0x0;
	s0 =	rddreg [dreg:$0x1]  }
0x390: {  	s0 =	sadd.s32 @!p0 $0x100000, s0  }
0x391: {  	[sflag:s0] =	ssyncadd.tile.s32 @!p0 $0x1;
	_ =	shalt  }
.Lfunc_end2:
_tile_overlayer_lowered:
.L_overlay_start_2:
0x392: {  	(tag) =	ssettag $0x2  }
0x393: {  	s0 =	rddreg [dreg:$0x0];
	s2 =	stileid.u32  }
0x394: {  	s1 =	rddreg [dreg:$0x1];
	p0 =	sne.s32 s2, $0x0  }
0x395: {  	s3 =	rddreg [dreg:$0x2];
	[bflag:$0x3] =	sbarrier.arrive $0xFFFF;
	s2 =	simm.s32 @!p0 $0x1C03  }
0x396: {  	[timem:s3], [sflag:s2] =	dma.local @!p0 [hbm:s0], s1  }
0x397: {  	s0 =	simm.s32 @!p0 $0x3  }
0x398: {  	_ =	swait.ge @!p0 [sflag:s0], s1  }
0x399: {  	s1 =	ssub.s32 @!p0 $0x0, s1;
	[sflag:s0] =	ssyncset.done @!p0 $0x0  }
0x39a: {  	[sflag:s0] =	ssyncadd.s32 @!p0 s1  }
0x39b: {  	[bflag:$0x3] =	sbarrier.arrive $0xFFFF  }
0x39c: {  	_ =	shalt  }

</sc_bundles>
